<compile_context>
chip_gen: v7x
topology: tpu7x:2x2x1
jax: 0.10.2.dev20260603
libtpu: 0.0.44.dev20260713+nightly
codegen_flags: <defaults>
</compile_context>

<pallas_src>
import functools

import jax
import jax.numpy as jnp
from jax import lax
from jax.experimental import pallas as pl
from jax.experimental.pallas import tpu as pltpu
from jax.experimental.pallas import tpu_sc as plsc

N = 10000
NPAD = 10240
D = 128
E = 320000
NC = 2
NS = 16
NW = NC * NS
EPW = E // NW
CHUNK = 80
NCH = EPW // CHUNK
CHA = 40
NCHA = EPW // CHA
NBUF = 5
RPT = NPAD // NS
RBLK = 1024

_mesh = plsc.VectorSubcoreMesh(
    core_axis_name="c", subcore_axis_name="s", num_cores=NC, num_subcores=NS)


@functools.partial(
    pl.kernel,
    out_type=jax.ShapeDtypeStruct((NC, NPAD), jnp.float32),
    mesh=_mesh,
    scratch_types=[
        pltpu.VMEM((NCH, CHUNK), jnp.int32),
        pltpu.VMEM((CHUNK,), jnp.float32),
        pltpu.VMEM((RPT,), jnp.float32),
        pltpu.VMEM_SHARED((NPAD,), jnp.float32),
        pltpu.SemaphoreType.DMA,
    ],
)
def _deg_call(dst_hbm, out_hbm, dst_v, ones_v, zero_v, acc, dsem):
    c = lax.axis_index("c")
    s = lax.axis_index("s")
    wid = s * NC + c
    pltpu.sync_copy(dst_hbm.at[wid], dst_v)
    for i in range(CHUNK // 16):
        ones_v[pl.ds(i * 16, 16)] = jnp.full((16,), 1.0, jnp.float32)
    for i in range(RPT // 16):
        zero_v[pl.ds(i * 16, 16)] = jnp.zeros((16,), jnp.float32)
    pltpu.sync_copy(zero_v, acc.at[pl.ds(s * RPT, RPT)])
    plsc.subcore_barrier()

    K = 8

    def _start(j):
        pltpu.async_copy(ones_v, acc.at[dst_v.at[j]], dsem, add=True)

    def _wait(j):
        pltpu.make_async_copy(ones_v, acc.at[dst_v.at[j]], dsem).wait()

    def body(j, _):
        _start(j)

        @pl.when(j >= K)
        def _():
            _wait(j - K)
        return _
    lax.fori_loop(0, NCH, body, None)
    for i in range(K):
        _wait(NCH - K + i)
    plsc.subcore_barrier()
    pltpu.sync_copy(acc.at[pl.ds(s * RPT, RPT)],
                    out_hbm.at[c, pl.ds(s * RPT, RPT)])


@functools.partial(
    pl.kernel,
    out_type=jax.ShapeDtypeStruct((NC, NPAD, D), jnp.float32),
    mesh=_mesh,
    scratch_types=[
        pltpu.VMEM((EPW,), jnp.int32),
        pltpu.VMEM((NBUF, CHA), jnp.int32),
        pltpu.VMEM((NBUF, CHA, D), jnp.float32),
        pltpu.VMEM_SHARED((NPAD, D), jnp.float32),
        pltpu.SemaphoreType.DMA((NBUF,)),
        pltpu.SemaphoreType.DMA((NBUF,)),
        pltpu.SemaphoreType.DMA((NBUF,)),
    ],
)
def _agg_call(y_hbm, src_hbm, dst_hbm, zrows_hbm, out_hbm,
              src_v, dst_v, rows_v, acc, gsem, ssem, isem):
    c = lax.axis_index("c")
    s = lax.axis_index("s")
    wid = s * NC + c
    pltpu.sync_copy(src_hbm.at[wid], src_v)
    pltpu.sync_copy(zrows_hbm, acc.at[pl.ds(s * RPT, RPT)])
    plsc.subcore_barrier()

    def gather(j, b):
        return pltpu.make_async_copy(
            y_hbm.at[src_v.at[pl.ds(j * CHA, CHA)]],
            rows_v.at[b], gsem.at[b])

    def idx_copy(j, b):
        return pltpu.make_async_copy(
            dst_hbm.at[wid, j], dst_v.at[b], isem.at[b])

    for b in range(NBUF):
        idx_copy(b, b).start()
        gather(b, b).start()

    def outer(g, _):
        for b in range(NBUF):
            j = g * NBUF + b
            idx_copy(j, b).wait()
            gather(j, b).wait()
            pltpu.async_copy(rows_v.at[b], acc.at[dst_v.at[b]],
                             ssem.at[b], add=True)
            pltpu.make_async_copy(rows_v.at[b], acc.at[dst_v.at[b]],
                                  ssem.at[b]).wait()

            @pl.when(j + NBUF < NCHA)
            def _():
                idx_copy(j + NBUF, b).start()
                gather(j + NBUF, b).start()
        return _
    lax.fori_loop(0, NCHA // NBUF, outer, None)
    plsc.subcore_barrier()
    pltpu.sync_copy(acc.at[pl.ds(s * RPT, RPT)],
                    out_hbm.at[c, pl.ds(s * RPT, RPT)])


def _scale_mm_body(x_ref, w_ref, degp_ref, y_ref):
    dis = lax.rsqrt(degp_ref[0, :] + degp_ref[1, :] + 1.0)
    xw = jnp.dot(x_ref[...], w_ref[...], preferred_element_type=jnp.float32)
    y_ref[...] = xw * dis[:, None]


def _layer2_body(p0_ref, p1_ref, y_ref, degp_ref, b_ref, w_ref, o_ref):
    dis = lax.rsqrt(degp_ref[0, :] + degp_ref[1, :] + 1.0)
    h = dis[:, None] * (p0_ref[...] + p1_ref[...] + y_ref[...]) + b_ref[...]
    h = jnp.maximum(h, 0.0)
    o_ref[...] = dis[:, None] * jnp.dot(
        h, w_ref[...], preferred_element_type=jnp.float32)


def _combine_body(p0_ref, p1_ref, y_ref, degp_ref, b_ref, o_ref):
    dis = lax.rsqrt(degp_ref[0, :] + degp_ref[1, :] + 1.0)
    o_ref[...] = dis[:, None] * (p0_ref[...] + p1_ref[...] + y_ref[...]) \
        + b_ref[...]


_row_spec = pl.BlockSpec((RBLK, D), lambda i: (i, 0))
_mat_spec = pl.BlockSpec((D, D), lambda i: (0, 0))
_deg_spec = pl.BlockSpec((NC, RBLK), lambda i: (0, i))
_bias_spec = pl.BlockSpec((1, D), lambda i: (0, 0))
_rows_out = jax.ShapeDtypeStruct((NPAD, D), jnp.float32)
_GRID = NPAD // RBLK


def _scale_mm(xpad, W, degp):
    return pl.pallas_call(
        _scale_mm_body, grid=(_GRID,),
        in_specs=[_row_spec, _mat_spec, _deg_spec],
        out_specs=_row_spec, out_shape=_rows_out)(xpad, W, degp)


def _layer2(p, y1, degp, b1, W2):
    return pl.pallas_call(
        _layer2_body, grid=(_GRID,),
        in_specs=[_row_spec, _row_spec, _row_spec, _deg_spec,
                  _bias_spec, _mat_spec],
        out_specs=_row_spec, out_shape=_rows_out)(
            p[0], p[1], y1, degp, b1.reshape(1, D), W2)


def _combine(p, y2, degp, b2):
    return pl.pallas_call(
        _combine_body, grid=(_GRID,),
        in_specs=[_row_spec, _row_spec, _row_spec, _deg_spec, _bias_spec],
        out_specs=_row_spec, out_shape=_rows_out)(
            p[0], p[1], y2, degp, b2.reshape(1, D))


def kernel(x, edge_index, W1, b1, W2, b2):
    ei = edge_index.astype(jnp.int32)
    src = ei[0].reshape(NW, EPW)
    dst_deg = ei[1].reshape(NW, NCH, CHUNK)
    dst_agg = ei[1].reshape(NW, NCHA, CHA)
    xpad = jnp.zeros((NPAD, D), jnp.float32).at[:N].set(x)
    zrows = jnp.zeros((RPT, D), jnp.float32)

    degp = _deg_call(dst_deg)
    y1 = _scale_mm(xpad, W1, degp)
    p1 = _agg_call(y1, src, dst_agg, zrows)
    y2 = _layer2(p1, y1, degp, b1, W2)
    p2 = _agg_call(y2, src, dst_agg, zrows)
    out = _combine(p2, y2, degp, b2)
    return out[:N]

# --- scband reference (transcript-rebuilt; emitter-appended) ---
"""Pipeline reference for scband-gcnencoder-94489281077 (READ-ONLY COPY).

The authoritative reference and input builder live on the scoring server;
editing this copy changes nothing except your own understanding.
"""

import jax, jax.numpy as jnp
import numpy as np

N_NODES = 10000
N_EDGES = 320000
D_IN = 128
D_HID = 128
D_OUT = 128


def setup_inputs(seed: int = 0) -> dict:
    key = jax.random.key(seed)
    k1, k2, k3, k4, k5, k6 = jax.random.split(key, 6)
    x = jax.random.normal(k1, (N_NODES, D_IN), dtype=jnp.float32)
    edge_index = jax.random.randint(k2, (2, N_EDGES), 0, N_NODES, dtype=jnp.int64)
    W1 = jax.random.normal(k3, (D_IN, D_HID), dtype=jnp.float32) * (1.0 / np.sqrt(D_IN))
    b1 = jnp.zeros((D_HID,), dtype=jnp.float32)
    W2 = jax.random.normal(k4, (D_HID, D_OUT), dtype=jnp.float32) * (1.0 / np.sqrt(D_HID))
    b2 = jnp.zeros((D_OUT,), dtype=jnp.float32)
    return {"x": x, "edge_index": edge_index, "W1": W1, "b1": b1, "W2": W2, "b2": b2}


def _gcn_conv(x, src, dst, norm, W, b, num_nodes):
    # linear transform first (PyG GCNConv: lin -> propagate -> +bias)
    xw = x @ W
    msg = jnp.take(xw, src, axis=0) * norm[:, None]
    out = jax.ops.segment_sum(msg, dst, num_segments=num_nodes)
    return out + b


def _build_norm(edge_index, num_nodes):
    # add self loops
    loops = jnp.arange(num_nodes, dtype=edge_index.dtype)
    src = jnp.concatenate([edge_index[0], loops])
    dst = jnp.concatenate([edge_index[1], loops])
    ones = jnp.ones(src.shape[0], dtype=jnp.float32)
    deg = jax.ops.segment_sum(ones, dst, num_segments=num_nodes)
    deg_inv_sqrt = jnp.where(deg > 0, jax.lax.rsqrt(jnp.maximum(deg, 1e-12)), 0.0)
    norm = jnp.take(deg_inv_sqrt, src) * jnp.take(deg_inv_sqrt, dst)
    return src, dst, norm


def reference(x, edge_index, W1, b1, W2, b2):
    num_nodes = x.shape[0]
    src, dst, norm = _build_norm(edge_index, num_nodes)
    h = _gcn_conv(x, src, dst, norm, W1, b1, num_nodes)
    h = jax.nn.relu(h)
    out = _gcn_conv(h, src, dst, norm, W2, b2, num_nodes)
    return out

if __name__ == "__main__":
    import jax
    _d = setup_inputs()
    print(jax.jit(kernel)(*tuple(_d.values())))

</pallas_src>

<mosaic_0001>
#map = affine_map<(d0, d1) -> (0, 0)>
#map1 = affine_map<(d0, d1) -> (0, 0, 0)>
module attributes {stable_mosaic.version = 14 : i64} {
  func.func @_agg_call(%arg0: i32, %arg1: i32, %arg2: memref<10240x128xf32, #tpu.memory_space<hbm>>, %arg3: memref<32x10000xi32, #tpu.memory_space<hbm>>, %arg4: memref<32x250x40xi32, #tpu.memory_space<hbm>>, %arg5: memref<640x128xf32, #tpu.memory_space<hbm>>, %arg6: memref<2x10240x128xf32, #tpu.memory_space<hbm>>, %arg7: memref<10000xi32, #tpu.memory_space<vmem>>, %arg8: memref<5x40xi32, #tpu.memory_space<vmem>>, %arg9: memref<5x40x128xf32, #tpu.memory_space<vmem>>, %arg10: memref<10240x128xf32, #tpu.memory_space<vmem_shared>>, %arg11: memref<5x!tpu.dma_semaphore, #tpu.memory_space<semaphore_mem>>, %arg12: memref<5x!tpu.dma_semaphore, #tpu.memory_space<semaphore_mem>>, %arg13: memref<5x!tpu.dma_semaphore, #tpu.memory_space<semaphore_mem>>) attributes {dimension_semantics = [#tpu.dimension_semantics<core_parallel>, #tpu.dimension_semantics<subcore_parallel>], iteration_bounds = array<i64: 2, 16>, scalar_prefetch = 0 : i64, scratch_operands = 7 : i64, tpu.core_type = #tpu.core_type<sc_vector_subcore>, window_params = [{transform_indices = #map}, {transform_indices = #map}, {transform_indices = #map1}, {transform_indices = #map}, {transform_indices = #map1}]} {
    %mul3A = arith.constant 2 : i32
    %mul3A_0 = arith.muli %arg1, %mul3A : i32
    %add3A = arith.addi %mul3A_0, %arg0 : i32
    "tpu.region"() ({
      %run_scoped3A = tpu.sem_alloc : memref<!tpu.dma_semaphore, #tpu.memory_space<semaphore_mem>>
      %dma_start3A_161 = arith.constant 0 : i32
      %dma_start3A_162 = tpu.memref_slice %arg3[%add3A, %dma_start3A_161] : memref<32x10000xi32, #tpu.memory_space<hbm>> -> memref<1x10000xi32, #tpu.memory_space<hbm>>
      %dma_start3A_163 = tpu.memref_squeeze %dma_start3A_162 : memref<1x10000xi32, #tpu.memory_space<hbm>> -> memref<10000xi32, #tpu.memory_space<hbm>>
      %dma_start3A_164 = arith.constant 0 : i32
      %dma_start3A_165 = tpu.memref_slice %arg3[%add3A, %dma_start3A_164] : memref<32x10000xi32, #tpu.memory_space<hbm>> -> memref<1x10000xi32, #tpu.memory_space<hbm>>
      %dma_start3A_166 = tpu.memref_squeeze %dma_start3A_165 : memref<1x10000xi32, #tpu.memory_space<hbm>> -> memref<10000xi32, #tpu.memory_space<hbm>>
      tpu.enqueue_dma source(%dma_start3A_166 : memref<10000xi32, #tpu.memory_space<hbm>>) target(%arg7 : memref<10000xi32, #tpu.memory_space<vmem>>) target_semaphore(%run_scoped3A : memref<!tpu.dma_semaphore, #tpu.memory_space<semaphore_mem>>)
      %dma_wait3A = arith.constant 0 : i32
      %dma_wait3A_167 = tpu.memref_slice %arg3[%add3A, %dma_wait3A] : memref<32x10000xi32, #tpu.memory_space<hbm>> -> memref<1x10000xi32, #tpu.memory_space<hbm>>
      %dma_wait3A_168 = tpu.memref_squeeze %dma_wait3A_167 : memref<1x10000xi32, #tpu.memory_space<hbm>> -> memref<10000xi32, #tpu.memory_space<hbm>>
      %dma_wait3A_169 = arith.constant 0 : i32
      %dma_wait3A_170 = tpu.memref_slice %arg3[%add3A, %dma_wait3A_169] : memref<32x10000xi32, #tpu.memory_space<hbm>> -> memref<1x10000xi32, #tpu.memory_space<hbm>>
      %dma_wait3A_171 = tpu.memref_squeeze %dma_wait3A_170 : memref<1x10000xi32, #tpu.memory_space<hbm>> -> memref<10000xi32, #tpu.memory_space<hbm>>
      tpu.wait_dma2 semaphore(%run_scoped3A : memref<!tpu.dma_semaphore, #tpu.memory_space<semaphore_mem>>) src(%dma_wait3A_171 : memref<10000xi32, #tpu.memory_space<hbm>>) dst(%arg7 : memref<10000xi32, #tpu.memory_space<vmem>>)
      tpu.yield
    }) : () -> ()
    %mul3A_1 = arith.constant 640 : i32
    %mul3A_2 = arith.muli %arg1, %mul3A_1 : i32
    "tpu.region"() ({
      %run_scoped3A = tpu.sem_alloc : memref<!tpu.dma_semaphore, #tpu.memory_space<semaphore_mem>>
      %dma_start3A_161 = arith.constant 0 : i32
      %dma_start3A_162 = tpu.memref_slice %arg10[%mul3A_2, %dma_start3A_161] : memref<10240x128xf32, #tpu.memory_space<vmem_shared>> -> memref<640x128xf32, #tpu.memory_space<vmem_shared>>
      tpu.enqueue_dma source(%arg5 : memref<640x128xf32, #tpu.memory_space<hbm>>) target(%dma_start3A_162 : memref<640x128xf32, #tpu.memory_space<vmem_shared>>) target_semaphore(%run_scoped3A : memref<!tpu.dma_semaphore, #tpu.memory_space<semaphore_mem>>)
      %dma_wait3A = arith.constant 0 : i32
      %dma_wait3A_163 = tpu.memref_slice %arg10[%mul3A_2, %dma_wait3A] : memref<10240x128xf32, #tpu.memory_space<vmem_shared>> -> memref<640x128xf32, #tpu.memory_space<vmem_shared>>
      tpu.wait_dma2 semaphore(%run_scoped3A : memref<!tpu.dma_semaphore, #tpu.memory_space<semaphore_mem>>) src(%arg5 : memref<640x128xf32, #tpu.memory_space<hbm>>) dst(%dma_wait3A_163 : memref<640x128xf32, #tpu.memory_space<vmem_shared>>)
      tpu.yield
    }) : () -> ()
    %barrier3A = arith.constant 0 : index
    tpu.barrier barrier_id(%barrier3A)
    %dma_start3A = arith.constant 0 : i32
    %dma_start3A_3 = arith.constant 0 : i32
    %dma_start3A_4 = arith.constant 0 : i32
    %dma_start3A_5 = arith.constant 0 : i32
    %dma_start3A_6 = tpu.memref_slice %arg8[%dma_start3A_3, %dma_start3A_5] : memref<5x40xi32, #tpu.memory_space<vmem>> -> memref<1x40xi32, #tpu.memory_space<vmem>>
    %dma_start3A_7 = tpu.memref_squeeze %dma_start3A_6 : memref<1x40xi32, #tpu.memory_space<vmem>> -> memref<40xi32, #tpu.memory_space<vmem>>
    %dma_start3A_8 = arith.constant 0 : i32
    %dma_start3A_9 = tpu.memref_slice %arg4[%add3A, %dma_start3A, %dma_start3A_8] : memref<32x250x40xi32, #tpu.memory_space<hbm>> -> memref<1x1x40xi32, #tpu.memory_space<hbm>>
    %dma_start3A_10 = tpu.memref_squeeze %dma_start3A_9 : memref<1x1x40xi32, #tpu.memory_space<hbm>> -> memref<40xi32, #tpu.memory_space<hbm>>
    %dma_start3A_11 = tpu.memref_slice %arg13[%dma_start3A_4] : memref<5x!tpu.dma_semaphore, #tpu.memory_space<semaphore_mem>> -> memref<1x!tpu.dma_semaphore, #tpu.memory_space<semaphore_mem>>
    %dma_start3A_12 = tpu.memref_squeeze %dma_start3A_11 : memref<1x!tpu.dma_semaphore, #tpu.memory_space<semaphore_mem>> -> memref<!tpu.dma_semaphore, #tpu.memory_space<semaphore_mem>>
    %dma_start3A_13 = arith.constant 0 : i32
    %dma_start3A_14 = tpu.memref_slice %arg8[%dma_start3A_3, %dma_start3A_13] : memref<5x40xi32, #tpu.memory_space<vmem>> -> memref<1x40xi32, #tpu.memory_space<vmem>>
    %dma_start3A_15 = tpu.memref_squeeze %dma_start3A_14 : memref<1x40xi32, #tpu.memory_space<vmem>> -> memref<40xi32, #tpu.memory_space<vmem>>
    %dma_start3A_16 = arith.constant 0 : i32
    %dma_start3A_17 = tpu.memref_slice %arg4[%add3A, %dma_start3A, %dma_start3A_16] : memref<32x250x40xi32, #tpu.memory_space<hbm>> -> memref<1x1x40xi32, #tpu.memory_space<hbm>>
    %dma_start3A_18 = tpu.memref_squeeze %dma_start3A_17 : memref<1x1x40xi32, #tpu.memory_space<hbm>> -> memref<40xi32, #tpu.memory_space<hbm>>
    tpu.enqueue_dma source(%dma_start3A_18 : memref<40xi32, #tpu.memory_space<hbm>>) target(%dma_start3A_15 : memref<40xi32, #tpu.memory_space<vmem>>) target_semaphore(%dma_start3A_12 : memref<!tpu.dma_semaphore, #tpu.memory_space<semaphore_mem>>)
    %dma_start3A_19 = arith.constant 0 : i32
    %dma_start3A_20 = arith.constant 0 : i32
    %dma_start3A_21 = arith.constant 0 : i32
    %dma_start3A_22 = arith.constant 0 : i32
    %dma_start3A_23 = tpu.memref_slice %arg9[%dma_start3A_19, %dma_start3A_21, %dma_start3A_22] : memref<5x40x128xf32, #tpu.memory_space<vmem>> -> memref<1x40x128xf32, #tpu.memory_space<vmem>>
    %dma_start3A_24 = tpu.memref_squeeze %dma_start3A_23 : memref<1x40x128xf32, #tpu.memory_space<vmem>> -> memref<40x128xf32, #tpu.memory_space<vmem>>
    %dma_start3A_25 = arith.constant 0 : i32
    %dma_start3A_26 = tpu.memref_slice %arg7[%dma_start3A_25] : memref<10000xi32, #tpu.memory_space<vmem>> -> memref<40xi32, #tpu.memory_space<vmem>>
    %dma_start3A_27 = arith.constant 0 : i32
    %dma_start3A_28 = arith.constant 0 : i32
    %dma_start3A_29 = tpu.memref_slice %arg2[%dma_start3A_27, %dma_start3A_28] : memref<10240x128xf32, #tpu.memory_space<hbm>> -> memref<10240x128xf32, #tpu.memory_space<hbm>>
    %dma_start3A_30 = tpu.memref_slice %arg11[%dma_start3A_20] : memref<5x!tpu.dma_semaphore, #tpu.memory_space<semaphore_mem>> -> memref<1x!tpu.dma_semaphore, #tpu.memory_space<semaphore_mem>>
    %dma_start3A_31 = tpu.memref_squeeze %dma_start3A_30 : memref<1x!tpu.dma_semaphore, #tpu.memory_space<semaphore_mem>> -> memref<!tpu.dma_semaphore, #tpu.memory_space<semaphore_mem>>
    tpu.enqueue_indirect_dma source(%dma_start3A_29 : memref<10240x128xf32, #tpu.memory_space<hbm>>) target(%dma_start3A_24 : memref<40x128xf32, #tpu.memory_space<vmem>>) offsets(%dma_start3A_26 : memref<40xi32, #tpu.memory_space<vmem>>) semaphore(%dma_start3A_31 : memref<!tpu.dma_semaphore, #tpu.memory_space<semaphore_mem>>)
    %dma_start3A_32 = arith.constant 1 : i32
    %dma_start3A_33 = arith.constant 1 : i32
    %dma_start3A_34 = arith.constant 1 : i32
    %dma_start3A_35 = arith.constant 0 : i32
    %dma_start3A_36 = tpu.memref_slice %arg8[%dma_start3A_33, %dma_start3A_35] : memref<5x40xi32, #tpu.memory_space<vmem>> -> memref<1x40xi32, #tpu.memory_space<vmem>>
    %dma_start3A_37 = tpu.memref_squeeze %dma_start3A_36 : memref<1x40xi32, #tpu.memory_space<vmem>> -> memref<40xi32, #tpu.memory_space<vmem>>
    %dma_start3A_38 = arith.constant 0 : i32
    %dma_start3A_39 = tpu.memref_slice %arg4[%add3A, %dma_start3A_32, %dma_start3A_38] : memref<32x250x40xi32, #tpu.memory_space<hbm>> -> memref<1x1x40xi32, #tpu.memory_space<hbm>>
    %dma_start3A_40 = tpu.memref_squeeze %dma_start3A_39 : memref<1x1x40xi32, #tpu.memory_space<hbm>> -> memref<40xi32, #tpu.memory_space<hbm>>
    %dma_start3A_41 = tpu.memref_slice %arg13[%dma_start3A_34] : memref<5x!tpu.dma_semaphore, #tpu.memory_space<semaphore_mem>> -> memref<1x!tpu.dma_semaphore, #tpu.memory_space<semaphore_mem>>
    %dma_start3A_42 = tpu.memref_squeeze %dma_start3A_41 : memref<1x!tpu.dma_semaphore, #tpu.memory_space<semaphore_mem>> -> memref<!tpu.dma_semaphore, #tpu.memory_space<semaphore_mem>>
    %dma_start3A_43 = arith.constant 0 : i32
    %dma_start3A_44 = tpu.memref_slice %arg8[%dma_start3A_33, %dma_start3A_43] : memref<5x40xi32, #tpu.memory_space<vmem>> -> memref<1x40xi32, #tpu.memory_space<vmem>>
    %dma_start3A_45 = tpu.memref_squeeze %dma_start3A_44 : memref<1x40xi32, #tpu.memory_space<vmem>> -> memref<40xi32, #tpu.memory_space<vmem>>
    %dma_start3A_46 = arith.constant 0 : i32
    %dma_start3A_47 = tpu.memref_slice %arg4[%add3A, %dma_start3A_32, %dma_start3A_46] : memref<32x250x40xi32, #tpu.memory_space<hbm>> -> memref<1x1x40xi32, #tpu.memory_space<hbm>>
    %dma_start3A_48 = tpu.memref_squeeze %dma_start3A_47 : memref<1x1x40xi32, #tpu.memory_space<hbm>> -> memref<40xi32, #tpu.memory_space<hbm>>
    tpu.enqueue_dma source(%dma_start3A_48 : memref<40xi32, #tpu.memory_space<hbm>>) target(%dma_start3A_45 : memref<40xi32, #tpu.memory_space<vmem>>) target_semaphore(%dma_start3A_42 : memref<!tpu.dma_semaphore, #tpu.memory_space<semaphore_mem>>)
    %dma_start3A_49 = arith.constant 1 : i32
    %dma_start3A_50 = arith.constant 1 : i32
    %dma_start3A_51 = arith.constant 0 : i32
    %dma_start3A_52 = arith.constant 0 : i32
    %dma_start3A_53 = tpu.memref_slice %arg9[%dma_start3A_49, %dma_start3A_51, %dma_start3A_52] : memref<5x40x128xf32, #tpu.memory_space<vmem>> -> memref<1x40x128xf32, #tpu.memory_space<vmem>>
    %dma_start3A_54 = tpu.memref_squeeze %dma_start3A_53 : memref<1x40x128xf32, #tpu.memory_space<vmem>> -> memref<40x128xf32, #tpu.memory_space<vmem>>
    %dma_start3A_55 = arith.constant 40 : i32
    %dma_start3A_56 = tpu.memref_slice %arg7[%dma_start3A_55] : memref<10000xi32, #tpu.memory_space<vmem>> -> memref<40xi32, #tpu.memory_space<vmem>>
    %dma_start3A_57 = arith.constant 0 : i32
    %dma_start3A_58 = arith.constant 0 : i32
    %dma_start3A_59 = tpu.memref_slice %arg2[%dma_start3A_57, %dma_start3A_58] : memref<10240x128xf32, #tpu.memory_space<hbm>> -> memref<10240x128xf32, #tpu.memory_space<hbm>>
    %dma_start3A_60 = tpu.memref_slice %arg11[%dma_start3A_50] : memref<5x!tpu.dma_semaphore, #tpu.memory_space<semaphore_mem>> -> memref<1x!tpu.dma_semaphore, #tpu.memory_space<semaphore_mem>>
    %dma_start3A_61 = tpu.memref_squeeze %dma_start3A_60 : memref<1x!tpu.dma_semaphore, #tpu.memory_space<semaphore_mem>> -> memref<!tpu.dma_semaphore, #tpu.memory_space<semaphore_mem>>
    tpu.enqueue_indirect_dma source(%dma_start3A_59 : memref<10240x128xf32, #tpu.memory_space<hbm>>) target(%dma_start3A_54 : memref<40x128xf32, #tpu.memory_space<vmem>>) offsets(%dma_start3A_56 : memref<40xi32, #tpu.memory_space<vmem>>) semaphore(%dma_start3A_61 : memref<!tpu.dma_semaphore, #tpu.memory_space<semaphore_mem>>)
    %dma_start3A_62 = arith.constant 2 : i32
    %dma_start3A_63 = arith.constant 2 : i32
    %dma_start3A_64 = arith.constant 2 : i32
    %dma_start3A_65 = arith.constant 0 : i32
    %dma_start3A_66 = tpu.memref_slice %arg8[%dma_start3A_63, %dma_start3A_65] : memref<5x40xi32, #tpu.memory_space<vmem>> -> memref<1x40xi32, #tpu.memory_space<vmem>>
    %dma_start3A_67 = tpu.memref_squeeze %dma_start3A_66 : memref<1x40xi32, #tpu.memory_space<vmem>> -> memref<40xi32, #tpu.memory_space<vmem>>
    %dma_start3A_68 = arith.constant 0 : i32
    %dma_start3A_69 = tpu.memref_slice %arg4[%add3A, %dma_start3A_62, %dma_start3A_68] : memref<32x250x40xi32, #tpu.memory_space<hbm>> -> memref<1x1x40xi32, #tpu.memory_space<hbm>>
    %dma_start3A_70 = tpu.memref_squeeze %dma_start3A_69 : memref<1x1x40xi32, #tpu.memory_space<hbm>> -> memref<40xi32, #tpu.memory_space<hbm>>
    %dma_start3A_71 = tpu.memref_slice %arg13[%dma_start3A_64] : memref<5x!tpu.dma_semaphore, #tpu.memory_space<semaphore_mem>> -> memref<1x!tpu.dma_semaphore, #tpu.memory_space<semaphore_mem>>
    %dma_start3A_72 = tpu.memref_squeeze %dma_start3A_71 : memref<1x!tpu.dma_semaphore, #tpu.memory_space<semaphore_mem>> -> memref<!tpu.dma_semaphore, #tpu.memory_space<semaphore_mem>>
    %dma_start3A_73 = arith.constant 0 : i32
    %dma_start3A_74 = tpu.memref_slice %arg8[%dma_start3A_63, %dma_start3A_73] : memref<5x40xi32, #tpu.memory_space<vmem>> -> memref<1x40xi32, #tpu.memory_space<vmem>>
    %dma_start3A_75 = tpu.memref_squeeze %dma_start3A_74 : memref<1x40xi32, #tpu.memory_space<vmem>> -> memref<40xi32, #tpu.memory_space<vmem>>
    %dma_start3A_76 = arith.constant 0 : i32
    %dma_start3A_77 = tpu.memref_slice %arg4[%add3A, %dma_start3A_62, %dma_start3A_76] : memref<32x250x40xi32, #tpu.memory_space<hbm>> -> memref<1x1x40xi32, #tpu.memory_space<hbm>>
    %dma_start3A_78 = tpu.memref_squeeze %dma_start3A_77 : memref<1x1x40xi32, #tpu.memory_space<hbm>> -> memref<40xi32, #tpu.memory_space<hbm>>
    tpu.enqueue_dma source(%dma_start3A_78 : memref<40xi32, #tpu.memory_space<hbm>>) target(%dma_start3A_75 : memref<40xi32, #tpu.memory_space<vmem>>) target_semaphore(%dma_start3A_72 : memref<!tpu.dma_semaphore, #tpu.memory_space<semaphore_mem>>)
    %dma_start3A_79 = arith.constant 2 : i32
    %dma_start3A_80 = arith.constant 2 : i32
    %dma_start3A_81 = arith.constant 0 : i32
    %dma_start3A_82 = arith.constant 0 : i32
    %dma_start3A_83 = tpu.memref_slice %arg9[%dma_start3A_79, %dma_start3A_81, %dma_start3A_82] : memref<5x40x128xf32, #tpu.memory_space<vmem>> -> memref<1x40x128xf32, #tpu.memory_space<vmem>>
    %dma_start3A_84 = tpu.memref_squeeze %dma_start3A_83 : memref<1x40x128xf32, #tpu.memory_space<vmem>> -> memref<40x128xf32, #tpu.memory_space<vmem>>
    %dma_start3A_85 = arith.constant 80 : i32
    %dma_start3A_86 = tpu.memref_slice %arg7[%dma_start3A_85] : memref<10000xi32, #tpu.memory_space<vmem>> -> memref<40xi32, #tpu.memory_space<vmem>>
    %dma_start3A_87 = arith.constant 0 : i32
    %dma_start3A_88 = arith.constant 0 : i32
    %dma_start3A_89 = tpu.memref_slice %arg2[%dma_start3A_87, %dma_start3A_88] : memref<10240x128xf32, #tpu.memory_space<hbm>> -> memref<10240x128xf32, #tpu.memory_space<hbm>>
    %dma_start3A_90 = tpu.memref_slice %arg11[%dma_start3A_80] : memref<5x!tpu.dma_semaphore, #tpu.memory_space<semaphore_mem>> -> memref<1x!tpu.dma_semaphore, #tpu.memory_space<semaphore_mem>>
    %dma_start3A_91 = tpu.memref_squeeze %dma_start3A_90 : memref<1x!tpu.dma_semaphore, #tpu.memory_space<semaphore_mem>> -> memref<!tpu.dma_semaphore, #tpu.memory_space<semaphore_mem>>
    tpu.enqueue_indirect_dma source(%dma_start3A_89 : memref<10240x128xf32, #tpu.memory_space<hbm>>) target(%dma_start3A_84 : memref<40x128xf32, #tpu.memory_space<vmem>>) offsets(%dma_start3A_86 : memref<40xi32, #tpu.memory_space<vmem>>) semaphore(%dma_start3A_91 : memref<!tpu.dma_semaphore, #tpu.memory_space<semaphore_mem>>)
    %dma_start3A_92 = arith.constant 3 : i32
    %dma_start3A_93 = arith.constant 3 : i32
    %dma_start3A_94 = arith.constant 3 : i32
    %dma_start3A_95 = arith.constant 0 : i32
    %dma_start3A_96 = tpu.memref_slice %arg8[%dma_start3A_93, %dma_start3A_95] : memref<5x40xi32, #tpu.memory_space<vmem>> -> memref<1x40xi32, #tpu.memory_space<vmem>>
    %dma_start3A_97 = tpu.memref_squeeze %dma_start3A_96 : memref<1x40xi32, #tpu.memory_space<vmem>> -> memref<40xi32, #tpu.memory_space<vmem>>
    %dma_start3A_98 = arith.constant 0 : i32
    %dma_start3A_99 = tpu.memref_slice %arg4[%add3A, %dma_start3A_92, %dma_start3A_98] : memref<32x250x40xi32, #tpu.memory_space<hbm>> -> memref<1x1x40xi32, #tpu.memory_space<hbm>>
    %dma_start3A_100 = tpu.memref_squeeze %dma_start3A_99 : memref<1x1x40xi32, #tpu.memory_space<hbm>> -> memref<40xi32, #tpu.memory_space<hbm>>
    %dma_start3A_101 = tpu.memref_slice %arg13[%dma_start3A_94] : memref<5x!tpu.dma_semaphore, #tpu.memory_space<semaphore_mem>> -> memref<1x!tpu.dma_semaphore, #tpu.memory_space<semaphore_mem>>
    %dma_start3A_102 = tpu.memref_squeeze %dma_start3A_101 : memref<1x!tpu.dma_semaphore, #tpu.memory_space<semaphore_mem>> -> memref<!tpu.dma_semaphore, #tpu.memory_space<semaphore_mem>>
    %dma_start3A_103 = arith.constant 0 : i32
    %dma_start3A_104 = tpu.memref_slice %arg8[%dma_start3A_93, %dma_start3A_103] : memref<5x40xi32, #tpu.memory_space<vmem>> -> memref<1x40xi32, #tpu.memory_space<vmem>>
    %dma_start3A_105 = tpu.memref_squeeze %dma_start3A_104 : memref<1x40xi32, #tpu.memory_space<vmem>> -> memref<40xi32, #tpu.memory_space<vmem>>
    %dma_start3A_106 = arith.constant 0 : i32
    %dma_start3A_107 = tpu.memref_slice %arg4[%add3A, %dma_start3A_92, %dma_start3A_106] : memref<32x250x40xi32, #tpu.memory_space<hbm>> -> memref<1x1x40xi32, #tpu.memory_space<hbm>>
    %dma_start3A_108 = tpu.memref_squeeze %dma_start3A_107 : memref<1x1x40xi32, #tpu.memory_space<hbm>> -> memref<40xi32, #tpu.memory_space<hbm>>
    tpu.enqueue_dma source(%dma_start3A_108 : memref<40xi32, #tpu.memory_space<hbm>>) target(%dma_start3A_105 : memref<40xi32, #tpu.memory_space<vmem>>) target_semaphore(%dma_start3A_102 : memref<!tpu.dma_semaphore, #tpu.memory_space<semaphore_mem>>)
    %dma_start3A_109 = arith.constant 3 : i32
    %dma_start3A_110 = arith.constant 3 : i32
    %dma_start3A_111 = arith.constant 0 : i32
    %dma_start3A_112 = arith.constant 0 : i32
    %dma_start3A_113 = tpu.memref_slice %arg9[%dma_start3A_109, %dma_start3A_111, %dma_start3A_112] : memref<5x40x128xf32, #tpu.memory_space<vmem>> -> memref<1x40x128xf32, #tpu.memory_space<vmem>>
    %dma_start3A_114 = tpu.memref_squeeze %dma_start3A_113 : memref<1x40x128xf32, #tpu.memory_space<vmem>> -> memref<40x128xf32, #tpu.memory_space<vmem>>
    %dma_start3A_115 = arith.constant 120 : i32
    %dma_start3A_116 = tpu.memref_slice %arg7[%dma_start3A_115] : memref<10000xi32, #tpu.memory_space<vmem>> -> memref<40xi32, #tpu.memory_space<vmem>>
    %dma_start3A_117 = arith.constant 0 : i32
    %dma_start3A_118 = arith.constant 0 : i32
    %dma_start3A_119 = tpu.memref_slice %arg2[%dma_start3A_117, %dma_start3A_118] : memref<10240x128xf32, #tpu.memory_space<hbm>> -> memref<10240x128xf32, #tpu.memory_space<hbm>>
    %dma_start3A_120 = tpu.memref_slice %arg11[%dma_start3A_110] : memref<5x!tpu.dma_semaphore, #tpu.memory_space<semaphore_mem>> -> memref<1x!tpu.dma_semaphore, #tpu.memory_space<semaphore_mem>>
    %dma_start3A_121 = tpu.memref_squeeze %dma_start3A_120 : memref<1x!tpu.dma_semaphore, #tpu.memory_space<semaphore_mem>> -> memref<!tpu.dma_semaphore, #tpu.memory_space<semaphore_mem>>
    tpu.enqueue_indirect_dma source(%dma_start3A_119 : memref<10240x128xf32, #tpu.memory_space<hbm>>) target(%dma_start3A_114 : memref<40x128xf32, #tpu.memory_space<vmem>>) offsets(%dma_start3A_116 : memref<40xi32, #tpu.memory_space<vmem>>) semaphore(%dma_start3A_121 : memref<!tpu.dma_semaphore, #tpu.memory_space<semaphore_mem>>)
    %dma_start3A_122 = arith.constant 4 : i32
    %dma_start3A_123 = arith.constant 4 : i32
    %dma_start3A_124 = arith.constant 4 : i32
    %dma_start3A_125 = arith.constant 0 : i32
    %dma_start3A_126 = tpu.memref_slice %arg8[%dma_start3A_123, %dma_start3A_125] : memref<5x40xi32, #tpu.memory_space<vmem>> -> memref<1x40xi32, #tpu.memory_space<vmem>>
    %dma_start3A_127 = tpu.memref_squeeze %dma_start3A_126 : memref<1x40xi32, #tpu.memory_space<vmem>> -> memref<40xi32, #tpu.memory_space<vmem>>
    %dma_start3A_128 = arith.constant 0 : i32
    %dma_start3A_129 = tpu.memref_slice %arg4[%add3A, %dma_start3A_122, %dma_start3A_128] : memref<32x250x40xi32, #tpu.memory_space<hbm>> -> memref<1x1x40xi32, #tpu.memory_space<hbm>>
    %dma_start3A_130 = tpu.memref_squeeze %dma_start3A_129 : memref<1x1x40xi32, #tpu.memory_space<hbm>> -> memref<40xi32, #tpu.memory_space<hbm>>
    %dma_start3A_131 = tpu.memref_slice %arg13[%dma_start3A_124] : memref<5x!tpu.dma_semaphore, #tpu.memory_space<semaphore_mem>> -> memref<1x!tpu.dma_semaphore, #tpu.memory_space<semaphore_mem>>
    %dma_start3A_132 = tpu.memref_squeeze %dma_start3A_131 : memref<1x!tpu.dma_semaphore, #tpu.memory_space<semaphore_mem>> -> memref<!tpu.dma_semaphore, #tpu.memory_space<semaphore_mem>>
    %dma_start3A_133 = arith.constant 0 : i32
    %dma_start3A_134 = tpu.memref_slice %arg8[%dma_start3A_123, %dma_start3A_133] : memref<5x40xi32, #tpu.memory_space<vmem>> -> memref<1x40xi32, #tpu.memory_space<vmem>>
    %dma_start3A_135 = tpu.memref_squeeze %dma_start3A_134 : memref<1x40xi32, #tpu.memory_space<vmem>> -> memref<40xi32, #tpu.memory_space<vmem>>
    %dma_start3A_136 = arith.constant 0 : i32
    %dma_start3A_137 = tpu.memref_slice %arg4[%add3A, %dma_start3A_122, %dma_start3A_136] : memref<32x250x40xi32, #tpu.memory_space<hbm>> -> memref<1x1x40xi32, #tpu.memory_space<hbm>>
    %dma_start3A_138 = tpu.memref_squeeze %dma_start3A_137 : memref<1x1x40xi32, #tpu.memory_space<hbm>> -> memref<40xi32, #tpu.memory_space<hbm>>
    tpu.enqueue_dma source(%dma_start3A_138 : memref<40xi32, #tpu.memory_space<hbm>>) target(%dma_start3A_135 : memref<40xi32, #tpu.memory_space<vmem>>) target_semaphore(%dma_start3A_132 : memref<!tpu.dma_semaphore, #tpu.memory_space<semaphore_mem>>)
    %dma_start3A_139 = arith.constant 4 : i32
    %dma_start3A_140 = arith.constant 4 : i32
    %dma_start3A_141 = arith.constant 0 : i32
    %dma_start3A_142 = arith.constant 0 : i32
    %dma_start3A_143 = tpu.memref_slice %arg9[%dma_start3A_139, %dma_start3A_141, %dma_start3A_142] : memref<5x40x128xf32, #tpu.memory_space<vmem>> -> memref<1x40x128xf32, #tpu.memory_space<vmem>>
    %dma_start3A_144 = tpu.memref_squeeze %dma_start3A_143 : memref<1x40x128xf32, #tpu.memory_space<vmem>> -> memref<40x128xf32, #tpu.memory_space<vmem>>
    %dma_start3A_145 = arith.constant 160 : i32
    %dma_start3A_146 = tpu.memref_slice %arg7[%dma_start3A_145] : memref<10000xi32, #tpu.memory_space<vmem>> -> memref<40xi32, #tpu.memory_space<vmem>>
    %dma_start3A_147 = arith.constant 0 : i32
    %dma_start3A_148 = arith.constant 0 : i32
    %dma_start3A_149 = tpu.memref_slice %arg2[%dma_start3A_147, %dma_start3A_148] : memref<10240x128xf32, #tpu.memory_space<hbm>> -> memref<10240x128xf32, #tpu.memory_space<hbm>>
    %dma_start3A_150 = tpu.memref_slice %arg11[%dma_start3A_140] : memref<5x!tpu.dma_semaphore, #tpu.memory_space<semaphore_mem>> -> memref<1x!tpu.dma_semaphore, #tpu.memory_space<semaphore_mem>>
    %dma_start3A_151 = tpu.memref_squeeze %dma_start3A_150 : memref<1x!tpu.dma_semaphore, #tpu.memory_space<semaphore_mem>> -> memref<!tpu.dma_semaphore, #tpu.memory_space<semaphore_mem>>
    tpu.enqueue_indirect_dma source(%dma_start3A_149 : memref<10240x128xf32, #tpu.memory_space<hbm>>) target(%dma_start3A_144 : memref<40x128xf32, #tpu.memory_space<vmem>>) offsets(%dma_start3A_146 : memref<40xi32, #tpu.memory_space<vmem>>) semaphore(%dma_start3A_151 : memref<!tpu.dma_semaphore, #tpu.memory_space<semaphore_mem>>)
    %scan3A = arith.constant 0 : i32
    %scan3A_152 = arith.constant 50 : i32
    %scan3A_153 = arith.addi %scan3A, %scan3A_152 : i32
    %scan3A_154 = arith.constant 1 : i32
    scf.for %scan3A_161 = %scan3A to %scan3A_153 step %scan3A_154  : i32 {
      %mul3A_162 = arith.constant 5 : i32
      %mul3A_163 = arith.muli %scan3A_161, %mul3A_162 : i32
      %add3A_164 = arith.constant 0 : i32
      %add3A_165 = arith.addi %mul3A_163, %add3A_164 : i32
      %dma_wait3A = arith.constant 0 : i32
      %dma_wait3A_166 = arith.constant 0 : i32
      %dma_wait3A_167 = arith.constant 0 : i32
      %dma_wait3A_168 = tpu.memref_slice %arg8[%dma_wait3A, %dma_wait3A_167] : memref<5x40xi32, #tpu.memory_space<vmem>> -> memref<1x40xi32, #tpu.memory_space<vmem>>
      %dma_wait3A_169 = tpu.memref_squeeze %dma_wait3A_168 : memref<1x40xi32, #tpu.memory_space<vmem>> -> memref<40xi32, #tpu.memory_space<vmem>>
      %dma_wait3A_170 = arith.constant 0 : i32
      %dma_wait3A_171 = tpu.memref_slice %arg4[%add3A, %add3A_165, %dma_wait3A_170] : memref<32x250x40xi32, #tpu.memory_space<hbm>> -> memref<1x1x40xi32, #tpu.memory_space<hbm>>
      %dma_wait3A_172 = tpu.memref_squeeze %dma_wait3A_171 : memref<1x1x40xi32, #tpu.memory_space<hbm>> -> memref<40xi32, #tpu.memory_space<hbm>>
      %dma_wait3A_173 = tpu.memref_slice %arg13[%dma_wait3A_166] : memref<5x!tpu.dma_semaphore, #tpu.memory_space<semaphore_mem>> -> memref<1x!tpu.dma_semaphore, #tpu.memory_space<semaphore_mem>>
      %dma_wait3A_174 = tpu.memref_squeeze %dma_wait3A_173 : memref<1x!tpu.dma_semaphore, #tpu.memory_space<semaphore_mem>> -> memref<!tpu.dma_semaphore, #tpu.memory_space<semaphore_mem>>
      %dma_wait3A_175 = arith.constant 0 : i32
      %dma_wait3A_176 = tpu.memref_slice %arg8[%dma_wait3A, %dma_wait3A_175] : memref<5x40xi32, #tpu.memory_space<vmem>> -> memref<1x40xi32, #tpu.memory_space<vmem>>
      %dma_wait3A_177 = tpu.memref_squeeze %dma_wait3A_176 : memref<1x40xi32, #tpu.memory_space<vmem>> -> memref<40xi32, #tpu.memory_space<vmem>>
      %dma_wait3A_178 = arith.constant 0 : i32
      %dma_wait3A_179 = tpu.memref_slice %arg4[%add3A, %add3A_165, %dma_wait3A_178] : memref<32x250x40xi32, #tpu.memory_space<hbm>> -> memref<1x1x40xi32, #tpu.memory_space<hbm>>
      %dma_wait3A_180 = tpu.memref_squeeze %dma_wait3A_179 : memref<1x1x40xi32, #tpu.memory_space<hbm>> -> memref<40xi32, #tpu.memory_space<hbm>>
      tpu.wait_dma2 semaphore(%dma_wait3A_174 : memref<!tpu.dma_semaphore, #tpu.memory_space<semaphore_mem>>) src(%dma_wait3A_180 : memref<40xi32, #tpu.memory_space<hbm>>) dst(%dma_wait3A_177 : memref<40xi32, #tpu.memory_space<vmem>>)
      %mul3A_181 = arith.constant 40 : i32
      %mul3A_182 = arith.muli %add3A_165, %mul3A_181 : i32
      %dma_wait3A_183 = arith.constant 0 : i32
      %dma_wait3A_184 = arith.constant 0 : i32
      %dma_wait3A_185 = arith.constant 0 : i32
      %dma_wait3A_186 = arith.constant 0 : i32
      %dma_wait3A_187 = tpu.memref_slice %arg9[%dma_wait3A_183, %dma_wait3A_185, %dma_wait3A_186] : memref<5x40x128xf32, #tpu.memory_space<vmem>> -> memref<1x40x128xf32, #tpu.memory_space<vmem>>
      %dma_wait3A_188 = tpu.memref_squeeze %dma_wait3A_187 : memref<1x40x128xf32, #tpu.memory_space<vmem>> -> memref<40x128xf32, #tpu.memory_space<vmem>>
      %dma_wait3A_189 = tpu.memref_slice %arg7[%mul3A_182] : memref<10000xi32, #tpu.memory_space<vmem>> -> memref<40xi32, #tpu.memory_space<vmem>>
      %dma_wait3A_190 = arith.constant 0 : i32
      %dma_wait3A_191 = arith.constant 0 : i32
      %dma_wait3A_192 = tpu.memref_slice %arg2[%dma_wait3A_190, %dma_wait3A_191] : memref<10240x128xf32, #tpu.memory_space<hbm>> -> memref<10240x128xf32, #tpu.memory_space<hbm>>
      %dma_wait3A_193 = tpu.memref_slice %arg11[%dma_wait3A_184] : memref<5x!tpu.dma_semaphore, #tpu.memory_space<semaphore_mem>> -> memref<1x!tpu.dma_semaphore, #tpu.memory_space<semaphore_mem>>
      %dma_wait3A_194 = tpu.memref_squeeze %dma_wait3A_193 : memref<1x!tpu.dma_semaphore, #tpu.memory_space<semaphore_mem>> -> memref<!tpu.dma_semaphore, #tpu.memory_space<semaphore_mem>>
      tpu.wait_indirect_dma semaphore(%dma_wait3A_194 : memref<!tpu.dma_semaphore, #tpu.memory_space<semaphore_mem>>) src(%dma_wait3A_192 : memref<10240x128xf32, #tpu.memory_space<hbm>>) dst(%dma_wait3A_188 : memref<40x128xf32, #tpu.memory_space<vmem>>)
      %dma_start3A_195 = arith.constant 0 : i32
      %dma_start3A_196 = arith.constant 0 : i32
      %dma_start3A_197 = arith.constant 0 : i32
      %dma_start3A_198 = arith.constant 0 : i32
      %dma_start3A_199 = arith.constant 0 : i32
      %dma_start3A_200 = tpu.memref_slice %arg9[%dma_start3A_195, %dma_start3A_198, %dma_start3A_199] : memref<5x40x128xf32, #tpu.memory_space<vmem>> -> memref<1x40x128xf32, #tpu.memory_space<vmem>>
      %dma_start3A_201 = tpu.memref_squeeze %dma_start3A_200 : memref<1x40x128xf32, #tpu.memory_space<vmem>> -> memref<40x128xf32, #tpu.memory_space<vmem>>
      %dma_start3A_202 = arith.constant 0 : i32
      %dma_start3A_203 = tpu.memref_slice %arg8[%dma_start3A_196, %dma_start3A_202] : memref<5x40xi32, #tpu.memory_space<vmem>> -> memref<1x40xi32, #tpu.memory_space<vmem>>
      %dma_start3A_204 = tpu.memref_squeeze %dma_start3A_203 : memref<1x40xi32, #tpu.memory_space<vmem>> -> memref<40xi32, #tpu.memory_space<vmem>>
      %dma_start3A_205 = arith.constant 0 : i32
      %dma_start3A_206 = arith.constant 0 : i32
      %dma_start3A_207 = tpu.memref_slice %arg10[%dma_start3A_205, %dma_start3A_206] : memref<10240x128xf32, #tpu.memory_space<vmem_shared>> -> memref<10240x128xf32, #tpu.memory_space<vmem_shared>>
      %dma_start3A_208 = tpu.memref_slice %arg12[%dma_start3A_197] : memref<5x!tpu.dma_semaphore, #tpu.memory_space<semaphore_mem>> -> memref<1x!tpu.dma_semaphore, #tpu.memory_space<semaphore_mem>>
      %dma_start3A_209 = tpu.memref_squeeze %dma_start3A_208 : memref<1x!tpu.dma_semaphore, #tpu.memory_space<semaphore_mem>> -> memref<!tpu.dma_semaphore, #tpu.memory_space<semaphore_mem>>
      tpu.enqueue_indirect_dma source(%dma_start3A_201 : memref<40x128xf32, #tpu.memory_space<vmem>>) target(%dma_start3A_207 : memref<10240x128xf32, #tpu.memory_space<vmem_shared>>) offsets(%dma_start3A_204 : memref<40xi32, #tpu.memory_space<vmem>>) semaphore(%dma_start3A_209 : memref<!tpu.dma_semaphore, #tpu.memory_space<semaphore_mem>>) {add = true}
      %dma_wait3A_210 = arith.constant 0 : i32
      %dma_wait3A_211 = arith.constant 0 : i32
      %dma_wait3A_212 = arith.constant 0 : i32
      %dma_wait3A_213 = arith.constant 0 : i32
      %dma_wait3A_214 = arith.constant 0 : i32
      %dma_wait3A_215 = tpu.memref_slice %arg9[%dma_wait3A_210, %dma_wait3A_213, %dma_wait3A_214] : memref<5x40x128xf32, #tpu.memory_space<vmem>> -> memref<1x40x128xf32, #tpu.memory_space<vmem>>
      %dma_wait3A_216 = tpu.memref_squeeze %dma_wait3A_215 : memref<1x40x128xf32, #tpu.memory_space<vmem>> -> memref<40x128xf32, #tpu.memory_space<vmem>>
      %dma_wait3A_217 = arith.constant 0 : i32
      %dma_wait3A_218 = tpu.memref_slice %arg8[%dma_wait3A_211, %dma_wait3A_217] : memref<5x40xi32, #tpu.memory_space<vmem>> -> memref<1x40xi32, #tpu.memory_space<vmem>>
      %dma_wait3A_219 = tpu.memref_squeeze %dma_wait3A_218 : memref<1x40xi32, #tpu.memory_space<vmem>> -> memref<40xi32, #tpu.memory_space<vmem>>
      %dma_wait3A_220 = arith.constant 0 : i32
      %dma_wait3A_221 = arith.constant 0 : i32
      %dma_wait3A_222 = tpu.memref_slice %arg10[%dma_wait3A_220, %dma_wait3A_221] : memref<10240x128xf32, #tpu.memory_space<vmem_shared>> -> memref<10240x128xf32, #tpu.memory_space<vmem_shared>>
      %dma_wait3A_223 = tpu.memref_slice %arg12[%dma_wait3A_212] : memref<5x!tpu.dma_semaphore, #tpu.memory_space<semaphore_mem>> -> memref<1x!tpu.dma_semaphore, #tpu.memory_space<semaphore_mem>>
      %dma_wait3A_224 = tpu.memref_squeeze %dma_wait3A_223 : memref<1x!tpu.dma_semaphore, #tpu.memory_space<semaphore_mem>> -> memref<!tpu.dma_semaphore, #tpu.memory_space<semaphore_mem>>
      tpu.wait_indirect_dma semaphore(%dma_wait3A_224 : memref<!tpu.dma_semaphore, #tpu.memory_space<semaphore_mem>>) src(%dma_wait3A_216 : memref<40x128xf32, #tpu.memory_space<vmem>>) dst(%dma_wait3A_222 : memref<10240x128xf32, #tpu.memory_space<vmem_shared>>)
      %add3A_225 = arith.constant 5 : i32
      %add3A_226 = arith.addi %add3A_165, %add3A_225 : i32
      %lt3A = arith.constant 250 : i32
      %lt3A_227 = arith.cmpi slt, %add3A_226, %lt3A : i32
      %convert_element_type3A = arith.extui %lt3A_227 : i1 to i32
      %cond3A = arith.constant 0 : i32
      %cond3A_228 = arith.cmpi ne, %convert_element_type3A, %cond3A : i32
      scf.if %cond3A_228 {
        %add3A_513 = arith.constant 5 : i32
        %add3A_514 = arith.addi %add3A_165, %add3A_513 : i32
        %dma_start3A_515 = arith.constant 0 : i32
        %dma_start3A_516 = arith.constant 0 : i32
        %dma_start3A_517 = arith.constant 0 : i32
        %dma_start3A_518 = tpu.memref_slice %arg8[%dma_start3A_515, %dma_start3A_517] : memref<5x40xi32, #tpu.memory_space<vmem>> -> memref<1x40xi32, #tpu.memory_space<vmem>>
        %dma_start3A_519 = tpu.memref_squeeze %dma_start3A_518 : memref<1x40xi32, #tpu.memory_space<vmem>> -> memref<40xi32, #tpu.memory_space<vmem>>
        %dma_start3A_520 = arith.constant 0 : i32
        %dma_start3A_521 = tpu.memref_slice %arg4[%add3A, %add3A_514, %dma_start3A_520] : memref<32x250x40xi32, #tpu.memory_space<hbm>> -> memref<1x1x40xi32, #tpu.memory_space<hbm>>
        %dma_start3A_522 = tpu.memref_squeeze %dma_start3A_521 : memref<1x1x40xi32, #tpu.memory_space<hbm>> -> memref<40xi32, #tpu.memory_space<hbm>>
        %dma_start3A_523 = tpu.memref_slice %arg13[%dma_start3A_516] : memref<5x!tpu.dma_semaphore, #tpu.memory_space<semaphore_mem>> -> memref<1x!tpu.dma_semaphore, #tpu.memory_space<semaphore_mem>>
        %dma_start3A_524 = tpu.memref_squeeze %dma_start3A_523 : memref<1x!tpu.dma_semaphore, #tpu.memory_space<semaphore_mem>> -> memref<!tpu.dma_semaphore, #tpu.memory_space<semaphore_mem>>
        %dma_start3A_525 = arith.constant 0 : i32
        %dma_start3A_526 = tpu.memref_slice %arg8[%dma_start3A_515, %dma_start3A_525] : memref<5x40xi32, #tpu.memory_space<vmem>> -> memref<1x40xi32, #tpu.memory_space<vmem>>
        %dma_start3A_527 = tpu.memref_squeeze %dma_start3A_526 : memref<1x40xi32, #tpu.memory_space<vmem>> -> memref<40xi32, #tpu.memory_space<vmem>>
        %dma_start3A_528 = arith.constant 0 : i32
        %dma_start3A_529 = tpu.memref_slice %arg4[%add3A, %add3A_514, %dma_start3A_528] : memref<32x250x40xi32, #tpu.memory_space<hbm>> -> memref<1x1x40xi32, #tpu.memory_space<hbm>>
        %dma_start3A_530 = tpu.memref_squeeze %dma_start3A_529 : memref<1x1x40xi32, #tpu.memory_space<hbm>> -> memref<40xi32, #tpu.memory_space<hbm>>
        tpu.enqueue_dma source(%dma_start3A_530 : memref<40xi32, #tpu.memory_space<hbm>>) target(%dma_start3A_527 : memref<40xi32, #tpu.memory_space<vmem>>) target_semaphore(%dma_start3A_524 : memref<!tpu.dma_semaphore, #tpu.memory_space<semaphore_mem>>)
        %add3A_531 = arith.constant 5 : i32
        %add3A_532 = arith.addi %add3A_165, %add3A_531 : i32
        %mul3A_533 = arith.constant 40 : i32
        %mul3A_534 = arith.muli %add3A_532, %mul3A_533 : i32
        %dma_start3A_535 = arith.constant 0 : i32
        %dma_start3A_536 = arith.constant 0 : i32
        %dma_start3A_537 = arith.constant 0 : i32
        %dma_start3A_538 = arith.constant 0 : i32
        %dma_start3A_539 = tpu.memref_slice %arg9[%dma_start3A_535, %dma_start3A_537, %dma_start3A_538] : memref<5x40x128xf32, #tpu.memory_space<vmem>> -> memref<1x40x128xf32, #tpu.memory_space<vmem>>
        %dma_start3A_540 = tpu.memref_squeeze %dma_start3A_539 : memref<1x40x128xf32, #tpu.memory_space<vmem>> -> memref<40x128xf32, #tpu.memory_space<vmem>>
        %dma_start3A_541 = tpu.memref_slice %arg7[%mul3A_534] : memref<10000xi32, #tpu.memory_space<vmem>> -> memref<40xi32, #tpu.memory_space<vmem>>
        %dma_start3A_542 = arith.constant 0 : i32
        %dma_start3A_543 = arith.constant 0 : i32
        %dma_start3A_544 = tpu.memref_slice %arg2[%dma_start3A_542, %dma_start3A_543] : memref<10240x128xf32, #tpu.memory_space<hbm>> -> memref<10240x128xf32, #tpu.memory_space<hbm>>
        %dma_start3A_545 = tpu.memref_slice %arg11[%dma_start3A_536] : memref<5x!tpu.dma_semaphore, #tpu.memory_space<semaphore_mem>> -> memref<1x!tpu.dma_semaphore, #tpu.memory_space<semaphore_mem>>
        %dma_start3A_546 = tpu.memref_squeeze %dma_start3A_545 : memref<1x!tpu.dma_semaphore, #tpu.memory_space<semaphore_mem>> -> memref<!tpu.dma_semaphore, #tpu.memory_space<semaphore_mem>>
        tpu.enqueue_indirect_dma source(%dma_start3A_544 : memref<10240x128xf32, #tpu.memory_space<hbm>>) target(%dma_start3A_540 : memref<40x128xf32, #tpu.memory_space<vmem>>) offsets(%dma_start3A_541 : memref<40xi32, #tpu.memory_space<vmem>>) semaphore(%dma_start3A_546 : memref<!tpu.dma_semaphore, #tpu.memory_space<semaphore_mem>>)
      } else {
      }
      %mul3A_229 = arith.constant 5 : i32
      %mul3A_230 = arith.muli %scan3A_161, %mul3A_229 : i32
      %add3A_231 = arith.constant 1 : i32
      %add3A_232 = arith.addi %mul3A_230, %add3A_231 : i32
      %dma_wait3A_233 = arith.constant 1 : i32
      %dma_wait3A_234 = arith.constant 1 : i32
      %dma_wait3A_235 = arith.constant 0 : i32
      %dma_wait3A_236 = tpu.memref_slice %arg8[%dma_wait3A_233, %dma_wait3A_235] : memref<5x40xi32, #tpu.memory_space<vmem>> -> memref<1x40xi32, #tpu.memory_space<vmem>>
      %dma_wait3A_237 = tpu.memref_squeeze %dma_wait3A_236 : memref<1x40xi32, #tpu.memory_space<vmem>> -> memref<40xi32, #tpu.memory_space<vmem>>
      %dma_wait3A_238 = arith.constant 0 : i32
      %dma_wait3A_239 = tpu.memref_slice %arg4[%add3A, %add3A_232, %dma_wait3A_238] : memref<32x250x40xi32, #tpu.memory_space<hbm>> -> memref<1x1x40xi32, #tpu.memory_space<hbm>>
      %dma_wait3A_240 = tpu.memref_squeeze %dma_wait3A_239 : memref<1x1x40xi32, #tpu.memory_space<hbm>> -> memref<40xi32, #tpu.memory_space<hbm>>
      %dma_wait3A_241 = tpu.memref_slice %arg13[%dma_wait3A_234] : memref<5x!tpu.dma_semaphore, #tpu.memory_space<semaphore_mem>> -> memref<1x!tpu.dma_semaphore, #tpu.memory_space<semaphore_mem>>
      %dma_wait3A_242 = tpu.memref_squeeze %dma_wait3A_241 : memref<1x!tpu.dma_semaphore, #tpu.memory_space<semaphore_mem>> -> memref<!tpu.dma_semaphore, #tpu.memory_space<semaphore_mem>>
      %dma_wait3A_243 = arith.constant 0 : i32
      %dma_wait3A_244 = tpu.memref_slice %arg8[%dma_wait3A_233, %dma_wait3A_243] : memref<5x40xi32, #tpu.memory_space<vmem>> -> memref<1x40xi32, #tpu.memory_space<vmem>>
      %dma_wait3A_245 = tpu.memref_squeeze %dma_wait3A_244 : memref<1x40xi32, #tpu.memory_space<vmem>> -> memref<40xi32, #tpu.memory_space<vmem>>
      %dma_wait3A_246 = arith.constant 0 : i32
      %dma_wait3A_247 = tpu.memref_slice %arg4[%add3A, %add3A_232, %dma_wait3A_246] : memref<32x250x40xi32, #tpu.memory_space<hbm>> -> memref<1x1x40xi32, #tpu.memory_space<hbm>>
      %dma_wait3A_248 = tpu.memref_squeeze %dma_wait3A_247 : memref<1x1x40xi32, #tpu.memory_space<hbm>> -> memref<40xi32, #tpu.memory_space<hbm>>
      tpu.wait_dma2 semaphore(%dma_wait3A_242 : memref<!tpu.dma_semaphore, #tpu.memory_space<semaphore_mem>>) src(%dma_wait3A_248 : memref<40xi32, #tpu.memory_space<hbm>>) dst(%dma_wait3A_245 : memref<40xi32, #tpu.memory_space<vmem>>)
      %mul3A_249 = arith.constant 40 : i32
      %mul3A_250 = arith.muli %add3A_232, %mul3A_249 : i32
      %dma_wait3A_251 = arith.constant 1 : i32
      %dma_wait3A_252 = arith.constant 1 : i32
      %dma_wait3A_253 = arith.constant 0 : i32
      %dma_wait3A_254 = arith.constant 0 : i32
      %dma_wait3A_255 = tpu.memref_slice %arg9[%dma_wait3A_251, %dma_wait3A_253, %dma_wait3A_254] : memref<5x40x128xf32, #tpu.memory_space<vmem>> -> memref<1x40x128xf32, #tpu.memory_space<vmem>>
      %dma_wait3A_256 = tpu.memref_squeeze %dma_wait3A_255 : memref<1x40x128xf32, #tpu.memory_space<vmem>> -> memref<40x128xf32, #tpu.memory_space<vmem>>
      %dma_wait3A_257 = tpu.memref_slice %arg7[%mul3A_250] : memref<10000xi32, #tpu.memory_space<vmem>> -> memref<40xi32, #tpu.memory_space<vmem>>
      %dma_wait3A_258 = arith.constant 0 : i32
      %dma_wait3A_259 = arith.constant 0 : i32
      %dma_wait3A_260 = tpu.memref_slice %arg2[%dma_wait3A_258, %dma_wait3A_259] : memref<10240x128xf32, #tpu.memory_space<hbm>> -> memref<10240x128xf32, #tpu.memory_space<hbm>>
      %dma_wait3A_261 = tpu.memref_slice %arg11[%dma_wait3A_252] : memref<5x!tpu.dma_semaphore, #tpu.memory_space<semaphore_mem>> -> memref<1x!tpu.dma_semaphore, #tpu.memory_space<semaphore_mem>>
      %dma_wait3A_262 = tpu.memref_squeeze %dma_wait3A_261 : memref<1x!tpu.dma_semaphore, #tpu.memory_space<semaphore_mem>> -> memref<!tpu.dma_semaphore, #tpu.memory_space<semaphore_mem>>
      tpu.wait_indirect_dma semaphore(%dma_wait3A_262 : memref<!tpu.dma_semaphore, #tpu.memory_space<semaphore_mem>>) src(%dma_wait3A_260 : memref<10240x128xf32, #tpu.memory_space<hbm>>) dst(%dma_wait3A_256 : memref<40x128xf32, #tpu.memory_space<vmem>>)
      %dma_start3A_263 = arith.constant 1 : i32
      %dma_start3A_264 = arith.constant 1 : i32
      %dma_start3A_265 = arith.constant 1 : i32
      %dma_start3A_266 = arith.constant 0 : i32
      %dma_start3A_267 = arith.constant 0 : i32
      %dma_start3A_268 = tpu.memref_slice %arg9[%dma_start3A_263, %dma_start3A_266, %dma_start3A_267] : memref<5x40x128xf32, #tpu.memory_space<vmem>> -> memref<1x40x128xf32, #tpu.memory_space<vmem>>
      %dma_start3A_269 = tpu.memref_squeeze %dma_start3A_268 : memref<1x40x128xf32, #tpu.memory_space<vmem>> -> memref<40x128xf32, #tpu.memory_space<vmem>>
      %dma_start3A_270 = arith.constant 0 : i32
      %dma_start3A_271 = tpu.memref_slice %arg8[%dma_start3A_264, %dma_start3A_270] : memref<5x40xi32, #tpu.memory_space<vmem>> -> memref<1x40xi32, #tpu.memory_space<vmem>>
      %dma_start3A_272 = tpu.memref_squeeze %dma_start3A_271 : memref<1x40xi32, #tpu.memory_space<vmem>> -> memref<40xi32, #tpu.memory_space<vmem>>
      %dma_start3A_273 = arith.constant 0 : i32
      %dma_start3A_274 = arith.constant 0 : i32
      %dma_start3A_275 = tpu.memref_slice %arg10[%dma_start3A_273, %dma_start3A_274] : memref<10240x128xf32, #tpu.memory_space<vmem_shared>> -> memref<10240x128xf32, #tpu.memory_space<vmem_shared>>
      %dma_start3A_276 = tpu.memref_slice %arg12[%dma_start3A_265] : memref<5x!tpu.dma_semaphore, #tpu.memory_space<semaphore_mem>> -> memref<1x!tpu.dma_semaphore, #tpu.memory_space<semaphore_mem>>
      %dma_start3A_277 = tpu.memref_squeeze %dma_start3A_276 : memref<1x!tpu.dma_semaphore, #tpu.memory_space<semaphore_mem>> -> memref<!tpu.dma_semaphore, #tpu.memory_space<semaphore_mem>>
      tpu.enqueue_indirect_dma source(%dma_start3A_269 : memref<40x128xf32, #tpu.memory_space<vmem>>) target(%dma_start3A_275 : memref<10240x128xf32, #tpu.memory_space<vmem_shared>>) offsets(%dma_start3A_272 : memref<40xi32, #tpu.memory_space<vmem>>) semaphore(%dma_start3A_277 : memref<!tpu.dma_semaphore, #tpu.memory_space<semaphore_mem>>) {add = true}
      %dma_wait3A_278 = arith.constant 1 : i32
      %dma_wait3A_279 = arith.constant 1 : i32
      %dma_wait3A_280 = arith.constant 1 : i32
      %dma_wait3A_281 = arith.constant 0 : i32
      %dma_wait3A_282 = arith.constant 0 : i32
      %dma_wait3A_283 = tpu.memref_slice %arg9[%dma_wait3A_278, %dma_wait3A_281, %dma_wait3A_282] : memref<5x40x128xf32, #tpu.memory_space<vmem>> -> memref<1x40x128xf32, #tpu.memory_space<vmem>>
      %dma_wait3A_284 = tpu.memref_squeeze %dma_wait3A_283 : memref<1x40x128xf32, #tpu.memory_space<vmem>> -> memref<40x128xf32, #tpu.memory_space<vmem>>
      %dma_wait3A_285 = arith.constant 0 : i32
      %dma_wait3A_286 = tpu.memref_slice %arg8[%dma_wait3A_279, %dma_wait3A_285] : memref<5x40xi32, #tpu.memory_space<vmem>> -> memref<1x40xi32, #tpu.memory_space<vmem>>
      %dma_wait3A_287 = tpu.memref_squeeze %dma_wait3A_286 : memref<1x40xi32, #tpu.memory_space<vmem>> -> memref<40xi32, #tpu.memory_space<vmem>>
      %dma_wait3A_288 = arith.constant 0 : i32
      %dma_wait3A_289 = arith.constant 0 : i32
      %dma_wait3A_290 = tpu.memref_slice %arg10[%dma_wait3A_288, %dma_wait3A_289] : memref<10240x128xf32, #tpu.memory_space<vmem_shared>> -> memref<10240x128xf32, #tpu.memory_space<vmem_shared>>
      %dma_wait3A_291 = tpu.memref_slice %arg12[%dma_wait3A_280] : memref<5x!tpu.dma_semaphore, #tpu.memory_space<semaphore_mem>> -> memref<1x!tpu.dma_semaphore, #tpu.memory_space<semaphore_mem>>
      %dma_wait3A_292 = tpu.memref_squeeze %dma_wait3A_291 : memref<1x!tpu.dma_semaphore, #tpu.memory_space<semaphore_mem>> -> memref<!tpu.dma_semaphore, #tpu.memory_space<semaphore_mem>>
      tpu.wait_indirect_dma semaphore(%dma_wait3A_292 : memref<!tpu.dma_semaphore, #tpu.memory_space<semaphore_mem>>) src(%dma_wait3A_284 : memref<40x128xf32, #tpu.memory_space<vmem>>) dst(%dma_wait3A_290 : memref<10240x128xf32, #tpu.memory_space<vmem_shared>>)
      %add3A_293 = arith.constant 5 : i32
      %add3A_294 = arith.addi %add3A_232, %add3A_293 : i32
      %lt3A_295 = arith.constant 250 : i32
      %lt3A_296 = arith.cmpi slt, %add3A_294, %lt3A_295 : i32
      %convert_element_type3A_297 = arith.extui %lt3A_296 : i1 to i32
      %cond3A_298 = arith.constant 0 : i32
      %cond3A_299 = arith.cmpi ne, %convert_element_type3A_297, %cond3A_298 : i32
      scf.if %cond3A_299 {
        %add3A_513 = arith.constant 5 : i32
        %add3A_514 = arith.addi %add3A_232, %add3A_513 : i32
        %dma_start3A_515 = arith.constant 1 : i32
        %dma_start3A_516 = arith.constant 1 : i32
        %dma_start3A_517 = arith.constant 0 : i32
        %dma_start3A_518 = tpu.memref_slice %arg8[%dma_start3A_515, %dma_start3A_517] : memref<5x40xi32, #tpu.memory_space<vmem>> -> memref<1x40xi32, #tpu.memory_space<vmem>>
        %dma_start3A_519 = tpu.memref_squeeze %dma_start3A_518 : memref<1x40xi32, #tpu.memory_space<vmem>> -> memref<40xi32, #tpu.memory_space<vmem>>
        %dma_start3A_520 = arith.constant 0 : i32
        %dma_start3A_521 = tpu.memref_slice %arg4[%add3A, %add3A_514, %dma_start3A_520] : memref<32x250x40xi32, #tpu.memory_space<hbm>> -> memref<1x1x40xi32, #tpu.memory_space<hbm>>
        %dma_start3A_522 = tpu.memref_squeeze %dma_start3A_521 : memref<1x1x40xi32, #tpu.memory_space<hbm>> -> memref<40xi32, #tpu.memory_space<hbm>>
        %dma_start3A_523 = tpu.memref_slice %arg13[%dma_start3A_516] : memref<5x!tpu.dma_semaphore, #tpu.memory_space<semaphore_mem>> -> memref<1x!tpu.dma_semaphore, #tpu.memory_space<semaphore_mem>>
        %dma_start3A_524 = tpu.memref_squeeze %dma_start3A_523 : memref<1x!tpu.dma_semaphore, #tpu.memory_space<semaphore_mem>> -> memref<!tpu.dma_semaphore, #tpu.memory_space<semaphore_mem>>
        %dma_start3A_525 = arith.constant 0 : i32
        %dma_start3A_526 = tpu.memref_slice %arg8[%dma_start3A_515, %dma_start3A_525] : memref<5x40xi32, #tpu.memory_space<vmem>> -> memref<1x40xi32, #tpu.memory_space<vmem>>
        %dma_start3A_527 = tpu.memref_squeeze %dma_start3A_526 : memref<1x40xi32, #tpu.memory_space<vmem>> -> memref<40xi32, #tpu.memory_space<vmem>>
        %dma_start3A_528 = arith.constant 0 : i32
        %dma_start3A_529 = tpu.memref_slice %arg4[%add3A, %add3A_514, %dma_start3A_528] : memref<32x250x40xi32, #tpu.memory_space<hbm>> -> memref<1x1x40xi32, #tpu.memory_space<hbm>>
        %dma_start3A_530 = tpu.memref_squeeze %dma_start3A_529 : memref<1x1x40xi32, #tpu.memory_space<hbm>> -> memref<40xi32, #tpu.memory_space<hbm>>
        tpu.enqueue_dma source(%dma_start3A_530 : memref<40xi32, #tpu.memory_space<hbm>>) target(%dma_start3A_527 : memref<40xi32, #tpu.memory_space<vmem>>) target_semaphore(%dma_start3A_524 : memref<!tpu.dma_semaphore, #tpu.memory_space<semaphore_mem>>)
        %add3A_531 = arith.constant 5 : i32
        %add3A_532 = arith.addi %add3A_232, %add3A_531 : i32
        %mul3A_533 = arith.constant 40 : i32
        %mul3A_534 = arith.muli %add3A_532, %mul3A_533 : i32
        %dma_start3A_535 = arith.constant 1 : i32
        %dma_start3A_536 = arith.constant 1 : i32
        %dma_start3A_537 = arith.constant 0 : i32
        %dma_start3A_538 = arith.constant 0 : i32
        %dma_start3A_539 = tpu.memref_slice %arg9[%dma_start3A_535, %dma_start3A_537, %dma_start3A_538] : memref<5x40x128xf32, #tpu.memory_space<vmem>> -> memref<1x40x128xf32, #tpu.memory_space<vmem>>
        %dma_start3A_540 = tpu.memref_squeeze %dma_start3A_539 : memref<1x40x128xf32, #tpu.memory_space<vmem>> -> memref<40x128xf32, #tpu.memory_space<vmem>>
        %dma_start3A_541 = tpu.memref_slice %arg7[%mul3A_534] : memref<10000xi32, #tpu.memory_space<vmem>> -> memref<40xi32, #tpu.memory_space<vmem>>
        %dma_start3A_542 = arith.constant 0 : i32
        %dma_start3A_543 = arith.constant 0 : i32
        %dma_start3A_544 = tpu.memref_slice %arg2[%dma_start3A_542, %dma_start3A_543] : memref<10240x128xf32, #tpu.memory_space<hbm>> -> memref<10240x128xf32, #tpu.memory_space<hbm>>
        %dma_start3A_545 = tpu.memref_slice %arg11[%dma_start3A_536] : memref<5x!tpu.dma_semaphore, #tpu.memory_space<semaphore_mem>> -> memref<1x!tpu.dma_semaphore, #tpu.memory_space<semaphore_mem>>
        %dma_start3A_546 = tpu.memref_squeeze %dma_start3A_545 : memref<1x!tpu.dma_semaphore, #tpu.memory_space<semaphore_mem>> -> memref<!tpu.dma_semaphore, #tpu.memory_space<semaphore_mem>>
        tpu.enqueue_indirect_dma source(%dma_start3A_544 : memref<10240x128xf32, #tpu.memory_space<hbm>>) target(%dma_start3A_540 : memref<40x128xf32, #tpu.memory_space<vmem>>) offsets(%dma_start3A_541 : memref<40xi32, #tpu.memory_space<vmem>>) semaphore(%dma_start3A_546 : memref<!tpu.dma_semaphore, #tpu.memory_space<semaphore_mem>>)
      } else {
      }
      %mul3A_300 = arith.constant 5 : i32
      %mul3A_301 = arith.muli %scan3A_161, %mul3A_300 : i32
      %add3A_302 = arith.constant 2 : i32
      %add3A_303 = arith.addi %mul3A_301, %add3A_302 : i32
      %dma_wait3A_304 = arith.constant 2 : i32
      %dma_wait3A_305 = arith.constant 2 : i32
      %dma_wait3A_306 = arith.constant 0 : i32
      %dma_wait3A_307 = tpu.memref_slice %arg8[%dma_wait3A_304, %dma_wait3A_306] : memref<5x40xi32, #tpu.memory_space<vmem>> -> memref<1x40xi32, #tpu.memory_space<vmem>>
      %dma_wait3A_308 = tpu.memref_squeeze %dma_wait3A_307 : memref<1x40xi32, #tpu.memory_space<vmem>> -> memref<40xi32, #tpu.memory_space<vmem>>
      %dma_wait3A_309 = arith.constant 0 : i32
      %dma_wait3A_310 = tpu.memref_slice %arg4[%add3A, %add3A_303, %dma_wait3A_309] : memref<32x250x40xi32, #tpu.memory_space<hbm>> -> memref<1x1x40xi32, #tpu.memory_space<hbm>>
      %dma_wait3A_311 = tpu.memref_squeeze %dma_wait3A_310 : memref<1x1x40xi32, #tpu.memory_space<hbm>> -> memref<40xi32, #tpu.memory_space<hbm>>
      %dma_wait3A_312 = tpu.memref_slice %arg13[%dma_wait3A_305] : memref<5x!tpu.dma_semaphore, #tpu.memory_space<semaphore_mem>> -> memref<1x!tpu.dma_semaphore, #tpu.memory_space<semaphore_mem>>
      %dma_wait3A_313 = tpu.memref_squeeze %dma_wait3A_312 : memref<1x!tpu.dma_semaphore, #tpu.memory_space<semaphore_mem>> -> memref<!tpu.dma_semaphore, #tpu.memory_space<semaphore_mem>>
      %dma_wait3A_314 = arith.constant 0 : i32
      %dma_wait3A_315 = tpu.memref_slice %arg8[%dma_wait3A_304, %dma_wait3A_314] : memref<5x40xi32, #tpu.memory_space<vmem>> -> memref<1x40xi32, #tpu.memory_space<vmem>>
      %dma_wait3A_316 = tpu.memref_squeeze %dma_wait3A_315 : memref<1x40xi32, #tpu.memory_space<vmem>> -> memref<40xi32, #tpu.memory_space<vmem>>
      %dma_wait3A_317 = arith.constant 0 : i32
      %dma_wait3A_318 = tpu.memref_slice %arg4[%add3A, %add3A_303, %dma_wait3A_317] : memref<32x250x40xi32, #tpu.memory_space<hbm>> -> memref<1x1x40xi32, #tpu.memory_space<hbm>>
      %dma_wait3A_319 = tpu.memref_squeeze %dma_wait3A_318 : memref<1x1x40xi32, #tpu.memory_space<hbm>> -> memref<40xi32, #tpu.memory_space<hbm>>
      tpu.wait_dma2 semaphore(%dma_wait3A_313 : memref<!tpu.dma_semaphore, #tpu.memory_space<semaphore_mem>>) src(%dma_wait3A_319 : memref<40xi32, #tpu.memory_space<hbm>>) dst(%dma_wait3A_316 : memref<40xi32, #tpu.memory_space<vmem>>)
      %mul3A_320 = arith.constant 40 : i32
      %mul3A_321 = arith.muli %add3A_303, %mul3A_320 : i32
      %dma_wait3A_322 = arith.constant 2 : i32
      %dma_wait3A_323 = arith.constant 2 : i32
      %dma_wait3A_324 = arith.constant 0 : i32
      %dma_wait3A_325 = arith.constant 0 : i32
      %dma_wait3A_326 = tpu.memref_slice %arg9[%dma_wait3A_322, %dma_wait3A_324, %dma_wait3A_325] : memref<5x40x128xf32, #tpu.memory_space<vmem>> -> memref<1x40x128xf32, #tpu.memory_space<vmem>>
      %dma_wait3A_327 = tpu.memref_squeeze %dma_wait3A_326 : memref<1x40x128xf32, #tpu.memory_space<vmem>> -> memref<40x128xf32, #tpu.memory_space<vmem>>
      %dma_wait3A_328 = tpu.memref_slice %arg7[%mul3A_321] : memref<10000xi32, #tpu.memory_space<vmem>> -> memref<40xi32, #tpu.memory_space<vmem>>
      %dma_wait3A_329 = arith.constant 0 : i32
      %dma_wait3A_330 = arith.constant 0 : i32
      %dma_wait3A_331 = tpu.memref_slice %arg2[%dma_wait3A_329, %dma_wait3A_330] : memref<10240x128xf32, #tpu.memory_space<hbm>> -> memref<10240x128xf32, #tpu.memory_space<hbm>>
      %dma_wait3A_332 = tpu.memref_slice %arg11[%dma_wait3A_323] : memref<5x!tpu.dma_semaphore, #tpu.memory_space<semaphore_mem>> -> memref<1x!tpu.dma_semaphore, #tpu.memory_space<semaphore_mem>>
      %dma_wait3A_333 = tpu.memref_squeeze %dma_wait3A_332 : memref<1x!tpu.dma_semaphore, #tpu.memory_space<semaphore_mem>> -> memref<!tpu.dma_semaphore, #tpu.memory_space<semaphore_mem>>
      tpu.wait_indirect_dma semaphore(%dma_wait3A_333 : memref<!tpu.dma_semaphore, #tpu.memory_space<semaphore_mem>>) src(%dma_wait3A_331 : memref<10240x128xf32, #tpu.memory_space<hbm>>) dst(%dma_wait3A_327 : memref<40x128xf32, #tpu.memory_space<vmem>>)
      %dma_start3A_334 = arith.constant 2 : i32
      %dma_start3A_335 = arith.constant 2 : i32
      %dma_start3A_336 = arith.constant 2 : i32
      %dma_start3A_337 = arith.constant 0 : i32
      %dma_start3A_338 = arith.constant 0 : i32
      %dma_start3A_339 = tpu.memref_slice %arg9[%dma_start3A_334, %dma_start3A_337, %dma_start3A_338] : memref<5x40x128xf32, #tpu.memory_space<vmem>> -> memref<1x40x128xf32, #tpu.memory_space<vmem>>
      %dma_start3A_340 = tpu.memref_squeeze %dma_start3A_339 : memref<1x40x128xf32, #tpu.memory_space<vmem>> -> memref<40x128xf32, #tpu.memory_space<vmem>>
      %dma_start3A_341 = arith.constant 0 : i32
      %dma_start3A_342 = tpu.memref_slice %arg8[%dma_start3A_335, %dma_start3A_341] : memref<5x40xi32, #tpu.memory_space<vmem>> -> memref<1x40xi32, #tpu.memory_space<vmem>>
      %dma_start3A_343 = tpu.memref_squeeze %dma_start3A_342 : memref<1x40xi32, #tpu.memory_space<vmem>> -> memref<40xi32, #tpu.memory_space<vmem>>
      %dma_start3A_344 = arith.constant 0 : i32
      %dma_start3A_345 = arith.constant 0 : i32
      %dma_start3A_346 = tpu.memref_slice %arg10[%dma_start3A_344, %dma_start3A_345] : memref<10240x128xf32, #tpu.memory_space<vmem_shared>> -> memref<10240x128xf32, #tpu.memory_space<vmem_shared>>
      %dma_start3A_347 = tpu.memref_slice %arg12[%dma_start3A_336] : memref<5x!tpu.dma_semaphore, #tpu.memory_space<semaphore_mem>> -> memref<1x!tpu.dma_semaphore, #tpu.memory_space<semaphore_mem>>
      %dma_start3A_348 = tpu.memref_squeeze %dma_start3A_347 : memref<1x!tpu.dma_semaphore, #tpu.memory_space<semaphore_mem>> -> memref<!tpu.dma_semaphore, #tpu.memory_space<semaphore_mem>>
      tpu.enqueue_indirect_dma source(%dma_start3A_340 : memref<40x128xf32, #tpu.memory_space<vmem>>) target(%dma_start3A_346 : memref<10240x128xf32, #tpu.memory_space<vmem_shared>>) offsets(%dma_start3A_343 : memref<40xi32, #tpu.memory_space<vmem>>) semaphore(%dma_start3A_348 : memref<!tpu.dma_semaphore, #tpu.memory_space<semaphore_mem>>) {add = true}
      %dma_wait3A_349 = arith.constant 2 : i32
      %dma_wait3A_350 = arith.constant 2 : i32
      %dma_wait3A_351 = arith.constant 2 : i32
      %dma_wait3A_352 = arith.constant 0 : i32
      %dma_wait3A_353 = arith.constant 0 : i32
      %dma_wait3A_354 = tpu.memref_slice %arg9[%dma_wait3A_349, %dma_wait3A_352, %dma_wait3A_353] : memref<5x40x128xf32, #tpu.memory_space<vmem>> -> memref<1x40x128xf32, #tpu.memory_space<vmem>>
      %dma_wait3A_355 = tpu.memref_squeeze %dma_wait3A_354 : memref<1x40x128xf32, #tpu.memory_space<vmem>> -> memref<40x128xf32, #tpu.memory_space<vmem>>
      %dma_wait3A_356 = arith.constant 0 : i32
      %dma_wait3A_357 = tpu.memref_slice %arg8[%dma_wait3A_350, %dma_wait3A_356] : memref<5x40xi32, #tpu.memory_space<vmem>> -> memref<1x40xi32, #tpu.memory_space<vmem>>
      %dma_wait3A_358 = tpu.memref_squeeze %dma_wait3A_357 : memref<1x40xi32, #tpu.memory_space<vmem>> -> memref<40xi32, #tpu.memory_space<vmem>>
      %dma_wait3A_359 = arith.constant 0 : i32
      %dma_wait3A_360 = arith.constant 0 : i32
      %dma_wait3A_361 = tpu.memref_slice %arg10[%dma_wait3A_359, %dma_wait3A_360] : memref<10240x128xf32, #tpu.memory_space<vmem_shared>> -> memref<10240x128xf32, #tpu.memory_space<vmem_shared>>
      %dma_wait3A_362 = tpu.memref_slice %arg12[%dma_wait3A_351] : memref<5x!tpu.dma_semaphore, #tpu.memory_space<semaphore_mem>> -> memref<1x!tpu.dma_semaphore, #tpu.memory_space<semaphore_mem>>
      %dma_wait3A_363 = tpu.memref_squeeze %dma_wait3A_362 : memref<1x!tpu.dma_semaphore, #tpu.memory_space<semaphore_mem>> -> memref<!tpu.dma_semaphore, #tpu.memory_space<semaphore_mem>>
      tpu.wait_indirect_dma semaphore(%dma_wait3A_363 : memref<!tpu.dma_semaphore, #tpu.memory_space<semaphore_mem>>) src(%dma_wait3A_355 : memref<40x128xf32, #tpu.memory_space<vmem>>) dst(%dma_wait3A_361 : memref<10240x128xf32, #tpu.memory_space<vmem_shared>>)
      %add3A_364 = arith.constant 5 : i32
      %add3A_365 = arith.addi %add3A_303, %add3A_364 : i32
      %lt3A_366 = arith.constant 250 : i32
      %lt3A_367 = arith.cmpi slt, %add3A_365, %lt3A_366 : i32
      %convert_element_type3A_368 = arith.extui %lt3A_367 : i1 to i32
      %cond3A_369 = arith.constant 0 : i32
      %cond3A_370 = arith.cmpi ne, %convert_element_type3A_368, %cond3A_369 : i32
      scf.if %cond3A_370 {
        %add3A_513 = arith.constant 5 : i32
        %add3A_514 = arith.addi %add3A_303, %add3A_513 : i32
        %dma_start3A_515 = arith.constant 2 : i32
        %dma_start3A_516 = arith.constant 2 : i32
        %dma_start3A_517 = arith.constant 0 : i32
        %dma_start3A_518 = tpu.memref_slice %arg8[%dma_start3A_515, %dma_start3A_517] : memref<5x40xi32, #tpu.memory_space<vmem>> -> memref<1x40xi32, #tpu.memory_space<vmem>>
        %dma_start3A_519 = tpu.memref_squeeze %dma_start3A_518 : memref<1x40xi32, #tpu.memory_space<vmem>> -> memref<40xi32, #tpu.memory_space<vmem>>
        %dma_start3A_520 = arith.constant 0 : i32
        %dma_start3A_521 = tpu.memref_slice %arg4[%add3A, %add3A_514, %dma_start3A_520] : memref<32x250x40xi32, #tpu.memory_space<hbm>> -> memref<1x1x40xi32, #tpu.memory_space<hbm>>
        %dma_start3A_522 = tpu.memref_squeeze %dma_start3A_521 : memref<1x1x40xi32, #tpu.memory_space<hbm>> -> memref<40xi32, #tpu.memory_space<hbm>>
        %dma_start3A_523 = tpu.memref_slice %arg13[%dma_start3A_516] : memref<5x!tpu.dma_semaphore, #tpu.memory_space<semaphore_mem>> -> memref<1x!tpu.dma_semaphore, #tpu.memory_space<semaphore_mem>>
        %dma_start3A_524 = tpu.memref_squeeze %dma_start3A_523 : memref<1x!tpu.dma_semaphore, #tpu.memory_space<semaphore_mem>> -> memref<!tpu.dma_semaphore, #tpu.memory_space<semaphore_mem>>
        %dma_start3A_525 = arith.constant 0 : i32
        %dma_start3A_526 = tpu.memref_slice %arg8[%dma_start3A_515, %dma_start3A_525] : memref<5x40xi32, #tpu.memory_space<vmem>> -> memref<1x40xi32, #tpu.memory_space<vmem>>
        %dma_start3A_527 = tpu.memref_squeeze %dma_start3A_526 : memref<1x40xi32, #tpu.memory_space<vmem>> -> memref<40xi32, #tpu.memory_space<vmem>>
        %dma_start3A_528 = arith.constant 0 : i32
        %dma_start3A_529 = tpu.memref_slice %arg4[%add3A, %add3A_514, %dma_start3A_528] : memref<32x250x40xi32, #tpu.memory_space<hbm>> -> memref<1x1x40xi32, #tpu.memory_space<hbm>>
        %dma_start3A_530 = tpu.memref_squeeze %dma_start3A_529 : memref<1x1x40xi32, #tpu.memory_space<hbm>> -> memref<40xi32, #tpu.memory_space<hbm>>
        tpu.enqueue_dma source(%dma_start3A_530 : memref<40xi32, #tpu.memory_space<hbm>>) target(%dma_start3A_527 : memref<40xi32, #tpu.memory_space<vmem>>) target_semaphore(%dma_start3A_524 : memref<!tpu.dma_semaphore, #tpu.memory_space<semaphore_mem>>)
        %add3A_531 = arith.constant 5 : i32
        %add3A_532 = arith.addi %add3A_303, %add3A_531 : i32
        %mul3A_533 = arith.constant 40 : i32
        %mul3A_534 = arith.muli %add3A_532, %mul3A_533 : i32
        %dma_start3A_535 = arith.constant 2 : i32
        %dma_start3A_536 = arith.constant 2 : i32
        %dma_start3A_537 = arith.constant 0 : i32
        %dma_start3A_538 = arith.constant 0 : i32
        %dma_start3A_539 = tpu.memref_slice %arg9[%dma_start3A_535, %dma_start3A_537, %dma_start3A_538] : memref<5x40x128xf32, #tpu.memory_space<vmem>> -> memref<1x40x128xf32, #tpu.memory_space<vmem>>
        %dma_start3A_540 = tpu.memref_squeeze %dma_start3A_539 : memref<1x40x128xf32, #tpu.memory_space<vmem>> -> memref<40x128xf32, #tpu.memory_space<vmem>>
        %dma_start3A_541 = tpu.memref_slice %arg7[%mul3A_534] : memref<10000xi32, #tpu.memory_space<vmem>> -> memref<40xi32, #tpu.memory_space<vmem>>
        %dma_start3A_542 = arith.constant 0 : i32
        %dma_start3A_543 = arith.constant 0 : i32
        %dma_start3A_544 = tpu.memref_slice %arg2[%dma_start3A_542, %dma_start3A_543] : memref<10240x128xf32, #tpu.memory_space<hbm>> -> memref<10240x128xf32, #tpu.memory_space<hbm>>
        %dma_start3A_545 = tpu.memref_slice %arg11[%dma_start3A_536] : memref<5x!tpu.dma_semaphore, #tpu.memory_space<semaphore_mem>> -> memref<1x!tpu.dma_semaphore, #tpu.memory_space<semaphore_mem>>
        %dma_start3A_546 = tpu.memref_squeeze %dma_start3A_545 : memref<1x!tpu.dma_semaphore, #tpu.memory_space<semaphore_mem>> -> memref<!tpu.dma_semaphore, #tpu.memory_space<semaphore_mem>>
        tpu.enqueue_indirect_dma source(%dma_start3A_544 : memref<10240x128xf32, #tpu.memory_space<hbm>>) target(%dma_start3A_540 : memref<40x128xf32, #tpu.memory_space<vmem>>) offsets(%dma_start3A_541 : memref<40xi32, #tpu.memory_space<vmem>>) semaphore(%dma_start3A_546 : memref<!tpu.dma_semaphore, #tpu.memory_space<semaphore_mem>>)
      } else {
      }
      %mul3A_371 = arith.constant 5 : i32
      %mul3A_372 = arith.muli %scan3A_161, %mul3A_371 : i32
      %add3A_373 = arith.constant 3 : i32
      %add3A_374 = arith.addi %mul3A_372, %add3A_373 : i32
      %dma_wait3A_375 = arith.constant 3 : i32
      %dma_wait3A_376 = arith.constant 3 : i32
      %dma_wait3A_377 = arith.constant 0 : i32
      %dma_wait3A_378 = tpu.memref_slice %arg8[%dma_wait3A_375, %dma_wait3A_377] : memref<5x40xi32, #tpu.memory_space<vmem>> -> memref<1x40xi32, #tpu.memory_space<vmem>>
      %dma_wait3A_379 = tpu.memref_squeeze %dma_wait3A_378 : memref<1x40xi32, #tpu.memory_space<vmem>> -> memref<40xi32, #tpu.memory_space<vmem>>
      %dma_wait3A_380 = arith.constant 0 : i32
      %dma_wait3A_381 = tpu.memref_slice %arg4[%add3A, %add3A_374, %dma_wait3A_380] : memref<32x250x40xi32, #tpu.memory_space<hbm>> -> memref<1x1x40xi32, #tpu.memory_space<hbm>>
      %dma_wait3A_382 = tpu.memref_squeeze %dma_wait3A_381 : memref<1x1x40xi32, #tpu.memory_space<hbm>> -> memref<40xi32, #tpu.memory_space<hbm>>
      %dma_wait3A_383 = tpu.memref_slice %arg13[%dma_wait3A_376] : memref<5x!tpu.dma_semaphore, #tpu.memory_space<semaphore_mem>> -> memref<1x!tpu.dma_semaphore, #tpu.memory_space<semaphore_mem>>
      %dma_wait3A_384 = tpu.memref_squeeze %dma_wait3A_383 : memref<1x!tpu.dma_semaphore, #tpu.memory_space<semaphore_mem>> -> memref<!tpu.dma_semaphore, #tpu.memory_space<semaphore_mem>>
      %dma_wait3A_385 = arith.constant 0 : i32
      %dma_wait3A_386 = tpu.memref_slice %arg8[%dma_wait3A_375, %dma_wait3A_385] : memref<5x40xi32, #tpu.memory_space<vmem>> -> memref<1x40xi32, #tpu.memory_space<vmem>>
      %dma_wait3A_387 = tpu.memref_squeeze %dma_wait3A_386 : memref<1x40xi32, #tpu.memory_space<vmem>> -> memref<40xi32, #tpu.memory_space<vmem>>
      %dma_wait3A_388 = arith.constant 0 : i32
      %dma_wait3A_389 = tpu.memref_slice %arg4[%add3A, %add3A_374, %dma_wait3A_388] : memref<32x250x40xi32, #tpu.memory_space<hbm>> -> memref<1x1x40xi32, #tpu.memory_space<hbm>>
      %dma_wait3A_390 = tpu.memref_squeeze %dma_wait3A_389 : memref<1x1x40xi32, #tpu.memory_space<hbm>> -> memref<40xi32, #tpu.memory_space<hbm>>
      tpu.wait_dma2 semaphore(%dma_wait3A_384 : memref<!tpu.dma_semaphore, #tpu.memory_space<semaphore_mem>>) src(%dma_wait3A_390 : memref<40xi32, #tpu.memory_space<hbm>>) dst(%dma_wait3A_387 : memref<40xi32, #tpu.memory_space<vmem>>)
      %mul3A_391 = arith.constant 40 : i32
      %mul3A_392 = arith.muli %add3A_374, %mul3A_391 : i32
      %dma_wait3A_393 = arith.constant 3 : i32
      %dma_wait3A_394 = arith.constant 3 : i32
      %dma_wait3A_395 = arith.constant 0 : i32
      %dma_wait3A_396 = arith.constant 0 : i32
      %dma_wait3A_397 = tpu.memref_slice %arg9[%dma_wait3A_393, %dma_wait3A_395, %dma_wait3A_396] : memref<5x40x128xf32, #tpu.memory_space<vmem>> -> memref<1x40x128xf32, #tpu.memory_space<vmem>>
      %dma_wait3A_398 = tpu.memref_squeeze %dma_wait3A_397 : memref<1x40x128xf32, #tpu.memory_space<vmem>> -> memref<40x128xf32, #tpu.memory_space<vmem>>
      %dma_wait3A_399 = tpu.memref_slice %arg7[%mul3A_392] : memref<10000xi32, #tpu.memory_space<vmem>> -> memref<40xi32, #tpu.memory_space<vmem>>
      %dma_wait3A_400 = arith.constant 0 : i32
      %dma_wait3A_401 = arith.constant 0 : i32
      %dma_wait3A_402 = tpu.memref_slice %arg2[%dma_wait3A_400, %dma_wait3A_401] : memref<10240x128xf32, #tpu.memory_space<hbm>> -> memref<10240x128xf32, #tpu.memory_space<hbm>>
      %dma_wait3A_403 = tpu.memref_slice %arg11[%dma_wait3A_394] : memref<5x!tpu.dma_semaphore, #tpu.memory_space<semaphore_mem>> -> memref<1x!tpu.dma_semaphore, #tpu.memory_space<semaphore_mem>>
      %dma_wait3A_404 = tpu.memref_squeeze %dma_wait3A_403 : memref<1x!tpu.dma_semaphore, #tpu.memory_space<semaphore_mem>> -> memref<!tpu.dma_semaphore, #tpu.memory_space<semaphore_mem>>
      tpu.wait_indirect_dma semaphore(%dma_wait3A_404 : memref<!tpu.dma_semaphore, #tpu.memory_space<semaphore_mem>>) src(%dma_wait3A_402 : memref<10240x128xf32, #tpu.memory_space<hbm>>) dst(%dma_wait3A_398 : memref<40x128xf32, #tpu.memory_space<vmem>>)
      %dma_start3A_405 = arith.constant 3 : i32
      %dma_start3A_406 = arith.constant 3 : i32
      %dma_start3A_407 = arith.constant 3 : i32
      %dma_start3A_408 = arith.constant 0 : i32
      %dma_start3A_409 = arith.constant 0 : i32
      %dma_start3A_410 = tpu.memref_slice %arg9[%dma_start3A_405, %dma_start3A_408, %dma_start3A_409] : memref<5x40x128xf32, #tpu.memory_space<vmem>> -> memref<1x40x128xf32, #tpu.memory_space<vmem>>
      %dma_start3A_411 = tpu.memref_squeeze %dma_start3A_410 : memref<1x40x128xf32, #tpu.memory_space<vmem>> -> memref<40x128xf32, #tpu.memory_space<vmem>>
      %dma_start3A_412 = arith.constant 0 : i32
      %dma_start3A_413 = tpu.memref_slice %arg8[%dma_start3A_406, %dma_start3A_412] : memref<5x40xi32, #tpu.memory_space<vmem>> -> memref<1x40xi32, #tpu.memory_space<vmem>>
      %dma_start3A_414 = tpu.memref_squeeze %dma_start3A_413 : memref<1x40xi32, #tpu.memory_space<vmem>> -> memref<40xi32, #tpu.memory_space<vmem>>
      %dma_start3A_415 = arith.constant 0 : i32
      %dma_start3A_416 = arith.constant 0 : i32
      %dma_start3A_417 = tpu.memref_slice %arg10[%dma_start3A_415, %dma_start3A_416] : memref<10240x128xf32, #tpu.memory_space<vmem_shared>> -> memref<10240x128xf32, #tpu.memory_space<vmem_shared>>
      %dma_start3A_418 = tpu.memref_slice %arg12[%dma_start3A_407] : memref<5x!tpu.dma_semaphore, #tpu.memory_space<semaphore_mem>> -> memref<1x!tpu.dma_semaphore, #tpu.memory_space<semaphore_mem>>
      %dma_start3A_419 = tpu.memref_squeeze %dma_start3A_418 : memref<1x!tpu.dma_semaphore, #tpu.memory_space<semaphore_mem>> -> memref<!tpu.dma_semaphore, #tpu.memory_space<semaphore_mem>>
      tpu.enqueue_indirect_dma source(%dma_start3A_411 : memref<40x128xf32, #tpu.memory_space<vmem>>) target(%dma_start3A_417 : memref<10240x128xf32, #tpu.memory_space<vmem_shared>>) offsets(%dma_start3A_414 : memref<40xi32, #tpu.memory_space<vmem>>) semaphore(%dma_start3A_419 : memref<!tpu.dma_semaphore, #tpu.memory_space<semaphore_mem>>) {add = true}
      %dma_wait3A_420 = arith.constant 3 : i32
      %dma_wait3A_421 = arith.constant 3 : i32
      %dma_wait3A_422 = arith.constant 3 : i32
      %dma_wait3A_423 = arith.constant 0 : i32
      %dma_wait3A_424 = arith.constant 0 : i32
      %dma_wait3A_425 = tpu.memref_slice %arg9[%dma_wait3A_420, %dma_wait3A_423, %dma_wait3A_424] : memref<5x40x128xf32, #tpu.memory_space<vmem>> -> memref<1x40x128xf32, #tpu.memory_space<vmem>>
      %dma_wait3A_426 = tpu.memref_squeeze %dma_wait3A_425 : memref<1x40x128xf32, #tpu.memory_space<vmem>> -> memref<40x128xf32, #tpu.memory_space<vmem>>
      %dma_wait3A_427 = arith.constant 0 : i32
      %dma_wait3A_428 = tpu.memref_slice %arg8[%dma_wait3A_421, %dma_wait3A_427] : memref<5x40xi32, #tpu.memory_space<vmem>> -> memref<1x40xi32, #tpu.memory_space<vmem>>
      %dma_wait3A_429 = tpu.memref_squeeze %dma_wait3A_428 : memref<1x40xi32, #tpu.memory_space<vmem>> -> memref<40xi32, #tpu.memory_space<vmem>>
      %dma_wait3A_430 = arith.constant 0 : i32
      %dma_wait3A_431 = arith.constant 0 : i32
      %dma_wait3A_432 = tpu.memref_slice %arg10[%dma_wait3A_430, %dma_wait3A_431] : memref<10240x128xf32, #tpu.memory_space<vmem_shared>> -> memref<10240x128xf32, #tpu.memory_space<vmem_shared>>
      %dma_wait3A_433 = tpu.memref_slice %arg12[%dma_wait3A_422] : memref<5x!tpu.dma_semaphore, #tpu.memory_space<semaphore_mem>> -> memref<1x!tpu.dma_semaphore, #tpu.memory_space<semaphore_mem>>
      %dma_wait3A_434 = tpu.memref_squeeze %dma_wait3A_433 : memref<1x!tpu.dma_semaphore, #tpu.memory_space<semaphore_mem>> -> memref<!tpu.dma_semaphore, #tpu.memory_space<semaphore_mem>>
      tpu.wait_indirect_dma semaphore(%dma_wait3A_434 : memref<!tpu.dma_semaphore, #tpu.memory_space<semaphore_mem>>) src(%dma_wait3A_426 : memref<40x128xf32, #tpu.memory_space<vmem>>) dst(%dma_wait3A_432 : memref<10240x128xf32, #tpu.memory_space<vmem_shared>>)
      %add3A_435 = arith.constant 5 : i32
      %add3A_436 = arith.addi %add3A_374, %add3A_435 : i32
      %lt3A_437 = arith.constant 250 : i32
      %lt3A_438 = arith.cmpi slt, %add3A_436, %lt3A_437 : i32
      %convert_element_type3A_439 = arith.extui %lt3A_438 : i1 to i32
      %cond3A_440 = arith.constant 0 : i32
      %cond3A_441 = arith.cmpi ne, %convert_element_type3A_439, %cond3A_440 : i32
      scf.if %cond3A_441 {
        %add3A_513 = arith.constant 5 : i32
        %add3A_514 = arith.addi %add3A_374, %add3A_513 : i32
        %dma_start3A_515 = arith.constant 3 : i32
        %dma_start3A_516 = arith.constant 3 : i32
        %dma_start3A_517 = arith.constant 0 : i32
        %dma_start3A_518 = tpu.memref_slice %arg8[%dma_start3A_515, %dma_start3A_517] : memref<5x40xi32, #tpu.memory_space<vmem>> -> memref<1x40xi32, #tpu.memory_space<vmem>>
        %dma_start3A_519 = tpu.memref_squeeze %dma_start3A_518 : memref<1x40xi32, #tpu.memory_space<vmem>> -> memref<40xi32, #tpu.memory_space<vmem>>
        %dma_start3A_520 = arith.constant 0 : i32
        %dma_start3A_521 = tpu.memref_slice %arg4[%add3A, %add3A_514, %dma_start3A_520] : memref<32x250x40xi32, #tpu.memory_space<hbm>> -> memref<1x1x40xi32, #tpu.memory_space<hbm>>
        %dma_start3A_522 = tpu.memref_squeeze %dma_start3A_521 : memref<1x1x40xi32, #tpu.memory_space<hbm>> -> memref<40xi32, #tpu.memory_space<hbm>>
        %dma_start3A_523 = tpu.memref_slice %arg13[%dma_start3A_516] : memref<5x!tpu.dma_semaphore, #tpu.memory_space<semaphore_mem>> -> memref<1x!tpu.dma_semaphore, #tpu.memory_space<semaphore_mem>>
        %dma_start3A_524 = tpu.memref_squeeze %dma_start3A_523 : memref<1x!tpu.dma_semaphore, #tpu.memory_space<semaphore_mem>> -> memref<!tpu.dma_semaphore, #tpu.memory_space<semaphore_mem>>
        %dma_start3A_525 = arith.constant 0 : i32
        %dma_start3A_526 = tpu.memref_slice %arg8[%dma_start3A_515, %dma_start3A_525] : memref<5x40xi32, #tpu.memory_space<vmem>> -> memref<1x40xi32, #tpu.memory_space<vmem>>
        %dma_start3A_527 = tpu.memref_squeeze %dma_start3A_526 : memref<1x40xi32, #tpu.memory_space<vmem>> -> memref<40xi32, #tpu.memory_space<vmem>>
        %dma_start3A_528 = arith.constant 0 : i32
        %dma_start3A_529 = tpu.memref_slice %arg4[%add3A, %add3A_514, %dma_start3A_528] : memref<32x250x40xi32, #tpu.memory_space<hbm>> -> memref<1x1x40xi32, #tpu.memory_space<hbm>>
        %dma_start3A_530 = tpu.memref_squeeze %dma_start3A_529 : memref<1x1x40xi32, #tpu.memory_space<hbm>> -> memref<40xi32, #tpu.memory_space<hbm>>
        tpu.enqueue_dma source(%dma_start3A_530 : memref<40xi32, #tpu.memory_space<hbm>>) target(%dma_start3A_527 : memref<40xi32, #tpu.memory_space<vmem>>) target_semaphore(%dma_start3A_524 : memref<!tpu.dma_semaphore, #tpu.memory_space<semaphore_mem>>)
        %add3A_531 = arith.constant 5 : i32
        %add3A_532 = arith.addi %add3A_374, %add3A_531 : i32
        %mul3A_533 = arith.constant 40 : i32
        %mul3A_534 = arith.muli %add3A_532, %mul3A_533 : i32
        %dma_start3A_535 = arith.constant 3 : i32
        %dma_start3A_536 = arith.constant 3 : i32
        %dma_start3A_537 = arith.constant 0 : i32
        %dma_start3A_538 = arith.constant 0 : i32
        %dma_start3A_539 = tpu.memref_slice %arg9[%dma_start3A_535, %dma_start3A_537, %dma_start3A_538] : memref<5x40x128xf32, #tpu.memory_space<vmem>> -> memref<1x40x128xf32, #tpu.memory_space<vmem>>
        %dma_start3A_540 = tpu.memref_squeeze %dma_start3A_539 : memref<1x40x128xf32, #tpu.memory_space<vmem>> -> memref<40x128xf32, #tpu.memory_space<vmem>>
        %dma_start3A_541 = tpu.memref_slice %arg7[%mul3A_534] : memref<10000xi32, #tpu.memory_space<vmem>> -> memref<40xi32, #tpu.memory_space<vmem>>
        %dma_start3A_542 = arith.constant 0 : i32
        %dma_start3A_543 = arith.constant 0 : i32
        %dma_start3A_544 = tpu.memref_slice %arg2[%dma_start3A_542, %dma_start3A_543] : memref<10240x128xf32, #tpu.memory_space<hbm>> -> memref<10240x128xf32, #tpu.memory_space<hbm>>
        %dma_start3A_545 = tpu.memref_slice %arg11[%dma_start3A_536] : memref<5x!tpu.dma_semaphore, #tpu.memory_space<semaphore_mem>> -> memref<1x!tpu.dma_semaphore, #tpu.memory_space<semaphore_mem>>
        %dma_start3A_546 = tpu.memref_squeeze %dma_start3A_545 : memref<1x!tpu.dma_semaphore, #tpu.memory_space<semaphore_mem>> -> memref<!tpu.dma_semaphore, #tpu.memory_space<semaphore_mem>>
        tpu.enqueue_indirect_dma source(%dma_start3A_544 : memref<10240x128xf32, #tpu.memory_space<hbm>>) target(%dma_start3A_540 : memref<40x128xf32, #tpu.memory_space<vmem>>) offsets(%dma_start3A_541 : memref<40xi32, #tpu.memory_space<vmem>>) semaphore(%dma_start3A_546 : memref<!tpu.dma_semaphore, #tpu.memory_space<semaphore_mem>>)
      } else {
      }
      %mul3A_442 = arith.constant 5 : i32
      %mul3A_443 = arith.muli %scan3A_161, %mul3A_442 : i32
      %add3A_444 = arith.constant 4 : i32
      %add3A_445 = arith.addi %mul3A_443, %add3A_444 : i32
      %dma_wait3A_446 = arith.constant 4 : i32
      %dma_wait3A_447 = arith.constant 4 : i32
      %dma_wait3A_448 = arith.constant 0 : i32
      %dma_wait3A_449 = tpu.memref_slice %arg8[%dma_wait3A_446, %dma_wait3A_448] : memref<5x40xi32, #tpu.memory_space<vmem>> -> memref<1x40xi32, #tpu.memory_space<vmem>>
      %dma_wait3A_450 = tpu.memref_squeeze %dma_wait3A_449 : memref<1x40xi32, #tpu.memory_space<vmem>> -> memref<40xi32, #tpu.memory_space<vmem>>
      %dma_wait3A_451 = arith.constant 0 : i32
      %dma_wait3A_452 = tpu.memref_slice %arg4[%add3A, %add3A_445, %dma_wait3A_451] : memref<32x250x40xi32, #tpu.memory_space<hbm>> -> memref<1x1x40xi32, #tpu.memory_space<hbm>>
      %dma_wait3A_453 = tpu.memref_squeeze %dma_wait3A_452 : memref<1x1x40xi32, #tpu.memory_space<hbm>> -> memref<40xi32, #tpu.memory_space<hbm>>
      %dma_wait3A_454 = tpu.memref_slice %arg13[%dma_wait3A_447] : memref<5x!tpu.dma_semaphore, #tpu.memory_space<semaphore_mem>> -> memref<1x!tpu.dma_semaphore, #tpu.memory_space<semaphore_mem>>
      %dma_wait3A_455 = tpu.memref_squeeze %dma_wait3A_454 : memref<1x!tpu.dma_semaphore, #tpu.memory_space<semaphore_mem>> -> memref<!tpu.dma_semaphore, #tpu.memory_space<semaphore_mem>>
      %dma_wait3A_456 = arith.constant 0 : i32
      %dma_wait3A_457 = tpu.memref_slice %arg8[%dma_wait3A_446, %dma_wait3A_456] : memref<5x40xi32, #tpu.memory_space<vmem>> -> memref<1x40xi32, #tpu.memory_space<vmem>>
      %dma_wait3A_458 = tpu.memref_squeeze %dma_wait3A_457 : memref<1x40xi32, #tpu.memory_space<vmem>> -> memref<40xi32, #tpu.memory_space<vmem>>
      %dma_wait3A_459 = arith.constant 0 : i32
      %dma_wait3A_460 = tpu.memref_slice %arg4[%add3A, %add3A_445, %dma_wait3A_459] : memref<32x250x40xi32, #tpu.memory_space<hbm>> -> memref<1x1x40xi32, #tpu.memory_space<hbm>>
      %dma_wait3A_461 = tpu.memref_squeeze %dma_wait3A_460 : memref<1x1x40xi32, #tpu.memory_space<hbm>> -> memref<40xi32, #tpu.memory_space<hbm>>
      tpu.wait_dma2 semaphore(%dma_wait3A_455 : memref<!tpu.dma_semaphore, #tpu.memory_space<semaphore_mem>>) src(%dma_wait3A_461 : memref<40xi32, #tpu.memory_space<hbm>>) dst(%dma_wait3A_458 : memref<40xi32, #tpu.memory_space<vmem>>)
      %mul3A_462 = arith.constant 40 : i32
      %mul3A_463 = arith.muli %add3A_445, %mul3A_462 : i32
      %dma_wait3A_464 = arith.constant 4 : i32
      %dma_wait3A_465 = arith.constant 4 : i32
      %dma_wait3A_466 = arith.constant 0 : i32
      %dma_wait3A_467 = arith.constant 0 : i32
      %dma_wait3A_468 = tpu.memref_slice %arg9[%dma_wait3A_464, %dma_wait3A_466, %dma_wait3A_467] : memref<5x40x128xf32, #tpu.memory_space<vmem>> -> memref<1x40x128xf32, #tpu.memory_space<vmem>>
      %dma_wait3A_469 = tpu.memref_squeeze %dma_wait3A_468 : memref<1x40x128xf32, #tpu.memory_space<vmem>> -> memref<40x128xf32, #tpu.memory_space<vmem>>
      %dma_wait3A_470 = tpu.memref_slice %arg7[%mul3A_463] : memref<10000xi32, #tpu.memory_space<vmem>> -> memref<40xi32, #tpu.memory_space<vmem>>
      %dma_wait3A_471 = arith.constant 0 : i32
      %dma_wait3A_472 = arith.constant 0 : i32
      %dma_wait3A_473 = tpu.memref_slice %arg2[%dma_wait3A_471, %dma_wait3A_472] : memref<10240x128xf32, #tpu.memory_space<hbm>> -> memref<10240x128xf32, #tpu.memory_space<hbm>>
      %dma_wait3A_474 = tpu.memref_slice %arg11[%dma_wait3A_465] : memref<5x!tpu.dma_semaphore, #tpu.memory_space<semaphore_mem>> -> memref<1x!tpu.dma_semaphore, #tpu.memory_space<semaphore_mem>>
      %dma_wait3A_475 = tpu.memref_squeeze %dma_wait3A_474 : memref<1x!tpu.dma_semaphore, #tpu.memory_space<semaphore_mem>> -> memref<!tpu.dma_semaphore, #tpu.memory_space<semaphore_mem>>
      tpu.wait_indirect_dma semaphore(%dma_wait3A_475 : memref<!tpu.dma_semaphore, #tpu.memory_space<semaphore_mem>>) src(%dma_wait3A_473 : memref<10240x128xf32, #tpu.memory_space<hbm>>) dst(%dma_wait3A_469 : memref<40x128xf32, #tpu.memory_space<vmem>>)
      %dma_start3A_476 = arith.constant 4 : i32
      %dma_start3A_477 = arith.constant 4 : i32
      %dma_start3A_478 = arith.constant 4 : i32
      %dma_start3A_479 = arith.constant 0 : i32
      %dma_start3A_480 = arith.constant 0 : i32
      %dma_start3A_481 = tpu.memref_slice %arg9[%dma_start3A_476, %dma_start3A_479, %dma_start3A_480] : memref<5x40x128xf32, #tpu.memory_space<vmem>> -> memref<1x40x128xf32, #tpu.memory_space<vmem>>
      %dma_start3A_482 = tpu.memref_squeeze %dma_start3A_481 : memref<1x40x128xf32, #tpu.memory_space<vmem>> -> memref<40x128xf32, #tpu.memory_space<vmem>>
      %dma_start3A_483 = arith.constant 0 : i32
      %dma_start3A_484 = tpu.memref_slice %arg8[%dma_start3A_477, %dma_start3A_483] : memref<5x40xi32, #tpu.memory_space<vmem>> -> memref<1x40xi32, #tpu.memory_space<vmem>>
      %dma_start3A_485 = tpu.memref_squeeze %dma_start3A_484 : memref<1x40xi32, #tpu.memory_space<vmem>> -> memref<40xi32, #tpu.memory_space<vmem>>
      %dma_start3A_486 = arith.constant 0 : i32
      %dma_start3A_487 = arith.constant 0 : i32
      %dma_start3A_488 = tpu.memref_slice %arg10[%dma_start3A_486, %dma_start3A_487] : memref<10240x128xf32, #tpu.memory_space<vmem_shared>> -> memref<10240x128xf32, #tpu.memory_space<vmem_shared>>
      %dma_start3A_489 = tpu.memref_slice %arg12[%dma_start3A_478] : memref<5x!tpu.dma_semaphore, #tpu.memory_space<semaphore_mem>> -> memref<1x!tpu.dma_semaphore, #tpu.memory_space<semaphore_mem>>
      %dma_start3A_490 = tpu.memref_squeeze %dma_start3A_489 : memref<1x!tpu.dma_semaphore, #tpu.memory_space<semaphore_mem>> -> memref<!tpu.dma_semaphore, #tpu.memory_space<semaphore_mem>>
      tpu.enqueue_indirect_dma source(%dma_start3A_482 : memref<40x128xf32, #tpu.memory_space<vmem>>) target(%dma_start3A_488 : memref<10240x128xf32, #tpu.memory_space<vmem_shared>>) offsets(%dma_start3A_485 : memref<40xi32, #tpu.memory_space<vmem>>) semaphore(%dma_start3A_490 : memref<!tpu.dma_semaphore, #tpu.memory_space<semaphore_mem>>) {add = true}
      %dma_wait3A_491 = arith.constant 4 : i32
      %dma_wait3A_492 = arith.constant 4 : i32
      %dma_wait3A_493 = arith.constant 4 : i32
      %dma_wait3A_494 = arith.constant 0 : i32
      %dma_wait3A_495 = arith.constant 0 : i32
      %dma_wait3A_496 = tpu.memref_slice %arg9[%dma_wait3A_491, %dma_wait3A_494, %dma_wait3A_495] : memref<5x40x128xf32, #tpu.memory_space<vmem>> -> memref<1x40x128xf32, #tpu.memory_space<vmem>>
      %dma_wait3A_497 = tpu.memref_squeeze %dma_wait3A_496 : memref<1x40x128xf32, #tpu.memory_space<vmem>> -> memref<40x128xf32, #tpu.memory_space<vmem>>
      %dma_wait3A_498 = arith.constant 0 : i32
      %dma_wait3A_499 = tpu.memref_slice %arg8[%dma_wait3A_492, %dma_wait3A_498] : memref<5x40xi32, #tpu.memory_space<vmem>> -> memref<1x40xi32, #tpu.memory_space<vmem>>
      %dma_wait3A_500 = tpu.memref_squeeze %dma_wait3A_499 : memref<1x40xi32, #tpu.memory_space<vmem>> -> memref<40xi32, #tpu.memory_space<vmem>>
      %dma_wait3A_501 = arith.constant 0 : i32
      %dma_wait3A_502 = arith.constant 0 : i32
      %dma_wait3A_503 = tpu.memref_slice %arg10[%dma_wait3A_501, %dma_wait3A_502] : memref<10240x128xf32, #tpu.memory_space<vmem_shared>> -> memref<10240x128xf32, #tpu.memory_space<vmem_shared>>
      %dma_wait3A_504 = tpu.memref_slice %arg12[%dma_wait3A_493] : memref<5x!tpu.dma_semaphore, #tpu.memory_space<semaphore_mem>> -> memref<1x!tpu.dma_semaphore, #tpu.memory_space<semaphore_mem>>
      %dma_wait3A_505 = tpu.memref_squeeze %dma_wait3A_504 : memref<1x!tpu.dma_semaphore, #tpu.memory_space<semaphore_mem>> -> memref<!tpu.dma_semaphore, #tpu.memory_space<semaphore_mem>>
      tpu.wait_indirect_dma semaphore(%dma_wait3A_505 : memref<!tpu.dma_semaphore, #tpu.memory_space<semaphore_mem>>) src(%dma_wait3A_497 : memref<40x128xf32, #tpu.memory_space<vmem>>) dst(%dma_wait3A_503 : memref<10240x128xf32, #tpu.memory_space<vmem_shared>>)
      %add3A_506 = arith.constant 5 : i32
      %add3A_507 = arith.addi %add3A_445, %add3A_506 : i32
      %lt3A_508 = arith.constant 250 : i32
      %lt3A_509 = arith.cmpi slt, %add3A_507, %lt3A_508 : i32
      %convert_element_type3A_510 = arith.extui %lt3A_509 : i1 to i32
      %cond3A_511 = arith.constant 0 : i32
      %cond3A_512 = arith.cmpi ne, %convert_element_type3A_510, %cond3A_511 : i32
      scf.if %cond3A_512 {
        %add3A_513 = arith.constant 5 : i32
        %add3A_514 = arith.addi %add3A_445, %add3A_513 : i32
        %dma_start3A_515 = arith.constant 4 : i32
        %dma_start3A_516 = arith.constant 4 : i32
        %dma_start3A_517 = arith.constant 0 : i32
        %dma_start3A_518 = tpu.memref_slice %arg8[%dma_start3A_515, %dma_start3A_517] : memref<5x40xi32, #tpu.memory_space<vmem>> -> memref<1x40xi32, #tpu.memory_space<vmem>>
        %dma_start3A_519 = tpu.memref_squeeze %dma_start3A_518 : memref<1x40xi32, #tpu.memory_space<vmem>> -> memref<40xi32, #tpu.memory_space<vmem>>
        %dma_start3A_520 = arith.constant 0 : i32
        %dma_start3A_521 = tpu.memref_slice %arg4[%add3A, %add3A_514, %dma_start3A_520] : memref<32x250x40xi32, #tpu.memory_space<hbm>> -> memref<1x1x40xi32, #tpu.memory_space<hbm>>
        %dma_start3A_522 = tpu.memref_squeeze %dma_start3A_521 : memref<1x1x40xi32, #tpu.memory_space<hbm>> -> memref<40xi32, #tpu.memory_space<hbm>>
        %dma_start3A_523 = tpu.memref_slice %arg13[%dma_start3A_516] : memref<5x!tpu.dma_semaphore, #tpu.memory_space<semaphore_mem>> -> memref<1x!tpu.dma_semaphore, #tpu.memory_space<semaphore_mem>>
        %dma_start3A_524 = tpu.memref_squeeze %dma_start3A_523 : memref<1x!tpu.dma_semaphore, #tpu.memory_space<semaphore_mem>> -> memref<!tpu.dma_semaphore, #tpu.memory_space<semaphore_mem>>
        %dma_start3A_525 = arith.constant 0 : i32
        %dma_start3A_526 = tpu.memref_slice %arg8[%dma_start3A_515, %dma_start3A_525] : memref<5x40xi32, #tpu.memory_space<vmem>> -> memref<1x40xi32, #tpu.memory_space<vmem>>
        %dma_start3A_527 = tpu.memref_squeeze %dma_start3A_526 : memref<1x40xi32, #tpu.memory_space<vmem>> -> memref<40xi32, #tpu.memory_space<vmem>>
        %dma_start3A_528 = arith.constant 0 : i32
        %dma_start3A_529 = tpu.memref_slice %arg4[%add3A, %add3A_514, %dma_start3A_528] : memref<32x250x40xi32, #tpu.memory_space<hbm>> -> memref<1x1x40xi32, #tpu.memory_space<hbm>>
        %dma_start3A_530 = tpu.memref_squeeze %dma_start3A_529 : memref<1x1x40xi32, #tpu.memory_space<hbm>> -> memref<40xi32, #tpu.memory_space<hbm>>
        tpu.enqueue_dma source(%dma_start3A_530 : memref<40xi32, #tpu.memory_space<hbm>>) target(%dma_start3A_527 : memref<40xi32, #tpu.memory_space<vmem>>) target_semaphore(%dma_start3A_524 : memref<!tpu.dma_semaphore, #tpu.memory_space<semaphore_mem>>)
        %add3A_531 = arith.constant 5 : i32
        %add3A_532 = arith.addi %add3A_445, %add3A_531 : i32
        %mul3A_533 = arith.constant 40 : i32
        %mul3A_534 = arith.muli %add3A_532, %mul3A_533 : i32
        %dma_start3A_535 = arith.constant 4 : i32
        %dma_start3A_536 = arith.constant 4 : i32
        %dma_start3A_537 = arith.constant 0 : i32
        %dma_start3A_538 = arith.constant 0 : i32
        %dma_start3A_539 = tpu.memref_slice %arg9[%dma_start3A_535, %dma_start3A_537, %dma_start3A_538] : memref<5x40x128xf32, #tpu.memory_space<vmem>> -> memref<1x40x128xf32, #tpu.memory_space<vmem>>
        %dma_start3A_540 = tpu.memref_squeeze %dma_start3A_539 : memref<1x40x128xf32, #tpu.memory_space<vmem>> -> memref<40x128xf32, #tpu.memory_space<vmem>>
        %dma_start3A_541 = tpu.memref_slice %arg7[%mul3A_534] : memref<10000xi32, #tpu.memory_space<vmem>> -> memref<40xi32, #tpu.memory_space<vmem>>
        %dma_start3A_542 = arith.constant 0 : i32
        %dma_start3A_543 = arith.constant 0 : i32
        %dma_start3A_544 = tpu.memref_slice %arg2[%dma_start3A_542, %dma_start3A_543] : memref<10240x128xf32, #tpu.memory_space<hbm>> -> memref<10240x128xf32, #tpu.memory_space<hbm>>
        %dma_start3A_545 = tpu.memref_slice %arg11[%dma_start3A_536] : memref<5x!tpu.dma_semaphore, #tpu.memory_space<semaphore_mem>> -> memref<1x!tpu.dma_semaphore, #tpu.memory_space<semaphore_mem>>
        %dma_start3A_546 = tpu.memref_squeeze %dma_start3A_545 : memref<1x!tpu.dma_semaphore, #tpu.memory_space<semaphore_mem>> -> memref<!tpu.dma_semaphore, #tpu.memory_space<semaphore_mem>>
        tpu.enqueue_indirect_dma source(%dma_start3A_544 : memref<10240x128xf32, #tpu.memory_space<hbm>>) target(%dma_start3A_540 : memref<40x128xf32, #tpu.memory_space<vmem>>) offsets(%dma_start3A_541 : memref<40xi32, #tpu.memory_space<vmem>>) semaphore(%dma_start3A_546 : memref<!tpu.dma_semaphore, #tpu.memory_space<semaphore_mem>>)
      } else {
      }
    }
    %scan3A_155 = arith.constant 50 : i32
    %barrier3A_156 = arith.constant 0 : index
    tpu.barrier barrier_id(%barrier3A_156)
    %mul3A_157 = arith.constant 640 : i32
    %mul3A_158 = arith.muli %arg1, %mul3A_157 : i32
    %mul3A_159 = arith.constant 640 : i32
    %mul3A_160 = arith.muli %arg1, %mul3A_159 : i32
    "tpu.region"() ({
      %run_scoped3A = tpu.sem_alloc : memref<!tpu.dma_semaphore, #tpu.memory_space<semaphore_mem>>
      %dma_start3A_161 = arith.constant 0 : i32
      %dma_start3A_162 = tpu.memref_slice %arg6[%arg0, %mul3A_160, %dma_start3A_161] : memref<2x10240x128xf32, #tpu.memory_space<hbm>> -> memref<1x640x128xf32, #tpu.memory_space<hbm>>
      %dma_start3A_163 = tpu.memref_squeeze %dma_start3A_162 : memref<1x640x128xf32, #tpu.memory_space<hbm>> -> memref<640x128xf32, #tpu.memory_space<hbm>>
      %dma_start3A_164 = arith.constant 0 : i32
      %dma_start3A_165 = tpu.memref_slice %arg10[%mul3A_158, %dma_start3A_164] : memref<10240x128xf32, #tpu.memory_space<vmem_shared>> -> memref<640x128xf32, #tpu.memory_space<vmem_shared>>
      tpu.enqueue_dma source(%dma_start3A_165 : memref<640x128xf32, #tpu.memory_space<vmem_shared>>) target(%dma_start3A_163 : memref<640x128xf32, #tpu.memory_space<hbm>>) target_semaphore(%run_scoped3A : memref<!tpu.dma_semaphore, #tpu.memory_space<semaphore_mem>>)
      %dma_wait3A = arith.constant 0 : i32
      %dma_wait3A_166 = tpu.memref_slice %arg6[%arg0, %mul3A_160, %dma_wait3A] : memref<2x10240x128xf32, #tpu.memory_space<hbm>> -> memref<1x640x128xf32, #tpu.memory_space<hbm>>
      %dma_wait3A_167 = tpu.memref_squeeze %dma_wait3A_166 : memref<1x640x128xf32, #tpu.memory_space<hbm>> -> memref<640x128xf32, #tpu.memory_space<hbm>>
      %dma_wait3A_168 = arith.constant 0 : i32
      %dma_wait3A_169 = tpu.memref_slice %arg10[%mul3A_158, %dma_wait3A_168] : memref<10240x128xf32, #tpu.memory_space<vmem_shared>> -> memref<640x128xf32, #tpu.memory_space<vmem_shared>>
      tpu.wait_dma2 semaphore(%run_scoped3A : memref<!tpu.dma_semaphore, #tpu.memory_space<semaphore_mem>>) src(%dma_wait3A_169 : memref<640x128xf32, #tpu.memory_space<vmem_shared>>) dst(%dma_wait3A_167 : memref<640x128xf32, #tpu.memory_space<hbm>>)
      tpu.yield
    }) : () -> ()
    return
  }
}

#map = affine_map<(d0, d1) -> (0, 0, 0)>
#map1 = affine_map<(d0, d1) -> (0, 0)>
module attributes {stable_mosaic.version = 14 : i64} {
  func.func @_deg_call(%arg0: i32, %arg1: i32, %arg2: memref<32x125x80xi32, #tpu.memory_space<hbm>>, %arg3: memref<2x10240xf32, #tpu.memory_space<hbm>>, %arg4: memref<125x80xi32, #tpu.memory_space<vmem>>, %arg5: memref<80xf32, #tpu.memory_space<vmem>>, %arg6: memref<640xf32, #tpu.memory_space<vmem>>, %arg7: memref<10240xf32, #tpu.memory_space<vmem_shared>>, %arg8: memref<!tpu.dma_semaphore, #tpu.memory_space<semaphore_mem>>) attributes {dimension_semantics = [#tpu.dimension_semantics<core_parallel>, #tpu.dimension_semantics<subcore_parallel>], iteration_bounds = array<i64: 2, 16>, scalar_prefetch = 0 : i64, scratch_operands = 5 : i64, tpu.core_type = #tpu.core_type<sc_vector_subcore>, window_params = [{transform_indices = #map}, {transform_indices = #map1}]} {
    %mul3A = arith.constant 2 : i32
    %mul3A_0 = arith.muli %arg1, %mul3A : i32
    %add3A = arith.addi %mul3A_0, %arg0 : i32
    "tpu.region"() ({
      %run_scoped3A = tpu.sem_alloc : memref<!tpu.dma_semaphore, #tpu.memory_space<semaphore_mem>>
      %dma_start3A = arith.constant 0 : i32
      %dma_start3A_327 = arith.constant 0 : i32
      %dma_start3A_328 = tpu.memref_slice %arg2[%add3A, %dma_start3A, %dma_start3A_327] : memref<32x125x80xi32, #tpu.memory_space<hbm>> -> memref<1x125x80xi32, #tpu.memory_space<hbm>>
      %dma_start3A_329 = tpu.memref_squeeze %dma_start3A_328 : memref<1x125x80xi32, #tpu.memory_space<hbm>> -> memref<125x80xi32, #tpu.memory_space<hbm>>
      %dma_start3A_330 = arith.constant 0 : i32
      %dma_start3A_331 = arith.constant 0 : i32
      %dma_start3A_332 = tpu.memref_slice %arg2[%add3A, %dma_start3A_330, %dma_start3A_331] : memref<32x125x80xi32, #tpu.memory_space<hbm>> -> memref<1x125x80xi32, #tpu.memory_space<hbm>>
      %dma_start3A_333 = tpu.memref_squeeze %dma_start3A_332 : memref<1x125x80xi32, #tpu.memory_space<hbm>> -> memref<125x80xi32, #tpu.memory_space<hbm>>
      tpu.enqueue_dma source(%dma_start3A_333 : memref<125x80xi32, #tpu.memory_space<hbm>>) target(%arg4 : memref<125x80xi32, #tpu.memory_space<vmem>>) target_semaphore(%run_scoped3A : memref<!tpu.dma_semaphore, #tpu.memory_space<semaphore_mem>>)
      %dma_wait3A_334 = arith.constant 0 : i32
      %dma_wait3A_335 = arith.constant 0 : i32
      %dma_wait3A_336 = tpu.memref_slice %arg2[%add3A, %dma_wait3A_334, %dma_wait3A_335] : memref<32x125x80xi32, #tpu.memory_space<hbm>> -> memref<1x125x80xi32, #tpu.memory_space<hbm>>
      %dma_wait3A_337 = tpu.memref_squeeze %dma_wait3A_336 : memref<1x125x80xi32, #tpu.memory_space<hbm>> -> memref<125x80xi32, #tpu.memory_space<hbm>>
      %dma_wait3A_338 = arith.constant 0 : i32
      %dma_wait3A_339 = arith.constant 0 : i32
      %dma_wait3A_340 = tpu.memref_slice %arg2[%add3A, %dma_wait3A_338, %dma_wait3A_339] : memref<32x125x80xi32, #tpu.memory_space<hbm>> -> memref<1x125x80xi32, #tpu.memory_space<hbm>>
      %dma_wait3A_341 = tpu.memref_squeeze %dma_wait3A_340 : memref<1x125x80xi32, #tpu.memory_space<hbm>> -> memref<125x80xi32, #tpu.memory_space<hbm>>
      tpu.wait_dma2 semaphore(%run_scoped3A : memref<!tpu.dma_semaphore, #tpu.memory_space<semaphore_mem>>) src(%dma_wait3A_341 : memref<125x80xi32, #tpu.memory_space<hbm>>) dst(%arg4 : memref<125x80xi32, #tpu.memory_space<vmem>>)
      tpu.yield
    }) : () -> ()
    %broadcast_in_dim3A = arith.constant 1.000000e+00 : f32
    %broadcast_in_dim3A_1 = vector.broadcast %broadcast_in_dim3A : f32 to vector<16xf32>
    %swap3A = arith.constant 0 : index
    %swap3A_2 = tpu.vector_load %arg5[%swap3A] {strides = array<i32>} : memref<80xf32, #tpu.memory_space<vmem>>, vector<16xf32>,
    %swap3A_3 = vector.shape_cast %swap3A_2 : vector<16xf32> to vector<16xf32>
    %swap3A_4 = vector.shape_cast %broadcast_in_dim3A_1 : vector<16xf32> to vector<16xf32>
    tpu.vector_store %arg5[%swap3A], %swap3A_4 {strides = array<i32>} : memref<80xf32, #tpu.memory_space<vmem>>, vector<16xf32>,
    %broadcast_in_dim3A_5 = arith.constant 1.000000e+00 : f32
    %broadcast_in_dim3A_6 = vector.broadcast %broadcast_in_dim3A_5 : f32 to vector<16xf32>
    %swap3A_7 = arith.constant 16 : index
    %swap3A_8 = tpu.vector_load %arg5[%swap3A_7] {strides = array<i32>} : memref<80xf32, #tpu.memory_space<vmem>>, vector<16xf32>,
    %swap3A_9 = vector.shape_cast %swap3A_8 : vector<16xf32> to vector<16xf32>
    %swap3A_10 = vector.shape_cast %broadcast_in_dim3A_6 : vector<16xf32> to vector<16xf32>
    tpu.vector_store %arg5[%swap3A_7], %swap3A_10 {strides = array<i32>} : memref<80xf32, #tpu.memory_space<vmem>>, vector<16xf32>,
    %broadcast_in_dim3A_11 = arith.constant 1.000000e+00 : f32
    %broadcast_in_dim3A_12 = vector.broadcast %broadcast_in_dim3A_11 : f32 to vector<16xf32>
    %swap3A_13 = arith.constant 32 : index
    %swap3A_14 = tpu.vector_load %arg5[%swap3A_13] {strides = array<i32>} : memref<80xf32, #tpu.memory_space<vmem>>, vector<16xf32>,
    %swap3A_15 = vector.shape_cast %swap3A_14 : vector<16xf32> to vector<16xf32>
    %swap3A_16 = vector.shape_cast %broadcast_in_dim3A_12 : vector<16xf32> to vector<16xf32>
    tpu.vector_store %arg5[%swap3A_13], %swap3A_16 {strides = array<i32>} : memref<80xf32, #tpu.memory_space<vmem>>, vector<16xf32>,
    %broadcast_in_dim3A_17 = arith.constant 1.000000e+00 : f32
    %broadcast_in_dim3A_18 = vector.broadcast %broadcast_in_dim3A_17 : f32 to vector<16xf32>
    %swap3A_19 = arith.constant 48 : index
    %swap3A_20 = tpu.vector_load %arg5[%swap3A_19] {strides = array<i32>} : memref<80xf32, #tpu.memory_space<vmem>>, vector<16xf32>,
    %swap3A_21 = vector.shape_cast %swap3A_20 : vector<16xf32> to vector<16xf32>
    %swap3A_22 = vector.shape_cast %broadcast_in_dim3A_18 : vector<16xf32> to vector<16xf32>
    tpu.vector_store %arg5[%swap3A_19], %swap3A_22 {strides = array<i32>} : memref<80xf32, #tpu.memory_space<vmem>>, vector<16xf32>,
    %broadcast_in_dim3A_23 = arith.constant 1.000000e+00 : f32
    %broadcast_in_dim3A_24 = vector.broadcast %broadcast_in_dim3A_23 : f32 to vector<16xf32>
    %swap3A_25 = arith.constant 64 : index
    %swap3A_26 = tpu.vector_load %arg5[%swap3A_25] {strides = array<i32>} : memref<80xf32, #tpu.memory_space<vmem>>, vector<16xf32>,
    %swap3A_27 = vector.shape_cast %swap3A_26 : vector<16xf32> to vector<16xf32>
    %swap3A_28 = vector.shape_cast %broadcast_in_dim3A_24 : vector<16xf32> to vector<16xf32>
    tpu.vector_store %arg5[%swap3A_25], %swap3A_28 {strides = array<i32>} : memref<80xf32, #tpu.memory_space<vmem>>, vector<16xf32>,
    %broadcast_in_dim3A_29 = arith.constant 0.000000e+00 : f32
    %broadcast_in_dim3A_30 = vector.broadcast %broadcast_in_dim3A_29 : f32 to vector<16xf32>
    %swap3A_31 = arith.constant 0 : index
    %swap3A_32 = tpu.vector_load %arg6[%swap3A_31] {strides = array<i32>} : memref<640xf32, #tpu.memory_space<vmem>>, vector<16xf32>,
    %swap3A_33 = vector.shape_cast %swap3A_32 : vector<16xf32> to vector<16xf32>
    %swap3A_34 = vector.shape_cast %broadcast_in_dim3A_30 : vector<16xf32> to vector<16xf32>
    tpu.vector_store %arg6[%swap3A_31], %swap3A_34 {strides = array<i32>} : memref<640xf32, #tpu.memory_space<vmem>>, vector<16xf32>,
    %broadcast_in_dim3A_35 = arith.constant 0.000000e+00 : f32
    %broadcast_in_dim3A_36 = vector.broadcast %broadcast_in_dim3A_35 : f32 to vector<16xf32>
    %swap3A_37 = arith.constant 16 : index
    %swap3A_38 = tpu.vector_load %arg6[%swap3A_37] {strides = array<i32>} : memref<640xf32, #tpu.memory_space<vmem>>, vector<16xf32>,
    %swap3A_39 = vector.shape_cast %swap3A_38 : vector<16xf32> to vector<16xf32>
    %swap3A_40 = vector.shape_cast %broadcast_in_dim3A_36 : vector<16xf32> to vector<16xf32>
    tpu.vector_store %arg6[%swap3A_37], %swap3A_40 {strides = array<i32>} : memref<640xf32, #tpu.memory_space<vmem>>, vector<16xf32>,
    %broadcast_in_dim3A_41 = arith.constant 0.000000e+00 : f32
    %broadcast_in_dim3A_42 = vector.broadcast %broadcast_in_dim3A_41 : f32 to vector<16xf32>
    %swap3A_43 = arith.constant 32 : index
    %swap3A_44 = tpu.vector_load %arg6[%swap3A_43] {strides = array<i32>} : memref<640xf32, #tpu.memory_space<vmem>>, vector<16xf32>,
    %swap3A_45 = vector.shape_cast %swap3A_44 : vector<16xf32> to vector<16xf32>
    %swap3A_46 = vector.shape_cast %broadcast_in_dim3A_42 : vector<16xf32> to vector<16xf32>
    tpu.vector_store %arg6[%swap3A_43], %swap3A_46 {strides = array<i32>} : memref<640xf32, #tpu.memory_space<vmem>>, vector<16xf32>,
    %broadcast_in_dim3A_47 = arith.constant 0.000000e+00 : f32
    %broadcast_in_dim3A_48 = vector.broadcast %broadcast_in_dim3A_47 : f32 to vector<16xf32>
    %swap3A_49 = arith.constant 48 : index
    %swap3A_50 = tpu.vector_load %arg6[%swap3A_49] {strides = array<i32>} : memref<640xf32, #tpu.memory_space<vmem>>, vector<16xf32>,
    %swap3A_51 = vector.shape_cast %swap3A_50 : vector<16xf32> to vector<16xf32>
    %swap3A_52 = vector.shape_cast %broadcast_in_dim3A_48 : vector<16xf32> to vector<16xf32>
    tpu.vector_store %arg6[%swap3A_49], %swap3A_52 {strides = array<i32>} : memref<640xf32, #tpu.memory_space<vmem>>, vector<16xf32>,
    %broadcast_in_dim3A_53 = arith.constant 0.000000e+00 : f32
    %broadcast_in_dim3A_54 = vector.broadcast %broadcast_in_dim3A_53 : f32 to vector<16xf32>
    %swap3A_55 = arith.constant 64 : index
    %swap3A_56 = tpu.vector_load %arg6[%swap3A_55] {strides = array<i32>} : memref<640xf32, #tpu.memory_space<vmem>>, vector<16xf32>,
    %swap3A_57 = vector.shape_cast %swap3A_56 : vector<16xf32> to vector<16xf32>
    %swap3A_58 = vector.shape_cast %broadcast_in_dim3A_54 : vector<16xf32> to vector<16xf32>
    tpu.vector_store %arg6[%swap3A_55], %swap3A_58 {strides = array<i32>} : memref<640xf32, #tpu.memory_space<vmem>>, vector<16xf32>,
    %broadcast_in_dim3A_59 = arith.constant 0.000000e+00 : f32
    %broadcast_in_dim3A_60 = vector.broadcast %broadcast_in_dim3A_59 : f32 to vector<16xf32>
    %swap3A_61 = arith.constant 80 : index
    %swap3A_62 = tpu.vector_load %arg6[%swap3A_61] {strides = array<i32>} : memref<640xf32, #tpu.memory_space<vmem>>, vector<16xf32>,
    %swap3A_63 = vector.shape_cast %swap3A_62 : vector<16xf32> to vector<16xf32>
    %swap3A_64 = vector.shape_cast %broadcast_in_dim3A_60 : vector<16xf32> to vector<16xf32>
    tpu.vector_store %arg6[%swap3A_61], %swap3A_64 {strides = array<i32>} : memref<640xf32, #tpu.memory_space<vmem>>, vector<16xf32>,
    %broadcast_in_dim3A_65 = arith.constant 0.000000e+00 : f32
    %broadcast_in_dim3A_66 = vector.broadcast %broadcast_in_dim3A_65 : f32 to vector<16xf32>
    %swap3A_67 = arith.constant 96 : index
    %swap3A_68 = tpu.vector_load %arg6[%swap3A_67] {strides = array<i32>} : memref<640xf32, #tpu.memory_space<vmem>>, vector<16xf32>,
    %swap3A_69 = vector.shape_cast %swap3A_68 : vector<16xf32> to vector<16xf32>
    %swap3A_70 = vector.shape_cast %broadcast_in_dim3A_66 : vector<16xf32> to vector<16xf32>
    tpu.vector_store %arg6[%swap3A_67], %swap3A_70 {strides = array<i32>} : memref<640xf32, #tpu.memory_space<vmem>>, vector<16xf32>,
    %broadcast_in_dim3A_71 = arith.constant 0.000000e+00 : f32
    %broadcast_in_dim3A_72 = vector.broadcast %broadcast_in_dim3A_71 : f32 to vector<16xf32>
    %swap3A_73 = arith.constant 112 : index
    %swap3A_74 = tpu.vector_load %arg6[%swap3A_73] {strides = array<i32>} : memref<640xf32, #tpu.memory_space<vmem>>, vector<16xf32>,
    %swap3A_75 = vector.shape_cast %swap3A_74 : vector<16xf32> to vector<16xf32>
    %swap3A_76 = vector.shape_cast %broadcast_in_dim3A_72 : vector<16xf32> to vector<16xf32>
    tpu.vector_store %arg6[%swap3A_73], %swap3A_76 {strides = array<i32>} : memref<640xf32, #tpu.memory_space<vmem>>, vector<16xf32>,
    %broadcast_in_dim3A_77 = arith.constant 0.000000e+00 : f32
    %broadcast_in_dim3A_78 = vector.broadcast %broadcast_in_dim3A_77 : f32 to vector<16xf32>
    %swap3A_79 = arith.constant 128 : index
    %swap3A_80 = tpu.vector_load %arg6[%swap3A_79] {strides = array<i32>} : memref<640xf32, #tpu.memory_space<vmem>>, vector<16xf32>,
    %swap3A_81 = vector.shape_cast %swap3A_80 : vector<16xf32> to vector<16xf32>
    %swap3A_82 = vector.shape_cast %broadcast_in_dim3A_78 : vector<16xf32> to vector<16xf32>
    tpu.vector_store %arg6[%swap3A_79], %swap3A_82 {strides = array<i32>} : memref<640xf32, #tpu.memory_space<vmem>>, vector<16xf32>,
    %broadcast_in_dim3A_83 = arith.constant 0.000000e+00 : f32
    %broadcast_in_dim3A_84 = vector.broadcast %broadcast_in_dim3A_83 : f32 to vector<16xf32>
    %swap3A_85 = arith.constant 144 : index
    %swap3A_86 = tpu.vector_load %arg6[%swap3A_85] {strides = array<i32>} : memref<640xf32, #tpu.memory_space<vmem>>, vector<16xf32>,
    %swap3A_87 = vector.shape_cast %swap3A_86 : vector<16xf32> to vector<16xf32>
    %swap3A_88 = vector.shape_cast %broadcast_in_dim3A_84 : vector<16xf32> to vector<16xf32>
    tpu.vector_store %arg6[%swap3A_85], %swap3A_88 {strides = array<i32>} : memref<640xf32, #tpu.memory_space<vmem>>, vector<16xf32>,
    %broadcast_in_dim3A_89 = arith.constant 0.000000e+00 : f32
    %broadcast_in_dim3A_90 = vector.broadcast %broadcast_in_dim3A_89 : f32 to vector<16xf32>
    %swap3A_91 = arith.constant 160 : index
    %swap3A_92 = tpu.vector_load %arg6[%swap3A_91] {strides = array<i32>} : memref<640xf32, #tpu.memory_space<vmem>>, vector<16xf32>,
    %swap3A_93 = vector.shape_cast %swap3A_92 : vector<16xf32> to vector<16xf32>
    %swap3A_94 = vector.shape_cast %broadcast_in_dim3A_90 : vector<16xf32> to vector<16xf32>
    tpu.vector_store %arg6[%swap3A_91], %swap3A_94 {strides = array<i32>} : memref<640xf32, #tpu.memory_space<vmem>>, vector<16xf32>,
    %broadcast_in_dim3A_95 = arith.constant 0.000000e+00 : f32
    %broadcast_in_dim3A_96 = vector.broadcast %broadcast_in_dim3A_95 : f32 to vector<16xf32>
    %swap3A_97 = arith.constant 176 : index
    %swap3A_98 = tpu.vector_load %arg6[%swap3A_97] {strides = array<i32>} : memref<640xf32, #tpu.memory_space<vmem>>, vector<16xf32>,
    %swap3A_99 = vector.shape_cast %swap3A_98 : vector<16xf32> to vector<16xf32>
    %swap3A_100 = vector.shape_cast %broadcast_in_dim3A_96 : vector<16xf32> to vector<16xf32>
    tpu.vector_store %arg6[%swap3A_97], %swap3A_100 {strides = array<i32>} : memref<640xf32, #tpu.memory_space<vmem>>, vector<16xf32>,
    %broadcast_in_dim3A_101 = arith.constant 0.000000e+00 : f32
    %broadcast_in_dim3A_102 = vector.broadcast %broadcast_in_dim3A_101 : f32 to vector<16xf32>
    %swap3A_103 = arith.constant 192 : index
    %swap3A_104 = tpu.vector_load %arg6[%swap3A_103] {strides = array<i32>} : memref<640xf32, #tpu.memory_space<vmem>>, vector<16xf32>,
    %swap3A_105 = vector.shape_cast %swap3A_104 : vector<16xf32> to vector<16xf32>
    %swap3A_106 = vector.shape_cast %broadcast_in_dim3A_102 : vector<16xf32> to vector<16xf32>
    tpu.vector_store %arg6[%swap3A_103], %swap3A_106 {strides = array<i32>} : memref<640xf32, #tpu.memory_space<vmem>>, vector<16xf32>,
    %broadcast_in_dim3A_107 = arith.constant 0.000000e+00 : f32
    %broadcast_in_dim3A_108 = vector.broadcast %broadcast_in_dim3A_107 : f32 to vector<16xf32>
    %swap3A_109 = arith.constant 208 : index
    %swap3A_110 = tpu.vector_load %arg6[%swap3A_109] {strides = array<i32>} : memref<640xf32, #tpu.memory_space<vmem>>, vector<16xf32>,
    %swap3A_111 = vector.shape_cast %swap3A_110 : vector<16xf32> to vector<16xf32>
    %swap3A_112 = vector.shape_cast %broadcast_in_dim3A_108 : vector<16xf32> to vector<16xf32>
    tpu.vector_store %arg6[%swap3A_109], %swap3A_112 {strides = array<i32>} : memref<640xf32, #tpu.memory_space<vmem>>, vector<16xf32>,
    %broadcast_in_dim3A_113 = arith.constant 0.000000e+00 : f32
    %broadcast_in_dim3A_114 = vector.broadcast %broadcast_in_dim3A_113 : f32 to vector<16xf32>
    %swap3A_115 = arith.constant 224 : index
    %swap3A_116 = tpu.vector_load %arg6[%swap3A_115] {strides = array<i32>} : memref<640xf32, #tpu.memory_space<vmem>>, vector<16xf32>,
    %swap3A_117 = vector.shape_cast %swap3A_116 : vector<16xf32> to vector<16xf32>
    %swap3A_118 = vector.shape_cast %broadcast_in_dim3A_114 : vector<16xf32> to vector<16xf32>
    tpu.vector_store %arg6[%swap3A_115], %swap3A_118 {strides = array<i32>} : memref<640xf32, #tpu.memory_space<vmem>>, vector<16xf32>,
    %broadcast_in_dim3A_119 = arith.constant 0.000000e+00 : f32
    %broadcast_in_dim3A_120 = vector.broadcast %broadcast_in_dim3A_119 : f32 to vector<16xf32>
    %swap3A_121 = arith.constant 240 : index
    %swap3A_122 = tpu.vector_load %arg6[%swap3A_121] {strides = array<i32>} : memref<640xf32, #tpu.memory_space<vmem>>, vector<16xf32>,
    %swap3A_123 = vector.shape_cast %swap3A_122 : vector<16xf32> to vector<16xf32>
    %swap3A_124 = vector.shape_cast %broadcast_in_dim3A_120 : vector<16xf32> to vector<16xf32>
    tpu.vector_store %arg6[%swap3A_121], %swap3A_124 {strides = array<i32>} : memref<640xf32, #tpu.memory_space<vmem>>, vector<16xf32>,
    %broadcast_in_dim3A_125 = arith.constant 0.000000e+00 : f32
    %broadcast_in_dim3A_126 = vector.broadcast %broadcast_in_dim3A_125 : f32 to vector<16xf32>
    %swap3A_127 = arith.constant 256 : index
    %swap3A_128 = tpu.vector_load %arg6[%swap3A_127] {strides = array<i32>} : memref<640xf32, #tpu.memory_space<vmem>>, vector<16xf32>,
    %swap3A_129 = vector.shape_cast %swap3A_128 : vector<16xf32> to vector<16xf32>
    %swap3A_130 = vector.shape_cast %broadcast_in_dim3A_126 : vector<16xf32> to vector<16xf32>
    tpu.vector_store %arg6[%swap3A_127], %swap3A_130 {strides = array<i32>} : memref<640xf32, #tpu.memory_space<vmem>>, vector<16xf32>,
    %broadcast_in_dim3A_131 = arith.constant 0.000000e+00 : f32
    %broadcast_in_dim3A_132 = vector.broadcast %broadcast_in_dim3A_131 : f32 to vector<16xf32>
    %swap3A_133 = arith.constant 272 : index
    %swap3A_134 = tpu.vector_load %arg6[%swap3A_133] {strides = array<i32>} : memref<640xf32, #tpu.memory_space<vmem>>, vector<16xf32>,
    %swap3A_135 = vector.shape_cast %swap3A_134 : vector<16xf32> to vector<16xf32>
    %swap3A_136 = vector.shape_cast %broadcast_in_dim3A_132 : vector<16xf32> to vector<16xf32>
    tpu.vector_store %arg6[%swap3A_133], %swap3A_136 {strides = array<i32>} : memref<640xf32, #tpu.memory_space<vmem>>, vector<16xf32>,
    %broadcast_in_dim3A_137 = arith.constant 0.000000e+00 : f32
    %broadcast_in_dim3A_138 = vector.broadcast %broadcast_in_dim3A_137 : f32 to vector<16xf32>
    %swap3A_139 = arith.constant 288 : index
    %swap3A_140 = tpu.vector_load %arg6[%swap3A_139] {strides = array<i32>} : memref<640xf32, #tpu.memory_space<vmem>>, vector<16xf32>,
    %swap3A_141 = vector.shape_cast %swap3A_140 : vector<16xf32> to vector<16xf32>
    %swap3A_142 = vector.shape_cast %broadcast_in_dim3A_138 : vector<16xf32> to vector<16xf32>
    tpu.vector_store %arg6[%swap3A_139], %swap3A_142 {strides = array<i32>} : memref<640xf32, #tpu.memory_space<vmem>>, vector<16xf32>,
    %broadcast_in_dim3A_143 = arith.constant 0.000000e+00 : f32
    %broadcast_in_dim3A_144 = vector.broadcast %broadcast_in_dim3A_143 : f32 to vector<16xf32>
    %swap3A_145 = arith.constant 304 : index
    %swap3A_146 = tpu.vector_load %arg6[%swap3A_145] {strides = array<i32>} : memref<640xf32, #tpu.memory_space<vmem>>, vector<16xf32>,
    %swap3A_147 = vector.shape_cast %swap3A_146 : vector<16xf32> to vector<16xf32>
    %swap3A_148 = vector.shape_cast %broadcast_in_dim3A_144 : vector<16xf32> to vector<16xf32>
    tpu.vector_store %arg6[%swap3A_145], %swap3A_148 {strides = array<i32>} : memref<640xf32, #tpu.memory_space<vmem>>, vector<16xf32>,
    %broadcast_in_dim3A_149 = arith.constant 0.000000e+00 : f32
    %broadcast_in_dim3A_150 = vector.broadcast %broadcast_in_dim3A_149 : f32 to vector<16xf32>
    %swap3A_151 = arith.constant 320 : index
    %swap3A_152 = tpu.vector_load %arg6[%swap3A_151] {strides = array<i32>} : memref<640xf32, #tpu.memory_space<vmem>>, vector<16xf32>,
    %swap3A_153 = vector.shape_cast %swap3A_152 : vector<16xf32> to vector<16xf32>
    %swap3A_154 = vector.shape_cast %broadcast_in_dim3A_150 : vector<16xf32> to vector<16xf32>
    tpu.vector_store %arg6[%swap3A_151], %swap3A_154 {strides = array<i32>} : memref<640xf32, #tpu.memory_space<vmem>>, vector<16xf32>,
    %broadcast_in_dim3A_155 = arith.constant 0.000000e+00 : f32
    %broadcast_in_dim3A_156 = vector.broadcast %broadcast_in_dim3A_155 : f32 to vector<16xf32>
    %swap3A_157 = arith.constant 336 : index
    %swap3A_158 = tpu.vector_load %arg6[%swap3A_157] {strides = array<i32>} : memref<640xf32, #tpu.memory_space<vmem>>, vector<16xf32>,
    %swap3A_159 = vector.shape_cast %swap3A_158 : vector<16xf32> to vector<16xf32>
    %swap3A_160 = vector.shape_cast %broadcast_in_dim3A_156 : vector<16xf32> to vector<16xf32>
    tpu.vector_store %arg6[%swap3A_157], %swap3A_160 {strides = array<i32>} : memref<640xf32, #tpu.memory_space<vmem>>, vector<16xf32>,
    %broadcast_in_dim3A_161 = arith.constant 0.000000e+00 : f32
    %broadcast_in_dim3A_162 = vector.broadcast %broadcast_in_dim3A_161 : f32 to vector<16xf32>
    %swap3A_163 = arith.constant 352 : index
    %swap3A_164 = tpu.vector_load %arg6[%swap3A_163] {strides = array<i32>} : memref<640xf32, #tpu.memory_space<vmem>>, vector<16xf32>,
    %swap3A_165 = vector.shape_cast %swap3A_164 : vector<16xf32> to vector<16xf32>
    %swap3A_166 = vector.shape_cast %broadcast_in_dim3A_162 : vector<16xf32> to vector<16xf32>
    tpu.vector_store %arg6[%swap3A_163], %swap3A_166 {strides = array<i32>} : memref<640xf32, #tpu.memory_space<vmem>>, vector<16xf32>,
    %broadcast_in_dim3A_167 = arith.constant 0.000000e+00 : f32
    %broadcast_in_dim3A_168 = vector.broadcast %broadcast_in_dim3A_167 : f32 to vector<16xf32>
    %swap3A_169 = arith.constant 368 : index
    %swap3A_170 = tpu.vector_load %arg6[%swap3A_169] {strides = array<i32>} : memref<640xf32, #tpu.memory_space<vmem>>, vector<16xf32>,
    %swap3A_171 = vector.shape_cast %swap3A_170 : vector<16xf32> to vector<16xf32>
    %swap3A_172 = vector.shape_cast %broadcast_in_dim3A_168 : vector<16xf32> to vector<16xf32>
    tpu.vector_store %arg6[%swap3A_169], %swap3A_172 {strides = array<i32>} : memref<640xf32, #tpu.memory_space<vmem>>, vector<16xf32>,
    %broadcast_in_dim3A_173 = arith.constant 0.000000e+00 : f32
    %broadcast_in_dim3A_174 = vector.broadcast %broadcast_in_dim3A_173 : f32 to vector<16xf32>
    %swap3A_175 = arith.constant 384 : index
    %swap3A_176 = tpu.vector_load %arg6[%swap3A_175] {strides = array<i32>} : memref<640xf32, #tpu.memory_space<vmem>>, vector<16xf32>,
    %swap3A_177 = vector.shape_cast %swap3A_176 : vector<16xf32> to vector<16xf32>
    %swap3A_178 = vector.shape_cast %broadcast_in_dim3A_174 : vector<16xf32> to vector<16xf32>
    tpu.vector_store %arg6[%swap3A_175], %swap3A_178 {strides = array<i32>} : memref<640xf32, #tpu.memory_space<vmem>>, vector<16xf32>,
    %broadcast_in_dim3A_179 = arith.constant 0.000000e+00 : f32
    %broadcast_in_dim3A_180 = vector.broadcast %broadcast_in_dim3A_179 : f32 to vector<16xf32>
    %swap3A_181 = arith.constant 400 : index
    %swap3A_182 = tpu.vector_load %arg6[%swap3A_181] {strides = array<i32>} : memref<640xf32, #tpu.memory_space<vmem>>, vector<16xf32>,
    %swap3A_183 = vector.shape_cast %swap3A_182 : vector<16xf32> to vector<16xf32>
    %swap3A_184 = vector.shape_cast %broadcast_in_dim3A_180 : vector<16xf32> to vector<16xf32>
    tpu.vector_store %arg6[%swap3A_181], %swap3A_184 {strides = array<i32>} : memref<640xf32, #tpu.memory_space<vmem>>, vector<16xf32>,
    %broadcast_in_dim3A_185 = arith.constant 0.000000e+00 : f32
    %broadcast_in_dim3A_186 = vector.broadcast %broadcast_in_dim3A_185 : f32 to vector<16xf32>
    %swap3A_187 = arith.constant 416 : index
    %swap3A_188 = tpu.vector_load %arg6[%swap3A_187] {strides = array<i32>} : memref<640xf32, #tpu.memory_space<vmem>>, vector<16xf32>,
    %swap3A_189 = vector.shape_cast %swap3A_188 : vector<16xf32> to vector<16xf32>
    %swap3A_190 = vector.shape_cast %broadcast_in_dim3A_186 : vector<16xf32> to vector<16xf32>
    tpu.vector_store %arg6[%swap3A_187], %swap3A_190 {strides = array<i32>} : memref<640xf32, #tpu.memory_space<vmem>>, vector<16xf32>,
    %broadcast_in_dim3A_191 = arith.constant 0.000000e+00 : f32
    %broadcast_in_dim3A_192 = vector.broadcast %broadcast_in_dim3A_191 : f32 to vector<16xf32>
    %swap3A_193 = arith.constant 432 : index
    %swap3A_194 = tpu.vector_load %arg6[%swap3A_193] {strides = array<i32>} : memref<640xf32, #tpu.memory_space<vmem>>, vector<16xf32>,
    %swap3A_195 = vector.shape_cast %swap3A_194 : vector<16xf32> to vector<16xf32>
    %swap3A_196 = vector.shape_cast %broadcast_in_dim3A_192 : vector<16xf32> to vector<16xf32>
    tpu.vector_store %arg6[%swap3A_193], %swap3A_196 {strides = array<i32>} : memref<640xf32, #tpu.memory_space<vmem>>, vector<16xf32>,
    %broadcast_in_dim3A_197 = arith.constant 0.000000e+00 : f32
    %broadcast_in_dim3A_198 = vector.broadcast %broadcast_in_dim3A_197 : f32 to vector<16xf32>
    %swap3A_199 = arith.constant 448 : index
    %swap3A_200 = tpu.vector_load %arg6[%swap3A_199] {strides = array<i32>} : memref<640xf32, #tpu.memory_space<vmem>>, vector<16xf32>,
    %swap3A_201 = vector.shape_cast %swap3A_200 : vector<16xf32> to vector<16xf32>
    %swap3A_202 = vector.shape_cast %broadcast_in_dim3A_198 : vector<16xf32> to vector<16xf32>
    tpu.vector_store %arg6[%swap3A_199], %swap3A_202 {strides = array<i32>} : memref<640xf32, #tpu.memory_space<vmem>>, vector<16xf32>,
    %broadcast_in_dim3A_203 = arith.constant 0.000000e+00 : f32
    %broadcast_in_dim3A_204 = vector.broadcast %broadcast_in_dim3A_203 : f32 to vector<16xf32>
    %swap3A_205 = arith.constant 464 : index
    %swap3A_206 = tpu.vector_load %arg6[%swap3A_205] {strides = array<i32>} : memref<640xf32, #tpu.memory_space<vmem>>, vector<16xf32>,
    %swap3A_207 = vector.shape_cast %swap3A_206 : vector<16xf32> to vector<16xf32>
    %swap3A_208 = vector.shape_cast %broadcast_in_dim3A_204 : vector<16xf32> to vector<16xf32>
    tpu.vector_store %arg6[%swap3A_205], %swap3A_208 {strides = array<i32>} : memref<640xf32, #tpu.memory_space<vmem>>, vector<16xf32>,
    %broadcast_in_dim3A_209 = arith.constant 0.000000e+00 : f32
    %broadcast_in_dim3A_210 = vector.broadcast %broadcast_in_dim3A_209 : f32 to vector<16xf32>
    %swap3A_211 = arith.constant 480 : index
    %swap3A_212 = tpu.vector_load %arg6[%swap3A_211] {strides = array<i32>} : memref<640xf32, #tpu.memory_space<vmem>>, vector<16xf32>,
    %swap3A_213 = vector.shape_cast %swap3A_212 : vector<16xf32> to vector<16xf32>
    %swap3A_214 = vector.shape_cast %broadcast_in_dim3A_210 : vector<16xf32> to vector<16xf32>
    tpu.vector_store %arg6[%swap3A_211], %swap3A_214 {strides = array<i32>} : memref<640xf32, #tpu.memory_space<vmem>>, vector<16xf32>,
    %broadcast_in_dim3A_215 = arith.constant 0.000000e+00 : f32
    %broadcast_in_dim3A_216 = vector.broadcast %broadcast_in_dim3A_215 : f32 to vector<16xf32>
    %swap3A_217 = arith.constant 496 : index
    %swap3A_218 = tpu.vector_load %arg6[%swap3A_217] {strides = array<i32>} : memref<640xf32, #tpu.memory_space<vmem>>, vector<16xf32>,
    %swap3A_219 = vector.shape_cast %swap3A_218 : vector<16xf32> to vector<16xf32>
    %swap3A_220 = vector.shape_cast %broadcast_in_dim3A_216 : vector<16xf32> to vector<16xf32>
    tpu.vector_store %arg6[%swap3A_217], %swap3A_220 {strides = array<i32>} : memref<640xf32, #tpu.memory_space<vmem>>, vector<16xf32>,
    %broadcast_in_dim3A_221 = arith.constant 0.000000e+00 : f32
    %broadcast_in_dim3A_222 = vector.broadcast %broadcast_in_dim3A_221 : f32 to vector<16xf32>
    %swap3A_223 = arith.constant 512 : index
    %swap3A_224 = tpu.vector_load %arg6[%swap3A_223] {strides = array<i32>} : memref<640xf32, #tpu.memory_space<vmem>>, vector<16xf32>,
    %swap3A_225 = vector.shape_cast %swap3A_224 : vector<16xf32> to vector<16xf32>
    %swap3A_226 = vector.shape_cast %broadcast_in_dim3A_222 : vector<16xf32> to vector<16xf32>
    tpu.vector_store %arg6[%swap3A_223], %swap3A_226 {strides = array<i32>} : memref<640xf32, #tpu.memory_space<vmem>>, vector<16xf32>,
    %broadcast_in_dim3A_227 = arith.constant 0.000000e+00 : f32
    %broadcast_in_dim3A_228 = vector.broadcast %broadcast_in_dim3A_227 : f32 to vector<16xf32>
    %swap3A_229 = arith.constant 528 : index
    %swap3A_230 = tpu.vector_load %arg6[%swap3A_229] {strides = array<i32>} : memref<640xf32, #tpu.memory_space<vmem>>, vector<16xf32>,
    %swap3A_231 = vector.shape_cast %swap3A_230 : vector<16xf32> to vector<16xf32>
    %swap3A_232 = vector.shape_cast %broadcast_in_dim3A_228 : vector<16xf32> to vector<16xf32>
    tpu.vector_store %arg6[%swap3A_229], %swap3A_232 {strides = array<i32>} : memref<640xf32, #tpu.memory_space<vmem>>, vector<16xf32>,
    %broadcast_in_dim3A_233 = arith.constant 0.000000e+00 : f32
    %broadcast_in_dim3A_234 = vector.broadcast %broadcast_in_dim3A_233 : f32 to vector<16xf32>
    %swap3A_235 = arith.constant 544 : index
    %swap3A_236 = tpu.vector_load %arg6[%swap3A_235] {strides = array<i32>} : memref<640xf32, #tpu.memory_space<vmem>>, vector<16xf32>,
    %swap3A_237 = vector.shape_cast %swap3A_236 : vector<16xf32> to vector<16xf32>
    %swap3A_238 = vector.shape_cast %broadcast_in_dim3A_234 : vector<16xf32> to vector<16xf32>
    tpu.vector_store %arg6[%swap3A_235], %swap3A_238 {strides = array<i32>} : memref<640xf32, #tpu.memory_space<vmem>>, vector<16xf32>,
    %broadcast_in_dim3A_239 = arith.constant 0.000000e+00 : f32
    %broadcast_in_dim3A_240 = vector.broadcast %broadcast_in_dim3A_239 : f32 to vector<16xf32>
    %swap3A_241 = arith.constant 560 : index
    %swap3A_242 = tpu.vector_load %arg6[%swap3A_241] {strides = array<i32>} : memref<640xf32, #tpu.memory_space<vmem>>, vector<16xf32>,
    %swap3A_243 = vector.shape_cast %swap3A_242 : vector<16xf32> to vector<16xf32>
    %swap3A_244 = vector.shape_cast %broadcast_in_dim3A_240 : vector<16xf32> to vector<16xf32>
    tpu.vector_store %arg6[%swap3A_241], %swap3A_244 {strides = array<i32>} : memref<640xf32, #tpu.memory_space<vmem>>, vector<16xf32>,
    %broadcast_in_dim3A_245 = arith.constant 0.000000e+00 : f32
    %broadcast_in_dim3A_246 = vector.broadcast %broadcast_in_dim3A_245 : f32 to vector<16xf32>
    %swap3A_247 = arith.constant 576 : index
    %swap3A_248 = tpu.vector_load %arg6[%swap3A_247] {strides = array<i32>} : memref<640xf32, #tpu.memory_space<vmem>>, vector<16xf32>,
    %swap3A_249 = vector.shape_cast %swap3A_248 : vector<16xf32> to vector<16xf32>
    %swap3A_250 = vector.shape_cast %broadcast_in_dim3A_246 : vector<16xf32> to vector<16xf32>
    tpu.vector_store %arg6[%swap3A_247], %swap3A_250 {strides = array<i32>} : memref<640xf32, #tpu.memory_space<vmem>>, vector<16xf32>,
    %broadcast_in_dim3A_251 = arith.constant 0.000000e+00 : f32
    %broadcast_in_dim3A_252 = vector.broadcast %broadcast_in_dim3A_251 : f32 to vector<16xf32>
    %swap3A_253 = arith.constant 592 : index
    %swap3A_254 = tpu.vector_load %arg6[%swap3A_253] {strides = array<i32>} : memref<640xf32, #tpu.memory_space<vmem>>, vector<16xf32>,
    %swap3A_255 = vector.shape_cast %swap3A_254 : vector<16xf32> to vector<16xf32>
    %swap3A_256 = vector.shape_cast %broadcast_in_dim3A_252 : vector<16xf32> to vector<16xf32>
    tpu.vector_store %arg6[%swap3A_253], %swap3A_256 {strides = array<i32>} : memref<640xf32, #tpu.memory_space<vmem>>, vector<16xf32>,
    %broadcast_in_dim3A_257 = arith.constant 0.000000e+00 : f32
    %broadcast_in_dim3A_258 = vector.broadcast %broadcast_in_dim3A_257 : f32 to vector<16xf32>
    %swap3A_259 = arith.constant 608 : index
    %swap3A_260 = tpu.vector_load %arg6[%swap3A_259] {strides = array<i32>} : memref<640xf32, #tpu.memory_space<vmem>>, vector<16xf32>,
    %swap3A_261 = vector.shape_cast %swap3A_260 : vector<16xf32> to vector<16xf32>
    %swap3A_262 = vector.shape_cast %broadcast_in_dim3A_258 : vector<16xf32> to vector<16xf32>
    tpu.vector_store %arg6[%swap3A_259], %swap3A_262 {strides = array<i32>} : memref<640xf32, #tpu.memory_space<vmem>>, vector<16xf32>,
    %broadcast_in_dim3A_263 = arith.constant 0.000000e+00 : f32
    %broadcast_in_dim3A_264 = vector.broadcast %broadcast_in_dim3A_263 : f32 to vector<16xf32>
    %swap3A_265 = arith.constant 624 : index
    %swap3A_266 = tpu.vector_load %arg6[%swap3A_265] {strides = array<i32>} : memref<640xf32, #tpu.memory_space<vmem>>, vector<16xf32>,
    %swap3A_267 = vector.shape_cast %swap3A_266 : vector<16xf32> to vector<16xf32>
    %swap3A_268 = vector.shape_cast %broadcast_in_dim3A_264 : vector<16xf32> to vector<16xf32>
    tpu.vector_store %arg6[%swap3A_265], %swap3A_268 {strides = array<i32>} : memref<640xf32, #tpu.memory_space<vmem>>, vector<16xf32>,
    %mul3A_269 = arith.constant 640 : i32
    %mul3A_270 = arith.muli %arg1, %mul3A_269 : i32
    "tpu.region"() ({
      %run_scoped3A = tpu.sem_alloc : memref<!tpu.dma_semaphore, #tpu.memory_space<semaphore_mem>>
      %dma_start3A = tpu.memref_slice %arg7[%mul3A_270] : memref<10240xf32, #tpu.memory_space<vmem_shared>> -> memref<640xf32, #tpu.memory_space<vmem_shared>>
      %dma_start3A_327 = tpu.memref_slice %arg7[%mul3A_270] : memref<10240xf32, #tpu.memory_space<vmem_shared>> -> memref<640xf32, #tpu.memory_space<vmem_shared>>
      tpu.enqueue_dma source(%arg6 : memref<640xf32, #tpu.memory_space<vmem>>) target(%dma_start3A_327 : memref<640xf32, #tpu.memory_space<vmem_shared>>) target_semaphore(%run_scoped3A : memref<!tpu.dma_semaphore, #tpu.memory_space<semaphore_mem>>)
      %dma_wait3A_328 = tpu.memref_slice %arg7[%mul3A_270] : memref<10240xf32, #tpu.memory_space<vmem_shared>> -> memref<640xf32, #tpu.memory_space<vmem_shared>>
      %dma_wait3A_329 = tpu.memref_slice %arg7[%mul3A_270] : memref<10240xf32, #tpu.memory_space<vmem_shared>> -> memref<640xf32, #tpu.memory_space<vmem_shared>>
      tpu.wait_dma2 semaphore(%run_scoped3A : memref<!tpu.dma_semaphore, #tpu.memory_space<semaphore_mem>>) src(%arg6 : memref<640xf32, #tpu.memory_space<vmem>>) dst(%dma_wait3A_329 : memref<640xf32, #tpu.memory_space<vmem_shared>>)
      tpu.yield
    }) : () -> ()
    %barrier3A = arith.constant 0 : index
    tpu.barrier barrier_id(%barrier3A)
    %scan3A = arith.constant 0 : i32
    %scan3A_271 = arith.constant 125 : i32
    %scan3A_272 = arith.addi %scan3A, %scan3A_271 : i32
    %scan3A_273 = arith.constant 1 : i32
    scf.for %scan3A_327 = %scan3A to %scan3A_272 step %scan3A_273  : i32 {
      %dma_start3A = arith.constant 0 : i32
      %dma_start3A_328 = tpu.memref_slice %arg4[%scan3A_327, %dma_start3A] : memref<125x80xi32, #tpu.memory_space<vmem>> -> memref<1x80xi32, #tpu.memory_space<vmem>>
      %dma_start3A_329 = tpu.memref_squeeze %dma_start3A_328 : memref<1x80xi32, #tpu.memory_space<vmem>> -> memref<80xi32, #tpu.memory_space<vmem>>
      %dma_start3A_330 = arith.constant 0 : i32
      %dma_start3A_331 = tpu.memref_slice %arg7[%dma_start3A_330] : memref<10240xf32, #tpu.memory_space<vmem_shared>> -> memref<10240xf32, #tpu.memory_space<vmem_shared>>
      tpu.enqueue_indirect_dma source(%arg5 : memref<80xf32, #tpu.memory_space<vmem>>) target(%dma_start3A_331 : memref<10240xf32, #tpu.memory_space<vmem_shared>>) offsets(%dma_start3A_329 : memref<80xi32, #tpu.memory_space<vmem>>) semaphore(%arg8 : memref<!tpu.dma_semaphore, #tpu.memory_space<semaphore_mem>>) {add = true}
      %ge3A = arith.constant 8 : i32
      %ge3A_332 = arith.cmpi sge, %scan3A_327, %ge3A : i32
      %convert_element_type3A = arith.extui %ge3A_332 : i1 to i32
      %cond3A = arith.constant 0 : i32
      %cond3A_333 = arith.cmpi ne, %convert_element_type3A, %cond3A : i32
      scf.if %cond3A_333 {
        %sub3A = arith.constant 8 : i32
        %sub3A_334 = arith.subi %scan3A_327, %sub3A : i32
        %dma_wait3A_335 = arith.constant 0 : i32
        %dma_wait3A_336 = tpu.memref_slice %arg4[%sub3A_334, %dma_wait3A_335] : memref<125x80xi32, #tpu.memory_space<vmem>> -> memref<1x80xi32, #tpu.memory_space<vmem>>
        %dma_wait3A_337 = tpu.memref_squeeze %dma_wait3A_336 : memref<1x80xi32, #tpu.memory_space<vmem>> -> memref<80xi32, #tpu.memory_space<vmem>>
        %dma_wait3A_338 = arith.constant 0 : i32
        %dma_wait3A_339 = tpu.memref_slice %arg7[%dma_wait3A_338] : memref<10240xf32, #tpu.memory_space<vmem_shared>> -> memref<10240xf32, #tpu.memory_space<vmem_shared>>
        tpu.wait_indirect_dma semaphore(%arg8 : memref<!tpu.dma_semaphore, #tpu.memory_space<semaphore_mem>>) src(%arg5 : memref<80xf32, #tpu.memory_space<vmem>>) dst(%dma_wait3A_339 : memref<10240xf32, #tpu.memory_space<vmem_shared>>)
      } else {
      }
    }
    %scan3A_274 = arith.constant 125 : i32
    %dma_wait3A = arith.constant 117 : i32
    %dma_wait3A_275 = arith.constant 0 : i32
    %dma_wait3A_276 = tpu.memref_slice %arg4[%dma_wait3A, %dma_wait3A_275] : memref<125x80xi32, #tpu.memory_space<vmem>> -> memref<1x80xi32, #tpu.memory_space<vmem>>
    %dma_wait3A_277 = tpu.memref_squeeze %dma_wait3A_276 : memref<1x80xi32, #tpu.memory_space<vmem>> -> memref<80xi32, #tpu.memory_space<vmem>>
    %dma_wait3A_278 = arith.constant 0 : i32
    %dma_wait3A_279 = tpu.memref_slice %arg7[%dma_wait3A_278] : memref<10240xf32, #tpu.memory_space<vmem_shared>> -> memref<10240xf32, #tpu.memory_space<vmem_shared>>
    tpu.wait_indirect_dma semaphore(%arg8 : memref<!tpu.dma_semaphore, #tpu.memory_space<semaphore_mem>>) src(%arg5 : memref<80xf32, #tpu.memory_space<vmem>>) dst(%dma_wait3A_279 : memref<10240xf32, #tpu.memory_space<vmem_shared>>)
    %dma_wait3A_280 = arith.constant 118 : i32
    %dma_wait3A_281 = arith.constant 0 : i32
    %dma_wait3A_282 = tpu.memref_slice %arg4[%dma_wait3A_280, %dma_wait3A_281] : memref<125x80xi32, #tpu.memory_space<vmem>> -> memref<1x80xi32, #tpu.memory_space<vmem>>
    %dma_wait3A_283 = tpu.memref_squeeze %dma_wait3A_282 : memref<1x80xi32, #tpu.memory_space<vmem>> -> memref<80xi32, #tpu.memory_space<vmem>>
    %dma_wait3A_284 = arith.constant 0 : i32
    %dma_wait3A_285 = tpu.memref_slice %arg7[%dma_wait3A_284] : memref<10240xf32, #tpu.memory_space<vmem_shared>> -> memref<10240xf32, #tpu.memory_space<vmem_shared>>
    tpu.wait_indirect_dma semaphore(%arg8 : memref<!tpu.dma_semaphore, #tpu.memory_space<semaphore_mem>>) src(%arg5 : memref<80xf32, #tpu.memory_space<vmem>>) dst(%dma_wait3A_285 : memref<10240xf32, #tpu.memory_space<vmem_shared>>)
    %dma_wait3A_286 = arith.constant 119 : i32
    %dma_wait3A_287 = arith.constant 0 : i32
    %dma_wait3A_288 = tpu.memref_slice %arg4[%dma_wait3A_286, %dma_wait3A_287] : memref<125x80xi32, #tpu.memory_space<vmem>> -> memref<1x80xi32, #tpu.memory_space<vmem>>
    %dma_wait3A_289 = tpu.memref_squeeze %dma_wait3A_288 : memref<1x80xi32, #tpu.memory_space<vmem>> -> memref<80xi32, #tpu.memory_space<vmem>>
    %dma_wait3A_290 = arith.constant 0 : i32
    %dma_wait3A_291 = tpu.memref_slice %arg7[%dma_wait3A_290] : memref<10240xf32, #tpu.memory_space<vmem_shared>> -> memref<10240xf32, #tpu.memory_space<vmem_shared>>
    tpu.wait_indirect_dma semaphore(%arg8 : memref<!tpu.dma_semaphore, #tpu.memory_space<semaphore_mem>>) src(%arg5 : memref<80xf32, #tpu.memory_space<vmem>>) dst(%dma_wait3A_291 : memref<10240xf32, #tpu.memory_space<vmem_shared>>)
    %dma_wait3A_292 = arith.constant 120 : i32
    %dma_wait3A_293 = arith.constant 0 : i32
    %dma_wait3A_294 = tpu.memref_slice %arg4[%dma_wait3A_292, %dma_wait3A_293] : memref<125x80xi32, #tpu.memory_space<vmem>> -> memref<1x80xi32, #tpu.memory_space<vmem>>
    %dma_wait3A_295 = tpu.memref_squeeze %dma_wait3A_294 : memref<1x80xi32, #tpu.memory_space<vmem>> -> memref<80xi32, #tpu.memory_space<vmem>>
    %dma_wait3A_296 = arith.constant 0 : i32
    %dma_wait3A_297 = tpu.memref_slice %arg7[%dma_wait3A_296] : memref<10240xf32, #tpu.memory_space<vmem_shared>> -> memref<10240xf32, #tpu.memory_space<vmem_shared>>
    tpu.wait_indirect_dma semaphore(%arg8 : memref<!tpu.dma_semaphore, #tpu.memory_space<semaphore_mem>>) src(%arg5 : memref<80xf32, #tpu.memory_space<vmem>>) dst(%dma_wait3A_297 : memref<10240xf32, #tpu.memory_space<vmem_shared>>)
    %dma_wait3A_298 = arith.constant 121 : i32
    %dma_wait3A_299 = arith.constant 0 : i32
    %dma_wait3A_300 = tpu.memref_slice %arg4[%dma_wait3A_298, %dma_wait3A_299] : memref<125x80xi32, #tpu.memory_space<vmem>> -> memref<1x80xi32, #tpu.memory_space<vmem>>
    %dma_wait3A_301 = tpu.memref_squeeze %dma_wait3A_300 : memref<1x80xi32, #tpu.memory_space<vmem>> -> memref<80xi32, #tpu.memory_space<vmem>>
    %dma_wait3A_302 = arith.constant 0 : i32
    %dma_wait3A_303 = tpu.memref_slice %arg7[%dma_wait3A_302] : memref<10240xf32, #tpu.memory_space<vmem_shared>> -> memref<10240xf32, #tpu.memory_space<vmem_shared>>
    tpu.wait_indirect_dma semaphore(%arg8 : memref<!tpu.dma_semaphore, #tpu.memory_space<semaphore_mem>>) src(%arg5 : memref<80xf32, #tpu.memory_space<vmem>>) dst(%dma_wait3A_303 : memref<10240xf32, #tpu.memory_space<vmem_shared>>)
    %dma_wait3A_304 = arith.constant 122 : i32
    %dma_wait3A_305 = arith.constant 0 : i32
    %dma_wait3A_306 = tpu.memref_slice %arg4[%dma_wait3A_304, %dma_wait3A_305] : memref<125x80xi32, #tpu.memory_space<vmem>> -> memref<1x80xi32, #tpu.memory_space<vmem>>
    %dma_wait3A_307 = tpu.memref_squeeze %dma_wait3A_306 : memref<1x80xi32, #tpu.memory_space<vmem>> -> memref<80xi32, #tpu.memory_space<vmem>>
    %dma_wait3A_308 = arith.constant 0 : i32
    %dma_wait3A_309 = tpu.memref_slice %arg7[%dma_wait3A_308] : memref<10240xf32, #tpu.memory_space<vmem_shared>> -> memref<10240xf32, #tpu.memory_space<vmem_shared>>
    tpu.wait_indirect_dma semaphore(%arg8 : memref<!tpu.dma_semaphore, #tpu.memory_space<semaphore_mem>>) src(%arg5 : memref<80xf32, #tpu.memory_space<vmem>>) dst(%dma_wait3A_309 : memref<10240xf32, #tpu.memory_space<vmem_shared>>)
    %dma_wait3A_310 = arith.constant 123 : i32
    %dma_wait3A_311 = arith.constant 0 : i32
    %dma_wait3A_312 = tpu.memref_slice %arg4[%dma_wait3A_310, %dma_wait3A_311] : memref<125x80xi32, #tpu.memory_space<vmem>> -> memref<1x80xi32, #tpu.memory_space<vmem>>
    %dma_wait3A_313 = tpu.memref_squeeze %dma_wait3A_312 : memref<1x80xi32, #tpu.memory_space<vmem>> -> memref<80xi32, #tpu.memory_space<vmem>>
    %dma_wait3A_314 = arith.constant 0 : i32
    %dma_wait3A_315 = tpu.memref_slice %arg7[%dma_wait3A_314] : memref<10240xf32, #tpu.memory_space<vmem_shared>> -> memref<10240xf32, #tpu.memory_space<vmem_shared>>
    tpu.wait_indirect_dma semaphore(%arg8 : memref<!tpu.dma_semaphore, #tpu.memory_space<semaphore_mem>>) src(%arg5 : memref<80xf32, #tpu.memory_space<vmem>>) dst(%dma_wait3A_315 : memref<10240xf32, #tpu.memory_space<vmem_shared>>)
    %dma_wait3A_316 = arith.constant 124 : i32
    %dma_wait3A_317 = arith.constant 0 : i32
    %dma_wait3A_318 = tpu.memref_slice %arg4[%dma_wait3A_316, %dma_wait3A_317] : memref<125x80xi32, #tpu.memory_space<vmem>> -> memref<1x80xi32, #tpu.memory_space<vmem>>
    %dma_wait3A_319 = tpu.memref_squeeze %dma_wait3A_318 : memref<1x80xi32, #tpu.memory_space<vmem>> -> memref<80xi32, #tpu.memory_space<vmem>>
    %dma_wait3A_320 = arith.constant 0 : i32
    %dma_wait3A_321 = tpu.memref_slice %arg7[%dma_wait3A_320] : memref<10240xf32, #tpu.memory_space<vmem_shared>> -> memref<10240xf32, #tpu.memory_space<vmem_shared>>
    tpu.wait_indirect_dma semaphore(%arg8 : memref<!tpu.dma_semaphore, #tpu.memory_space<semaphore_mem>>) src(%arg5 : memref<80xf32, #tpu.memory_space<vmem>>) dst(%dma_wait3A_321 : memref<10240xf32, #tpu.memory_space<vmem_shared>>)
    %barrier3A_322 = arith.constant 0 : index
    tpu.barrier barrier_id(%barrier3A_322)
    %mul3A_323 = arith.constant 640 : i32
    %mul3A_324 = arith.muli %arg1, %mul3A_323 : i32
    %mul3A_325 = arith.constant 640 : i32
    %mul3A_326 = arith.muli %arg1, %mul3A_325 : i32
    "tpu.region"() ({
      %run_scoped3A = tpu.sem_alloc : memref<!tpu.dma_semaphore, #tpu.memory_space<semaphore_mem>>
      %dma_start3A = tpu.memref_slice %arg3[%arg0, %mul3A_326] : memref<2x10240xf32, #tpu.memory_space<hbm>> -> memref<1x640xf32, #tpu.memory_space<hbm>>
      %dma_start3A_327 = tpu.memref_squeeze %dma_start3A : memref<1x640xf32, #tpu.memory_space<hbm>> -> memref<640xf32, #tpu.memory_space<hbm>>
      %dma_start3A_328 = tpu.memref_slice %arg7[%mul3A_324] : memref<10240xf32, #tpu.memory_space<vmem_shared>> -> memref<640xf32, #tpu.memory_space<vmem_shared>>
      tpu.enqueue_dma source(%dma_start3A_328 : memref<640xf32, #tpu.memory_space<vmem_shared>>) target(%dma_start3A_327 : memref<640xf32, #tpu.memory_space<hbm>>) target_semaphore(%run_scoped3A : memref<!tpu.dma_semaphore, #tpu.memory_space<semaphore_mem>>)
      %dma_wait3A_329 = tpu.memref_slice %arg3[%arg0, %mul3A_326] : memref<2x10240xf32, #tpu.memory_space<hbm>> -> memref<1x640xf32, #tpu.memory_space<hbm>>
      %dma_wait3A_330 = tpu.memref_squeeze %dma_wait3A_329 : memref<1x640xf32, #tpu.memory_space<hbm>> -> memref<640xf32, #tpu.memory_space<hbm>>
      %dma_wait3A_331 = tpu.memref_slice %arg7[%mul3A_324] : memref<10240xf32, #tpu.memory_space<vmem_shared>> -> memref<640xf32, #tpu.memory_space<vmem_shared>>
      tpu.wait_dma2 semaphore(%run_scoped3A : memref<!tpu.dma_semaphore, #tpu.memory_space<semaphore_mem>>) src(%dma_wait3A_331 : memref<640xf32, #tpu.memory_space<vmem_shared>>) dst(%dma_wait3A_330 : memref<640xf32, #tpu.memory_space<hbm>>)
      tpu.yield
    }) : () -> ()
    return
  }
}

#map = affine_map<(d0, d1) -> (0, 0)>
#map1 = affine_map<(d0, d1) -> (0, 0, 0)>
module attributes {stable_mosaic.version = 14 : i64} {
  func.func @_agg_call(%arg0: i32, %arg1: i32, %arg2: memref<10240x128xf32, #tpu.memory_space<hbm>>, %arg3: memref<32x10000xi32, #tpu.memory_space<hbm>>, %arg4: memref<32x250x40xi32, #tpu.memory_space<hbm>>, %arg5: memref<640x128xf32, #tpu.memory_space<hbm>>, %arg6: memref<2x10240x128xf32, #tpu.memory_space<hbm>>, %arg7: memref<10000xi32, #tpu.memory_space<vmem>>, %arg8: memref<5x40xi32, #tpu.memory_space<vmem>>, %arg9: memref<5x40x128xf32, #tpu.memory_space<vmem>>, %arg10: memref<10240x128xf32, #tpu.memory_space<vmem_shared>>, %arg11: memref<5x!tpu.dma_semaphore, #tpu.memory_space<semaphore_mem>>, %arg12: memref<5x!tpu.dma_semaphore, #tpu.memory_space<semaphore_mem>>, %arg13: memref<5x!tpu.dma_semaphore, #tpu.memory_space<semaphore_mem>>) attributes {dimension_semantics = [#tpu.dimension_semantics<core_parallel>, #tpu.dimension_semantics<subcore_parallel>], iteration_bounds = array<i64: 2, 16>, scalar_prefetch = 0 : i64, scratch_operands = 7 : i64, tpu.core_type = #tpu.core_type<sc_vector_subcore>, window_params = [{transform_indices = #map}, {transform_indices = #map}, {transform_indices = #map1}, {transform_indices = #map}, {transform_indices = #map1}]} {
    %mul3A = arith.constant 2 : i32
    %mul3A_0 = arith.muli %arg1, %mul3A : i32
    %add3A = arith.addi %mul3A_0, %arg0 : i32
    "tpu.region"() ({
      %run_scoped3A = tpu.sem_alloc : memref<!tpu.dma_semaphore, #tpu.memory_space<semaphore_mem>>
      %dma_start3A_161 = arith.constant 0 : i32
      %dma_start3A_162 = tpu.memref_slice %arg3[%add3A, %dma_start3A_161] : memref<32x10000xi32, #tpu.memory_space<hbm>> -> memref<1x10000xi32, #tpu.memory_space<hbm>>
      %dma_start3A_163 = tpu.memref_squeeze %dma_start3A_162 : memref<1x10000xi32, #tpu.memory_space<hbm>> -> memref<10000xi32, #tpu.memory_space<hbm>>
      %dma_start3A_164 = arith.constant 0 : i32
      %dma_start3A_165 = tpu.memref_slice %arg3[%add3A, %dma_start3A_164] : memref<32x10000xi32, #tpu.memory_space<hbm>> -> memref<1x10000xi32, #tpu.memory_space<hbm>>
      %dma_start3A_166 = tpu.memref_squeeze %dma_start3A_165 : memref<1x10000xi32, #tpu.memory_space<hbm>> -> memref<10000xi32, #tpu.memory_space<hbm>>
      tpu.enqueue_dma source(%dma_start3A_166 : memref<10000xi32, #tpu.memory_space<hbm>>) target(%arg7 : memref<10000xi32, #tpu.memory_space<vmem>>) target_semaphore(%run_scoped3A : memref<!tpu.dma_semaphore, #tpu.memory_space<semaphore_mem>>)
      %dma_wait3A = arith.constant 0 : i32
      %dma_wait3A_167 = tpu.memref_slice %arg3[%add3A, %dma_wait3A] : memref<32x10000xi32, #tpu.memory_space<hbm>> -> memref<1x10000xi32, #tpu.memory_space<hbm>>
      %dma_wait3A_168 = tpu.memref_squeeze %dma_wait3A_167 : memref<1x10000xi32, #tpu.memory_space<hbm>> -> memref<10000xi32, #tpu.memory_space<hbm>>
      %dma_wait3A_169 = arith.constant 0 : i32
      %dma_wait3A_170 = tpu.memref_slice %arg3[%add3A, %dma_wait3A_169] : memref<32x10000xi32, #tpu.memory_space<hbm>> -> memref<1x10000xi32, #tpu.memory_space<hbm>>
      %dma_wait3A_171 = tpu.memref_squeeze %dma_wait3A_170 : memref<1x10000xi32, #tpu.memory_space<hbm>> -> memref<10000xi32, #tpu.memory_space<hbm>>
      tpu.wait_dma2 semaphore(%run_scoped3A : memref<!tpu.dma_semaphore, #tpu.memory_space<semaphore_mem>>) src(%dma_wait3A_171 : memref<10000xi32, #tpu.memory_space<hbm>>) dst(%arg7 : memref<10000xi32, #tpu.memory_space<vmem>>)
      tpu.yield
    }) : () -> ()
    %mul3A_1 = arith.constant 640 : i32
    %mul3A_2 = arith.muli %arg1, %mul3A_1 : i32
    "tpu.region"() ({
      %run_scoped3A = tpu.sem_alloc : memref<!tpu.dma_semaphore, #tpu.memory_space<semaphore_mem>>
      %dma_start3A_161 = arith.constant 0 : i32
      %dma_start3A_162 = tpu.memref_slice %arg10[%mul3A_2, %dma_start3A_161] : memref<10240x128xf32, #tpu.memory_space<vmem_shared>> -> memref<640x128xf32, #tpu.memory_space<vmem_shared>>
      tpu.enqueue_dma source(%arg5 : memref<640x128xf32, #tpu.memory_space<hbm>>) target(%dma_start3A_162 : memref<640x128xf32, #tpu.memory_space<vmem_shared>>) target_semaphore(%run_scoped3A : memref<!tpu.dma_semaphore, #tpu.memory_space<semaphore_mem>>)
      %dma_wait3A = arith.constant 0 : i32
      %dma_wait3A_163 = tpu.memref_slice %arg10[%mul3A_2, %dma_wait3A] : memref<10240x128xf32, #tpu.memory_space<vmem_shared>> -> memref<640x128xf32, #tpu.memory_space<vmem_shared>>
      tpu.wait_dma2 semaphore(%run_scoped3A : memref<!tpu.dma_semaphore, #tpu.memory_space<semaphore_mem>>) src(%arg5 : memref<640x128xf32, #tpu.memory_space<hbm>>) dst(%dma_wait3A_163 : memref<640x128xf32, #tpu.memory_space<vmem_shared>>)
      tpu.yield
    }) : () -> ()
    %barrier3A = arith.constant 0 : index
    tpu.barrier barrier_id(%barrier3A)
    %dma_start3A = arith.constant 0 : i32
    %dma_start3A_3 = arith.constant 0 : i32
    %dma_start3A_4 = arith.constant 0 : i32
    %dma_start3A_5 = arith.constant 0 : i32
    %dma_start3A_6 = tpu.memref_slice %arg8[%dma_start3A_3, %dma_start3A_5] : memref<5x40xi32, #tpu.memory_space<vmem>> -> memref<1x40xi32, #tpu.memory_space<vmem>>
    %dma_start3A_7 = tpu.memref_squeeze %dma_start3A_6 : memref<1x40xi32, #tpu.memory_space<vmem>> -> memref<40xi32, #tpu.memory_space<vmem>>
    %dma_start3A_8 = arith.constant 0 : i32
    %dma_start3A_9 = tpu.memref_slice %arg4[%add3A, %dma_start3A, %dma_start3A_8] : memref<32x250x40xi32, #tpu.memory_space<hbm>> -> memref<1x1x40xi32, #tpu.memory_space<hbm>>
    %dma_start3A_10 = tpu.memref_squeeze %dma_start3A_9 : memref<1x1x40xi32, #tpu.memory_space<hbm>> -> memref<40xi32, #tpu.memory_space<hbm>>
    %dma_start3A_11 = tpu.memref_slice %arg13[%dma_start3A_4] : memref<5x!tpu.dma_semaphore, #tpu.memory_space<semaphore_mem>> -> memref<1x!tpu.dma_semaphore, #tpu.memory_space<semaphore_mem>>
    %dma_start3A_12 = tpu.memref_squeeze %dma_start3A_11 : memref<1x!tpu.dma_semaphore, #tpu.memory_space<semaphore_mem>> -> memref<!tpu.dma_semaphore, #tpu.memory_space<semaphore_mem>>
    %dma_start3A_13 = arith.constant 0 : i32
    %dma_start3A_14 = tpu.memref_slice %arg8[%dma_start3A_3, %dma_start3A_13] : memref<5x40xi32, #tpu.memory_space<vmem>> -> memref<1x40xi32, #tpu.memory_space<vmem>>
    %dma_start3A_15 = tpu.memref_squeeze %dma_start3A_14 : memref<1x40xi32, #tpu.memory_space<vmem>> -> memref<40xi32, #tpu.memory_space<vmem>>
    %dma_start3A_16 = arith.constant 0 : i32
    %dma_start3A_17 = tpu.memref_slice %arg4[%add3A, %dma_start3A, %dma_start3A_16] : memref<32x250x40xi32, #tpu.memory_space<hbm>> -> memref<1x1x40xi32, #tpu.memory_space<hbm>>
    %dma_start3A_18 = tpu.memref_squeeze %dma_start3A_17 : memref<1x1x40xi32, #tpu.memory_space<hbm>> -> memref<40xi32, #tpu.memory_space<hbm>>
    tpu.enqueue_dma source(%dma_start3A_18 : memref<40xi32, #tpu.memory_space<hbm>>) target(%dma_start3A_15 : memref<40xi32, #tpu.memory_space<vmem>>) target_semaphore(%dma_start3A_12 : memref<!tpu.dma_semaphore, #tpu.memory_space<semaphore_mem>>)
    %dma_start3A_19 = arith.constant 0 : i32
    %dma_start3A_20 = arith.constant 0 : i32
    %dma_start3A_21 = arith.constant 0 : i32
    %dma_start3A_22 = arith.constant 0 : i32
    %dma_start3A_23 = tpu.memref_slice %arg9[%dma_start3A_19, %dma_start3A_21, %dma_start3A_22] : memref<5x40x128xf32, #tpu.memory_space<vmem>> -> memref<1x40x128xf32, #tpu.memory_space<vmem>>
    %dma_start3A_24 = tpu.memref_squeeze %dma_start3A_23 : memref<1x40x128xf32, #tpu.memory_space<vmem>> -> memref<40x128xf32, #tpu.memory_space<vmem>>
    %dma_start3A_25 = arith.constant 0 : i32
    %dma_start3A_26 = tpu.memref_slice %arg7[%dma_start3A_25] : memref<10000xi32, #tpu.memory_space<vmem>> -> memref<40xi32, #tpu.memory_space<vmem>>
    %dma_start3A_27 = arith.constant 0 : i32
    %dma_start3A_28 = arith.constant 0 : i32
    %dma_start3A_29 = tpu.memref_slice %arg2[%dma_start3A_27, %dma_start3A_28] : memref<10240x128xf32, #tpu.memory_space<hbm>> -> memref<10240x128xf32, #tpu.memory_space<hbm>>
    %dma_start3A_30 = tpu.memref_slice %arg11[%dma_start3A_20] : memref<5x!tpu.dma_semaphore, #tpu.memory_space<semaphore_mem>> -> memref<1x!tpu.dma_semaphore, #tpu.memory_space<semaphore_mem>>
    %dma_start3A_31 = tpu.memref_squeeze %dma_start3A_30 : memref<1x!tpu.dma_semaphore, #tpu.memory_space<semaphore_mem>> -> memref<!tpu.dma_semaphore, #tpu.memory_space<semaphore_mem>>
    tpu.enqueue_indirect_dma source(%dma_start3A_29 : memref<10240x128xf32, #tpu.memory_space<hbm>>) target(%dma_start3A_24 : memref<40x128xf32, #tpu.memory_space<vmem>>) offsets(%dma_start3A_26 : memref<40xi32, #tpu.memory_space<vmem>>) semaphore(%dma_start3A_31 : memref<!tpu.dma_semaphore, #tpu.memory_space<semaphore_mem>>)
    %dma_start3A_32 = arith.constant 1 : i32
    %dma_start3A_33 = arith.constant 1 : i32
    %dma_start3A_34 = arith.constant 1 : i32
    %dma_start3A_35 = arith.constant 0 : i32
    %dma_start3A_36 = tpu.memref_slice %arg8[%dma_start3A_33, %dma_start3A_35] : memref<5x40xi32, #tpu.memory_space<vmem>> -> memref<1x40xi32, #tpu.memory_space<vmem>>
    %dma_start3A_37 = tpu.memref_squeeze %dma_start3A_36 : memref<1x40xi32, #tpu.memory_space<vmem>> -> memref<40xi32, #tpu.memory_space<vmem>>
    %dma_start3A_38 = arith.constant 0 : i32
    %dma_start3A_39 = tpu.memref_slice %arg4[%add3A, %dma_start3A_32, %dma_start3A_38] : memref<32x250x40xi32, #tpu.memory_space<hbm>> -> memref<1x1x40xi32, #tpu.memory_space<hbm>>
    %dma_start3A_40 = tpu.memref_squeeze %dma_start3A_39 : memref<1x1x40xi32, #tpu.memory_space<hbm>> -> memref<40xi32, #tpu.memory_space<hbm>>
    %dma_start3A_41 = tpu.memref_slice %arg13[%dma_start3A_34] : memref<5x!tpu.dma_semaphore, #tpu.memory_space<semaphore_mem>> -> memref<1x!tpu.dma_semaphore, #tpu.memory_space<semaphore_mem>>
    %dma_start3A_42 = tpu.memref_squeeze %dma_start3A_41 : memref<1x!tpu.dma_semaphore, #tpu.memory_space<semaphore_mem>> -> memref<!tpu.dma_semaphore, #tpu.memory_space<semaphore_mem>>
    %dma_start3A_43 = arith.constant 0 : i32
    %dma_start3A_44 = tpu.memref_slice %arg8[%dma_start3A_33, %dma_start3A_43] : memref<5x40xi32, #tpu.memory_space<vmem>> -> memref<1x40xi32, #tpu.memory_space<vmem>>
    %dma_start3A_45 = tpu.memref_squeeze %dma_start3A_44 : memref<1x40xi32, #tpu.memory_space<vmem>> -> memref<40xi32, #tpu.memory_space<vmem>>
    %dma_start3A_46 = arith.constant 0 : i32
    %dma_start3A_47 = tpu.memref_slice %arg4[%add3A, %dma_start3A_32, %dma_start3A_46] : memref<32x250x40xi32, #tpu.memory_space<hbm>> -> memref<1x1x40xi32, #tpu.memory_space<hbm>>
    %dma_start3A_48 = tpu.memref_squeeze %dma_start3A_47 : memref<1x1x40xi32, #tpu.memory_space<hbm>> -> memref<40xi32, #tpu.memory_space<hbm>>
    tpu.enqueue_dma source(%dma_start3A_48 : memref<40xi32, #tpu.memory_space<hbm>>) target(%dma_start3A_45 : memref<40xi32, #tpu.memory_space<vmem>>) target_semaphore(%dma_start3A_42 : memref<!tpu.dma_semaphore, #tpu.memory_space<semaphore_mem>>)
    %dma_start3A_49 = arith.constant 1 : i32
    %dma_start3A_50 = arith.constant 1 : i32
    %dma_start3A_51 = arith.constant 0 : i32
    %dma_start3A_52 = arith.constant 0 : i32
    %dma_start3A_53 = tpu.memref_slice %arg9[%dma_start3A_49, %dma_start3A_51, %dma_start3A_52] : memref<5x40x128xf32, #tpu.memory_space<vmem>> -> memref<1x40x128xf32, #tpu.memory_space<vmem>>
    %dma_start3A_54 = tpu.memref_squeeze %dma_start3A_53 : memref<1x40x128xf32, #tpu.memory_space<vmem>> -> memref<40x128xf32, #tpu.memory_space<vmem>>
    %dma_start3A_55 = arith.constant 40 : i32
    %dma_start3A_56 = tpu.memref_slice %arg7[%dma_start3A_55] : memref<10000xi32, #tpu.memory_space<vmem>> -> memref<40xi32, #tpu.memory_space<vmem>>
    %dma_start3A_57 = arith.constant 0 : i32
    %dma_start3A_58 = arith.constant 0 : i32
    %dma_start3A_59 = tpu.memref_slice %arg2[%dma_start3A_57, %dma_start3A_58] : memref<10240x128xf32, #tpu.memory_space<hbm>> -> memref<10240x128xf32, #tpu.memory_space<hbm>>
    %dma_start3A_60 = tpu.memref_slice %arg11[%dma_start3A_50] : memref<5x!tpu.dma_semaphore, #tpu.memory_space<semaphore_mem>> -> memref<1x!tpu.dma_semaphore, #tpu.memory_space<semaphore_mem>>
    %dma_start3A_61 = tpu.memref_squeeze %dma_start3A_60 : memref<1x!tpu.dma_semaphore, #tpu.memory_space<semaphore_mem>> -> memref<!tpu.dma_semaphore, #tpu.memory_space<semaphore_mem>>
    tpu.enqueue_indirect_dma source(%dma_start3A_59 : memref<10240x128xf32, #tpu.memory_space<hbm>>) target(%dma_start3A_54 : memref<40x128xf32, #tpu.memory_space<vmem>>) offsets(%dma_start3A_56 : memref<40xi32, #tpu.memory_space<vmem>>) semaphore(%dma_start3A_61 : memref<!tpu.dma_semaphore, #tpu.memory_space<semaphore_mem>>)
    %dma_start3A_62 = arith.constant 2 : i32
    %dma_start3A_63 = arith.constant 2 : i32
    %dma_start3A_64 = arith.constant 2 : i32
    %dma_start3A_65 = arith.constant 0 : i32
    %dma_start3A_66 = tpu.memref_slice %arg8[%dma_start3A_63, %dma_start3A_65] : memref<5x40xi32, #tpu.memory_space<vmem>> -> memref<1x40xi32, #tpu.memory_space<vmem>>
    %dma_start3A_67 = tpu.memref_squeeze %dma_start3A_66 : memref<1x40xi32, #tpu.memory_space<vmem>> -> memref<40xi32, #tpu.memory_space<vmem>>
    %dma_start3A_68 = arith.constant 0 : i32
    %dma_start3A_69 = tpu.memref_slice %arg4[%add3A, %dma_start3A_62, %dma_start3A_68] : memref<32x250x40xi32, #tpu.memory_space<hbm>> -> memref<1x1x40xi32, #tpu.memory_space<hbm>>
    %dma_start3A_70 = tpu.memref_squeeze %dma_start3A_69 : memref<1x1x40xi32, #tpu.memory_space<hbm>> -> memref<40xi32, #tpu.memory_space<hbm>>
    %dma_start3A_71 = tpu.memref_slice %arg13[%dma_start3A_64] : memref<5x!tpu.dma_semaphore, #tpu.memory_space<semaphore_mem>> -> memref<1x!tpu.dma_semaphore, #tpu.memory_space<semaphore_mem>>
    %dma_start3A_72 = tpu.memref_squeeze %dma_start3A_71 : memref<1x!tpu.dma_semaphore, #tpu.memory_space<semaphore_mem>> -> memref<!tpu.dma_semaphore, #tpu.memory_space<semaphore_mem>>
    %dma_start3A_73 = arith.constant 0 : i32
    %dma_start3A_74 = tpu.memref_slice %arg8[%dma_start3A_63, %dma_start3A_73] : memref<5x40xi32, #tpu.memory_space<vmem>> -> memref<1x40xi32, #tpu.memory_space<vmem>>
    %dma_start3A_75 = tpu.memref_squeeze %dma_start3A_74 : memref<1x40xi32, #tpu.memory_space<vmem>> -> memref<40xi32, #tpu.memory_space<vmem>>
    %dma_start3A_76 = arith.constant 0 : i32
    %dma_start3A_77 = tpu.memref_slice %arg4[%add3A, %dma_start3A_62, %dma_start3A_76] : memref<32x250x40xi32, #tpu.memory_space<hbm>> -> memref<1x1x40xi32, #tpu.memory_space<hbm>>
    %dma_start3A_78 = tpu.memref_squeeze %dma_start3A_77 : memref<1x1x40xi32, #tpu.memory_space<hbm>> -> memref<40xi32, #tpu.memory_space<hbm>>
    tpu.enqueue_dma source(%dma_start3A_78 : memref<40xi32, #tpu.memory_space<hbm>>) target(%dma_start3A_75 : memref<40xi32, #tpu.memory_space<vmem>>) target_semaphore(%dma_start3A_72 : memref<!tpu.dma_semaphore, #tpu.memory_space<semaphore_mem>>)
    %dma_start3A_79 = arith.constant 2 : i32
    %dma_start3A_80 = arith.constant 2 : i32
    %dma_start3A_81 = arith.constant 0 : i32
    %dma_start3A_82 = arith.constant 0 : i32
    %dma_start3A_83 = tpu.memref_slice %arg9[%dma_start3A_79, %dma_start3A_81, %dma_start3A_82] : memref<5x40x128xf32, #tpu.memory_space<vmem>> -> memref<1x40x128xf32, #tpu.memory_space<vmem>>
    %dma_start3A_84 = tpu.memref_squeeze %dma_start3A_83 : memref<1x40x128xf32, #tpu.memory_space<vmem>> -> memref<40x128xf32, #tpu.memory_space<vmem>>
    %dma_start3A_85 = arith.constant 80 : i32
    %dma_start3A_86 = tpu.memref_slice %arg7[%dma_start3A_85] : memref<10000xi32, #tpu.memory_space<vmem>> -> memref<40xi32, #tpu.memory_space<vmem>>
    %dma_start3A_87 = arith.constant 0 : i32
    %dma_start3A_88 = arith.constant 0 : i32
    %dma_start3A_89 = tpu.memref_slice %arg2[%dma_start3A_87, %dma_start3A_88] : memref<10240x128xf32, #tpu.memory_space<hbm>> -> memref<10240x128xf32, #tpu.memory_space<hbm>>
    %dma_start3A_90 = tpu.memref_slice %arg11[%dma_start3A_80] : memref<5x!tpu.dma_semaphore, #tpu.memory_space<semaphore_mem>> -> memref<1x!tpu.dma_semaphore, #tpu.memory_space<semaphore_mem>>
    %dma_start3A_91 = tpu.memref_squeeze %dma_start3A_90 : memref<1x!tpu.dma_semaphore, #tpu.memory_space<semaphore_mem>> -> memref<!tpu.dma_semaphore, #tpu.memory_space<semaphore_mem>>
    tpu.enqueue_indirect_dma source(%dma_start3A_89 : memref<10240x128xf32, #tpu.memory_space<hbm>>) target(%dma_start3A_84 : memref<40x128xf32, #tpu.memory_space<vmem>>) offsets(%dma_start3A_86 : memref<40xi32, #tpu.memory_space<vmem>>) semaphore(%dma_start3A_91 : memref<!tpu.dma_semaphore, #tpu.memory_space<semaphore_mem>>)
    %dma_start3A_92 = arith.constant 3 : i32
    %dma_start3A_93 = arith.constant 3 : i32
    %dma_start3A_94 = arith.constant 3 : i32
    %dma_start3A_95 = arith.constant 0 : i32
    %dma_start3A_96 = tpu.memref_slice %arg8[%dma_start3A_93, %dma_start3A_95] : memref<5x40xi32, #tpu.memory_space<vmem>> -> memref<1x40xi32, #tpu.memory_space<vmem>>
    %dma_start3A_97 = tpu.memref_squeeze %dma_start3A_96 : memref<1x40xi32, #tpu.memory_space<vmem>> -> memref<40xi32, #tpu.memory_space<vmem>>
    %dma_start3A_98 = arith.constant 0 : i32
    %dma_start3A_99 = tpu.memref_slice %arg4[%add3A, %dma_start3A_92, %dma_start3A_98] : memref<32x250x40xi32, #tpu.memory_space<hbm>> -> memref<1x1x40xi32, #tpu.memory_space<hbm>>
    %dma_start3A_100 = tpu.memref_squeeze %dma_start3A_99 : memref<1x1x40xi32, #tpu.memory_space<hbm>> -> memref<40xi32, #tpu.memory_space<hbm>>
    %dma_start3A_101 = tpu.memref_slice %arg13[%dma_start3A_94] : memref<5x!tpu.dma_semaphore, #tpu.memory_space<semaphore_mem>> -> memref<1x!tpu.dma_semaphore, #tpu.memory_space<semaphore_mem>>
    %dma_start3A_102 = tpu.memref_squeeze %dma_start3A_101 : memref<1x!tpu.dma_semaphore, #tpu.memory_space<semaphore_mem>> -> memref<!tpu.dma_semaphore, #tpu.memory_space<semaphore_mem>>
    %dma_start3A_103 = arith.constant 0 : i32
    %dma_start3A_104 = tpu.memref_slice %arg8[%dma_start3A_93, %dma_start3A_103] : memref<5x40xi32, #tpu.memory_space<vmem>> -> memref<1x40xi32, #tpu.memory_space<vmem>>
    %dma_start3A_105 = tpu.memref_squeeze %dma_start3A_104 : memref<1x40xi32, #tpu.memory_space<vmem>> -> memref<40xi32, #tpu.memory_space<vmem>>
    %dma_start3A_106 = arith.constant 0 : i32
    %dma_start3A_107 = tpu.memref_slice %arg4[%add3A, %dma_start3A_92, %dma_start3A_106] : memref<32x250x40xi32, #tpu.memory_space<hbm>> -> memref<1x1x40xi32, #tpu.memory_space<hbm>>
    %dma_start3A_108 = tpu.memref_squeeze %dma_start3A_107 : memref<1x1x40xi32, #tpu.memory_space<hbm>> -> memref<40xi32, #tpu.memory_space<hbm>>
    tpu.enqueue_dma source(%dma_start3A_108 : memref<40xi32, #tpu.memory_space<hbm>>) target(%dma_start3A_105 : memref<40xi32, #tpu.memory_space<vmem>>) target_semaphore(%dma_start3A_102 : memref<!tpu.dma_semaphore, #tpu.memory_space<semaphore_mem>>)
    %dma_start3A_109 = arith.constant 3 : i32
    %dma_start3A_110 = arith.constant 3 : i32
    %dma_start3A_111 = arith.constant 0 : i32
    %dma_start3A_112 = arith.constant 0 : i32
    %dma_start3A_113 = tpu.memref_slice %arg9[%dma_start3A_109, %dma_start3A_111, %dma_start3A_112] : memref<5x40x128xf32, #tpu.memory_space<vmem>> -> memref<1x40x128xf32, #tpu.memory_space<vmem>>
    %dma_start3A_114 = tpu.memref_squeeze %dma_start3A_113 : memref<1x40x128xf32, #tpu.memory_space<vmem>> -> memref<40x128xf32, #tpu.memory_space<vmem>>
    %dma_start3A_115 = arith.constant 120 : i32
    %dma_start3A_116 = tpu.memref_slice %arg7[%dma_start3A_115] : memref<10000xi32, #tpu.memory_space<vmem>> -> memref<40xi32, #tpu.memory_space<vmem>>
    %dma_start3A_117 = arith.constant 0 : i32
    %dma_start3A_118 = arith.constant 0 : i32
    %dma_start3A_119 = tpu.memref_slice %arg2[%dma_start3A_117, %dma_start3A_118] : memref<10240x128xf32, #tpu.memory_space<hbm>> -> memref<10240x128xf32, #tpu.memory_space<hbm>>
    %dma_start3A_120 = tpu.memref_slice %arg11[%dma_start3A_110] : memref<5x!tpu.dma_semaphore, #tpu.memory_space<semaphore_mem>> -> memref<1x!tpu.dma_semaphore, #tpu.memory_space<semaphore_mem>>
    %dma_start3A_121 = tpu.memref_squeeze %dma_start3A_120 : memref<1x!tpu.dma_semaphore, #tpu.memory_space<semaphore_mem>> -> memref<!tpu.dma_semaphore, #tpu.memory_space<semaphore_mem>>
    tpu.enqueue_indirect_dma source(%dma_start3A_119 : memref<10240x128xf32, #tpu.memory_space<hbm>>) target(%dma_start3A_114 : memref<40x128xf32, #tpu.memory_space<vmem>>) offsets(%dma_start3A_116 : memref<40xi32, #tpu.memory_space<vmem>>) semaphore(%dma_start3A_121 : memref<!tpu.dma_semaphore, #tpu.memory_space<semaphore_mem>>)
    %dma_start3A_122 = arith.constant 4 : i32
    %dma_start3A_123 = arith.constant 4 : i32
    %dma_start3A_124 = arith.constant 4 : i32
    %dma_start3A_125 = arith.constant 0 : i32
    %dma_start3A_126 = tpu.memref_slice %arg8[%dma_start3A_123, %dma_start3A_125] : memref<5x40xi32, #tpu.memory_space<vmem>> -> memref<1x40xi32, #tpu.memory_space<vmem>>
    %dma_start3A_127 = tpu.memref_squeeze %dma_start3A_126 : memref<1x40xi32, #tpu.memory_space<vmem>> -> memref<40xi32, #tpu.memory_space<vmem>>
    %dma_start3A_128 = arith.constant 0 : i32
    %dma_start3A_129 = tpu.memref_slice %arg4[%add3A, %dma_start3A_122, %dma_start3A_128] : memref<32x250x40xi32, #tpu.memory_space<hbm>> -> memref<1x1x40xi32, #tpu.memory_space<hbm>>
    %dma_start3A_130 = tpu.memref_squeeze %dma_start3A_129 : memref<1x1x40xi32, #tpu.memory_space<hbm>> -> memref<40xi32, #tpu.memory_space<hbm>>
    %dma_start3A_131 = tpu.memref_slice %arg13[%dma_start3A_124] : memref<5x!tpu.dma_semaphore, #tpu.memory_space<semaphore_mem>> -> memref<1x!tpu.dma_semaphore, #tpu.memory_space<semaphore_mem>>
    %dma_start3A_132 = tpu.memref_squeeze %dma_start3A_131 : memref<1x!tpu.dma_semaphore, #tpu.memory_space<semaphore_mem>> -> memref<!tpu.dma_semaphore, #tpu.memory_space<semaphore_mem>>
    %dma_start3A_133 = arith.constant 0 : i32
    %dma_start3A_134 = tpu.memref_slice %arg8[%dma_start3A_123, %dma_start3A_133] : memref<5x40xi32, #tpu.memory_space<vmem>> -> memref<1x40xi32, #tpu.memory_space<vmem>>
    %dma_start3A_135 = tpu.memref_squeeze %dma_start3A_134 : memref<1x40xi32, #tpu.memory_space<vmem>> -> memref<40xi32, #tpu.memory_space<vmem>>
    %dma_start3A_136 = arith.constant 0 : i32
    %dma_start3A_137 = tpu.memref_slice %arg4[%add3A, %dma_start3A_122, %dma_start3A_136] : memref<32x250x40xi32, #tpu.memory_space<hbm>> -> memref<1x1x40xi32, #tpu.memory_space<hbm>>
    %dma_start3A_138 = tpu.memref_squeeze %dma_start3A_137 : memref<1x1x40xi32, #tpu.memory_space<hbm>> -> memref<40xi32, #tpu.memory_space<hbm>>
    tpu.enqueue_dma source(%dma_start3A_138 : memref<40xi32, #tpu.memory_space<hbm>>) target(%dma_start3A_135 : memref<40xi32, #tpu.memory_space<vmem>>) target_semaphore(%dma_start3A_132 : memref<!tpu.dma_semaphore, #tpu.memory_space<semaphore_mem>>)
    %dma_start3A_139 = arith.constant 4 : i32
    %dma_start3A_140 = arith.constant 4 : i32
    %dma_start3A_141 = arith.constant 0 : i32
    %dma_start3A_142 = arith.constant 0 : i32
    %dma_start3A_143 = tpu.memref_slice %arg9[%dma_start3A_139, %dma_start3A_141, %dma_start3A_142] : memref<5x40x128xf32, #tpu.memory_space<vmem>> -> memref<1x40x128xf32, #tpu.memory_space<vmem>>
    %dma_start3A_144 = tpu.memref_squeeze %dma_start3A_143 : memref<1x40x128xf32, #tpu.memory_space<vmem>> -> memref<40x128xf32, #tpu.memory_space<vmem>>
    %dma_start3A_145 = arith.constant 160 : i32
    %dma_start3A_146 = tpu.memref_slice %arg7[%dma_start3A_145] : memref<10000xi32, #tpu.memory_space<vmem>> -> memref<40xi32, #tpu.memory_space<vmem>>
    %dma_start3A_147 = arith.constant 0 : i32
    %dma_start3A_148 = arith.constant 0 : i32
    %dma_start3A_149 = tpu.memref_slice %arg2[%dma_start3A_147, %dma_start3A_148] : memref<10240x128xf32, #tpu.memory_space<hbm>> -> memref<10240x128xf32, #tpu.memory_space<hbm>>
    %dma_start3A_150 = tpu.memref_slice %arg11[%dma_start3A_140] : memref<5x!tpu.dma_semaphore, #tpu.memory_space<semaphore_mem>> -> memref<1x!tpu.dma_semaphore, #tpu.memory_space<semaphore_mem>>
    %dma_start3A_151 = tpu.memref_squeeze %dma_start3A_150 : memref<1x!tpu.dma_semaphore, #tpu.memory_space<semaphore_mem>> -> memref<!tpu.dma_semaphore, #tpu.memory_space<semaphore_mem>>
    tpu.enqueue_indirect_dma source(%dma_start3A_149 : memref<10240x128xf32, #tpu.memory_space<hbm>>) target(%dma_start3A_144 : memref<40x128xf32, #tpu.memory_space<vmem>>) offsets(%dma_start3A_146 : memref<40xi32, #tpu.memory_space<vmem>>) semaphore(%dma_start3A_151 : memref<!tpu.dma_semaphore, #tpu.memory_space<semaphore_mem>>)
    %scan3A = arith.constant 0 : i32
    %scan3A_152 = arith.constant 50 : i32
    %scan3A_153 = arith.addi %scan3A, %scan3A_152 : i32
    %scan3A_154 = arith.constant 1 : i32
    scf.for %scan3A_161 = %scan3A to %scan3A_153 step %scan3A_154  : i32 {
      %mul3A_162 = arith.constant 5 : i32
      %mul3A_163 = arith.muli %scan3A_161, %mul3A_162 : i32
      %add3A_164 = arith.constant 0 : i32
      %add3A_165 = arith.addi %mul3A_163, %add3A_164 : i32
      %dma_wait3A = arith.constant 0 : i32
      %dma_wait3A_166 = arith.constant 0 : i32
      %dma_wait3A_167 = arith.constant 0 : i32
      %dma_wait3A_168 = tpu.memref_slice %arg8[%dma_wait3A, %dma_wait3A_167] : memref<5x40xi32, #tpu.memory_space<vmem>> -> memref<1x40xi32, #tpu.memory_space<vmem>>
      %dma_wait3A_169 = tpu.memref_squeeze %dma_wait3A_168 : memref<1x40xi32, #tpu.memory_space<vmem>> -> memref<40xi32, #tpu.memory_space<vmem>>
      %dma_wait3A_170 = arith.constant 0 : i32
      %dma_wait3A_171 = tpu.memref_slice %arg4[%add3A, %add3A_165, %dma_wait3A_170] : memref<32x250x40xi32, #tpu.memory_space<hbm>> -> memref<1x1x40xi32, #tpu.memory_space<hbm>>
      %dma_wait3A_172 = tpu.memref_squeeze %dma_wait3A_171 : memref<1x1x40xi32, #tpu.memory_space<hbm>> -> memref<40xi32, #tpu.memory_space<hbm>>
      %dma_wait3A_173 = tpu.memref_slice %arg13[%dma_wait3A_166] : memref<5x!tpu.dma_semaphore, #tpu.memory_space<semaphore_mem>> -> memref<1x!tpu.dma_semaphore, #tpu.memory_space<semaphore_mem>>
      %dma_wait3A_174 = tpu.memref_squeeze %dma_wait3A_173 : memref<1x!tpu.dma_semaphore, #tpu.memory_space<semaphore_mem>> -> memref<!tpu.dma_semaphore, #tpu.memory_space<semaphore_mem>>
      %dma_wait3A_175 = arith.constant 0 : i32
      %dma_wait3A_176 = tpu.memref_slice %arg8[%dma_wait3A, %dma_wait3A_175] : memref<5x40xi32, #tpu.memory_space<vmem>> -> memref<1x40xi32, #tpu.memory_space<vmem>>
      %dma_wait3A_177 = tpu.memref_squeeze %dma_wait3A_176 : memref<1x40xi32, #tpu.memory_space<vmem>> -> memref<40xi32, #tpu.memory_space<vmem>>
      %dma_wait3A_178 = arith.constant 0 : i32
      %dma_wait3A_179 = tpu.memref_slice %arg4[%add3A, %add3A_165, %dma_wait3A_178] : memref<32x250x40xi32, #tpu.memory_space<hbm>> -> memref<1x1x40xi32, #tpu.memory_space<hbm>>
      %dma_wait3A_180 = tpu.memref_squeeze %dma_wait3A_179 : memref<1x1x40xi32, #tpu.memory_space<hbm>> -> memref<40xi32, #tpu.memory_space<hbm>>
      tpu.wait_dma2 semaphore(%dma_wait3A_174 : memref<!tpu.dma_semaphore, #tpu.memory_space<semaphore_mem>>) src(%dma_wait3A_180 : memref<40xi32, #tpu.memory_space<hbm>>) dst(%dma_wait3A_177 : memref<40xi32, #tpu.memory_space<vmem>>)
      %mul3A_181 = arith.constant 40 : i32
      %mul3A_182 = arith.muli %add3A_165, %mul3A_181 : i32
      %dma_wait3A_183 = arith.constant 0 : i32
      %dma_wait3A_184 = arith.constant 0 : i32
      %dma_wait3A_185 = arith.constant 0 : i32
      %dma_wait3A_186 = arith.constant 0 : i32
      %dma_wait3A_187 = tpu.memref_slice %arg9[%dma_wait3A_183, %dma_wait3A_185, %dma_wait3A_186] : memref<5x40x128xf32, #tpu.memory_space<vmem>> -> memref<1x40x128xf32, #tpu.memory_space<vmem>>
      %dma_wait3A_188 = tpu.memref_squeeze %dma_wait3A_187 : memref<1x40x128xf32, #tpu.memory_space<vmem>> -> memref<40x128xf32, #tpu.memory_space<vmem>>
      %dma_wait3A_189 = tpu.memref_slice %arg7[%mul3A_182] : memref<10000xi32, #tpu.memory_space<vmem>> -> memref<40xi32, #tpu.memory_space<vmem>>
      %dma_wait3A_190 = arith.constant 0 : i32
      %dma_wait3A_191 = arith.constant 0 : i32
      %dma_wait3A_192 = tpu.memref_slice %arg2[%dma_wait3A_190, %dma_wait3A_191] : memref<10240x128xf32, #tpu.memory_space<hbm>> -> memref<10240x128xf32, #tpu.memory_space<hbm>>
      %dma_wait3A_193 = tpu.memref_slice %arg11[%dma_wait3A_184] : memref<5x!tpu.dma_semaphore, #tpu.memory_space<semaphore_mem>> -> memref<1x!tpu.dma_semaphore, #tpu.memory_space<semaphore_mem>>
      %dma_wait3A_194 = tpu.memref_squeeze %dma_wait3A_193 : memref<1x!tpu.dma_semaphore, #tpu.memory_space<semaphore_mem>> -> memref<!tpu.dma_semaphore, #tpu.memory_space<semaphore_mem>>
      tpu.wait_indirect_dma semaphore(%dma_wait3A_194 : memref<!tpu.dma_semaphore, #tpu.memory_space<semaphore_mem>>) src(%dma_wait3A_192 : memref<10240x128xf32, #tpu.memory_space<hbm>>) dst(%dma_wait3A_188 : memref<40x128xf32, #tpu.memory_space<vmem>>)
      %dma_start3A_195 = arith.constant 0 : i32
      %dma_start3A_196 = arith.constant 0 : i32
      %dma_start3A_197 = arith.constant 0 : i32
      %dma_start3A_198 = arith.constant 0 : i32
      %dma_start3A_199 = arith.constant 0 : i32
      %dma_start3A_200 = tpu.memref_slice %arg9[%dma_start3A_195, %dma_start3A_198, %dma_start3A_199] : memref<5x40x128xf32, #tpu.memory_space<vmem>> -> memref<1x40x128xf32, #tpu.memory_space<vmem>>
      %dma_start3A_201 = tpu.memref_squeeze %dma_start3A_200 : memref<1x40x128xf32, #tpu.memory_space<vmem>> -> memref<40x128xf32, #tpu.memory_space<vmem>>
      %dma_start3A_202 = arith.constant 0 : i32
      %dma_start3A_203 = tpu.memref_slice %arg8[%dma_start3A_196, %dma_start3A_202] : memref<5x40xi32, #tpu.memory_space<vmem>> -> memref<1x40xi32, #tpu.memory_space<vmem>>
      %dma_start3A_204 = tpu.memref_squeeze %dma_start3A_203 : memref<1x40xi32, #tpu.memory_space<vmem>> -> memref<40xi32, #tpu.memory_space<vmem>>
      %dma_start3A_205 = arith.constant 0 : i32
      %dma_start3A_206 = arith.constant 0 : i32
      %dma_start3A_207 = tpu.memref_slice %arg10[%dma_start3A_205, %dma_start3A_206] : memref<10240x128xf32, #tpu.memory_space<vmem_shared>> -> memref<10240x128xf32, #tpu.memory_space<vmem_shared>>
      %dma_start3A_208 = tpu.memref_slice %arg12[%dma_start3A_197] : memref<5x!tpu.dma_semaphore, #tpu.memory_space<semaphore_mem>> -> memref<1x!tpu.dma_semaphore, #tpu.memory_space<semaphore_mem>>
      %dma_start3A_209 = tpu.memref_squeeze %dma_start3A_208 : memref<1x!tpu.dma_semaphore, #tpu.memory_space<semaphore_mem>> -> memref<!tpu.dma_semaphore, #tpu.memory_space<semaphore_mem>>
      tpu.enqueue_indirect_dma source(%dma_start3A_201 : memref<40x128xf32, #tpu.memory_space<vmem>>) target(%dma_start3A_207 : memref<10240x128xf32, #tpu.memory_space<vmem_shared>>) offsets(%dma_start3A_204 : memref<40xi32, #tpu.memory_space<vmem>>) semaphore(%dma_start3A_209 : memref<!tpu.dma_semaphore, #tpu.memory_space<semaphore_mem>>) {add = true}
      %dma_wait3A_210 = arith.constant 0 : i32
      %dma_wait3A_211 = arith.constant 0 : i32
      %dma_wait3A_212 = arith.constant 0 : i32
      %dma_wait3A_213 = arith.constant 0 : i32
      %dma_wait3A_214 = arith.constant 0 : i32
      %dma_wait3A_215 = tpu.memref_slice %arg9[%dma_wait3A_210, %dma_wait3A_213, %dma_wait3A_214] : memref<5x40x128xf32, #tpu.memory_space<vmem>> -> memref<1x40x128xf32, #tpu.memory_space<vmem>>
      %dma_wait3A_216 = tpu.memref_squeeze %dma_wait3A_215 : memref<1x40x128xf32, #tpu.memory_space<vmem>> -> memref<40x128xf32, #tpu.memory_space<vmem>>
      %dma_wait3A_217 = arith.constant 0 : i32
      %dma_wait3A_218 = tpu.memref_slice %arg8[%dma_wait3A_211, %dma_wait3A_217] : memref<5x40xi32, #tpu.memory_space<vmem>> -> memref<1x40xi32, #tpu.memory_space<vmem>>
      %dma_wait3A_219 = tpu.memref_squeeze %dma_wait3A_218 : memref<1x40xi32, #tpu.memory_space<vmem>> -> memref<40xi32, #tpu.memory_space<vmem>>
      %dma_wait3A_220 = arith.constant 0 : i32
      %dma_wait3A_221 = arith.constant 0 : i32
      %dma_wait3A_222 = tpu.memref_slice %arg10[%dma_wait3A_220, %dma_wait3A_221] : memref<10240x128xf32, #tpu.memory_space<vmem_shared>> -> memref<10240x128xf32, #tpu.memory_space<vmem_shared>>
      %dma_wait3A_223 = tpu.memref_slice %arg12[%dma_wait3A_212] : memref<5x!tpu.dma_semaphore, #tpu.memory_space<semaphore_mem>> -> memref<1x!tpu.dma_semaphore, #tpu.memory_space<semaphore_mem>>
      %dma_wait3A_224 = tpu.memref_squeeze %dma_wait3A_223 : memref<1x!tpu.dma_semaphore, #tpu.memory_space<semaphore_mem>> -> memref<!tpu.dma_semaphore, #tpu.memory_space<semaphore_mem>>
      tpu.wait_indirect_dma semaphore(%dma_wait3A_224 : memref<!tpu.dma_semaphore, #tpu.memory_space<semaphore_mem>>) src(%dma_wait3A_216 : memref<40x128xf32, #tpu.memory_space<vmem>>) dst(%dma_wait3A_222 : memref<10240x128xf32, #tpu.memory_space<vmem_shared>>)
      %add3A_225 = arith.constant 5 : i32
      %add3A_226 = arith.addi %add3A_165, %add3A_225 : i32
      %lt3A = arith.constant 250 : i32
      %lt3A_227 = arith.cmpi slt, %add3A_226, %lt3A : i32
      %convert_element_type3A = arith.extui %lt3A_227 : i1 to i32
      %cond3A = arith.constant 0 : i32
      %cond3A_228 = arith.cmpi ne, %convert_element_type3A, %cond3A : i32
      scf.if %cond3A_228 {
        %add3A_513 = arith.constant 5 : i32
        %add3A_514 = arith.addi %add3A_165, %add3A_513 : i32
        %dma_start3A_515 = arith.constant 0 : i32
        %dma_start3A_516 = arith.constant 0 : i32
        %dma_start3A_517 = arith.constant 0 : i32
        %dma_start3A_518 = tpu.memref_slice %arg8[%dma_start3A_515, %dma_start3A_517] : memref<5x40xi32, #tpu.memory_space<vmem>> -> memref<1x40xi32, #tpu.memory_space<vmem>>
        %dma_start3A_519 = tpu.memref_squeeze %dma_start3A_518 : memref<1x40xi32, #tpu.memory_space<vmem>> -> memref<40xi32, #tpu.memory_space<vmem>>
        %dma_start3A_520 = arith.constant 0 : i32
        %dma_start3A_521 = tpu.memref_slice %arg4[%add3A, %add3A_514, %dma_start3A_520] : memref<32x250x40xi32, #tpu.memory_space<hbm>> -> memref<1x1x40xi32, #tpu.memory_space<hbm>>
        %dma_start3A_522 = tpu.memref_squeeze %dma_start3A_521 : memref<1x1x40xi32, #tpu.memory_space<hbm>> -> memref<40xi32, #tpu.memory_space<hbm>>
        %dma_start3A_523 = tpu.memref_slice %arg13[%dma_start3A_516] : memref<5x!tpu.dma_semaphore, #tpu.memory_space<semaphore_mem>> -> memref<1x!tpu.dma_semaphore, #tpu.memory_space<semaphore_mem>>
        %dma_start3A_524 = tpu.memref_squeeze %dma_start3A_523 : memref<1x!tpu.dma_semaphore, #tpu.memory_space<semaphore_mem>> -> memref<!tpu.dma_semaphore, #tpu.memory_space<semaphore_mem>>
        %dma_start3A_525 = arith.constant 0 : i32
        %dma_start3A_526 = tpu.memref_slice %arg8[%dma_start3A_515, %dma_start3A_525] : memref<5x40xi32, #tpu.memory_space<vmem>> -> memref<1x40xi32, #tpu.memory_space<vmem>>
        %dma_start3A_527 = tpu.memref_squeeze %dma_start3A_526 : memref<1x40xi32, #tpu.memory_space<vmem>> -> memref<40xi32, #tpu.memory_space<vmem>>
        %dma_start3A_528 = arith.constant 0 : i32
        %dma_start3A_529 = tpu.memref_slice %arg4[%add3A, %add3A_514, %dma_start3A_528] : memref<32x250x40xi32, #tpu.memory_space<hbm>> -> memref<1x1x40xi32, #tpu.memory_space<hbm>>
        %dma_start3A_530 = tpu.memref_squeeze %dma_start3A_529 : memref<1x1x40xi32, #tpu.memory_space<hbm>> -> memref<40xi32, #tpu.memory_space<hbm>>
        tpu.enqueue_dma source(%dma_start3A_530 : memref<40xi32, #tpu.memory_space<hbm>>) target(%dma_start3A_527 : memref<40xi32, #tpu.memory_space<vmem>>) target_semaphore(%dma_start3A_524 : memref<!tpu.dma_semaphore, #tpu.memory_space<semaphore_mem>>)
        %add3A_531 = arith.constant 5 : i32
        %add3A_532 = arith.addi %add3A_165, %add3A_531 : i32
        %mul3A_533 = arith.constant 40 : i32
        %mul3A_534 = arith.muli %add3A_532, %mul3A_533 : i32
        %dma_start3A_535 = arith.constant 0 : i32
        %dma_start3A_536 = arith.constant 0 : i32
        %dma_start3A_537 = arith.constant 0 : i32
        %dma_start3A_538 = arith.constant 0 : i32
        %dma_start3A_539 = tpu.memref_slice %arg9[%dma_start3A_535, %dma_start3A_537, %dma_start3A_538] : memref<5x40x128xf32, #tpu.memory_space<vmem>> -> memref<1x40x128xf32, #tpu.memory_space<vmem>>
        %dma_start3A_540 = tpu.memref_squeeze %dma_start3A_539 : memref<1x40x128xf32, #tpu.memory_space<vmem>> -> memref<40x128xf32, #tpu.memory_space<vmem>>
        %dma_start3A_541 = tpu.memref_slice %arg7[%mul3A_534] : memref<10000xi32, #tpu.memory_space<vmem>> -> memref<40xi32, #tpu.memory_space<vmem>>
        %dma_start3A_542 = arith.constant 0 : i32
        %dma_start3A_543 = arith.constant 0 : i32
        %dma_start3A_544 = tpu.memref_slice %arg2[%dma_start3A_542, %dma_start3A_543] : memref<10240x128xf32, #tpu.memory_space<hbm>> -> memref<10240x128xf32, #tpu.memory_space<hbm>>
        %dma_start3A_545 = tpu.memref_slice %arg11[%dma_start3A_536] : memref<5x!tpu.dma_semaphore, #tpu.memory_space<semaphore_mem>> -> memref<1x!tpu.dma_semaphore, #tpu.memory_space<semaphore_mem>>
        %dma_start3A_546 = tpu.memref_squeeze %dma_start3A_545 : memref<1x!tpu.dma_semaphore, #tpu.memory_space<semaphore_mem>> -> memref<!tpu.dma_semaphore, #tpu.memory_space<semaphore_mem>>
        tpu.enqueue_indirect_dma source(%dma_start3A_544 : memref<10240x128xf32, #tpu.memory_space<hbm>>) target(%dma_start3A_540 : memref<40x128xf32, #tpu.memory_space<vmem>>) offsets(%dma_start3A_541 : memref<40xi32, #tpu.memory_space<vmem>>) semaphore(%dma_start3A_546 : memref<!tpu.dma_semaphore, #tpu.memory_space<semaphore_mem>>)
      } else {
      }
      %mul3A_229 = arith.constant 5 : i32
      %mul3A_230 = arith.muli %scan3A_161, %mul3A_229 : i32
      %add3A_231 = arith.constant 1 : i32
      %add3A_232 = arith.addi %mul3A_230, %add3A_231 : i32
      %dma_wait3A_233 = arith.constant 1 : i32
      %dma_wait3A_234 = arith.constant 1 : i32
      %dma_wait3A_235 = arith.constant 0 : i32
      %dma_wait3A_236 = tpu.memref_slice %arg8[%dma_wait3A_233, %dma_wait3A_235] : memref<5x40xi32, #tpu.memory_space<vmem>> -> memref<1x40xi32, #tpu.memory_space<vmem>>
      %dma_wait3A_237 = tpu.memref_squeeze %dma_wait3A_236 : memref<1x40xi32, #tpu.memory_space<vmem>> -> memref<40xi32, #tpu.memory_space<vmem>>
      %dma_wait3A_238 = arith.constant 0 : i32
      %dma_wait3A_239 = tpu.memref_slice %arg4[%add3A, %add3A_232, %dma_wait3A_238] : memref<32x250x40xi32, #tpu.memory_space<hbm>> -> memref<1x1x40xi32, #tpu.memory_space<hbm>>
      %dma_wait3A_240 = tpu.memref_squeeze %dma_wait3A_239 : memref<1x1x40xi32, #tpu.memory_space<hbm>> -> memref<40xi32, #tpu.memory_space<hbm>>
      %dma_wait3A_241 = tpu.memref_slice %arg13[%dma_wait3A_234] : memref<5x!tpu.dma_semaphore, #tpu.memory_space<semaphore_mem>> -> memref<1x!tpu.dma_semaphore, #tpu.memory_space<semaphore_mem>>
      %dma_wait3A_242 = tpu.memref_squeeze %dma_wait3A_241 : memref<1x!tpu.dma_semaphore, #tpu.memory_space<semaphore_mem>> -> memref<!tpu.dma_semaphore, #tpu.memory_space<semaphore_mem>>
      %dma_wait3A_243 = arith.constant 0 : i32
      %dma_wait3A_244 = tpu.memref_slice %arg8[%dma_wait3A_233, %dma_wait3A_243] : memref<5x40xi32, #tpu.memory_space<vmem>> -> memref<1x40xi32, #tpu.memory_space<vmem>>
      %dma_wait3A_245 = tpu.memref_squeeze %dma_wait3A_244 : memref<1x40xi32, #tpu.memory_space<vmem>> -> memref<40xi32, #tpu.memory_space<vmem>>
      %dma_wait3A_246 = arith.constant 0 : i32
      %dma_wait3A_247 = tpu.memref_slice %arg4[%add3A, %add3A_232, %dma_wait3A_246] : memref<32x250x40xi32, #tpu.memory_space<hbm>> -> memref<1x1x40xi32, #tpu.memory_space<hbm>>
      %dma_wait3A_248 = tpu.memref_squeeze %dma_wait3A_247 : memref<1x1x40xi32, #tpu.memory_space<hbm>> -> memref<40xi32, #tpu.memory_space<hbm>>
      tpu.wait_dma2 semaphore(%dma_wait3A_242 : memref<!tpu.dma_semaphore, #tpu.memory_space<semaphore_mem>>) src(%dma_wait3A_248 : memref<40xi32, #tpu.memory_space<hbm>>) dst(%dma_wait3A_245 : memref<40xi32, #tpu.memory_space<vmem>>)
      %mul3A_249 = arith.constant 40 : i32
      %mul3A_250 = arith.muli %add3A_232, %mul3A_249 : i32
      %dma_wait3A_251 = arith.constant 1 : i32
      %dma_wait3A_252 = arith.constant 1 : i32
      %dma_wait3A_253 = arith.constant 0 : i32
      %dma_wait3A_254 = arith.constant 0 : i32
      %dma_wait3A_255 = tpu.memref_slice %arg9[%dma_wait3A_251, %dma_wait3A_253, %dma_wait3A_254] : memref<5x40x128xf32, #tpu.memory_space<vmem>> -> memref<1x40x128xf32, #tpu.memory_space<vmem>>
      %dma_wait3A_256 = tpu.memref_squeeze %dma_wait3A_255 : memref<1x40x128xf32, #tpu.memory_space<vmem>> -> memref<40x128xf32, #tpu.memory_space<vmem>>
      %dma_wait3A_257 = tpu.memref_slice %arg7[%mul3A_250] : memref<10000xi32, #tpu.memory_space<vmem>> -> memref<40xi32, #tpu.memory_space<vmem>>
      %dma_wait3A_258 = arith.constant 0 : i32
      %dma_wait3A_259 = arith.constant 0 : i32
      %dma_wait3A_260 = tpu.memref_slice %arg2[%dma_wait3A_258, %dma_wait3A_259] : memref<10240x128xf32, #tpu.memory_space<hbm>> -> memref<10240x128xf32, #tpu.memory_space<hbm>>
      %dma_wait3A_261 = tpu.memref_slice %arg11[%dma_wait3A_252] : memref<5x!tpu.dma_semaphore, #tpu.memory_space<semaphore_mem>> -> memref<1x!tpu.dma_semaphore, #tpu.memory_space<semaphore_mem>>
      %dma_wait3A_262 = tpu.memref_squeeze %dma_wait3A_261 : memref<1x!tpu.dma_semaphore, #tpu.memory_space<semaphore_mem>> -> memref<!tpu.dma_semaphore, #tpu.memory_space<semaphore_mem>>
      tpu.wait_indirect_dma semaphore(%dma_wait3A_262 : memref<!tpu.dma_semaphore, #tpu.memory_space<semaphore_mem>>) src(%dma_wait3A_260 : memref<10240x128xf32, #tpu.memory_space<hbm>>) dst(%dma_wait3A_256 : memref<40x128xf32, #tpu.memory_space<vmem>>)
      %dma_start3A_263 = arith.constant 1 : i32
      %dma_start3A_264 = arith.constant 1 : i32
      %dma_start3A_265 = arith.constant 1 : i32
      %dma_start3A_266 = arith.constant 0 : i32
      %dma_start3A_267 = arith.constant 0 : i32
      %dma_start3A_268 = tpu.memref_slice %arg9[%dma_start3A_263, %dma_start3A_266, %dma_start3A_267] : memref<5x40x128xf32, #tpu.memory_space<vmem>> -> memref<1x40x128xf32, #tpu.memory_space<vmem>>
      %dma_start3A_269 = tpu.memref_squeeze %dma_start3A_268 : memref<1x40x128xf32, #tpu.memory_space<vmem>> -> memref<40x128xf32, #tpu.memory_space<vmem>>
      %dma_start3A_270 = arith.constant 0 : i32
      %dma_start3A_271 = tpu.memref_slice %arg8[%dma_start3A_264, %dma_start3A_270] : memref<5x40xi32, #tpu.memory_space<vmem>> -> memref<1x40xi32, #tpu.memory_space<vmem>>
      %dma_start3A_272 = tpu.memref_squeeze %dma_start3A_271 : memref<1x40xi32, #tpu.memory_space<vmem>> -> memref<40xi32, #tpu.memory_space<vmem>>
      %dma_start3A_273 = arith.constant 0 : i32
      %dma_start3A_274 = arith.constant 0 : i32
      %dma_start3A_275 = tpu.memref_slice %arg10[%dma_start3A_273, %dma_start3A_274] : memref<10240x128xf32, #tpu.memory_space<vmem_shared>> -> memref<10240x128xf32, #tpu.memory_space<vmem_shared>>
      %dma_start3A_276 = tpu.memref_slice %arg12[%dma_start3A_265] : memref<5x!tpu.dma_semaphore, #tpu.memory_space<semaphore_mem>> -> memref<1x!tpu.dma_semaphore, #tpu.memory_space<semaphore_mem>>
      %dma_start3A_277 = tpu.memref_squeeze %dma_start3A_276 : memref<1x!tpu.dma_semaphore, #tpu.memory_space<semaphore_mem>> -> memref<!tpu.dma_semaphore, #tpu.memory_space<semaphore_mem>>
      tpu.enqueue_indirect_dma source(%dma_start3A_269 : memref<40x128xf32, #tpu.memory_space<vmem>>) target(%dma_start3A_275 : memref<10240x128xf32, #tpu.memory_space<vmem_shared>>) offsets(%dma_start3A_272 : memref<40xi32, #tpu.memory_space<vmem>>) semaphore(%dma_start3A_277 : memref<!tpu.dma_semaphore, #tpu.memory_space<semaphore_mem>>) {add = true}
      %dma_wait3A_278 = arith.constant 1 : i32
      %dma_wait3A_279 = arith.constant 1 : i32
      %dma_wait3A_280 = arith.constant 1 : i32
      %dma_wait3A_281 = arith.constant 0 : i32
      %dma_wait3A_282 = arith.constant 0 : i32
      %dma_wait3A_283 = tpu.memref_slice %arg9[%dma_wait3A_278, %dma_wait3A_281, %dma_wait3A_282] : memref<5x40x128xf32, #tpu.memory_space<vmem>> -> memref<1x40x128xf32, #tpu.memory_space<vmem>>
      %dma_wait3A_284 = tpu.memref_squeeze %dma_wait3A_283 : memref<1x40x128xf32, #tpu.memory_space<vmem>> -> memref<40x128xf32, #tpu.memory_space<vmem>>
      %dma_wait3A_285 = arith.constant 0 : i32
      %dma_wait3A_286 = tpu.memref_slice %arg8[%dma_wait3A_279, %dma_wait3A_285] : memref<5x40xi32, #tpu.memory_space<vmem>> -> memref<1x40xi32, #tpu.memory_space<vmem>>
      %dma_wait3A_287 = tpu.memref_squeeze %dma_wait3A_286 : memref<1x40xi32, #tpu.memory_space<vmem>> -> memref<40xi32, #tpu.memory_space<vmem>>
      %dma_wait3A_288 = arith.constant 0 : i32
      %dma_wait3A_289 = arith.constant 0 : i32
      %dma_wait3A_290 = tpu.memref_slice %arg10[%dma_wait3A_288, %dma_wait3A_289] : memref<10240x128xf32, #tpu.memory_space<vmem_shared>> -> memref<10240x128xf32, #tpu.memory_space<vmem_shared>>
      %dma_wait3A_291 = tpu.memref_slice %arg12[%dma_wait3A_280] : memref<5x!tpu.dma_semaphore, #tpu.memory_space<semaphore_mem>> -> memref<1x!tpu.dma_semaphore, #tpu.memory_space<semaphore_mem>>
      %dma_wait3A_292 = tpu.memref_squeeze %dma_wait3A_291 : memref<1x!tpu.dma_semaphore, #tpu.memory_space<semaphore_mem>> -> memref<!tpu.dma_semaphore, #tpu.memory_space<semaphore_mem>>
      tpu.wait_indirect_dma semaphore(%dma_wait3A_292 : memref<!tpu.dma_semaphore, #tpu.memory_space<semaphore_mem>>) src(%dma_wait3A_284 : memref<40x128xf32, #tpu.memory_space<vmem>>) dst(%dma_wait3A_290 : memref<10240x128xf32, #tpu.memory_space<vmem_shared>>)
      %add3A_293 = arith.constant 5 : i32
      %add3A_294 = arith.addi %add3A_232, %add3A_293 : i32
      %lt3A_295 = arith.constant 250 : i32
      %lt3A_296 = arith.cmpi slt, %add3A_294, %lt3A_295 : i32
      %convert_element_type3A_297 = arith.extui %lt3A_296 : i1 to i32
      %cond3A_298 = arith.constant 0 : i32
      %cond3A_299 = arith.cmpi ne, %convert_element_type3A_297, %cond3A_298 : i32
      scf.if %cond3A_299 {
        %add3A_513 = arith.constant 5 : i32
        %add3A_514 = arith.addi %add3A_232, %add3A_513 : i32
        %dma_start3A_515 = arith.constant 1 : i32
        %dma_start3A_516 = arith.constant 1 : i32
        %dma_start3A_517 = arith.constant 0 : i32
        %dma_start3A_518 = tpu.memref_slice %arg8[%dma_start3A_515, %dma_start3A_517] : memref<5x40xi32, #tpu.memory_space<vmem>> -> memref<1x40xi32, #tpu.memory_space<vmem>>
        %dma_start3A_519 = tpu.memref_squeeze %dma_start3A_518 : memref<1x40xi32, #tpu.memory_space<vmem>> -> memref<40xi32, #tpu.memory_space<vmem>>
        %dma_start3A_520 = arith.constant 0 : i32
        %dma_start3A_521 = tpu.memref_slice %arg4[%add3A, %add3A_514, %dma_start3A_520] : memref<32x250x40xi32, #tpu.memory_space<hbm>> -> memref<1x1x40xi32, #tpu.memory_space<hbm>>
        %dma_start3A_522 = tpu.memref_squeeze %dma_start3A_521 : memref<1x1x40xi32, #tpu.memory_space<hbm>> -> memref<40xi32, #tpu.memory_space<hbm>>
        %dma_start3A_523 = tpu.memref_slice %arg13[%dma_start3A_516] : memref<5x!tpu.dma_semaphore, #tpu.memory_space<semaphore_mem>> -> memref<1x!tpu.dma_semaphore, #tpu.memory_space<semaphore_mem>>
        %dma_start3A_524 = tpu.memref_squeeze %dma_start3A_523 : memref<1x!tpu.dma_semaphore, #tpu.memory_space<semaphore_mem>> -> memref<!tpu.dma_semaphore, #tpu.memory_space<semaphore_mem>>
        %dma_start3A_525 = arith.constant 0 : i32
        %dma_start3A_526 = tpu.memref_slice %arg8[%dma_start3A_515, %dma_start3A_525] : memref<5x40xi32, #tpu.memory_space<vmem>> -> memref<1x40xi32, #tpu.memory_space<vmem>>
        %dma_start3A_527 = tpu.memref_squeeze %dma_start3A_526 : memref<1x40xi32, #tpu.memory_space<vmem>> -> memref<40xi32, #tpu.memory_space<vmem>>
        %dma_start3A_528 = arith.constant 0 : i32
        %dma_start3A_529 = tpu.memref_slice %arg4[%add3A, %add3A_514, %dma_start3A_528] : memref<32x250x40xi32, #tpu.memory_space<hbm>> -> memref<1x1x40xi32, #tpu.memory_space<hbm>>
        %dma_start3A_530 = tpu.memref_squeeze %dma_start3A_529 : memref<1x1x40xi32, #tpu.memory_space<hbm>> -> memref<40xi32, #tpu.memory_space<hbm>>
        tpu.enqueue_dma source(%dma_start3A_530 : memref<40xi32, #tpu.memory_space<hbm>>) target(%dma_start3A_527 : memref<40xi32, #tpu.memory_space<vmem>>) target_semaphore(%dma_start3A_524 : memref<!tpu.dma_semaphore, #tpu.memory_space<semaphore_mem>>)
        %add3A_531 = arith.constant 5 : i32
        %add3A_532 = arith.addi %add3A_232, %add3A_531 : i32
        %mul3A_533 = arith.constant 40 : i32
        %mul3A_534 = arith.muli %add3A_532, %mul3A_533 : i32
        %dma_start3A_535 = arith.constant 1 : i32
        %dma_start3A_536 = arith.constant 1 : i32
        %dma_start3A_537 = arith.constant 0 : i32
        %dma_start3A_538 = arith.constant 0 : i32
        %dma_start3A_539 = tpu.memref_slice %arg9[%dma_start3A_535, %dma_start3A_537, %dma_start3A_538] : memref<5x40x128xf32, #tpu.memory_space<vmem>> -> memref<1x40x128xf32, #tpu.memory_space<vmem>>
        %dma_start3A_540 = tpu.memref_squeeze %dma_start3A_539 : memref<1x40x128xf32, #tpu.memory_space<vmem>> -> memref<40x128xf32, #tpu.memory_space<vmem>>
        %dma_start3A_541 = tpu.memref_slice %arg7[%mul3A_534] : memref<10000xi32, #tpu.memory_space<vmem>> -> memref<40xi32, #tpu.memory_space<vmem>>
        %dma_start3A_542 = arith.constant 0 : i32
        %dma_start3A_543 = arith.constant 0 : i32
        %dma_start3A_544 = tpu.memref_slice %arg2[%dma_start3A_542, %dma_start3A_543] : memref<10240x128xf32, #tpu.memory_space<hbm>> -> memref<10240x128xf32, #tpu.memory_space<hbm>>
        %dma_start3A_545 = tpu.memref_slice %arg11[%dma_start3A_536] : memref<5x!tpu.dma_semaphore, #tpu.memory_space<semaphore_mem>> -> memref<1x!tpu.dma_semaphore, #tpu.memory_space<semaphore_mem>>
        %dma_start3A_546 = tpu.memref_squeeze %dma_start3A_545 : memref<1x!tpu.dma_semaphore, #tpu.memory_space<semaphore_mem>> -> memref<!tpu.dma_semaphore, #tpu.memory_space<semaphore_mem>>
        tpu.enqueue_indirect_dma source(%dma_start3A_544 : memref<10240x128xf32, #tpu.memory_space<hbm>>) target(%dma_start3A_540 : memref<40x128xf32, #tpu.memory_space<vmem>>) offsets(%dma_start3A_541 : memref<40xi32, #tpu.memory_space<vmem>>) semaphore(%dma_start3A_546 : memref<!tpu.dma_semaphore, #tpu.memory_space<semaphore_mem>>)
      } else {
      }
      %mul3A_300 = arith.constant 5 : i32
      %mul3A_301 = arith.muli %scan3A_161, %mul3A_300 : i32
      %add3A_302 = arith.constant 2 : i32
      %add3A_303 = arith.addi %mul3A_301, %add3A_302 : i32
      %dma_wait3A_304 = arith.constant 2 : i32
      %dma_wait3A_305 = arith.constant 2 : i32
      %dma_wait3A_306 = arith.constant 0 : i32
      %dma_wait3A_307 = tpu.memref_slice %arg8[%dma_wait3A_304, %dma_wait3A_306] : memref<5x40xi32, #tpu.memory_space<vmem>> -> memref<1x40xi32, #tpu.memory_space<vmem>>
      %dma_wait3A_308 = tpu.memref_squeeze %dma_wait3A_307 : memref<1x40xi32, #tpu.memory_space<vmem>> -> memref<40xi32, #tpu.memory_space<vmem>>
      %dma_wait3A_309 = arith.constant 0 : i32
      %dma_wait3A_310 = tpu.memref_slice %arg4[%add3A, %add3A_303, %dma_wait3A_309] : memref<32x250x40xi32, #tpu.memory_space<hbm>> -> memref<1x1x40xi32, #tpu.memory_space<hbm>>
      %dma_wait3A_311 = tpu.memref_squeeze %dma_wait3A_310 : memref<1x1x40xi32, #tpu.memory_space<hbm>> -> memref<40xi32, #tpu.memory_space<hbm>>
      %dma_wait3A_312 = tpu.memref_slice %arg13[%dma_wait3A_305] : memref<5x!tpu.dma_semaphore, #tpu.memory_space<semaphore_mem>> -> memref<1x!tpu.dma_semaphore, #tpu.memory_space<semaphore_mem>>
      %dma_wait3A_313 = tpu.memref_squeeze %dma_wait3A_312 : memref<1x!tpu.dma_semaphore, #tpu.memory_space<semaphore_mem>> -> memref<!tpu.dma_semaphore, #tpu.memory_space<semaphore_mem>>
      %dma_wait3A_314 = arith.constant 0 : i32
      %dma_wait3A_315 = tpu.memref_slice %arg8[%dma_wait3A_304, %dma_wait3A_314] : memref<5x40xi32, #tpu.memory_space<vmem>> -> memref<1x40xi32, #tpu.memory_space<vmem>>
      %dma_wait3A_316 = tpu.memref_squeeze %dma_wait3A_315 : memref<1x40xi32, #tpu.memory_space<vmem>> -> memref<40xi32, #tpu.memory_space<vmem>>
      %dma_wait3A_317 = arith.constant 0 : i32
      %dma_wait3A_318 = tpu.memref_slice %arg4[%add3A, %add3A_303, %dma_wait3A_317] : memref<32x250x40xi32, #tpu.memory_space<hbm>> -> memref<1x1x40xi32, #tpu.memory_space<hbm>>
      %dma_wait3A_319 = tpu.memref_squeeze %dma_wait3A_318 : memref<1x1x40xi32, #tpu.memory_space<hbm>> -> memref<40xi32, #tpu.memory_space<hbm>>
      tpu.wait_dma2 semaphore(%dma_wait3A_313 : memref<!tpu.dma_semaphore, #tpu.memory_space<semaphore_mem>>) src(%dma_wait3A_319 : memref<40xi32, #tpu.memory_space<hbm>>) dst(%dma_wait3A_316 : memref<40xi32, #tpu.memory_space<vmem>>)
      %mul3A_320 = arith.constant 40 : i32
      %mul3A_321 = arith.muli %add3A_303, %mul3A_320 : i32
      %dma_wait3A_322 = arith.constant 2 : i32
      %dma_wait3A_323 = arith.constant 2 : i32
      %dma_wait3A_324 = arith.constant 0 : i32
      %dma_wait3A_325 = arith.constant 0 : i32
      %dma_wait3A_326 = tpu.memref_slice %arg9[%dma_wait3A_322, %dma_wait3A_324, %dma_wait3A_325] : memref<5x40x128xf32, #tpu.memory_space<vmem>> -> memref<1x40x128xf32, #tpu.memory_space<vmem>>
      %dma_wait3A_327 = tpu.memref_squeeze %dma_wait3A_326 : memref<1x40x128xf32, #tpu.memory_space<vmem>> -> memref<40x128xf32, #tpu.memory_space<vmem>>
      %dma_wait3A_328 = tpu.memref_slice %arg7[%mul3A_321] : memref<10000xi32, #tpu.memory_space<vmem>> -> memref<40xi32, #tpu.memory_space<vmem>>
      %dma_wait3A_329 = arith.constant 0 : i32
      %dma_wait3A_330 = arith.constant 0 : i32
      %dma_wait3A_331 = tpu.memref_slice %arg2[%dma_wait3A_329, %dma_wait3A_330] : memref<10240x128xf32, #tpu.memory_space<hbm>> -> memref<10240x128xf32, #tpu.memory_space<hbm>>
      %dma_wait3A_332 = tpu.memref_slice %arg11[%dma_wait3A_323] : memref<5x!tpu.dma_semaphore, #tpu.memory_space<semaphore_mem>> -> memref<1x!tpu.dma_semaphore, #tpu.memory_space<semaphore_mem>>
      %dma_wait3A_333 = tpu.memref_squeeze %dma_wait3A_332 : memref<1x!tpu.dma_semaphore, #tpu.memory_space<semaphore_mem>> -> memref<!tpu.dma_semaphore, #tpu.memory_space<semaphore_mem>>
      tpu.wait_indirect_dma semaphore(%dma_wait3A_333 : memref<!tpu.dma_semaphore, #tpu.memory_space<semaphore_mem>>) src(%dma_wait3A_331 : memref<10240x128xf32, #tpu.memory_space<hbm>>) dst(%dma_wait3A_327 : memref<40x128xf32, #tpu.memory_space<vmem>>)
      %dma_start3A_334 = arith.constant 2 : i32
      %dma_start3A_335 = arith.constant 2 : i32
      %dma_start3A_336 = arith.constant 2 : i32
      %dma_start3A_337 = arith.constant 0 : i32
      %dma_start3A_338 = arith.constant 0 : i32
      %dma_start3A_339 = tpu.memref_slice %arg9[%dma_start3A_334, %dma_start3A_337, %dma_start3A_338] : memref<5x40x128xf32, #tpu.memory_space<vmem>> -> memref<1x40x128xf32, #tpu.memory_space<vmem>>
      %dma_start3A_340 = tpu.memref_squeeze %dma_start3A_339 : memref<1x40x128xf32, #tpu.memory_space<vmem>> -> memref<40x128xf32, #tpu.memory_space<vmem>>
      %dma_start3A_341 = arith.constant 0 : i32
      %dma_start3A_342 = tpu.memref_slice %arg8[%dma_start3A_335, %dma_start3A_341] : memref<5x40xi32, #tpu.memory_space<vmem>> -> memref<1x40xi32, #tpu.memory_space<vmem>>
      %dma_start3A_343 = tpu.memref_squeeze %dma_start3A_342 : memref<1x40xi32, #tpu.memory_space<vmem>> -> memref<40xi32, #tpu.memory_space<vmem>>
      %dma_start3A_344 = arith.constant 0 : i32
      %dma_start3A_345 = arith.constant 0 : i32
      %dma_start3A_346 = tpu.memref_slice %arg10[%dma_start3A_344, %dma_start3A_345] : memref<10240x128xf32, #tpu.memory_space<vmem_shared>> -> memref<10240x128xf32, #tpu.memory_space<vmem_shared>>
      %dma_start3A_347 = tpu.memref_slice %arg12[%dma_start3A_336] : memref<5x!tpu.dma_semaphore, #tpu.memory_space<semaphore_mem>> -> memref<1x!tpu.dma_semaphore, #tpu.memory_space<semaphore_mem>>
      %dma_start3A_348 = tpu.memref_squeeze %dma_start3A_347 : memref<1x!tpu.dma_semaphore, #tpu.memory_space<semaphore_mem>> -> memref<!tpu.dma_semaphore, #tpu.memory_space<semaphore_mem>>
      tpu.enqueue_indirect_dma source(%dma_start3A_340 : memref<40x128xf32, #tpu.memory_space<vmem>>) target(%dma_start3A_346 : memref<10240x128xf32, #tpu.memory_space<vmem_shared>>) offsets(%dma_start3A_343 : memref<40xi32, #tpu.memory_space<vmem>>) semaphore(%dma_start3A_348 : memref<!tpu.dma_semaphore, #tpu.memory_space<semaphore_mem>>) {add = true}
      %dma_wait3A_349 = arith.constant 2 : i32
      %dma_wait3A_350 = arith.constant 2 : i32
      %dma_wait3A_351 = arith.constant 2 : i32
      %dma_wait3A_352 = arith.constant 0 : i32
      %dma_wait3A_353 = arith.constant 0 : i32
      %dma_wait3A_354 = tpu.memref_slice %arg9[%dma_wait3A_349, %dma_wait3A_352, %dma_wait3A_353] : memref<5x40x128xf32, #tpu.memory_space<vmem>> -> memref<1x40x128xf32, #tpu.memory_space<vmem>>
      %dma_wait3A_355 = tpu.memref_squeeze %dma_wait3A_354 : memref<1x40x128xf32, #tpu.memory_space<vmem>> -> memref<40x128xf32, #tpu.memory_space<vmem>>
      %dma_wait3A_356 = arith.constant 0 : i32
      %dma_wait3A_357 = tpu.memref_slice %arg8[%dma_wait3A_350, %dma_wait3A_356] : memref<5x40xi32, #tpu.memory_space<vmem>> -> memref<1x40xi32, #tpu.memory_space<vmem>>
      %dma_wait3A_358 = tpu.memref_squeeze %dma_wait3A_357 : memref<1x40xi32, #tpu.memory_space<vmem>> -> memref<40xi32, #tpu.memory_space<vmem>>
      %dma_wait3A_359 = arith.constant 0 : i32
      %dma_wait3A_360 = arith.constant 0 : i32
      %dma_wait3A_361 = tpu.memref_slice %arg10[%dma_wait3A_359, %dma_wait3A_360] : memref<10240x128xf32, #tpu.memory_space<vmem_shared>> -> memref<10240x128xf32, #tpu.memory_space<vmem_shared>>
      %dma_wait3A_362 = tpu.memref_slice %arg12[%dma_wait3A_351] : memref<5x!tpu.dma_semaphore, #tpu.memory_space<semaphore_mem>> -> memref<1x!tpu.dma_semaphore, #tpu.memory_space<semaphore_mem>>
      %dma_wait3A_363 = tpu.memref_squeeze %dma_wait3A_362 : memref<1x!tpu.dma_semaphore, #tpu.memory_space<semaphore_mem>> -> memref<!tpu.dma_semaphore, #tpu.memory_space<semaphore_mem>>
      tpu.wait_indirect_dma semaphore(%dma_wait3A_363 : memref<!tpu.dma_semaphore, #tpu.memory_space<semaphore_mem>>) src(%dma_wait3A_355 : memref<40x128xf32, #tpu.memory_space<vmem>>) dst(%dma_wait3A_361 : memref<10240x128xf32, #tpu.memory_space<vmem_shared>>)
      %add3A_364 = arith.constant 5 : i32
      %add3A_365 = arith.addi %add3A_303, %add3A_364 : i32
      %lt3A_366 = arith.constant 250 : i32
      %lt3A_367 = arith.cmpi slt, %add3A_365, %lt3A_366 : i32
      %convert_element_type3A_368 = arith.extui %lt3A_367 : i1 to i32
      %cond3A_369 = arith.constant 0 : i32
      %cond3A_370 = arith.cmpi ne, %convert_element_type3A_368, %cond3A_369 : i32
      scf.if %cond3A_370 {
        %add3A_513 = arith.constant 5 : i32
        %add3A_514 = arith.addi %add3A_303, %add3A_513 : i32
        %dma_start3A_515 = arith.constant 2 : i32
        %dma_start3A_516 = arith.constant 2 : i32
        %dma_start3A_517 = arith.constant 0 : i32
        %dma_start3A_518 = tpu.memref_slice %arg8[%dma_start3A_515, %dma_start3A_517] : memref<5x40xi32, #tpu.memory_space<vmem>> -> memref<1x40xi32, #tpu.memory_space<vmem>>
        %dma_start3A_519 = tpu.memref_squeeze %dma_start3A_518 : memref<1x40xi32, #tpu.memory_space<vmem>> -> memref<40xi32, #tpu.memory_space<vmem>>
        %dma_start3A_520 = arith.constant 0 : i32
        %dma_start3A_521 = tpu.memref_slice %arg4[%add3A, %add3A_514, %dma_start3A_520] : memref<32x250x40xi32, #tpu.memory_space<hbm>> -> memref<1x1x40xi32, #tpu.memory_space<hbm>>
        %dma_start3A_522 = tpu.memref_squeeze %dma_start3A_521 : memref<1x1x40xi32, #tpu.memory_space<hbm>> -> memref<40xi32, #tpu.memory_space<hbm>>
        %dma_start3A_523 = tpu.memref_slice %arg13[%dma_start3A_516] : memref<5x!tpu.dma_semaphore, #tpu.memory_space<semaphore_mem>> -> memref<1x!tpu.dma_semaphore, #tpu.memory_space<semaphore_mem>>
        %dma_start3A_524 = tpu.memref_squeeze %dma_start3A_523 : memref<1x!tpu.dma_semaphore, #tpu.memory_space<semaphore_mem>> -> memref<!tpu.dma_semaphore, #tpu.memory_space<semaphore_mem>>
        %dma_start3A_525 = arith.constant 0 : i32
        %dma_start3A_526 = tpu.memref_slice %arg8[%dma_start3A_515, %dma_start3A_525] : memref<5x40xi32, #tpu.memory_space<vmem>> -> memref<1x40xi32, #tpu.memory_space<vmem>>
        %dma_start3A_527 = tpu.memref_squeeze %dma_start3A_526 : memref<1x40xi32, #tpu.memory_space<vmem>> -> memref<40xi32, #tpu.memory_space<vmem>>
        %dma_start3A_528 = arith.constant 0 : i32
        %dma_start3A_529 = tpu.memref_slice %arg4[%add3A, %add3A_514, %dma_start3A_528] : memref<32x250x40xi32, #tpu.memory_space<hbm>> -> memref<1x1x40xi32, #tpu.memory_space<hbm>>
        %dma_start3A_530 = tpu.memref_squeeze %dma_start3A_529 : memref<1x1x40xi32, #tpu.memory_space<hbm>> -> memref<40xi32, #tpu.memory_space<hbm>>
        tpu.enqueue_dma source(%dma_start3A_530 : memref<40xi32, #tpu.memory_space<hbm>>) target(%dma_start3A_527 : memref<40xi32, #tpu.memory_space<vmem>>) target_semaphore(%dma_start3A_524 : memref<!tpu.dma_semaphore, #tpu.memory_space<semaphore_mem>>)
        %add3A_531 = arith.constant 5 : i32
        %add3A_532 = arith.addi %add3A_303, %add3A_531 : i32
        %mul3A_533 = arith.constant 40 : i32
        %mul3A_534 = arith.muli %add3A_532, %mul3A_533 : i32
        %dma_start3A_535 = arith.constant 2 : i32
        %dma_start3A_536 = arith.constant 2 : i32
        %dma_start3A_537 = arith.constant 0 : i32
        %dma_start3A_538 = arith.constant 0 : i32
        %dma_start3A_539 = tpu.memref_slice %arg9[%dma_start3A_535, %dma_start3A_537, %dma_start3A_538] : memref<5x40x128xf32, #tpu.memory_space<vmem>> -> memref<1x40x128xf32, #tpu.memory_space<vmem>>
        %dma_start3A_540 = tpu.memref_squeeze %dma_start3A_539 : memref<1x40x128xf32, #tpu.memory_space<vmem>> -> memref<40x128xf32, #tpu.memory_space<vmem>>
        %dma_start3A_541 = tpu.memref_slice %arg7[%mul3A_534] : memref<10000xi32, #tpu.memory_space<vmem>> -> memref<40xi32, #tpu.memory_space<vmem>>
        %dma_start3A_542 = arith.constant 0 : i32
        %dma_start3A_543 = arith.constant 0 : i32
        %dma_start3A_544 = tpu.memref_slice %arg2[%dma_start3A_542, %dma_start3A_543] : memref<10240x128xf32, #tpu.memory_space<hbm>> -> memref<10240x128xf32, #tpu.memory_space<hbm>>
        %dma_start3A_545 = tpu.memref_slice %arg11[%dma_start3A_536] : memref<5x!tpu.dma_semaphore, #tpu.memory_space<semaphore_mem>> -> memref<1x!tpu.dma_semaphore, #tpu.memory_space<semaphore_mem>>
        %dma_start3A_546 = tpu.memref_squeeze %dma_start3A_545 : memref<1x!tpu.dma_semaphore, #tpu.memory_space<semaphore_mem>> -> memref<!tpu.dma_semaphore, #tpu.memory_space<semaphore_mem>>
        tpu.enqueue_indirect_dma source(%dma_start3A_544 : memref<10240x128xf32, #tpu.memory_space<hbm>>) target(%dma_start3A_540 : memref<40x128xf32, #tpu.memory_space<vmem>>) offsets(%dma_start3A_541 : memref<40xi32, #tpu.memory_space<vmem>>) semaphore(%dma_start3A_546 : memref<!tpu.dma_semaphore, #tpu.memory_space<semaphore_mem>>)
      } else {
      }
      %mul3A_371 = arith.constant 5 : i32
      %mul3A_372 = arith.muli %scan3A_161, %mul3A_371 : i32
      %add3A_373 = arith.constant 3 : i32
      %add3A_374 = arith.addi %mul3A_372, %add3A_373 : i32
      %dma_wait3A_375 = arith.constant 3 : i32
      %dma_wait3A_376 = arith.constant 3 : i32
      %dma_wait3A_377 = arith.constant 0 : i32
      %dma_wait3A_378 = tpu.memref_slice %arg8[%dma_wait3A_375, %dma_wait3A_377] : memref<5x40xi32, #tpu.memory_space<vmem>> -> memref<1x40xi32, #tpu.memory_space<vmem>>
      %dma_wait3A_379 = tpu.memref_squeeze %dma_wait3A_378 : memref<1x40xi32, #tpu.memory_space<vmem>> -> memref<40xi32, #tpu.memory_space<vmem>>
      %dma_wait3A_380 = arith.constant 0 : i32
      %dma_wait3A_381 = tpu.memref_slice %arg4[%add3A, %add3A_374, %dma_wait3A_380] : memref<32x250x40xi32, #tpu.memory_space<hbm>> -> memref<1x1x40xi32, #tpu.memory_space<hbm>>
      %dma_wait3A_382 = tpu.memref_squeeze %dma_wait3A_381 : memref<1x1x40xi32, #tpu.memory_space<hbm>> -> memref<40xi32, #tpu.memory_space<hbm>>
      %dma_wait3A_383 = tpu.memref_slice %arg13[%dma_wait3A_376] : memref<5x!tpu.dma_semaphore, #tpu.memory_space<semaphore_mem>> -> memref<1x!tpu.dma_semaphore, #tpu.memory_space<semaphore_mem>>
      %dma_wait3A_384 = tpu.memref_squeeze %dma_wait3A_383 : memref<1x!tpu.dma_semaphore, #tpu.memory_space<semaphore_mem>> -> memref<!tpu.dma_semaphore, #tpu.memory_space<semaphore_mem>>
      %dma_wait3A_385 = arith.constant 0 : i32
      %dma_wait3A_386 = tpu.memref_slice %arg8[%dma_wait3A_375, %dma_wait3A_385] : memref<5x40xi32, #tpu.memory_space<vmem>> -> memref<1x40xi32, #tpu.memory_space<vmem>>
      %dma_wait3A_387 = tpu.memref_squeeze %dma_wait3A_386 : memref<1x40xi32, #tpu.memory_space<vmem>> -> memref<40xi32, #tpu.memory_space<vmem>>
      %dma_wait3A_388 = arith.constant 0 : i32
      %dma_wait3A_389 = tpu.memref_slice %arg4[%add3A, %add3A_374, %dma_wait3A_388] : memref<32x250x40xi32, #tpu.memory_space<hbm>> -> memref<1x1x40xi32, #tpu.memory_space<hbm>>
      %dma_wait3A_390 = tpu.memref_squeeze %dma_wait3A_389 : memref<1x1x40xi32, #tpu.memory_space<hbm>> -> memref<40xi32, #tpu.memory_space<hbm>>
      tpu.wait_dma2 semaphore(%dma_wait3A_384 : memref<!tpu.dma_semaphore, #tpu.memory_space<semaphore_mem>>) src(%dma_wait3A_390 : memref<40xi32, #tpu.memory_space<hbm>>) dst(%dma_wait3A_387 : memref<40xi32, #tpu.memory_space<vmem>>)
      %mul3A_391 = arith.constant 40 : i32
      %mul3A_392 = arith.muli %add3A_374, %mul3A_391 : i32
      %dma_wait3A_393 = arith.constant 3 : i32
      %dma_wait3A_394 = arith.constant 3 : i32
      %dma_wait3A_395 = arith.constant 0 : i32
      %dma_wait3A_396 = arith.constant 0 : i32
      %dma_wait3A_397 = tpu.memref_slice %arg9[%dma_wait3A_393, %dma_wait3A_395, %dma_wait3A_396] : memref<5x40x128xf32, #tpu.memory_space<vmem>> -> memref<1x40x128xf32, #tpu.memory_space<vmem>>
      %dma_wait3A_398 = tpu.memref_squeeze %dma_wait3A_397 : memref<1x40x128xf32, #tpu.memory_space<vmem>> -> memref<40x128xf32, #tpu.memory_space<vmem>>
      %dma_wait3A_399 = tpu.memref_slice %arg7[%mul3A_392] : memref<10000xi32, #tpu.memory_space<vmem>> -> memref<40xi32, #tpu.memory_space<vmem>>
      %dma_wait3A_400 = arith.constant 0 : i32
      %dma_wait3A_401 = arith.constant 0 : i32
      %dma_wait3A_402 = tpu.memref_slice %arg2[%dma_wait3A_400, %dma_wait3A_401] : memref<10240x128xf32, #tpu.memory_space<hbm>> -> memref<10240x128xf32, #tpu.memory_space<hbm>>
      %dma_wait3A_403 = tpu.memref_slice %arg11[%dma_wait3A_394] : memref<5x!tpu.dma_semaphore, #tpu.memory_space<semaphore_mem>> -> memref<1x!tpu.dma_semaphore, #tpu.memory_space<semaphore_mem>>
      %dma_wait3A_404 = tpu.memref_squeeze %dma_wait3A_403 : memref<1x!tpu.dma_semaphore, #tpu.memory_space<semaphore_mem>> -> memref<!tpu.dma_semaphore, #tpu.memory_space<semaphore_mem>>
      tpu.wait_indirect_dma semaphore(%dma_wait3A_404 : memref<!tpu.dma_semaphore, #tpu.memory_space<semaphore_mem>>) src(%dma_wait3A_402 : memref<10240x128xf32, #tpu.memory_space<hbm>>) dst(%dma_wait3A_398 : memref<40x128xf32, #tpu.memory_space<vmem>>)
      %dma_start3A_405 = arith.constant 3 : i32
      %dma_start3A_406 = arith.constant 3 : i32
      %dma_start3A_407 = arith.constant 3 : i32
      %dma_start3A_408 = arith.constant 0 : i32
      %dma_start3A_409 = arith.constant 0 : i32
      %dma_start3A_410 = tpu.memref_slice %arg9[%dma_start3A_405, %dma_start3A_408, %dma_start3A_409] : memref<5x40x128xf32, #tpu.memory_space<vmem>> -> memref<1x40x128xf32, #tpu.memory_space<vmem>>
      %dma_start3A_411 = tpu.memref_squeeze %dma_start3A_410 : memref<1x40x128xf32, #tpu.memory_space<vmem>> -> memref<40x128xf32, #tpu.memory_space<vmem>>
      %dma_start3A_412 = arith.constant 0 : i32
      %dma_start3A_413 = tpu.memref_slice %arg8[%dma_start3A_406, %dma_start3A_412] : memref<5x40xi32, #tpu.memory_space<vmem>> -> memref<1x40xi32, #tpu.memory_space<vmem>>
      %dma_start3A_414 = tpu.memref_squeeze %dma_start3A_413 : memref<1x40xi32, #tpu.memory_space<vmem>> -> memref<40xi32, #tpu.memory_space<vmem>>
      %dma_start3A_415 = arith.constant 0 : i32
      %dma_start3A_416 = arith.constant 0 : i32
      %dma_start3A_417 = tpu.memref_slice %arg10[%dma_start3A_415, %dma_start3A_416] : memref<10240x128xf32, #tpu.memory_space<vmem_shared>> -> memref<10240x128xf32, #tpu.memory_space<vmem_shared>>
      %dma_start3A_418 = tpu.memref_slice %arg12[%dma_start3A_407] : memref<5x!tpu.dma_semaphore, #tpu.memory_space<semaphore_mem>> -> memref<1x!tpu.dma_semaphore, #tpu.memory_space<semaphore_mem>>
      %dma_start3A_419 = tpu.memref_squeeze %dma_start3A_418 : memref<1x!tpu.dma_semaphore, #tpu.memory_space<semaphore_mem>> -> memref<!tpu.dma_semaphore, #tpu.memory_space<semaphore_mem>>
      tpu.enqueue_indirect_dma source(%dma_start3A_411 : memref<40x128xf32, #tpu.memory_space<vmem>>) target(%dma_start3A_417 : memref<10240x128xf32, #tpu.memory_space<vmem_shared>>) offsets(%dma_start3A_414 : memref<40xi32, #tpu.memory_space<vmem>>) semaphore(%dma_start3A_419 : memref<!tpu.dma_semaphore, #tpu.memory_space<semaphore_mem>>) {add = true}
      %dma_wait3A_420 = arith.constant 3 : i32
      %dma_wait3A_421 = arith.constant 3 : i32
      %dma_wait3A_422 = arith.constant 3 : i32
      %dma_wait3A_423 = arith.constant 0 : i32
      %dma_wait3A_424 = arith.constant 0 : i32
      %dma_wait3A_425 = tpu.memref_slice %arg9[%dma_wait3A_420, %dma_wait3A_423, %dma_wait3A_424] : memref<5x40x128xf32, #tpu.memory_space<vmem>> -> memref<1x40x128xf32, #tpu.memory_space<vmem>>
      %dma_wait3A_426 = tpu.memref_squeeze %dma_wait3A_425 : memref<1x40x128xf32, #tpu.memory_space<vmem>> -> memref<40x128xf32, #tpu.memory_space<vmem>>
      %dma_wait3A_427 = arith.constant 0 : i32
      %dma_wait3A_428 = tpu.memref_slice %arg8[%dma_wait3A_421, %dma_wait3A_427] : memref<5x40xi32, #tpu.memory_space<vmem>> -> memref<1x40xi32, #tpu.memory_space<vmem>>
      %dma_wait3A_429 = tpu.memref_squeeze %dma_wait3A_428 : memref<1x40xi32, #tpu.memory_space<vmem>> -> memref<40xi32, #tpu.memory_space<vmem>>
      %dma_wait3A_430 = arith.constant 0 : i32
      %dma_wait3A_431 = arith.constant 0 : i32
      %dma_wait3A_432 = tpu.memref_slice %arg10[%dma_wait3A_430, %dma_wait3A_431] : memref<10240x128xf32, #tpu.memory_space<vmem_shared>> -> memref<10240x128xf32, #tpu.memory_space<vmem_shared>>
      %dma_wait3A_433 = tpu.memref_slice %arg12[%dma_wait3A_422] : memref<5x!tpu.dma_semaphore, #tpu.memory_space<semaphore_mem>> -> memref<1x!tpu.dma_semaphore, #tpu.memory_space<semaphore_mem>>
      %dma_wait3A_434 = tpu.memref_squeeze %dma_wait3A_433 : memref<1x!tpu.dma_semaphore, #tpu.memory_space<semaphore_mem>> -> memref<!tpu.dma_semaphore, #tpu.memory_space<semaphore_mem>>
      tpu.wait_indirect_dma semaphore(%dma_wait3A_434 : memref<!tpu.dma_semaphore, #tpu.memory_space<semaphore_mem>>) src(%dma_wait3A_426 : memref<40x128xf32, #tpu.memory_space<vmem>>) dst(%dma_wait3A_432 : memref<10240x128xf32, #tpu.memory_space<vmem_shared>>)
      %add3A_435 = arith.constant 5 : i32
      %add3A_436 = arith.addi %add3A_374, %add3A_435 : i32
      %lt3A_437 = arith.constant 250 : i32
      %lt3A_438 = arith.cmpi slt, %add3A_436, %lt3A_437 : i32
      %convert_element_type3A_439 = arith.extui %lt3A_438 : i1 to i32
      %cond3A_440 = arith.constant 0 : i32
      %cond3A_441 = arith.cmpi ne, %convert_element_type3A_439, %cond3A_440 : i32
      scf.if %cond3A_441 {
        %add3A_513 = arith.constant 5 : i32
        %add3A_514 = arith.addi %add3A_374, %add3A_513 : i32
        %dma_start3A_515 = arith.constant 3 : i32
        %dma_start3A_516 = arith.constant 3 : i32
        %dma_start3A_517 = arith.constant 0 : i32
        %dma_start3A_518 = tpu.memref_slice %arg8[%dma_start3A_515, %dma_start3A_517] : memref<5x40xi32, #tpu.memory_space<vmem>> -> memref<1x40xi32, #tpu.memory_space<vmem>>
        %dma_start3A_519 = tpu.memref_squeeze %dma_start3A_518 : memref<1x40xi32, #tpu.memory_space<vmem>> -> memref<40xi32, #tpu.memory_space<vmem>>
        %dma_start3A_520 = arith.constant 0 : i32
        %dma_start3A_521 = tpu.memref_slice %arg4[%add3A, %add3A_514, %dma_start3A_520] : memref<32x250x40xi32, #tpu.memory_space<hbm>> -> memref<1x1x40xi32, #tpu.memory_space<hbm>>
        %dma_start3A_522 = tpu.memref_squeeze %dma_start3A_521 : memref<1x1x40xi32, #tpu.memory_space<hbm>> -> memref<40xi32, #tpu.memory_space<hbm>>
        %dma_start3A_523 = tpu.memref_slice %arg13[%dma_start3A_516] : memref<5x!tpu.dma_semaphore, #tpu.memory_space<semaphore_mem>> -> memref<1x!tpu.dma_semaphore, #tpu.memory_space<semaphore_mem>>
        %dma_start3A_524 = tpu.memref_squeeze %dma_start3A_523 : memref<1x!tpu.dma_semaphore, #tpu.memory_space<semaphore_mem>> -> memref<!tpu.dma_semaphore, #tpu.memory_space<semaphore_mem>>
        %dma_start3A_525 = arith.constant 0 : i32
        %dma_start3A_526 = tpu.memref_slice %arg8[%dma_start3A_515, %dma_start3A_525] : memref<5x40xi32, #tpu.memory_space<vmem>> -> memref<1x40xi32, #tpu.memory_space<vmem>>
        %dma_start3A_527 = tpu.memref_squeeze %dma_start3A_526 : memref<1x40xi32, #tpu.memory_space<vmem>> -> memref<40xi32, #tpu.memory_space<vmem>>
        %dma_start3A_528 = arith.constant 0 : i32
        %dma_start3A_529 = tpu.memref_slice %arg4[%add3A, %add3A_514, %dma_start3A_528] : memref<32x250x40xi32, #tpu.memory_space<hbm>> -> memref<1x1x40xi32, #tpu.memory_space<hbm>>
        %dma_start3A_530 = tpu.memref_squeeze %dma_start3A_529 : memref<1x1x40xi32, #tpu.memory_space<hbm>> -> memref<40xi32, #tpu.memory_space<hbm>>
        tpu.enqueue_dma source(%dma_start3A_530 : memref<40xi32, #tpu.memory_space<hbm>>) target(%dma_start3A_527 : memref<40xi32, #tpu.memory_space<vmem>>) target_semaphore(%dma_start3A_524 : memref<!tpu.dma_semaphore, #tpu.memory_space<semaphore_mem>>)
        %add3A_531 = arith.constant 5 : i32
        %add3A_532 = arith.addi %add3A_374, %add3A_531 : i32
        %mul3A_533 = arith.constant 40 : i32
        %mul3A_534 = arith.muli %add3A_532, %mul3A_533 : i32
        %dma_start3A_535 = arith.constant 3 : i32
        %dma_start3A_536 = arith.constant 3 : i32
        %dma_start3A_537 = arith.constant 0 : i32
        %dma_start3A_538 = arith.constant 0 : i32
        %dma_start3A_539 = tpu.memref_slice %arg9[%dma_start3A_535, %dma_start3A_537, %dma_start3A_538] : memref<5x40x128xf32, #tpu.memory_space<vmem>> -> memref<1x40x128xf32, #tpu.memory_space<vmem>>
        %dma_start3A_540 = tpu.memref_squeeze %dma_start3A_539 : memref<1x40x128xf32, #tpu.memory_space<vmem>> -> memref<40x128xf32, #tpu.memory_space<vmem>>
        %dma_start3A_541 = tpu.memref_slice %arg7[%mul3A_534] : memref<10000xi32, #tpu.memory_space<vmem>> -> memref<40xi32, #tpu.memory_space<vmem>>
        %dma_start3A_542 = arith.constant 0 : i32
        %dma_start3A_543 = arith.constant 0 : i32
        %dma_start3A_544 = tpu.memref_slice %arg2[%dma_start3A_542, %dma_start3A_543] : memref<10240x128xf32, #tpu.memory_space<hbm>> -> memref<10240x128xf32, #tpu.memory_space<hbm>>
        %dma_start3A_545 = tpu.memref_slice %arg11[%dma_start3A_536] : memref<5x!tpu.dma_semaphore, #tpu.memory_space<semaphore_mem>> -> memref<1x!tpu.dma_semaphore, #tpu.memory_space<semaphore_mem>>
        %dma_start3A_546 = tpu.memref_squeeze %dma_start3A_545 : memref<1x!tpu.dma_semaphore, #tpu.memory_space<semaphore_mem>> -> memref<!tpu.dma_semaphore, #tpu.memory_space<semaphore_mem>>
        tpu.enqueue_indirect_dma source(%dma_start3A_544 : memref<10240x128xf32, #tpu.memory_space<hbm>>) target(%dma_start3A_540 : memref<40x128xf32, #tpu.memory_space<vmem>>) offsets(%dma_start3A_541 : memref<40xi32, #tpu.memory_space<vmem>>) semaphore(%dma_start3A_546 : memref<!tpu.dma_semaphore, #tpu.memory_space<semaphore_mem>>)
      } else {
      }
      %mul3A_442 = arith.constant 5 : i32
      %mul3A_443 = arith.muli %scan3A_161, %mul3A_442 : i32
      %add3A_444 = arith.constant 4 : i32
      %add3A_445 = arith.addi %mul3A_443, %add3A_444 : i32
      %dma_wait3A_446 = arith.constant 4 : i32
      %dma_wait3A_447 = arith.constant 4 : i32
      %dma_wait3A_448 = arith.constant 0 : i32
      %dma_wait3A_449 = tpu.memref_slice %arg8[%dma_wait3A_446, %dma_wait3A_448] : memref<5x40xi32, #tpu.memory_space<vmem>> -> memref<1x40xi32, #tpu.memory_space<vmem>>
      %dma_wait3A_450 = tpu.memref_squeeze %dma_wait3A_449 : memref<1x40xi32, #tpu.memory_space<vmem>> -> memref<40xi32, #tpu.memory_space<vmem>>
      %dma_wait3A_451 = arith.constant 0 : i32
      %dma_wait3A_452 = tpu.memref_slice %arg4[%add3A, %add3A_445, %dma_wait3A_451] : memref<32x250x40xi32, #tpu.memory_space<hbm>> -> memref<1x1x40xi32, #tpu.memory_space<hbm>>
      %dma_wait3A_453 = tpu.memref_squeeze %dma_wait3A_452 : memref<1x1x40xi32, #tpu.memory_space<hbm>> -> memref<40xi32, #tpu.memory_space<hbm>>
      %dma_wait3A_454 = tpu.memref_slice %arg13[%dma_wait3A_447] : memref<5x!tpu.dma_semaphore, #tpu.memory_space<semaphore_mem>> -> memref<1x!tpu.dma_semaphore, #tpu.memory_space<semaphore_mem>>
      %dma_wait3A_455 = tpu.memref_squeeze %dma_wait3A_454 : memref<1x!tpu.dma_semaphore, #tpu.memory_space<semaphore_mem>> -> memref<!tpu.dma_semaphore, #tpu.memory_space<semaphore_mem>>
      %dma_wait3A_456 = arith.constant 0 : i32
      %dma_wait3A_457 = tpu.memref_slice %arg8[%dma_wait3A_446, %dma_wait3A_456] : memref<5x40xi32, #tpu.memory_space<vmem>> -> memref<1x40xi32, #tpu.memory_space<vmem>>
      %dma_wait3A_458 = tpu.memref_squeeze %dma_wait3A_457 : memref<1x40xi32, #tpu.memory_space<vmem>> -> memref<40xi32, #tpu.memory_space<vmem>>
      %dma_wait3A_459 = arith.constant 0 : i32
      %dma_wait3A_460 = tpu.memref_slice %arg4[%add3A, %add3A_445, %dma_wait3A_459] : memref<32x250x40xi32, #tpu.memory_space<hbm>> -> memref<1x1x40xi32, #tpu.memory_space<hbm>>
      %dma_wait3A_461 = tpu.memref_squeeze %dma_wait3A_460 : memref<1x1x40xi32, #tpu.memory_space<hbm>> -> memref<40xi32, #tpu.memory_space<hbm>>
      tpu.wait_dma2 semaphore(%dma_wait3A_455 : memref<!tpu.dma_semaphore, #tpu.memory_space<semaphore_mem>>) src(%dma_wait3A_461 : memref<40xi32, #tpu.memory_space<hbm>>) dst(%dma_wait3A_458 : memref<40xi32, #tpu.memory_space<vmem>>)
      %mul3A_462 = arith.constant 40 : i32
      %mul3A_463 = arith.muli %add3A_445, %mul3A_462 : i32
      %dma_wait3A_464 = arith.constant 4 : i32
      %dma_wait3A_465 = arith.constant 4 : i32
      %dma_wait3A_466 = arith.constant 0 : i32
      %dma_wait3A_467 = arith.constant 0 : i32
      %dma_wait3A_468 = tpu.memref_slice %arg9[%dma_wait3A_464, %dma_wait3A_466, %dma_wait3A_467] : memref<5x40x128xf32, #tpu.memory_space<vmem>> -> memref<1x40x128xf32, #tpu.memory_space<vmem>>
      %dma_wait3A_469 = tpu.memref_squeeze %dma_wait3A_468 : memref<1x40x128xf32, #tpu.memory_space<vmem>> -> memref<40x128xf32, #tpu.memory_space<vmem>>
      %dma_wait3A_470 = tpu.memref_slice %arg7[%mul3A_463] : memref<10000xi32, #tpu.memory_space<vmem>> -> memref<40xi32, #tpu.memory_space<vmem>>
      %dma_wait3A_471 = arith.constant 0 : i32
      %dma_wait3A_472 = arith.constant 0 : i32
      %dma_wait3A_473 = tpu.memref_slice %arg2[%dma_wait3A_471, %dma_wait3A_472] : memref<10240x128xf32, #tpu.memory_space<hbm>> -> memref<10240x128xf32, #tpu.memory_space<hbm>>
      %dma_wait3A_474 = tpu.memref_slice %arg11[%dma_wait3A_465] : memref<5x!tpu.dma_semaphore, #tpu.memory_space<semaphore_mem>> -> memref<1x!tpu.dma_semaphore, #tpu.memory_space<semaphore_mem>>
      %dma_wait3A_475 = tpu.memref_squeeze %dma_wait3A_474 : memref<1x!tpu.dma_semaphore, #tpu.memory_space<semaphore_mem>> -> memref<!tpu.dma_semaphore, #tpu.memory_space<semaphore_mem>>
      tpu.wait_indirect_dma semaphore(%dma_wait3A_475 : memref<!tpu.dma_semaphore, #tpu.memory_space<semaphore_mem>>) src(%dma_wait3A_473 : memref<10240x128xf32, #tpu.memory_space<hbm>>) dst(%dma_wait3A_469 : memref<40x128xf32, #tpu.memory_space<vmem>>)
      %dma_start3A_476 = arith.constant 4 : i32
      %dma_start3A_477 = arith.constant 4 : i32
      %dma_start3A_478 = arith.constant 4 : i32
      %dma_start3A_479 = arith.constant 0 : i32
      %dma_start3A_480 = arith.constant 0 : i32
      %dma_start3A_481 = tpu.memref_slice %arg9[%dma_start3A_476, %dma_start3A_479, %dma_start3A_480] : memref<5x40x128xf32, #tpu.memory_space<vmem>> -> memref<1x40x128xf32, #tpu.memory_space<vmem>>
      %dma_start3A_482 = tpu.memref_squeeze %dma_start3A_481 : memref<1x40x128xf32, #tpu.memory_space<vmem>> -> memref<40x128xf32, #tpu.memory_space<vmem>>
      %dma_start3A_483 = arith.constant 0 : i32
      %dma_start3A_484 = tpu.memref_slice %arg8[%dma_start3A_477, %dma_start3A_483] : memref<5x40xi32, #tpu.memory_space<vmem>> -> memref<1x40xi32, #tpu.memory_space<vmem>>
      %dma_start3A_485 = tpu.memref_squeeze %dma_start3A_484 : memref<1x40xi32, #tpu.memory_space<vmem>> -> memref<40xi32, #tpu.memory_space<vmem>>
      %dma_start3A_486 = arith.constant 0 : i32
      %dma_start3A_487 = arith.constant 0 : i32
      %dma_start3A_488 = tpu.memref_slice %arg10[%dma_start3A_486, %dma_start3A_487] : memref<10240x128xf32, #tpu.memory_space<vmem_shared>> -> memref<10240x128xf32, #tpu.memory_space<vmem_shared>>
      %dma_start3A_489 = tpu.memref_slice %arg12[%dma_start3A_478] : memref<5x!tpu.dma_semaphore, #tpu.memory_space<semaphore_mem>> -> memref<1x!tpu.dma_semaphore, #tpu.memory_space<semaphore_mem>>
      %dma_start3A_490 = tpu.memref_squeeze %dma_start3A_489 : memref<1x!tpu.dma_semaphore, #tpu.memory_space<semaphore_mem>> -> memref<!tpu.dma_semaphore, #tpu.memory_space<semaphore_mem>>
      tpu.enqueue_indirect_dma source(%dma_start3A_482 : memref<40x128xf32, #tpu.memory_space<vmem>>) target(%dma_start3A_488 : memref<10240x128xf32, #tpu.memory_space<vmem_shared>>) offsets(%dma_start3A_485 : memref<40xi32, #tpu.memory_space<vmem>>) semaphore(%dma_start3A_490 : memref<!tpu.dma_semaphore, #tpu.memory_space<semaphore_mem>>) {add = true}
      %dma_wait3A_491 = arith.constant 4 : i32
      %dma_wait3A_492 = arith.constant 4 : i32
      %dma_wait3A_493 = arith.constant 4 : i32
      %dma_wait3A_494 = arith.constant 0 : i32
      %dma_wait3A_495 = arith.constant 0 : i32
      %dma_wait3A_496 = tpu.memref_slice %arg9[%dma_wait3A_491, %dma_wait3A_494, %dma_wait3A_495] : memref<5x40x128xf32, #tpu.memory_space<vmem>> -> memref<1x40x128xf32, #tpu.memory_space<vmem>>
      %dma_wait3A_497 = tpu.memref_squeeze %dma_wait3A_496 : memref<1x40x128xf32, #tpu.memory_space<vmem>> -> memref<40x128xf32, #tpu.memory_space<vmem>>
      %dma_wait3A_498 = arith.constant 0 : i32
      %dma_wait3A_499 = tpu.memref_slice %arg8[%dma_wait3A_492, %dma_wait3A_498] : memref<5x40xi32, #tpu.memory_space<vmem>> -> memref<1x40xi32, #tpu.memory_space<vmem>>
      %dma_wait3A_500 = tpu.memref_squeeze %dma_wait3A_499 : memref<1x40xi32, #tpu.memory_space<vmem>> -> memref<40xi32, #tpu.memory_space<vmem>>
      %dma_wait3A_501 = arith.constant 0 : i32
      %dma_wait3A_502 = arith.constant 0 : i32
      %dma_wait3A_503 = tpu.memref_slice %arg10[%dma_wait3A_501, %dma_wait3A_502] : memref<10240x128xf32, #tpu.memory_space<vmem_shared>> -> memref<10240x128xf32, #tpu.memory_space<vmem_shared>>
      %dma_wait3A_504 = tpu.memref_slice %arg12[%dma_wait3A_493] : memref<5x!tpu.dma_semaphore, #tpu.memory_space<semaphore_mem>> -> memref<1x!tpu.dma_semaphore, #tpu.memory_space<semaphore_mem>>
      %dma_wait3A_505 = tpu.memref_squeeze %dma_wait3A_504 : memref<1x!tpu.dma_semaphore, #tpu.memory_space<semaphore_mem>> -> memref<!tpu.dma_semaphore, #tpu.memory_space<semaphore_mem>>
      tpu.wait_indirect_dma semaphore(%dma_wait3A_505 : memref<!tpu.dma_semaphore, #tpu.memory_space<semaphore_mem>>) src(%dma_wait3A_497 : memref<40x128xf32, #tpu.memory_space<vmem>>) dst(%dma_wait3A_503 : memref<10240x128xf32, #tpu.memory_space<vmem_shared>>)
      %add3A_506 = arith.constant 5 : i32
      %add3A_507 = arith.addi %add3A_445, %add3A_506 : i32
      %lt3A_508 = arith.constant 250 : i32
      %lt3A_509 = arith.cmpi slt, %add3A_507, %lt3A_508 : i32
      %convert_element_type3A_510 = arith.extui %lt3A_509 : i1 to i32
      %cond3A_511 = arith.constant 0 : i32
      %cond3A_512 = arith.cmpi ne, %convert_element_type3A_510, %cond3A_511 : i32
      scf.if %cond3A_512 {
        %add3A_513 = arith.constant 5 : i32
        %add3A_514 = arith.addi %add3A_445, %add3A_513 : i32
        %dma_start3A_515 = arith.constant 4 : i32
        %dma_start3A_516 = arith.constant 4 : i32
        %dma_start3A_517 = arith.constant 0 : i32
        %dma_start3A_518 = tpu.memref_slice %arg8[%dma_start3A_515, %dma_start3A_517] : memref<5x40xi32, #tpu.memory_space<vmem>> -> memref<1x40xi32, #tpu.memory_space<vmem>>
        %dma_start3A_519 = tpu.memref_squeeze %dma_start3A_518 : memref<1x40xi32, #tpu.memory_space<vmem>> -> memref<40xi32, #tpu.memory_space<vmem>>
        %dma_start3A_520 = arith.constant 0 : i32
        %dma_start3A_521 = tpu.memref_slice %arg4[%add3A, %add3A_514, %dma_start3A_520] : memref<32x250x40xi32, #tpu.memory_space<hbm>> -> memref<1x1x40xi32, #tpu.memory_space<hbm>>
        %dma_start3A_522 = tpu.memref_squeeze %dma_start3A_521 : memref<1x1x40xi32, #tpu.memory_space<hbm>> -> memref<40xi32, #tpu.memory_space<hbm>>
        %dma_start3A_523 = tpu.memref_slice %arg13[%dma_start3A_516] : memref<5x!tpu.dma_semaphore, #tpu.memory_space<semaphore_mem>> -> memref<1x!tpu.dma_semaphore, #tpu.memory_space<semaphore_mem>>
        %dma_start3A_524 = tpu.memref_squeeze %dma_start3A_523 : memref<1x!tpu.dma_semaphore, #tpu.memory_space<semaphore_mem>> -> memref<!tpu.dma_semaphore, #tpu.memory_space<semaphore_mem>>
        %dma_start3A_525 = arith.constant 0 : i32
        %dma_start3A_526 = tpu.memref_slice %arg8[%dma_start3A_515, %dma_start3A_525] : memref<5x40xi32, #tpu.memory_space<vmem>> -> memref<1x40xi32, #tpu.memory_space<vmem>>
        %dma_start3A_527 = tpu.memref_squeeze %dma_start3A_526 : memref<1x40xi32, #tpu.memory_space<vmem>> -> memref<40xi32, #tpu.memory_space<vmem>>
        %dma_start3A_528 = arith.constant 0 : i32
        %dma_start3A_529 = tpu.memref_slice %arg4[%add3A, %add3A_514, %dma_start3A_528] : memref<32x250x40xi32, #tpu.memory_space<hbm>> -> memref<1x1x40xi32, #tpu.memory_space<hbm>>
        %dma_start3A_530 = tpu.memref_squeeze %dma_start3A_529 : memref<1x1x40xi32, #tpu.memory_space<hbm>> -> memref<40xi32, #tpu.memory_space<hbm>>
        tpu.enqueue_dma source(%dma_start3A_530 : memref<40xi32, #tpu.memory_space<hbm>>) target(%dma_start3A_527 : memref<40xi32, #tpu.memory_space<vmem>>) target_semaphore(%dma_start3A_524 : memref<!tpu.dma_semaphore, #tpu.memory_space<semaphore_mem>>)
        %add3A_531 = arith.constant 5 : i32
        %add3A_532 = arith.addi %add3A_445, %add3A_531 : i32
        %mul3A_533 = arith.constant 40 : i32
        %mul3A_534 = arith.muli %add3A_532, %mul3A_533 : i32
        %dma_start3A_535 = arith.constant 4 : i32
        %dma_start3A_536 = arith.constant 4 : i32
        %dma_start3A_537 = arith.constant 0 : i32
        %dma_start3A_538 = arith.constant 0 : i32
        %dma_start3A_539 = tpu.memref_slice %arg9[%dma_start3A_535, %dma_start3A_537, %dma_start3A_538] : memref<5x40x128xf32, #tpu.memory_space<vmem>> -> memref<1x40x128xf32, #tpu.memory_space<vmem>>
        %dma_start3A_540 = tpu.memref_squeeze %dma_start3A_539 : memref<1x40x128xf32, #tpu.memory_space<vmem>> -> memref<40x128xf32, #tpu.memory_space<vmem>>
        %dma_start3A_541 = tpu.memref_slice %arg7[%mul3A_534] : memref<10000xi32, #tpu.memory_space<vmem>> -> memref<40xi32, #tpu.memory_space<vmem>>
        %dma_start3A_542 = arith.constant 0 : i32
        %dma_start3A_543 = arith.constant 0 : i32
        %dma_start3A_544 = tpu.memref_slice %arg2[%dma_start3A_542, %dma_start3A_543] : memref<10240x128xf32, #tpu.memory_space<hbm>> -> memref<10240x128xf32, #tpu.memory_space<hbm>>
        %dma_start3A_545 = tpu.memref_slice %arg11[%dma_start3A_536] : memref<5x!tpu.dma_semaphore, #tpu.memory_space<semaphore_mem>> -> memref<1x!tpu.dma_semaphore, #tpu.memory_space<semaphore_mem>>
        %dma_start3A_546 = tpu.memref_squeeze %dma_start3A_545 : memref<1x!tpu.dma_semaphore, #tpu.memory_space<semaphore_mem>> -> memref<!tpu.dma_semaphore, #tpu.memory_space<semaphore_mem>>
        tpu.enqueue_indirect_dma source(%dma_start3A_544 : memref<10240x128xf32, #tpu.memory_space<hbm>>) target(%dma_start3A_540 : memref<40x128xf32, #tpu.memory_space<vmem>>) offsets(%dma_start3A_541 : memref<40xi32, #tpu.memory_space<vmem>>) semaphore(%dma_start3A_546 : memref<!tpu.dma_semaphore, #tpu.memory_space<semaphore_mem>>)
      } else {
      }
    }
    %scan3A_155 = arith.constant 50 : i32
    %barrier3A_156 = arith.constant 0 : index
    tpu.barrier barrier_id(%barrier3A_156)
    %mul3A_157 = arith.constant 640 : i32
    %mul3A_158 = arith.muli %arg1, %mul3A_157 : i32
    %mul3A_159 = arith.constant 640 : i32
    %mul3A_160 = arith.muli %arg1, %mul3A_159 : i32
    "tpu.region"() ({
      %run_scoped3A = tpu.sem_alloc : memref<!tpu.dma_semaphore, #tpu.memory_space<semaphore_mem>>
      %dma_start3A_161 = arith.constant 0 : i32
      %dma_start3A_162 = tpu.memref_slice %arg6[%arg0, %mul3A_160, %dma_start3A_161] : memref<2x10240x128xf32, #tpu.memory_space<hbm>> -> memref<1x640x128xf32, #tpu.memory_space<hbm>>
      %dma_start3A_163 = tpu.memref_squeeze %dma_start3A_162 : memref<1x640x128xf32, #tpu.memory_space<hbm>> -> memref<640x128xf32, #tpu.memory_space<hbm>>
      %dma_start3A_164 = arith.constant 0 : i32
      %dma_start3A_165 = tpu.memref_slice %arg10[%mul3A_158, %dma_start3A_164] : memref<10240x128xf32, #tpu.memory_space<vmem_shared>> -> memref<640x128xf32, #tpu.memory_space<vmem_shared>>
      tpu.enqueue_dma source(%dma_start3A_165 : memref<640x128xf32, #tpu.memory_space<vmem_shared>>) target(%dma_start3A_163 : memref<640x128xf32, #tpu.memory_space<hbm>>) target_semaphore(%run_scoped3A : memref<!tpu.dma_semaphore, #tpu.memory_space<semaphore_mem>>)
      %dma_wait3A = arith.constant 0 : i32
      %dma_wait3A_166 = tpu.memref_slice %arg6[%arg0, %mul3A_160, %dma_wait3A] : memref<2x10240x128xf32, #tpu.memory_space<hbm>> -> memref<1x640x128xf32, #tpu.memory_space<hbm>>
      %dma_wait3A_167 = tpu.memref_squeeze %dma_wait3A_166 : memref<1x640x128xf32, #tpu.memory_space<hbm>> -> memref<640x128xf32, #tpu.memory_space<hbm>>
      %dma_wait3A_168 = arith.constant 0 : i32
      %dma_wait3A_169 = tpu.memref_slice %arg10[%mul3A_158, %dma_wait3A_168] : memref<10240x128xf32, #tpu.memory_space<vmem_shared>> -> memref<640x128xf32, #tpu.memory_space<vmem_shared>>
      tpu.wait_dma2 semaphore(%run_scoped3A : memref<!tpu.dma_semaphore, #tpu.memory_space<semaphore_mem>>) src(%dma_wait3A_169 : memref<640x128xf32, #tpu.memory_space<vmem_shared>>) dst(%dma_wait3A_167 : memref<640x128xf32, #tpu.memory_space<hbm>>)
      tpu.yield
    }) : () -> ()
    return
  }
}

module attributes {stable_mosaic.version = 14 : i64} {
  func.func @_scale_mm_body(%arg0: i32, %arg1: memref<1024x128xf32, #tpu.memory_space<vmem>>, %arg2: memref<128x128xf32, #tpu.memory_space<vmem>>, %arg3: memref<2x1024xf32, #tpu.memory_space<vmem>>, %arg4: memref<1024x128xf32, #tpu.memory_space<vmem>>) attributes {dimension_semantics = [#tpu.dimension_semantics<arbitrary>], iteration_bounds = array<i64: 10>, scalar_prefetch = 0 : i64, scratch_operands = 0 : i64, tpu.core_type = #tpu.core_type<tc>, window_params = [{transform_indices = @transform_0, window_bounds = array<i64: 1024, 128>}, {pipeline_mode = #tpu.pipeline_mode<synchronous>, transform_indices = @transform_1, window_bounds = array<i64: 128, 128>}, {transform_indices = @transform_2, window_bounds = array<i64: 2, 1024>}, {transform_indices = @transform_3, window_bounds = array<i64: 1024, 128>}]} {
    %get3A = arith.constant 0 : index
    %get3A_0 = arith.constant 0 : index
    %get3A_1 = vector.load %arg3[%get3A, %get3A_0] : memref<2x1024xf32, #tpu.memory_space<vmem>>, vector<1x1024xf32>
    %get3A_2 = vector.shape_cast %get3A_1 : vector<1x1024xf32> to vector<1024xf32>
    %get3A_3 = arith.constant 1 : index
    %get3A_4 = arith.constant 0 : index
    %get3A_5 = vector.load %arg3[%get3A_3, %get3A_4] : memref<2x1024xf32, #tpu.memory_space<vmem>>, vector<1x1024xf32>
    %get3A_6 = vector.shape_cast %get3A_5 : vector<1x1024xf32> to vector<1024xf32>
    %add3A = arith.addf %get3A_2, %get3A_6 : vector<1024xf32>
    %add3A_7 = arith.constant 1.000000e+00 : f32
    %add3A_8 = vector.broadcast %add3A_7 : f32 to vector<1024xf32>
    %add3A_9 = arith.addf %add3A, %add3A_8 : vector<1024xf32>
    %rsqrt3A = math.rsqrt %add3A_9 : vector<1024xf32>
    %get3A_10 = arith.constant 0 : index
    %get3A_11 = arith.constant 0 : index
    %get3A_12 = vector.load %arg1[%get3A_10, %get3A_11] : memref<1024x128xf32, #tpu.memory_space<vmem>>, vector<1024x128xf32>
    %get3A_13 = arith.constant 0 : index
    %get3A_14 = arith.constant 0 : index
    %get3A_15 = vector.load %arg2[%get3A_13, %get3A_14] : memref<128x128xf32, #tpu.memory_space<vmem>>, vector<128x128xf32>
    %dot_general3A = arith.constant dense<0.000000e+00> : vector<1024x128xf32>
    %dot_general3A_16 = tpu.matmul %get3A_12, %get3A_15, %dot_general3A {dimension_numbers = #tpu.dot_dimension_numbers<[1], [0], [0], [1], [0, 0, 1, 1], [], []>, transpose_lhs_hint = false} : vector<1024x128xf32>, vector<128x128xf32>, vector<1024x128xf32> -> vector<1024x128xf32>
    %broadcast_in_dim3A = vector.shape_cast %rsqrt3A : vector<1024xf32> to vector<1024x1xf32>
    %mul3A = vector.broadcast %broadcast_in_dim3A : vector<1024x1xf32> to vector<1024x128xf32>
    %mul3A_17 = arith.mulf %dot_general3A_16, %mul3A : vector<1024x128xf32>
    %swap3A = arith.constant 0 : index
    %swap3A_18 = arith.constant 0 : index
    %swap3A_19 = vector.load %arg4[%swap3A, %swap3A_18] : memref<1024x128xf32, #tpu.memory_space<vmem>>, vector<1024x128xf32>
    tpu.vector_store %arg4[%swap3A, %swap3A_18], %mul3A_17 {strides = array<i32>} : memref<1024x128xf32, #tpu.memory_space<vmem>>, vector<1024x128xf32>,
    return
  }
  func.func @transform_0(%arg0: i32) -> (i32, i32) {
    %c0_i32 = arith.constant 0 : i32
    %c0_i32_0 = arith.constant 0 : i32
    return %arg0, %c0_i32 : i32, i32
  }
  func.func @transform_1(%arg0: i32) -> (i32, i32) {
    %c0_i32 = arith.constant 0 : i32
    %c0_i32_0 = arith.constant 0 : i32
    %c0_i32_1 = arith.constant 0 : i32
    return %c0_i32, %c0_i32_0 : i32, i32
  }
  func.func @transform_2(%arg0: i32) -> (i32, i32) {
    %c0_i32 = arith.constant 0 : i32
    %c0_i32_0 = arith.constant 0 : i32
    return %c0_i32, %arg0 : i32, i32
  }
  func.func @transform_3(%arg0: i32) -> (i32, i32) {
    %c0_i32 = arith.constant 0 : i32
    %c0_i32_0 = arith.constant 0 : i32
    return %arg0, %c0_i32 : i32, i32
  }
}

module attributes {stable_mosaic.version = 14 : i64} {
  func.func @_layer2_body(%arg0: i32, %arg1: memref<1024x128xf32, #tpu.memory_space<vmem>>, %arg2: memref<1024x128xf32, #tpu.memory_space<vmem>>, %arg3: memref<1024x128xf32, #tpu.memory_space<vmem>>, %arg4: memref<2x1024xf32, #tpu.memory_space<vmem>>, %arg5: memref<1x128xf32, #tpu.memory_space<vmem>>, %arg6: memref<128x128xf32, #tpu.memory_space<vmem>>, %arg7: memref<1024x128xf32, #tpu.memory_space<vmem>>) attributes {dimension_semantics = [#tpu.dimension_semantics<arbitrary>], iteration_bounds = array<i64: 10>, scalar_prefetch = 0 : i64, scratch_operands = 0 : i64, tpu.core_type = #tpu.core_type<tc>, window_params = [{transform_indices = @transform_0, window_bounds = array<i64: 1024, 128>}, {transform_indices = @transform_1, window_bounds = array<i64: 1024, 128>}, {transform_indices = @transform_2, window_bounds = array<i64: 1024, 128>}, {transform_indices = @transform_3, window_bounds = array<i64: 2, 1024>}, {pipeline_mode = #tpu.pipeline_mode<synchronous>, transform_indices = @transform_4, window_bounds = array<i64: 1, 128>}, {pipeline_mode = #tpu.pipeline_mode<synchronous>, transform_indices = @transform_5, window_bounds = array<i64: 128, 128>}, {transform_indices = @transform_6, window_bounds = array<i64: 1024, 128>}]} {
    %get3A = arith.constant 0 : index
    %get3A_0 = arith.constant 0 : index
    %get3A_1 = vector.load %arg4[%get3A, %get3A_0] : memref<2x1024xf32, #tpu.memory_space<vmem>>, vector<1x1024xf32>
    %get3A_2 = vector.shape_cast %get3A_1 : vector<1x1024xf32> to vector<1024xf32>
    %get3A_3 = arith.constant 1 : index
    %get3A_4 = arith.constant 0 : index
    %get3A_5 = vector.load %arg4[%get3A_3, %get3A_4] : memref<2x1024xf32, #tpu.memory_space<vmem>>, vector<1x1024xf32>
    %get3A_6 = vector.shape_cast %get3A_5 : vector<1x1024xf32> to vector<1024xf32>
    %add3A = arith.addf %get3A_2, %get3A_6 : vector<1024xf32>
    %add3A_7 = arith.constant 1.000000e+00 : f32
    %add3A_8 = vector.broadcast %add3A_7 : f32 to vector<1024xf32>
    %add3A_9 = arith.addf %add3A, %add3A_8 : vector<1024xf32>
    %rsqrt3A = math.rsqrt %add3A_9 : vector<1024xf32>
    %broadcast_in_dim3A = vector.shape_cast %rsqrt3A : vector<1024xf32> to vector<1024x1xf32>
    %get3A_10 = arith.constant 0 : index
    %get3A_11 = arith.constant 0 : index
    %get3A_12 = vector.load %arg1[%get3A_10, %get3A_11] : memref<1024x128xf32, #tpu.memory_space<vmem>>, vector<1024x128xf32>
    %get3A_13 = arith.constant 0 : index
    %get3A_14 = arith.constant 0 : index
    %get3A_15 = vector.load %arg2[%get3A_13, %get3A_14] : memref<1024x128xf32, #tpu.memory_space<vmem>>, vector<1024x128xf32>
    %add3A_16 = arith.addf %get3A_12, %get3A_15 : vector<1024x128xf32>
    %get3A_17 = arith.constant 0 : index
    %get3A_18 = arith.constant 0 : index
    %get3A_19 = vector.load %arg3[%get3A_17, %get3A_18] : memref<1024x128xf32, #tpu.memory_space<vmem>>, vector<1024x128xf32>
    %add3A_20 = arith.addf %add3A_16, %get3A_19 : vector<1024x128xf32>
    %mul3A = vector.broadcast %broadcast_in_dim3A : vector<1024x1xf32> to vector<1024x128xf32>
    %mul3A_21 = arith.mulf %mul3A, %add3A_20 : vector<1024x128xf32>
    %get3A_22 = arith.constant 0 : index
    %get3A_23 = arith.constant 0 : index
    %get3A_24 = vector.load %arg5[%get3A_22, %get3A_23] : memref<1x128xf32, #tpu.memory_space<vmem>>, vector<1x128xf32>
    %add3A_25 = vector.broadcast %get3A_24 : vector<1x128xf32> to vector<1024x128xf32>
    %add3A_26 = arith.addf %mul3A_21, %add3A_25 : vector<1024x128xf32>
    %max3A = arith.constant 0.000000e+00 : f32
    %max3A_27 = vector.broadcast %max3A : f32 to vector<1024x128xf32>
    %max3A_28 = arith.maximumf %add3A_26, %max3A_27 : vector<1024x128xf32>
    %broadcast_in_dim3A_29 = vector.shape_cast %rsqrt3A : vector<1024xf32> to vector<1024x1xf32>
    %get3A_30 = arith.constant 0 : index
    %get3A_31 = arith.constant 0 : index
    %get3A_32 = vector.load %arg6[%get3A_30, %get3A_31] : memref<128x128xf32, #tpu.memory_space<vmem>>, vector<128x128xf32>
    %dot_general3A = arith.constant dense<0.000000e+00> : vector<1024x128xf32>
    %dot_general3A_33 = tpu.matmul %max3A_28, %get3A_32, %dot_general3A {dimension_numbers = #tpu.dot_dimension_numbers<[1], [0], [0], [1], [0, 0, 1, 1], [], []>, transpose_lhs_hint = false} : vector<1024x128xf32>, vector<128x128xf32>, vector<1024x128xf32> -> vector<1024x128xf32>
    %mul3A_34 = vector.broadcast %broadcast_in_dim3A_29 : vector<1024x1xf32> to vector<1024x128xf32>
    %mul3A_35 = arith.mulf %mul3A_34, %dot_general3A_33 : vector<1024x128xf32>
    %swap3A = arith.constant 0 : index
    %swap3A_36 = arith.constant 0 : index
    %swap3A_37 = vector.load %arg7[%swap3A, %swap3A_36] : memref<1024x128xf32, #tpu.memory_space<vmem>>, vector<1024x128xf32>
    tpu.vector_store %arg7[%swap3A, %swap3A_36], %mul3A_35 {strides = array<i32>} : memref<1024x128xf32, #tpu.memory_space<vmem>>, vector<1024x128xf32>,
    return
  }
  func.func @transform_0(%arg0: i32) -> (i32, i32) {
    %c0_i32 = arith.constant 0 : i32
    %c0_i32_0 = arith.constant 0 : i32
    return %arg0, %c0_i32 : i32, i32
  }
  func.func @transform_1(%arg0: i32) -> (i32, i32) {
    %c0_i32 = arith.constant 0 : i32
    %c0_i32_0 = arith.constant 0 : i32
    return %arg0, %c0_i32 : i32, i32
  }
  func.func @transform_2(%arg0: i32) -> (i32, i32) {
    %c0_i32 = arith.constant 0 : i32
    %c0_i32_0 = arith.constant 0 : i32
    return %arg0, %c0_i32 : i32, i32
  }
  func.func @transform_3(%arg0: i32) -> (i32, i32) {
    %c0_i32 = arith.constant 0 : i32
    %c0_i32_0 = arith.constant 0 : i32
    return %c0_i32, %arg0 : i32, i32
  }
  func.func @transform_4(%arg0: i32) -> (i32, i32) {
    %c0_i32 = arith.constant 0 : i32
    %c0_i32_0 = arith.constant 0 : i32
    %c0_i32_1 = arith.constant 0 : i32
    return %c0_i32, %c0_i32_0 : i32, i32
  }
  func.func @transform_5(%arg0: i32) -> (i32, i32) {
    %c0_i32 = arith.constant 0 : i32
    %c0_i32_0 = arith.constant 0 : i32
    %c0_i32_1 = arith.constant 0 : i32
    return %c0_i32, %c0_i32_0 : i32, i32
  }
  func.func @transform_6(%arg0: i32) -> (i32, i32) {
    %c0_i32 = arith.constant 0 : i32
    %c0_i32_0 = arith.constant 0 : i32
    return %arg0, %c0_i32 : i32, i32
  }
}

module attributes {stable_mosaic.version = 14 : i64} {
  func.func @_combine_body(%arg0: i32, %arg1: memref<1024x128xf32, #tpu.memory_space<vmem>>, %arg2: memref<1024x128xf32, #tpu.memory_space<vmem>>, %arg3: memref<1024x128xf32, #tpu.memory_space<vmem>>, %arg4: memref<2x1024xf32, #tpu.memory_space<vmem>>, %arg5: memref<1x128xf32, #tpu.memory_space<vmem>>, %arg6: memref<1024x128xf32, #tpu.memory_space<vmem>>) attributes {dimension_semantics = [#tpu.dimension_semantics<arbitrary>], iteration_bounds = array<i64: 10>, scalar_prefetch = 0 : i64, scratch_operands = 0 : i64, tpu.core_type = #tpu.core_type<tc>, window_params = [{transform_indices = @transform_0, window_bounds = array<i64: 1024, 128>}, {transform_indices = @transform_1, window_bounds = array<i64: 1024, 128>}, {transform_indices = @transform_2, window_bounds = array<i64: 1024, 128>}, {transform_indices = @transform_3, window_bounds = array<i64: 2, 1024>}, {pipeline_mode = #tpu.pipeline_mode<synchronous>, transform_indices = @transform_4, window_bounds = array<i64: 1, 128>}, {transform_indices = @transform_5, window_bounds = array<i64: 1024, 128>}]} {
    %get3A = arith.constant 0 : index
    %get3A_0 = arith.constant 0 : index
    %get3A_1 = vector.load %arg4[%get3A, %get3A_0] : memref<2x1024xf32, #tpu.memory_space<vmem>>, vector<1x1024xf32>
    %get3A_2 = vector.shape_cast %get3A_1 : vector<1x1024xf32> to vector<1024xf32>
    %get3A_3 = arith.constant 1 : index
    %get3A_4 = arith.constant 0 : index
    %get3A_5 = vector.load %arg4[%get3A_3, %get3A_4] : memref<2x1024xf32, #tpu.memory_space<vmem>>, vector<1x1024xf32>
    %get3A_6 = vector.shape_cast %get3A_5 : vector<1x1024xf32> to vector<1024xf32>
    %add3A = arith.addf %get3A_2, %get3A_6 : vector<1024xf32>
    %add3A_7 = arith.constant 1.000000e+00 : f32
    %add3A_8 = vector.broadcast %add3A_7 : f32 to vector<1024xf32>
    %add3A_9 = arith.addf %add3A, %add3A_8 : vector<1024xf32>
    %rsqrt3A = math.rsqrt %add3A_9 : vector<1024xf32>
    %broadcast_in_dim3A = vector.shape_cast %rsqrt3A : vector<1024xf32> to vector<1024x1xf32>
    %get3A_10 = arith.constant 0 : index
    %get3A_11 = arith.constant 0 : index
    %get3A_12 = vector.load %arg1[%get3A_10, %get3A_11] : memref<1024x128xf32, #tpu.memory_space<vmem>>, vector<1024x128xf32>
    %get3A_13 = arith.constant 0 : index
    %get3A_14 = arith.constant 0 : index
    %get3A_15 = vector.load %arg2[%get3A_13, %get3A_14] : memref<1024x128xf32, #tpu.memory_space<vmem>>, vector<1024x128xf32>
    %add3A_16 = arith.addf %get3A_12, %get3A_15 : vector<1024x128xf32>
    %get3A_17 = arith.constant 0 : index
    %get3A_18 = arith.constant 0 : index
    %get3A_19 = vector.load %arg3[%get3A_17, %get3A_18] : memref<1024x128xf32, #tpu.memory_space<vmem>>, vector<1024x128xf32>
    %add3A_20 = arith.addf %add3A_16, %get3A_19 : vector<1024x128xf32>
    %mul3A = vector.broadcast %broadcast_in_dim3A : vector<1024x1xf32> to vector<1024x128xf32>
    %mul3A_21 = arith.mulf %mul3A, %add3A_20 : vector<1024x128xf32>
    %get3A_22 = arith.constant 0 : index
    %get3A_23 = arith.constant 0 : index
    %get3A_24 = vector.load %arg5[%get3A_22, %get3A_23] : memref<1x128xf32, #tpu.memory_space<vmem>>, vector<1x128xf32>
    %add3A_25 = vector.broadcast %get3A_24 : vector<1x128xf32> to vector<1024x128xf32>
    %add3A_26 = arith.addf %mul3A_21, %add3A_25 : vector<1024x128xf32>
    %swap3A = arith.constant 0 : index
    %swap3A_27 = arith.constant 0 : index
    %swap3A_28 = vector.load %arg6[%swap3A, %swap3A_27] : memref<1024x128xf32, #tpu.memory_space<vmem>>, vector<1024x128xf32>
    tpu.vector_store %arg6[%swap3A, %swap3A_27], %add3A_26 {strides = array<i32>} : memref<1024x128xf32, #tpu.memory_space<vmem>>, vector<1024x128xf32>,
    return
  }
  func.func @transform_0(%arg0: i32) -> (i32, i32) {
    %c0_i32 = arith.constant 0 : i32
    %c0_i32_0 = arith.constant 0 : i32
    return %arg0, %c0_i32 : i32, i32
  }
  func.func @transform_1(%arg0: i32) -> (i32, i32) {
    %c0_i32 = arith.constant 0 : i32
    %c0_i32_0 = arith.constant 0 : i32
    return %arg0, %c0_i32 : i32, i32
  }
  func.func @transform_2(%arg0: i32) -> (i32, i32) {
    %c0_i32 = arith.constant 0 : i32
    %c0_i32_0 = arith.constant 0 : i32
    return %arg0, %c0_i32 : i32, i32
  }
  func.func @transform_3(%arg0: i32) -> (i32, i32) {
    %c0_i32 = arith.constant 0 : i32
    %c0_i32_0 = arith.constant 0 : i32
    return %c0_i32, %arg0 : i32, i32
  }
  func.func @transform_4(%arg0: i32) -> (i32, i32) {
    %c0_i32 = arith.constant 0 : i32
    %c0_i32_0 = arith.constant 0 : i32
    %c0_i32_1 = arith.constant 0 : i32
    return %c0_i32, %c0_i32_0 : i32, i32
  }
  func.func @transform_5(%arg0: i32) -> (i32, i32) {
    %c0_i32 = arith.constant 0 : i32
    %c0_i32_0 = arith.constant 0 : i32
    return %arg0, %c0_i32 : i32, i32
  }
}

</mosaic_0001>

<sc_bundles>
// kernel: kernel.11.cloned.1.call-start
scs
__scs_entry_jumppad:
0x0: {  	(pc) =	sbr.rel $0x88, $3  }
0x1: {  	(tag) =	ssettag $0x0;
	lr =	simm.s32 $0x1  }
0x2: {  	[smem:$0x3F9B] =	sst lr;
	_ =	strace $0xD0000000  }
0x3: {  	_ = 	snop  }
0x4: {  	_ = 	snop  }
0x5: {  	_ = 	snop  }
0x6: {  	_ = 	snop  }
0x7: {  	_ = 	snop  }
__scs_overlays_trampoline_lowered:
0x8: {  	[smem:$0x3FAA] =	sst s0  }
0x9: {  	[smem:$0x3FAB] =	sst s1  }
0xa: {  	[smem:$0x3FAC] =	sst s2  }
0xb: {  	[smem:$0x3FAD] =	sst s3  }
0xc: {  	[smem:$0x3FAE] =	sst s4  }
0xd: {  	[smem:$0x3FAF] =	sst s5  }
0xe: {  	[smem:$0x3FB0] =	sst s6  }
0xf: {  	[smem:$0x3FB1] =	sst s7  }
0x10: {  	[smem:$0x3FB2] =	sst s8  }
0x11: {  	[smem:$0x3FB3] =	sst s9;
	s0 =	simm.s32 @!p0 $0x0  }
0x12: {  	s1 =	sld [smem:$0x3F99];
	s0 =	simm.s32 @p0 $0x1  }
0x13: {  	[smem:$0x3FB4] =	sst s0;
	s0 =	simm.s32 @!p1 $0x0  }
0x14: {  	s2 =	sld [smem:$0x3F98];
	s0 =	simm.s32 @p1 $0x1  }
0x15: {  	[smem:$0x3FB5] =	sst s0;
	s0 =	simm.s32 @!p2 $0x0  }
0x16: {  	s3 =	sld [smem:$0x3FDB];
	s0 =	simm.s32 @p2 $0x1  }
0x17: {  	s4 =	simm.s32 $0x1BF5;
	[smem:$0x3FB7] =	sst s0  }
0x18: {  	s0 =	sld [smem:$0x3F9A];
	_ =	swait.ge [sflag:s4], $0x0  }
0x19: {  	s7 =	sld [smem:$0x3F9B]  }
0x1a: {  	s8 =	sadd.s32 $0xFFFFE003, lr  }
0x1b: {  	s9 =	sadd.s32 $0xFFFFFEF7, lr;
	s5 =	simm.s32 $0xFFFFFFFF;
	p2 =	slt.u32 s8, $0xFFFFF086  }
0x1c: {  	p1 =	slt.u32 s9, $0xF7A;
	s5 =	simm.s32 @!p2 $0x0  }
0x1d: {  	s5 =	simm.s32 @p1 $0x1;
	p0 =	seq.s32 s7, s2  }
0x1e: {  	s7 =	smul.u32 @!p0 $0xF7A, s2;
	p2 =	seq.s32 @!p0 s5, $0x0  }
0x1f: {  	s9 =	smul.u32 $0xF7A, s1;
	s8 =	simm.s32 @!p0 $0x1BF5;
	p2 =	por !p2, p0  }
0x20: {  	[sflag:s8] =	ssyncset.s32 @!p0 $0xFFFFF086;
	s6 =	sadd.s32 @!p0 s3, s7;
	s7 =	simm.s32 @!p0 $0x108  }
0x21: {  	s3 =	sadd.s32 s3, s9;
	s6 =	sadd.s32 @!p0 $0x88, s6;
	s7 =	simm.s32 @p2 $0x1082  }
0x22: {  	[simem:s7], [sflag:s8] =	dma.local @!p0 [hbm:s6], $0xF7A  }
0x23: {  	s9 =	sor.u32 $0xD0000000, s2;
	s6 =	simm.s32 $0x108;
	_ =	swait.ge @!p0 [sflag:s8], $0x0  }
0x24: {  	s3 =	sadd.s32 $0x88, s3;
	s6 =	simm.s32 @!p1 $0x1082;
	[sflag:s4] =	ssyncset.s32 $0xFFFFF086  }
0x25: {  	[simem:s6], [sflag:s4] =	dma.local [hbm:s3], $0xF7A  }
0x26: {  	[smem:$0x3F9B] =	sst s1;
	(tag) =	ssettag s2;
	_ =	strace s9  }
0x27: {  	s1 =	sld [smem:$0x3FAB]  }
0x28: {  	s2 =	sld [smem:$0x3FAC]  }
0x29: {  	s4 =	sld [smem:$0x3FAE]  }
0x2a: {  	p0 =	seq.s32 s5, $0x0;
	s5 =	sld [smem:$0x3FAF]  }
0x2b: {  	s6 =	sld [smem:$0x3FB0]  }
0x2c: {  	s7 =	sld [smem:$0x3FB1]  }
0x2d: {  	s3 =	simm.s32 $0x108;
	s8 =	sld [smem:$0x3FB2]  }
0x2e: {  	s3 =	simm.s32 @!p0 $0x1082;
	s9 =	sld [smem:$0x3FB3]  }
0x2f: {  	lr =	sadd.s32 s0, s3;
	s0 =	sld [smem:$0x3FAA]  }
0x30: {  	s3 =	sld [smem:$0x3FAD]  }
0x31: {  	[smem:$0x3FB6] =	sst s10  }
0x32: {  	s10 =	sld [smem:$0x3FB4];
	_ =	sdelay $0x3  }
0x33: {  	p0 =	seq.s32 s10, $0x1;
	s10 =	sld [smem:$0x3FB6];
	_ =	sdelay $0x3  }
0x34: {  	[smem:$0x3FB6] =	sst s10  }
0x35: {  	s10 =	sld [smem:$0x3FB5];
	_ =	sdelay $0x3  }
0x36: {  	p1 =	seq.s32 s10, $0x1;
	s10 =	sld [smem:$0x3FB6];
	_ =	sdelay $0x3  }
0x37: {  	[smem:$0x3FB6] =	sst s10  }
0x38: {  	s10 =	sld [smem:$0x3FB7]  }
0x39: {  	_ = 	snop;
	(pc) =	sbr.ind lr, $3  }
0x3a: {  	_ = 	snop  }
0x3b: {  	_ = 	snop  }
0x3c: {  	p2 =	seq.s32 s10, $0x1;
	s10 =	sld [smem:$0x3FB6]  }
0x3d: {  	_ =	shalt  }
0x3e: {  	_ =	shalt  }
0x3f: {  	_ =	shalt  }
0x40: {  	_ =	shalt  }
0x41: {  	_ =	shalt  }
0x42: {  	_ =	shalt  }
0x43: {  	_ =	shalt  }
0x44: {  	_ =	shalt  }
0x45: {  	_ =	shalt  }
0x46: {  	_ =	shalt  }
0x47: {  	_ =	shalt  }
0x48: {  	_ =	shalt  }
0x49: {  	_ =	shalt  }
0x4a: {  	_ =	shalt  }
0x4b: {  	_ =	shalt  }
0x4c: {  	_ =	shalt  }
0x4d: {  	_ =	shalt  }
0x4e: {  	_ =	shalt  }
0x4f: {  	_ =	shalt  }
0x50: {  	_ =	shalt  }
0x51: {  	_ =	shalt  }
0x52: {  	_ =	shalt  }
0x53: {  	_ =	shalt  }
0x54: {  	_ =	shalt  }
0x55: {  	_ =	shalt  }
0x56: {  	_ =	shalt  }
0x57: {  	_ =	shalt  }
0x58: {  	_ =	shalt  }
0x59: {  	_ =	shalt  }
0x5a: {  	_ =	shalt  }
0x5b: {  	_ =	shalt  }
0x5c: {  	_ =	shalt  }
0x5d: {  	_ =	shalt  }
0x5e: {  	_ =	shalt  }
0x5f: {  	_ =	shalt  }
0x60: {  	_ =	shalt  }
0x61: {  	_ =	shalt  }
0x62: {  	_ =	shalt  }
0x63: {  	_ =	shalt  }
0x64: {  	_ =	shalt  }
0x65: {  	_ =	shalt  }
0x66: {  	_ =	shalt  }
0x67: {  	_ =	shalt  }
0x68: {  	_ =	shalt  }
0x69: {  	_ =	shalt  }
0x6a: {  	_ =	shalt  }
0x6b: {  	_ =	shalt  }
0x6c: {  	_ =	shalt  }
0x6d: {  	_ =	shalt  }
0x6e: {  	_ =	shalt  }
0x6f: {  	_ =	shalt  }
0x70: {  	_ =	shalt  }
0x71: {  	_ =	shalt  }
0x72: {  	_ =	shalt  }
0x73: {  	_ =	shalt  }
0x74: {  	_ =	shalt  }
0x75: {  	_ =	shalt  }
0x76: {  	_ =	shalt  }
0x77: {  	_ =	shalt  }
0x78: {  	_ =	shalt  }
0x79: {  	_ =	shalt  }
0x7a: {  	_ =	shalt  }
0x7b: {  	_ =	shalt  }
0x7c: {  	_ =	shalt  }
0x7d: {  	_ =	shalt  }
0x7e: {  	_ =	shalt  }
0x7f: {  	_ =	shalt  }
0x80: {  	_ =	shalt  }
0x81: {  	_ =	shalt  }
0x82: {  	_ =	shalt  }
0x83: {  	_ =	shalt  }
0x84: {  	_ =	shalt  }
0x85: {  	_ =	shalt  }
0x86: {  	_ =	shalt  }
0x87: {  	_ =	shalt  }
.Lfunc_end0:
.L_simem_size_0:
called_computation.1_lowered:
.L_overlay_start_0:
0x88: {  	s2 =	sld [smem:$0x3FD9]  }
0x89: {  	s3 =	sld [smem:$0x3FFE];
	_ =	sdelay $0x1  }
0x8a: {  	s1 =	srdreg.scid  }
0x8b: {  	s0 =	sand.u32 $0x1, s1  }
0x8c: {  	s17 =	sshll.u32 s0, $0xA;
	s2 =	sadd.s32 s3, s2  }
0x8d: {  	s2 =	sadd.s32 s2, s17  }
0x8e: {  	[smem:$0x3FC2] =	sst s2  }
0x8f: {  	_ = 	snop  }
0x90: {  	s2 =	sld [smem:$0x3FD0];
	(tm) =	ssettm $0x1  }
0x91: {  	s18 =	sld [smem:$0x3FFB];
	_ =	sdelay $0x3  }
0x92: {  	_ =	strace s18  }
0x93: {  	s3 =	sld [smem:$0x3FFC];
	_ =	sdelay $0x3  }
0x94: {  	_ =	strace s3  }
0x95: {  	s3 =	sld [smem:$0x3FFD];
	_ =	sdelay $0x3  }
0x96: {  	_ =	strace s3  }
0x97: {  	_ =	strace $0x8FFFFFFF  }
0x98: {  	s19 =	sld [smem:$0x3FDB];
	_ =	sdelay $0x1  }
0x99: {  	s4 =	simm.s32 $_scs_section_size  }
0x9a: {  	s5 =	simm.s32 $_size__tile_overlayer_lowered;
	s6 =	simm.s32 $_tile_overlayer_lowered  }
0x9b: {  	s22 =	simm.s32 $0x1BFF;
	s21 =	sshll.u32 s6, $0x1;
	s3 =	sadd.s32 s4, s19  }
0x9c: {  	s7 =	simm.s32 $0x0;
	s20 =	sshll.u32 s5, $0x1;
	s5 =	sadd.s32 s21, s3  }
0x9d: {  	[timem:s7], [sflag:s22] =	dma.local [hbm:s5], s20  }
0x9e: {  	_ =	swait.ge [sflag:s22], s20  }
0x9f: {  	s4 =	ssub.s32 $0x0, s20;
	[sflag:s22] =	ssyncset.done $0x0  }
0xa0: {  	[sflag:s22] =	ssyncadd.s32 s4;
	_ =	sdelay $0x1  }
0xa1: {  	s23 =	simm.s32 $0x1B8B  }
0xa2: {  	_ =	swait.ge [sflag:s23], $0x1  }
0xa3: {  	[sflag:s23] =	ssyncset.done $0x0  }
0xa4: {  	s25 =	simm.s32 $0x1B8E;
	s24 =	sld [smem:$0x3FFE];
	[sflag:s23] =	ssyncadd.s32 $0xFFFFFFFF  }
0xa5: {  	s26 =	simm.s32 $execute0_lowered;
	[smem:$0x3FD2] =	sst s25  }
0xa6: {  	s5 =	sshll.u32 s26, $0x1;
	_ =	strace $0x80000049;
	[dreg:$0x1] =	wrdreg $0xFFFFFFFF  }
0xa7: {  	s28 =	simm.s32 $_size_execute0_lowered;
	s3 =	sadd.s32 s3, s5;
	[dreg:$0x0] =	wrdreg $0x0  }
0xa8: {  	s5 =	sshll.u32 s28, $0x1;
	[dreg:$0x2] =	wrdreg s3  }
0xa9: {  	[dreg:$0x3] =	wrdreg s5  }
0xaa: {  	[dreg:$0x4] =	wrdreg $0xC0  }
0xab: {  	_ =	task [dreg:s7], $0x5FFFF  }
0xac: {  	[dreg:$0x1] =	wrdreg $0xFFFFFFFF  }
0xad: {  	[dreg:$0x0] =	wrdreg $0x60  }
0xae: {  	[dreg:$0x2] =	wrdreg s24  }
0xaf: {  	[dreg:$0x3] =	wrdreg s2  }
0xb0: {  	[dreg:$0x4] =	wrdreg $0x8F800  }
0xb1: {  	[dreg:$0x5] =	wrdreg $0x9  }
0xb2: {  	_ =	task.clear_ibuf [dreg:s7], $0x6FFFF;
	_ =	strace $0x90000049  }
0xb3: {  	s29 =	simm.s32 $0x9;
	_ =	strace $0x8000004B  }
0xb4: {  	_ =	swait.ge [sflag:s29], $0x1  }
0xb5: {  	[sflag:s29] =	ssyncadd.s32 $0xFFFFFFFF  }
0xb6: {  	_ =	strace $0x9000004B  }
0xb7: {  	_ =	sfence  }
0xb8: {  	s30 =	sld [smem:$0x0];
	_ =	sdelay $0x2  }
0xb9: {  	s31 =	sshll.u32 s1, $0xD;
	s1 =	sshrl.u32 s1, $0x2  }
0xba: {  	s3 =	sand.u32 $0x4000, s31;
	s1 =	sadd.s32 s1, s30  }
0xbb: {  	s0 =	sor.u32 s3, s0;
	s1 =	sshll.u32 s1, $0x11  }
0xbc: {  	s0 =	sor.u32 s1, s0  }
0xbd: {  	s0 =	sadd.s32 $0x8F2B, s0  }
0xbe: {  	[sflag:s0] =	ssyncadd.remote.s32 $0x1  }
0xbf: {  	_ =	sfence.sel $0xFFFF  }
0xc0: {  	[dreg:$0x0] =	wrdreg $0xFFFFFFFF;
	(pc) =	sbr.abs _section_cstart, $3  }
0xc1: {  	[dreg:$0x1] =	wrdreg $0xFFFFFFFF  }
0xc2: {  	_ =	task.clear_ibuf [dreg:s7], $0x2FFFF;
	_ =	strace $0x9FFFFFFF  }
0xc3: {  	(tm) =	ssettm $0x7FFFFFFF  }
tec
execute0_lowered:
.L_overlay_start_1:
0x0: {  	(tag) =	ssettag $0x1  }
0x1: {  	s0 =	rddreg [dreg:$0x0]  }
0x2: {  	s1 =	srdreg.scid;
	s2 =	rddreg [dreg:$0x1]  }
0x3: {  	s11 =	stileid.u32;
	s3 =	rddreg [dreg:$0x2]  }
0x4: {  	s29 =	simm.s32 $0x5380;
	s17 =	simm.s32 $0x7B80;
	s28 =	simm.s32 $0x6  }
0x5: {  	s30 =	simm.s32 $0xD;
	s31 =	simm.s32 $0x3;
	s16 =	simm.s32 $0xF  }
0x6: {  	s1 =	sand.u32 $0x1, s1;
	s4 =	sshll.u32 s11, $0x1;
	s9 =	smul.u32 $0x14000, s11  }
0x7: {  	s18 =	sshrl.u32 s11, $0x2;
	s10 =	smul.u32 $0x50000, s11;
	s12 =	sadd.s32 $0x2800, s0  }
0x8: {  	s26 =	sshll.u32 s11, $0x6;
	s6 =	sor.u32 s1, s4;
	s5 =	smul.u32 $0x13C00, s18  }
0x9: {  	s4 =	simm.s32 $0x0;
	s8 =	smul.u32 $0x140000, s1;
	s1 =	ssub.s32 $0x2, s1  }
0xa: {  	s13 =	sor.u32 $0x1C10, s26;
	s26 =	simm.s32 $0x2880;
	s7 =	sshll.u32 s6, $0x7  }
0xb: {  	[smem:$0x7FF] =	sst s4;
	s19 =	sshrl.u32 s1, $0x1;
	s20 =	sshrl.u32 s10, $0x2  }
0xc: {  	s21 =	sshll.u32 s6, $0xC;
	s10 =	simm.s32 $0x0;
	s7 =	sand.u32 $0x380, s7  }
0xd: {  	_ =	strace $0x8000004A;
	s8 =	sadd.s32 s9, s8;
	[dreg:$0x4] =	wrdreg s12  }
0xe: {  	s1 =	ssub.s32 s1, s19;
	s22 =	sadd.s32 s2, s21;
	s12 =	simm.s32 $0x10  }
0xf: {  	s21 =	simm.s32 $0x2780;
	[dreg:$0xd] =	wrdreg s13;
	s7 =	sor.u32 s5, s7  }
0x10: {  	s5 =	sadd.s32 $0x1D000, s0;
	s9 =	sadd.s32 $0x10, s22;
	[dreg:$0x6] =	wrdreg s22  }
0x11: {  	s8 =	sshrl.u32 s8, $0x3;
	s23 =	sadd.s32 $0x20, s22;
	[dreg:$0x7] =	wrdreg s9  }
0x12: {  	s24 =	sadd.s32 $0x30, s22;
	s25 =	smax.u32 s1, $0x1;
	[dreg:$0x8] =	wrdreg s23  }
0x13: {  	s1 =	simm.s32 $0x8;
	s7 =	sshrl.u32 s7, $0x3;
	[dreg:$0x9] =	wrdreg s24  }
0x14: {  	[dreg:$0xc] =	wrdreg s25;
	s23 =	simm.s32 $0x2B80;
	s24 =	simm.s32 $0xB  }
0x15: {  	s25 =	simm.s32 $0x1;
	s7 =	sadd.s32 s7, s0;
	s0 =	sadd.s32 s8, s0  }
.Ltmp0:
0x16: {  	s8 =	sshll.u32 s6, $0xF;
	s6 =	sadd.s32 $0x40, s22;
	(pc) =	sbr.rel .LBB2_1-.Ltmp0, $4  }
0x17: {  	s22 =	simm.s32 $0x28;
	s7 =	sadd.s32 $0x13200, s7;
	[dreg:$0xa] =	wrdreg s6  }
0x18: {  	s0 =	sadd.s32 $0x45000, s0;
	[dreg:$0x5] =	wrdreg s7;
	s7 =	sadd.s32 s20, s3  }
0x19: {  	s6 =	simm.s32 $0x5;
	[dreg:$0xb] =	wrdreg s0;
	s14 =	sshrl.u32 s7, $0x3  }
0x1a: {  	s0 =	simm.s32 $0x2980;
	s7 =	simm.s32 $0xA;
	[dreg:$0xe] =	wrdreg s14  }
.LBB2_4:
0x1b: {  	[bflag:$0x0] =	sbarrier.arrive $0xFFFF  }
0x1c: {  	s9 =	rddreg [dreg:$0xb]  }
0x1d: {  	s13 =	rddreg [dreg:$0xd]  }
0x1e: {  	s12 =	simm.s32 $0x10;
	s14 =	rddreg [dreg:$0xe]  }
0x1f: {  	[hbm:s9], [sflag:s13] =	dma.local [spmem:s14], $0x2800  }
0x20: {  	_ =	swait.ge [sflag:s12], $0x2800  }
0x21: {  	s10 =	rddreg [dreg:$0xf]  }
0x22: {  	s20 =	rddreg [dreg:$0xc];
	s10 =	sadd.s32 $0x1, s10  }
0x23: {  	p0 =	sne.s32 s10, s20  }
.Ltmp1:
0x24: {  	_ = 	snop;
	(pc) =	sbr.rel @!p0 .LBB2_5-.Ltmp1, $3  }
0x25: {  	_ =	sdelay $0x1  }
0x26: {  	[sflag:s12] =	ssyncset.done $0x0  }
0x27: {  	[sflag:s12] =	ssyncadd.s32 $0xFFFFD800  }
.LBB2_1:
0x28: {  	[dreg:$0xf] =	wrdreg s10  }
0x29: {  	s9 =	rddreg [dreg:$0x5];
	s20 =	simm.s32 $0x80;
	s11 =	simm.s32 $0x400  }
0x2a: {  	[tilespmem:s4], [sflag:$0x10] =	stream.strided.gather [hbm4b:s9+s20], $0x2780, s11, s20, $0x38;
	[tilespmem:$0x1CF80] =	vst v63  }
0x2b: {  	_ =	swait.ge [sflag:s12], $0x2780  }
0x2c: {  	[sflag:s12] =	ssyncset.done $0x0  }
0x2d: {  	s15 =	rddreg [dreg:$0x4];
	[sflag:s12] =	ssyncadd.s32 $0xFFFFD880  }
0x2e: {  	[spmem:s14], [sflag:s13] =	dma.local [hbm:s15], $0x2800  }
0x2f: {  	_ =	swait.ge [sflag:s12], $0x2800  }
0x30: {  	[sflag:s12] =	ssyncset.done $0x0  }
0x31: {  	[sflag:s12] =	ssyncadd.s32 $0xFFFFD800  }
0x32: {  	[bflag:$0x0] =	sbarrier.arrive $0xFFFF  }
0x33: {  	s18 =	rddreg [dreg:$0x6]  }
0x34: {  	[tilespmem:s21], [sflag:$0xB] =	stream.linear.gather [hbm4b:s18+s4], $0x80, $0x38;
	[tilespmem:$0x1CF80] =	vst v63  }
0x35: {  	_ = 	snop  }
0x36: {  	[tilespmem:s23], [sflag:$0x1] =	stream.indirect.gather [hbm4b:s5+s22], $0x80, s4, s22, $0xb8;
	[tilespmem:$0x1CF80] =	vst v63  }
0x37: {  	s20 =	simm.s32 $0x2800;
	s19 =	rddreg [dreg:$0x7]  }
0x38: {  	[tilespmem:s20], [sflag:$0xC] =	stream.linear.gather [hbm4b:s19+s4], $0x80, $0x38;
	[tilespmem:$0x1CF80] =	vst v63  }
0x39: {  	s10 =	simm.s32 $0x3F80  }
0x3a: {  	[tilespmem:s10], [sflag:$0x2] =	stream.indirect.gather [hbm4b:s5+s22], $0x80, s22, s22, $0xb8;
	[tilespmem:$0x1CF80] =	vst v63  }
0x3b: {  	s11 =	rddreg [dreg:$0x8]  }
0x3c: {  	[tilespmem:s26], [sflag:$0xD] =	stream.linear.gather [hbm4b:s11+s4], $0x80, $0x38;
	[tilespmem:$0x1CF80] =	vst v63  }
0x3d: {  	s12 =	simm.s32 $0x50  }
0x3e: {  	[tilespmem:s29], [sflag:$0x3] =	stream.indirect.gather [hbm4b:s5+s22], $0x80, s12, s22, $0xb8;
	[tilespmem:$0x1CF80] =	vst v63  }
0x3f: {  	s14 =	simm.s32 $0x2900;
	s13 =	rddreg [dreg:$0x9]  }
0x40: {  	[tilespmem:s14], [sflag:$0xE] =	stream.linear.gather [hbm4b:s13+s4], $0x80, $0x38;
	[tilespmem:$0x1CF80] =	vst v63  }
0x41: {  	s15 =	simm.s32 $0x78;
	s18 =	simm.s32 $0x6780  }
0x42: {  	[tilespmem:s18], [sflag:$0x4] =	stream.indirect.gather [hbm4b:s5+s22], $0x80, s15, s22, $0xb8;
	[tilespmem:$0x1CF80] =	vst v63  }
0x43: {  	s19 =	rddreg [dreg:$0xa]  }
0x44: {  	[tilespmem:s0], [sflag:$0xF] =	stream.linear.gather [hbm4b:s19+s4], $0x80, $0x38;
	[tilespmem:$0x1CF80] =	vst v63  }
0x45: {  	s20 =	simm.s32 $0xA0;
	s11 =	simm.s32 $0x168;
	s12 =	simm.s32 $0x0  }
0x46: {  	[tilespmem:s17], [sflag:$0x5] =	stream.indirect.gather [hbm4b:s5+s22], $0x80, s20, s22, $0xb8;
	[tilespmem:$0x1CF80] =	vst v63  }
.LBB2_2:
0x47: {  	_ =	swait.ge [sflag:s24], $0x80  }
0x48: {  	[sflag:s24] =	ssyncset.done $0x0  }
0x49: {  	[sflag:s24] =	ssyncadd.s32 $0xFFFFFF80  }
0x4a: {  	_ =	swait.ge [sflag:s25], $0x1400  }
0x4b: {  	[sflag:s25] =	ssyncset.done $0x0  }
0x4c: {  	[sflag:s25] =	ssyncadd.s32 $0xFFFFEC00  }
0x4d: {  	[spmem:s3] =	stream.indirect.scatter.add.f32 [tilespmem:s23], [sflag:$0x6], $0x80, s21, s22, $0xb8;
	[tilespmem:$0x1CF80] =	vst v63  }
0x4e: {  	_ =	swait.ge [sflag:s28], $0x1400  }
0x4f: {  	p0 =	seq.s32 s12, $0x7A80;
	[sflag:s28] =	ssyncset.done $0x0  }
0x50: {  	s13 =	simm.s32 @p0 $0xC;
	[sflag:s28] =	ssyncadd.s32 $0xFFFFEC00  }
0x51: {  	_ =	swait.ge @p0 [sflag:s13], $0x80  }
0x52: {  	[sflag:s13] =	ssyncset.done @p0 $0x0  }
0x53: {  	[sflag:s13] =	ssyncadd.s32 @p0 $0xFFFFFF80;
	s13 =	simm.s32 @p0 $0x2  }
0x54: {  	_ =	swait.ge @p0 [sflag:s13], $0x1400  }
0x55: {  	s15 =	simm.s32 @p0 $0x28;
	[sflag:s13] =	ssyncset.done @p0 $0x0  }
0x56: {  	s14 =	simm.s32 @p0 $0x3F80;
	[sflag:s13] =	ssyncadd.s32 @p0 $0xFFFFEC00;
	s13 =	simm.s32 @p0 $0x2800  }
0x57: {  	[spmem:s3] =	stream.indirect.scatter.add.f32 @p0 [tilespmem:s14], [sflag:$0x7], $0x80, s13, s15, $0xb8;
	[tilespmem:$0x1CF80] =	vst v63  }
0x58: {  	s13 =	sadd.s32 @!p0 $0x280, s12  }
0x59: {  	s14 =	simm.s32 @p0 $0x7;
	s9 =	sand.u32 @!p0 $0x1FC00, s13  }
0x5a: {  	_ =	swait.ge @p0 [sflag:s14], $0x1400;
	s13 =	sand.u32 @!p0 $0x380, s13;
	s9 =	sadd.s32 @!p0 s8, s9  }
0x5b: {  	[sflag:s14] =	ssyncset.done @p0 $0x0;
	s9 =	sor.u32 @!p0 s13, s9  }
0x5c: {  	[sflag:s14] =	ssyncadd.s32 @p0 $0xFFFFEC00;
	s9 =	sshrl.u32 @!p0 s9, $0x3  }
0x5d: {  	s13 =	simm.s32 @!p0 $0x0;
	s14 =	simm.s32 @!p0 $0x2780;
	s9 =	sadd.s32 @!p0 s2, s9  }
0x5e: {  	[tilespmem:s14], [sflag:$0xB] =	stream.linear.gather @!p0 [hbm4b:s9+s13], $0x80, $0x38;
	[tilespmem:$0x1CF80] =	vst v63  }
0x5f: {  	s19 =	simm.s32 @!p0 $0x2B80;
	s9 =	sadd.s32 @!p0 $0xFFFFFF60, s11;
	s14 =	simm.s32 @!p0 $0x28  }
0x60: {  	[tilespmem:s19], [sflag:$0x1] =	stream.indirect.gather @!p0 [hbm4b:s5+s14], $0x80, s9, s14, $0xb8;
	[tilespmem:$0x1CF80] =	vst v63  }
0x61: {  	s9 =	simm.s32 @!p0 $0xC  }
0x62: {  	_ =	swait.ge @!p0 [sflag:s9], $0x80  }
0x63: {  	[sflag:s9] =	ssyncset.done @!p0 $0x0  }
0x64: {  	s20 =	sadd.s32 @!p0 $0x300, s12;
	[sflag:s9] =	ssyncadd.s32 @!p0 $0xFFFFFF80;
	s9 =	simm.s32 @!p0 $0x2  }
0x65: {  	s10 =	simm.s32 @!p0 $0x7;
	s18 =	sand.u32 @!p0 $0x1FC00, s20;
	_ =	swait.ge @!p0 [sflag:s9], $0x1400  }
0x66: {  	s20 =	sand.u32 @!p0 $0x380, s20;
	s18 =	sadd.s32 @!p0 s8, s18;
	[sflag:s9] =	ssyncset.done @!p0 $0x0  }
0x67: {  	s19 =	simm.s32 @!p0 $0x3F80;
	[sflag:s9] =	ssyncadd.s32 @!p0 $0xFFFFEC00;
	s9 =	simm.s32 @!p0 $0x2800  }
0x68: {  	[spmem:s3] =	stream.indirect.scatter.add.f32 @!p0 [tilespmem:s19], [sflag:$0x7], $0x80, s9, s14, $0xb8;
	[tilespmem:$0x1CF80] =	vst v63  }
0x69: {  	s18 =	sor.u32 @!p0 s20, s18;
	_ =	swait.ge @!p0 [sflag:s10], $0x1400  }
0x6a: {  	s18 =	sshrl.u32 @!p0 s18, $0x3;
	[sflag:s10] =	ssyncset.done @!p0 $0x0  }
0x6b: {  	[sflag:s10] =	ssyncadd.s32 @!p0 $0xFFFFEC00;
	s10 =	sadd.s32 @!p0 s2, s18  }
0x6c: {  	[tilespmem:s9], [sflag:$0xC] =	stream.linear.gather @!p0 [hbm4b:s10+s13], $0x80, $0x38;
	[tilespmem:$0x1CF80] =	vst v63  }
0x6d: {  	s9 =	sadd.s32 @!p0 $0xFFFFFF88, s11  }
0x6e: {  	[tilespmem:s19], [sflag:$0x2] =	stream.indirect.gather @!p0 [hbm4b:s5+s14], $0x80, s9, s14, $0xb8;
	[tilespmem:$0x1CF80] =	vst v63  }
0x6f: {  	_ =	swait.ge [sflag:s30], $0x80  }
0x70: {  	[sflag:s30] =	ssyncset.done $0x0  }
0x71: {  	[sflag:s30] =	ssyncadd.s32 $0xFFFFFF80  }
0x72: {  	_ =	swait.ge [sflag:s31], $0x1400  }
0x73: {  	[sflag:s31] =	ssyncset.done $0x0  }
0x74: {  	[sflag:s31] =	ssyncadd.s32 $0xFFFFEC00  }
0x75: {  	[spmem:s3] =	stream.indirect.scatter.add.f32 [tilespmem:s29], [sflag:$0x8], $0x80, s26, s22, $0xb8;
	[tilespmem:$0x1CF80] =	vst v63  }
0x76: {  	_ =	swait.ge [sflag:s1], $0x1400  }
0x77: {  	[sflag:s1] =	ssyncset.done $0x0  }
0x78: {  	s9 =	simm.s32 @p0 $0xE;
	[sflag:s1] =	ssyncadd.s32 $0xFFFFEC00  }
0x79: {  	_ =	swait.ge @p0 [sflag:s9], $0x80  }
0x7a: {  	[sflag:s9] =	ssyncset.done @p0 $0x0  }
0x7b: {  	[sflag:s9] =	ssyncadd.s32 @p0 $0xFFFFFF80;
	s9 =	simm.s32 @p0 $0x4  }
0x7c: {  	_ =	swait.ge @p0 [sflag:s9], $0x1400  }
0x7d: {  	[sflag:s9] =	ssyncset.done @p0 $0x0  }
0x7e: {  	s10 =	simm.s32 @p0 $0x6780;
	[sflag:s9] =	ssyncadd.s32 @p0 $0xFFFFEC00;
	s9 =	simm.s32 @p0 $0x2900  }
0x7f: {  	[spmem:s3] =	stream.indirect.scatter.add.f32 @p0 [tilespmem:s10], [sflag:$0x9], $0x80, s9, s15, $0xb8;
	[tilespmem:$0x1CF80] =	vst v63  }
0x80: {  	s9 =	sadd.s32 @!p0 $0x380, s12  }
0x81: {  	s10 =	sand.u32 @!p0 $0x1FC00, s9  }
0x82: {  	s15 =	simm.s32 @p0 $0x9;
	s9 =	sand.u32 @!p0 $0x380, s9;
	s10 =	sadd.s32 @!p0 s8, s10  }
0x83: {  	_ =	swait.ge @p0 [sflag:s15], $0x1400;
	s9 =	sor.u32 @!p0 s9, s10  }
0x84: {  	[sflag:s15] =	ssyncset.done @p0 $0x0;
	s9 =	sshrl.u32 @!p0 s9, $0x3  }
0x85: {  	[sflag:s15] =	ssyncadd.s32 @p0 $0xFFFFEC00;
	s10 =	simm.s32 @!p0 $0x2880;
	s9 =	sadd.s32 @!p0 s2, s9  }
0x86: {  	[tilespmem:s10], [sflag:$0xD] =	stream.linear.gather @!p0 [hbm4b:s9+s13], $0x80, $0x38;
	[tilespmem:$0x1CF80] =	vst v63  }
0x87: {  	s9 =	sadd.s32 @!p0 $0xFFFFFFB0, s11;
	s10 =	simm.s32 @!p0 $0x5380  }
0x88: {  	[tilespmem:s10], [sflag:$0x3] =	stream.indirect.gather @!p0 [hbm4b:s5+s14], $0x80, s9, s14, $0xb8;
	[tilespmem:$0x1CF80] =	vst v63  }
0x89: {  	s9 =	simm.s32 @!p0 $0xE  }
0x8a: {  	_ =	swait.ge @!p0 [sflag:s9], $0x80  }
0x8b: {  	[sflag:s9] =	ssyncset.done @!p0 $0x0  }
0x8c: {  	s15 =	sadd.s32 @!p0 $0x400, s12;
	[sflag:s9] =	ssyncadd.s32 @!p0 $0xFFFFFF80;
	s9 =	simm.s32 @!p0 $0x4  }
0x8d: {  	s18 =	simm.s32 @!p0 $0x9;
	s15 =	sand.u32 @!p0 $0x1FC00, s15;
	_ =	swait.ge @!p0 [sflag:s9], $0x1400  }
0x8e: {  	s19 =	sand.u32 @!p0 $0x380, s12;
	s15 =	sadd.s32 @!p0 s8, s15;
	[sflag:s9] =	ssyncset.done @!p0 $0x0  }
0x8f: {  	s10 =	simm.s32 @!p0 $0x6780;
	[sflag:s9] =	ssyncadd.s32 @!p0 $0xFFFFEC00;
	s9 =	simm.s32 @!p0 $0x2900  }
0x90: {  	[spmem:s3] =	stream.indirect.scatter.add.f32 @!p0 [tilespmem:s10], [sflag:$0x9], $0x80, s9, s14, $0xb8;
	[tilespmem:$0x1CF80] =	vst v63  }
0x91: {  	s15 =	sor.u32 @!p0 s19, s15;
	_ =	swait.ge @!p0 [sflag:s18], $0x1400  }
0x92: {  	s15 =	sshrl.u32 @!p0 s15, $0x3;
	[sflag:s18] =	ssyncset.done @!p0 $0x0  }
0x93: {  	s15 =	sadd.s32 @!p0 s2, s15;
	[sflag:s18] =	ssyncadd.s32 @!p0 $0xFFFFEC00  }
0x94: {  	[tilespmem:s9], [sflag:$0xE] =	stream.linear.gather @!p0 [hbm4b:s15+s13], $0x80, $0x38;
	[tilespmem:$0x1CF80] =	vst v63  }
0x95: {  	s9 =	sadd.s32 @!p0 $0xFFFFFFD8, s11  }
0x96: {  	[tilespmem:s10], [sflag:$0x4] =	stream.indirect.gather @!p0 [hbm4b:s5+s14], $0x80, s9, s14, $0xb8;
	[tilespmem:$0x1CF80] =	vst v63  }
0x97: {  	_ =	swait.ge [sflag:s16], $0x80  }
0x98: {  	[sflag:s16] =	ssyncset.done $0x0  }
0x99: {  	[sflag:s16] =	ssyncadd.s32 $0xFFFFFF80  }
0x9a: {  	_ =	swait.ge [sflag:s6], $0x1400  }
0x9b: {  	[sflag:s6] =	ssyncset.done $0x0  }
.Ltmp2:
0x9c: {  	[sflag:s6] =	ssyncadd.s32 $0xFFFFEC00;
	(pc) =	sbr.rel @p0 .LBB2_4-.Ltmp2, $4  }
0x9d: {  	[spmem:s3] =	stream.indirect.scatter.add.f32 [tilespmem:s17], [sflag:$0xA], $0x80, s0, s22, $0xb8;
	[tilespmem:$0x1CF80] =	vst v63  }
0x9e: {  	_ =	swait.ge [sflag:s7], $0x1400  }
0x9f: {  	[sflag:s7] =	ssyncset.done $0x0  }
0xa0: {  	[sflag:s7] =	ssyncadd.s32 $0xFFFFEC00  }
0xa1: {  	s9 =	sadd.s32 $0x480, s12  }
0xa2: {  	s10 =	sand.u32 $0x1FC00, s9  }
0xa3: {  	s9 =	sand.u32 $0x380, s9;
	s10 =	sadd.s32 s8, s10  }
0xa4: {  	s9 =	sor.u32 s9, s10  }
0xa5: {  	s9 =	sshrl.u32 s9, $0x3  }
.Ltmp3:
0xa6: {  	s9 =	sadd.s32 s2, s9;
	(pc) =	sbr.rel .LBB2_2-.Ltmp3, $4  }
0xa7: {  	[tilespmem:s0], [sflag:$0xF] =	stream.linear.gather [hbm4b:s9+s4], $0x80, $0x38;
	[tilespmem:$0x1CF80] =	vst v63  }
0xa8: {  	_ = 	snop  }
0xa9: {  	[tilespmem:s17], [sflag:$0x5] =	stream.indirect.gather [hbm4b:s5+s22], $0x80, s11, s22, $0xb8;
	[tilespmem:$0x1CF80] =	vst v63  }
0xaa: {  	s12 =	sadd.s32 $0x280, s12;
	s11 =	sadd.s32 $0xC8, s11  }
.LBB2_5:
0xab: {  	_ =	sfence.sel $0x180000  }
0xac: {  	[bflag:$0x0] =	sbarrier.arrive $0xFFFF  }
0xad: {  	_ =	strace $0x9000004A  }
0xae: {  	s0 =	stileid.u32;
	[bflag:$0x2] =	sbarrier.arrive $0xFFFF  }
0xaf: {  	p0 =	sne.s32 s0, $0x0;
	s0 =	rddreg [dreg:$0x3]  }
0xb0: {  	s0 =	sadd.s32 @!p0 $0x100000, s0  }
0xb1: {  	[sflag:s0] =	ssyncadd.tile.s32 @!p0 $0x1;
	_ =	shalt  }
.Lfunc_end2:
_tile_overlayer_lowered:
.L_overlay_start_2:
0xb2: {  	(tag) =	ssettag $0x2  }
0xb3: {  	s0 =	rddreg [dreg:$0x0];
	s2 =	stileid.u32  }
0xb4: {  	s1 =	rddreg [dreg:$0x1];
	p0 =	sne.s32 s2, $0x0  }
0xb5: {  	s3 =	rddreg [dreg:$0x2];
	[bflag:$0x3] =	sbarrier.arrive $0xFFFF;
	s2 =	simm.s32 @!p0 $0x1C10  }
0xb6: {  	[timem:s3], [sflag:s2] =	dma.local @!p0 [hbm:s0], s1  }
0xb7: {  	s0 =	simm.s32 @!p0 $0x10  }
0xb8: {  	_ =	swait.ge @!p0 [sflag:s0], s1  }
0xb9: {  	s1 =	ssub.s32 @!p0 $0x0, s1;
	[sflag:s0] =	ssyncset.done @!p0 $0x0  }
0xba: {  	[sflag:s0] =	ssyncadd.s32 @!p0 s1  }
0xbb: {  	[bflag:$0x3] =	sbarrier.arrive $0xFFFF  }
0xbc: {  	_ =	shalt  }

// kernel: kernel.14.cloned.1.call-start
scs
__scs_entry_jumppad:
0x0: {  	(pc) =	sbr.rel $0x88, $3  }
0x1: {  	(tag) =	ssettag $0x0;
	lr =	simm.s32 $0x1  }
0x2: {  	[smem:$0x3F9B] =	sst lr;
	_ =	strace $0xD0000000  }
0x3: {  	_ = 	snop  }
0x4: {  	_ = 	snop  }
0x5: {  	_ = 	snop  }
0x6: {  	_ = 	snop  }
0x7: {  	_ = 	snop  }
__scs_overlays_trampoline_lowered:
0x8: {  	[smem:$0x3FAA] =	sst s0  }
0x9: {  	[smem:$0x3FAB] =	sst s1  }
0xa: {  	[smem:$0x3FAC] =	sst s2  }
0xb: {  	[smem:$0x3FAD] =	sst s3  }
0xc: {  	[smem:$0x3FAE] =	sst s4  }
0xd: {  	[smem:$0x3FAF] =	sst s5  }
0xe: {  	[smem:$0x3FB0] =	sst s6  }
0xf: {  	[smem:$0x3FB1] =	sst s7  }
0x10: {  	[smem:$0x3FB2] =	sst s8  }
0x11: {  	[smem:$0x3FB3] =	sst s9;
	s0 =	simm.s32 @!p0 $0x0  }
0x12: {  	s1 =	sld [smem:$0x3F99];
	s0 =	simm.s32 @p0 $0x1  }
0x13: {  	[smem:$0x3FB4] =	sst s0;
	s0 =	simm.s32 @!p1 $0x0  }
0x14: {  	s2 =	sld [smem:$0x3F98];
	s0 =	simm.s32 @p1 $0x1  }
0x15: {  	[smem:$0x3FB5] =	sst s0;
	s0 =	simm.s32 @!p2 $0x0  }
0x16: {  	s3 =	sld [smem:$0x3FDB];
	s0 =	simm.s32 @p2 $0x1  }
0x17: {  	s4 =	simm.s32 $0x1BF5;
	[smem:$0x3FB7] =	sst s0  }
0x18: {  	s0 =	sld [smem:$0x3F9A];
	_ =	swait.ge [sflag:s4], $0x0  }
0x19: {  	s7 =	sld [smem:$0x3F9B]  }
0x1a: {  	s8 =	sadd.s32 $0xFFFFE003, lr  }
0x1b: {  	s9 =	sadd.s32 $0xFFFFFEF7, lr;
	s5 =	simm.s32 $0xFFFFFFFF;
	p2 =	slt.u32 s8, $0xFFFFF086  }
0x1c: {  	p1 =	slt.u32 s9, $0xF7A;
	s5 =	simm.s32 @!p2 $0x0  }
0x1d: {  	s5 =	simm.s32 @p1 $0x1;
	p0 =	seq.s32 s7, s2  }
0x1e: {  	s7 =	smul.u32 @!p0 $0xF7A, s2;
	p2 =	seq.s32 @!p0 s5, $0x0  }
0x1f: {  	s9 =	smul.u32 $0xF7A, s1;
	s8 =	simm.s32 @!p0 $0x1BF5;
	p2 =	por !p2, p0  }
0x20: {  	[sflag:s8] =	ssyncset.s32 @!p0 $0xFFFFF086;
	s6 =	sadd.s32 @!p0 s3, s7;
	s7 =	simm.s32 @!p0 $0x108  }
0x21: {  	s3 =	sadd.s32 s3, s9;
	s6 =	sadd.s32 @!p0 $0x88, s6;
	s7 =	simm.s32 @p2 $0x1082  }
0x22: {  	[simem:s7], [sflag:s8] =	dma.local @!p0 [hbm:s6], $0xF7A  }
0x23: {  	s9 =	sor.u32 $0xD0000000, s2;
	s6 =	simm.s32 $0x108;
	_ =	swait.ge @!p0 [sflag:s8], $0x0  }
0x24: {  	s3 =	sadd.s32 $0x88, s3;
	s6 =	simm.s32 @!p1 $0x1082;
	[sflag:s4] =	ssyncset.s32 $0xFFFFF086  }
0x25: {  	[simem:s6], [sflag:s4] =	dma.local [hbm:s3], $0xF7A  }
0x26: {  	[smem:$0x3F9B] =	sst s1;
	(tag) =	ssettag s2;
	_ =	strace s9  }
0x27: {  	s1 =	sld [smem:$0x3FAB]  }
0x28: {  	s2 =	sld [smem:$0x3FAC]  }
0x29: {  	s4 =	sld [smem:$0x3FAE]  }
0x2a: {  	p0 =	seq.s32 s5, $0x0;
	s5 =	sld [smem:$0x3FAF]  }
0x2b: {  	s6 =	sld [smem:$0x3FB0]  }
0x2c: {  	s7 =	sld [smem:$0x3FB1]  }
0x2d: {  	s3 =	simm.s32 $0x108;
	s8 =	sld [smem:$0x3FB2]  }
0x2e: {  	s3 =	simm.s32 @!p0 $0x1082;
	s9 =	sld [smem:$0x3FB3]  }
0x2f: {  	lr =	sadd.s32 s0, s3;
	s0 =	sld [smem:$0x3FAA]  }
0x30: {  	s3 =	sld [smem:$0x3FAD]  }
0x31: {  	[smem:$0x3FB6] =	sst s10  }
0x32: {  	s10 =	sld [smem:$0x3FB4];
	_ =	sdelay $0x3  }
0x33: {  	p0 =	seq.s32 s10, $0x1;
	s10 =	sld [smem:$0x3FB6];
	_ =	sdelay $0x3  }
0x34: {  	[smem:$0x3FB6] =	sst s10  }
0x35: {  	s10 =	sld [smem:$0x3FB5];
	_ =	sdelay $0x3  }
0x36: {  	p1 =	seq.s32 s10, $0x1;
	s10 =	sld [smem:$0x3FB6];
	_ =	sdelay $0x3  }
0x37: {  	[smem:$0x3FB6] =	sst s10  }
0x38: {  	s10 =	sld [smem:$0x3FB7]  }
0x39: {  	_ = 	snop;
	(pc) =	sbr.ind lr, $3  }
0x3a: {  	_ = 	snop  }
0x3b: {  	_ = 	snop  }
0x3c: {  	p2 =	seq.s32 s10, $0x1;
	s10 =	sld [smem:$0x3FB6]  }
0x3d: {  	_ =	shalt  }
0x3e: {  	_ =	shalt  }
0x3f: {  	_ =	shalt  }
0x40: {  	_ =	shalt  }
0x41: {  	_ =	shalt  }
0x42: {  	_ =	shalt  }
0x43: {  	_ =	shalt  }
0x44: {  	_ =	shalt  }
0x45: {  	_ =	shalt  }
0x46: {  	_ =	shalt  }
0x47: {  	_ =	shalt  }
0x48: {  	_ =	shalt  }
0x49: {  	_ =	shalt  }
0x4a: {  	_ =	shalt  }
0x4b: {  	_ =	shalt  }
0x4c: {  	_ =	shalt  }
0x4d: {  	_ =	shalt  }
0x4e: {  	_ =	shalt  }
0x4f: {  	_ =	shalt  }
0x50: {  	_ =	shalt  }
0x51: {  	_ =	shalt  }
0x52: {  	_ =	shalt  }
0x53: {  	_ =	shalt  }
0x54: {  	_ =	shalt  }
0x55: {  	_ =	shalt  }
0x56: {  	_ =	shalt  }
0x57: {  	_ =	shalt  }
0x58: {  	_ =	shalt  }
0x59: {  	_ =	shalt  }
0x5a: {  	_ =	shalt  }
0x5b: {  	_ =	shalt  }
0x5c: {  	_ =	shalt  }
0x5d: {  	_ =	shalt  }
0x5e: {  	_ =	shalt  }
0x5f: {  	_ =	shalt  }
0x60: {  	_ =	shalt  }
0x61: {  	_ =	shalt  }
0x62: {  	_ =	shalt  }
0x63: {  	_ =	shalt  }
0x64: {  	_ =	shalt  }
0x65: {  	_ =	shalt  }
0x66: {  	_ =	shalt  }
0x67: {  	_ =	shalt  }
0x68: {  	_ =	shalt  }
0x69: {  	_ =	shalt  }
0x6a: {  	_ =	shalt  }
0x6b: {  	_ =	shalt  }
0x6c: {  	_ =	shalt  }
0x6d: {  	_ =	shalt  }
0x6e: {  	_ =	shalt  }
0x6f: {  	_ =	shalt  }
0x70: {  	_ =	shalt  }
0x71: {  	_ =	shalt  }
0x72: {  	_ =	shalt  }
0x73: {  	_ =	shalt  }
0x74: {  	_ =	shalt  }
0x75: {  	_ =	shalt  }
0x76: {  	_ =	shalt  }
0x77: {  	_ =	shalt  }
0x78: {  	_ =	shalt  }
0x79: {  	_ =	shalt  }
0x7a: {  	_ =	shalt  }
0x7b: {  	_ =	shalt  }
0x7c: {  	_ =	shalt  }
0x7d: {  	_ =	shalt  }
0x7e: {  	_ =	shalt  }
0x7f: {  	_ =	shalt  }
0x80: {  	_ =	shalt  }
0x81: {  	_ =	shalt  }
0x82: {  	_ =	shalt  }
0x83: {  	_ =	shalt  }
0x84: {  	_ =	shalt  }
0x85: {  	_ =	shalt  }
0x86: {  	_ =	shalt  }
0x87: {  	_ =	shalt  }
.Lfunc_end0:
.L_simem_size_0:
called_computation.2_lowered:
.L_overlay_start_0:
0x88: {  	s2 =	sld [smem:$0x3FD9]  }
0x89: {  	s3 =	sld [smem:$0x3FFE];
	_ =	sdelay $0x1  }
0x8a: {  	s1 =	srdreg.scid  }
0x8b: {  	s0 =	sand.u32 $0x1, s1  }
0x8c: {  	s17 =	sshll.u32 s0, $0xA;
	s2 =	sadd.s32 s3, s2  }
0x8d: {  	s2 =	sadd.s32 s2, s17  }
0x8e: {  	[smem:$0x3FC2] =	sst s2  }
0x8f: {  	_ = 	snop  }
0x90: {  	s2 =	sld [smem:$0x3FD0];
	(tm) =	ssettm $0x1  }
0x91: {  	s18 =	sld [smem:$0x3FFB];
	_ =	sdelay $0x3  }
0x92: {  	_ =	strace s18  }
0x93: {  	s3 =	sld [smem:$0x3FFC];
	_ =	sdelay $0x3  }
0x94: {  	_ =	strace s3  }
0x95: {  	s3 =	sld [smem:$0x3FFD];
	_ =	sdelay $0x3  }
0x96: {  	_ =	strace s3  }
0x97: {  	_ =	strace $0x8FFFFFFF  }
0x98: {  	s19 =	sld [smem:$0x3FDB];
	_ =	sdelay $0x1  }
0x99: {  	s4 =	simm.s32 $_scs_section_size  }
0x9a: {  	s5 =	simm.s32 $_size__tile_overlayer_lowered;
	s6 =	simm.s32 $_tile_overlayer_lowered  }
0x9b: {  	s22 =	simm.s32 $0x1BFF;
	s21 =	sshll.u32 s6, $0x1;
	s3 =	sadd.s32 s4, s19  }
0x9c: {  	s7 =	simm.s32 $0x0;
	s20 =	sshll.u32 s5, $0x1;
	s5 =	sadd.s32 s21, s3  }
0x9d: {  	[timem:s7], [sflag:s22] =	dma.local [hbm:s5], s20  }
0x9e: {  	_ =	swait.ge [sflag:s22], s20  }
0x9f: {  	s4 =	ssub.s32 $0x0, s20;
	[sflag:s22] =	ssyncset.done $0x0  }
0xa0: {  	[sflag:s22] =	ssyncadd.s32 s4;
	_ =	sdelay $0x1  }
0xa1: {  	s23 =	simm.s32 $0x1B8B  }
0xa2: {  	_ =	swait.ge [sflag:s23], $0x1  }
0xa3: {  	[sflag:s23] =	ssyncset.done $0x0  }
0xa4: {  	s25 =	simm.s32 $0x1B8E;
	s24 =	sld [smem:$0x3FFE];
	[sflag:s23] =	ssyncadd.s32 $0xFFFFFFFF  }
0xa5: {  	s26 =	simm.s32 $execute0_lowered;
	[smem:$0x3FD2] =	sst s25  }
0xa6: {  	s5 =	sshll.u32 s26, $0x1;
	_ =	strace $0x8000004C;
	[dreg:$0x1] =	wrdreg $0xFFFFFFFF  }
0xa7: {  	s28 =	simm.s32 $_size_execute0_lowered;
	s3 =	sadd.s32 s3, s5;
	[dreg:$0x0] =	wrdreg $0x0  }
0xa8: {  	s5 =	sshll.u32 s28, $0x1;
	[dreg:$0x2] =	wrdreg s3  }
0xa9: {  	[dreg:$0x3] =	wrdreg s5  }
0xaa: {  	[dreg:$0x4] =	wrdreg $0xC0  }
0xab: {  	_ =	task [dreg:s7], $0x5FFFF  }
0xac: {  	[dreg:$0x1] =	wrdreg $0xFFFFFFFF  }
0xad: {  	[dreg:$0x0] =	wrdreg $0x60  }
0xae: {  	[dreg:$0x2] =	wrdreg s24  }
0xaf: {  	[dreg:$0x3] =	wrdreg s2  }
0xb0: {  	[dreg:$0x4] =	wrdreg $0x8F800  }
0xb1: {  	[dreg:$0x5] =	wrdreg $0x9  }
0xb2: {  	_ =	task.clear_ibuf [dreg:s7], $0x6FFFF;
	_ =	strace $0x9000004C  }
0xb3: {  	s29 =	simm.s32 $0x9;
	_ =	strace $0x8000004E  }
0xb4: {  	_ =	swait.ge [sflag:s29], $0x1  }
0xb5: {  	[sflag:s29] =	ssyncadd.s32 $0xFFFFFFFF  }
0xb6: {  	_ =	strace $0x9000004E  }
0xb7: {  	_ =	sfence  }
0xb8: {  	s30 =	sld [smem:$0x0];
	_ =	sdelay $0x2  }
0xb9: {  	s31 =	sshll.u32 s1, $0xD;
	s1 =	sshrl.u32 s1, $0x2  }
0xba: {  	s3 =	sand.u32 $0x4000, s31;
	s1 =	sadd.s32 s1, s30  }
0xbb: {  	s0 =	sor.u32 s3, s0;
	s1 =	sshll.u32 s1, $0x11  }
0xbc: {  	s0 =	sor.u32 s1, s0  }
0xbd: {  	s0 =	sadd.s32 $0x8F2B, s0  }
0xbe: {  	[sflag:s0] =	ssyncadd.remote.s32 $0x1  }
0xbf: {  	_ =	sfence.sel $0xFFFF  }
0xc0: {  	[dreg:$0x0] =	wrdreg $0xFFFFFFFF;
	(pc) =	sbr.abs _section_cstart, $3  }
0xc1: {  	[dreg:$0x1] =	wrdreg $0xFFFFFFFF  }
0xc2: {  	_ =	task.clear_ibuf [dreg:s7], $0x2FFFF;
	_ =	strace $0x9FFFFFFF  }
0xc3: {  	(tm) =	ssettm $0x7FFFFFFF  }
tec
execute0_lowered:
.L_overlay_start_1:
0x0: {  	(tag) =	ssettag $0x1  }
0x1: {  	s0 =	rddreg [dreg:$0x0]  }
0x2: {  	s1 =	srdreg.scid;
	s2 =	rddreg [dreg:$0x1]  }
0x3: {  	s11 =	stileid.u32;
	s3 =	rddreg [dreg:$0x2]  }
0x4: {  	s29 =	simm.s32 $0x5380;
	s17 =	simm.s32 $0x7B80;
	s28 =	simm.s32 $0x6  }
0x5: {  	s30 =	simm.s32 $0xD;
	s31 =	simm.s32 $0x3;
	s16 =	simm.s32 $0xF  }
0x6: {  	s1 =	sand.u32 $0x1, s1;
	s4 =	sshll.u32 s11, $0x1;
	s9 =	smul.u32 $0x14000, s11  }
0x7: {  	s18 =	sshrl.u32 s11, $0x2;
	s10 =	smul.u32 $0x50000, s11;
	s12 =	sadd.s32 $0x2800, s0  }
0x8: {  	s26 =	sshll.u32 s11, $0x6;
	s6 =	sor.u32 s1, s4;
	s5 =	smul.u32 $0x13C00, s18  }
0x9: {  	s4 =	simm.s32 $0x0;
	s8 =	smul.u32 $0x140000, s1;
	s1 =	ssub.s32 $0x2, s1  }
0xa: {  	s13 =	sor.u32 $0x1C10, s26;
	s26 =	simm.s32 $0x2880;
	s7 =	sshll.u32 s6, $0x7  }
0xb: {  	[smem:$0x7FF] =	sst s4;
	s19 =	sshrl.u32 s1, $0x1;
	s20 =	sshrl.u32 s10, $0x2  }
0xc: {  	s21 =	sshll.u32 s6, $0xC;
	s10 =	simm.s32 $0x0;
	s7 =	sand.u32 $0x380, s7  }
0xd: {  	_ =	strace $0x8000004D;
	s8 =	sadd.s32 s9, s8;
	[dreg:$0x4] =	wrdreg s12  }
0xe: {  	s1 =	ssub.s32 s1, s19;
	s22 =	sadd.s32 s2, s21;
	s12 =	simm.s32 $0x10  }
0xf: {  	s21 =	simm.s32 $0x2780;
	[dreg:$0xd] =	wrdreg s13;
	s7 =	sor.u32 s5, s7  }
0x10: {  	s5 =	sadd.s32 $0x1D000, s0;
	s9 =	sadd.s32 $0x10, s22;
	[dreg:$0x6] =	wrdreg s22  }
0x11: {  	s8 =	sshrl.u32 s8, $0x3;
	s23 =	sadd.s32 $0x20, s22;
	[dreg:$0x7] =	wrdreg s9  }
0x12: {  	s24 =	sadd.s32 $0x30, s22;
	s25 =	smax.u32 s1, $0x1;
	[dreg:$0x8] =	wrdreg s23  }
0x13: {  	s1 =	simm.s32 $0x8;
	s7 =	sshrl.u32 s7, $0x3;
	[dreg:$0x9] =	wrdreg s24  }
0x14: {  	[dreg:$0xc] =	wrdreg s25;
	s23 =	simm.s32 $0x2B80;
	s24 =	simm.s32 $0xB  }
0x15: {  	s25 =	simm.s32 $0x1;
	s7 =	sadd.s32 s7, s0;
	s0 =	sadd.s32 s8, s0  }
.Ltmp0:
0x16: {  	s8 =	sshll.u32 s6, $0xF;
	s6 =	sadd.s32 $0x40, s22;
	(pc) =	sbr.rel .LBB2_1-.Ltmp0, $4  }
0x17: {  	s22 =	simm.s32 $0x28;
	s7 =	sadd.s32 $0x13200, s7;
	[dreg:$0xa] =	wrdreg s6  }
0x18: {  	s0 =	sadd.s32 $0x45000, s0;
	[dreg:$0x5] =	wrdreg s7;
	s7 =	sadd.s32 s20, s3  }
0x19: {  	s6 =	simm.s32 $0x5;
	[dreg:$0xb] =	wrdreg s0;
	s14 =	sshrl.u32 s7, $0x3  }
0x1a: {  	s0 =	simm.s32 $0x2980;
	s7 =	simm.s32 $0xA;
	[dreg:$0xe] =	wrdreg s14  }
.LBB2_4:
0x1b: {  	[bflag:$0x0] =	sbarrier.arrive $0xFFFF  }
0x1c: {  	s9 =	rddreg [dreg:$0xb]  }
0x1d: {  	s13 =	rddreg [dreg:$0xd]  }
0x1e: {  	s12 =	simm.s32 $0x10;
	s14 =	rddreg [dreg:$0xe]  }
0x1f: {  	[hbm:s9], [sflag:s13] =	dma.local [spmem:s14], $0x2800  }
0x20: {  	_ =	swait.ge [sflag:s12], $0x2800  }
0x21: {  	s10 =	rddreg [dreg:$0xf]  }
0x22: {  	s20 =	rddreg [dreg:$0xc];
	s10 =	sadd.s32 $0x1, s10  }
0x23: {  	p0 =	sne.s32 s10, s20  }
.Ltmp1:
0x24: {  	_ = 	snop;
	(pc) =	sbr.rel @!p0 .LBB2_5-.Ltmp1, $3  }
0x25: {  	_ =	sdelay $0x1  }
0x26: {  	[sflag:s12] =	ssyncset.done $0x0  }
0x27: {  	[sflag:s12] =	ssyncadd.s32 $0xFFFFD800  }
.LBB2_1:
0x28: {  	[dreg:$0xf] =	wrdreg s10  }
0x29: {  	s9 =	rddreg [dreg:$0x5];
	s20 =	simm.s32 $0x80;
	s11 =	simm.s32 $0x400  }
0x2a: {  	[tilespmem:s4], [sflag:$0x10] =	stream.strided.gather [hbm4b:s9+s20], $0x2780, s11, s20, $0x38;
	[tilespmem:$0x1CF80] =	vst v63  }
0x2b: {  	_ =	swait.ge [sflag:s12], $0x2780  }
0x2c: {  	[sflag:s12] =	ssyncset.done $0x0  }
0x2d: {  	s15 =	rddreg [dreg:$0x4];
	[sflag:s12] =	ssyncadd.s32 $0xFFFFD880  }
0x2e: {  	[spmem:s14], [sflag:s13] =	dma.local [hbm:s15], $0x2800  }
0x2f: {  	_ =	swait.ge [sflag:s12], $0x2800  }
0x30: {  	[sflag:s12] =	ssyncset.done $0x0  }
0x31: {  	[sflag:s12] =	ssyncadd.s32 $0xFFFFD800  }
0x32: {  	[bflag:$0x0] =	sbarrier.arrive $0xFFFF  }
0x33: {  	s18 =	rddreg [dreg:$0x6]  }
0x34: {  	[tilespmem:s21], [sflag:$0xB] =	stream.linear.gather [hbm4b:s18+s4], $0x80, $0x38;
	[tilespmem:$0x1CF80] =	vst v63  }
0x35: {  	_ = 	snop  }
0x36: {  	[tilespmem:s23], [sflag:$0x1] =	stream.indirect.gather [hbm4b:s5+s22], $0x80, s4, s22, $0xb8;
	[tilespmem:$0x1CF80] =	vst v63  }
0x37: {  	s20 =	simm.s32 $0x2800;
	s19 =	rddreg [dreg:$0x7]  }
0x38: {  	[tilespmem:s20], [sflag:$0xC] =	stream.linear.gather [hbm4b:s19+s4], $0x80, $0x38;
	[tilespmem:$0x1CF80] =	vst v63  }
0x39: {  	s10 =	simm.s32 $0x3F80  }
0x3a: {  	[tilespmem:s10], [sflag:$0x2] =	stream.indirect.gather [hbm4b:s5+s22], $0x80, s22, s22, $0xb8;
	[tilespmem:$0x1CF80] =	vst v63  }
0x3b: {  	s11 =	rddreg [dreg:$0x8]  }
0x3c: {  	[tilespmem:s26], [sflag:$0xD] =	stream.linear.gather [hbm4b:s11+s4], $0x80, $0x38;
	[tilespmem:$0x1CF80] =	vst v63  }
0x3d: {  	s12 =	simm.s32 $0x50  }
0x3e: {  	[tilespmem:s29], [sflag:$0x3] =	stream.indirect.gather [hbm4b:s5+s22], $0x80, s12, s22, $0xb8;
	[tilespmem:$0x1CF80] =	vst v63  }
0x3f: {  	s14 =	simm.s32 $0x2900;
	s13 =	rddreg [dreg:$0x9]  }
0x40: {  	[tilespmem:s14], [sflag:$0xE] =	stream.linear.gather [hbm4b:s13+s4], $0x80, $0x38;
	[tilespmem:$0x1CF80] =	vst v63  }
0x41: {  	s15 =	simm.s32 $0x78;
	s18 =	simm.s32 $0x6780  }
0x42: {  	[tilespmem:s18], [sflag:$0x4] =	stream.indirect.gather [hbm4b:s5+s22], $0x80, s15, s22, $0xb8;
	[tilespmem:$0x1CF80] =	vst v63  }
0x43: {  	s19 =	rddreg [dreg:$0xa]  }
0x44: {  	[tilespmem:s0], [sflag:$0xF] =	stream.linear.gather [hbm4b:s19+s4], $0x80, $0x38;
	[tilespmem:$0x1CF80] =	vst v63  }
0x45: {  	s20 =	simm.s32 $0xA0;
	s11 =	simm.s32 $0x168;
	s12 =	simm.s32 $0x0  }
0x46: {  	[tilespmem:s17], [sflag:$0x5] =	stream.indirect.gather [hbm4b:s5+s22], $0x80, s20, s22, $0xb8;
	[tilespmem:$0x1CF80] =	vst v63  }
.LBB2_2:
0x47: {  	_ =	swait.ge [sflag:s24], $0x80  }
0x48: {  	[sflag:s24] =	ssyncset.done $0x0  }
0x49: {  	[sflag:s24] =	ssyncadd.s32 $0xFFFFFF80  }
0x4a: {  	_ =	swait.ge [sflag:s25], $0x1400  }
0x4b: {  	[sflag:s25] =	ssyncset.done $0x0  }
0x4c: {  	[sflag:s25] =	ssyncadd.s32 $0xFFFFEC00  }
0x4d: {  	[spmem:s3] =	stream.indirect.scatter.add.f32 [tilespmem:s23], [sflag:$0x6], $0x80, s21, s22, $0xb8;
	[tilespmem:$0x1CF80] =	vst v63  }
0x4e: {  	_ =	swait.ge [sflag:s28], $0x1400  }
0x4f: {  	p0 =	seq.s32 s12, $0x7A80;
	[sflag:s28] =	ssyncset.done $0x0  }
0x50: {  	s13 =	simm.s32 @p0 $0xC;
	[sflag:s28] =	ssyncadd.s32 $0xFFFFEC00  }
0x51: {  	_ =	swait.ge @p0 [sflag:s13], $0x80  }
0x52: {  	[sflag:s13] =	ssyncset.done @p0 $0x0  }
0x53: {  	[sflag:s13] =	ssyncadd.s32 @p0 $0xFFFFFF80;
	s13 =	simm.s32 @p0 $0x2  }
0x54: {  	_ =	swait.ge @p0 [sflag:s13], $0x1400  }
0x55: {  	s15 =	simm.s32 @p0 $0x28;
	[sflag:s13] =	ssyncset.done @p0 $0x0  }
0x56: {  	s14 =	simm.s32 @p0 $0x3F80;
	[sflag:s13] =	ssyncadd.s32 @p0 $0xFFFFEC00;
	s13 =	simm.s32 @p0 $0x2800  }
0x57: {  	[spmem:s3] =	stream.indirect.scatter.add.f32 @p0 [tilespmem:s14], [sflag:$0x7], $0x80, s13, s15, $0xb8;
	[tilespmem:$0x1CF80] =	vst v63  }
0x58: {  	s13 =	sadd.s32 @!p0 $0x280, s12  }
0x59: {  	s14 =	simm.s32 @p0 $0x7;
	s9 =	sand.u32 @!p0 $0x1FC00, s13  }
0x5a: {  	_ =	swait.ge @p0 [sflag:s14], $0x1400;
	s13 =	sand.u32 @!p0 $0x380, s13;
	s9 =	sadd.s32 @!p0 s8, s9  }
0x5b: {  	[sflag:s14] =	ssyncset.done @p0 $0x0;
	s9 =	sor.u32 @!p0 s13, s9  }
0x5c: {  	[sflag:s14] =	ssyncadd.s32 @p0 $0xFFFFEC00;
	s9 =	sshrl.u32 @!p0 s9, $0x3  }
0x5d: {  	s13 =	simm.s32 @!p0 $0x0;
	s14 =	simm.s32 @!p0 $0x2780;
	s9 =	sadd.s32 @!p0 s2, s9  }
0x5e: {  	[tilespmem:s14], [sflag:$0xB] =	stream.linear.gather @!p0 [hbm4b:s9+s13], $0x80, $0x38;
	[tilespmem:$0x1CF80] =	vst v63  }
0x5f: {  	s19 =	simm.s32 @!p0 $0x2B80;
	s9 =	sadd.s32 @!p0 $0xFFFFFF60, s11;
	s14 =	simm.s32 @!p0 $0x28  }
0x60: {  	[tilespmem:s19], [sflag:$0x1] =	stream.indirect.gather @!p0 [hbm4b:s5+s14], $0x80, s9, s14, $0xb8;
	[tilespmem:$0x1CF80] =	vst v63  }
0x61: {  	s9 =	simm.s32 @!p0 $0xC  }
0x62: {  	_ =	swait.ge @!p0 [sflag:s9], $0x80  }
0x63: {  	[sflag:s9] =	ssyncset.done @!p0 $0x0  }
0x64: {  	s20 =	sadd.s32 @!p0 $0x300, s12;
	[sflag:s9] =	ssyncadd.s32 @!p0 $0xFFFFFF80;
	s9 =	simm.s32 @!p0 $0x2  }
0x65: {  	s10 =	simm.s32 @!p0 $0x7;
	s18 =	sand.u32 @!p0 $0x1FC00, s20;
	_ =	swait.ge @!p0 [sflag:s9], $0x1400  }
0x66: {  	s20 =	sand.u32 @!p0 $0x380, s20;
	s18 =	sadd.s32 @!p0 s8, s18;
	[sflag:s9] =	ssyncset.done @!p0 $0x0  }
0x67: {  	s19 =	simm.s32 @!p0 $0x3F80;
	[sflag:s9] =	ssyncadd.s32 @!p0 $0xFFFFEC00;
	s9 =	simm.s32 @!p0 $0x2800  }
0x68: {  	[spmem:s3] =	stream.indirect.scatter.add.f32 @!p0 [tilespmem:s19], [sflag:$0x7], $0x80, s9, s14, $0xb8;
	[tilespmem:$0x1CF80] =	vst v63  }
0x69: {  	s18 =	sor.u32 @!p0 s20, s18;
	_ =	swait.ge @!p0 [sflag:s10], $0x1400  }
0x6a: {  	s18 =	sshrl.u32 @!p0 s18, $0x3;
	[sflag:s10] =	ssyncset.done @!p0 $0x0  }
0x6b: {  	[sflag:s10] =	ssyncadd.s32 @!p0 $0xFFFFEC00;
	s10 =	sadd.s32 @!p0 s2, s18  }
0x6c: {  	[tilespmem:s9], [sflag:$0xC] =	stream.linear.gather @!p0 [hbm4b:s10+s13], $0x80, $0x38;
	[tilespmem:$0x1CF80] =	vst v63  }
0x6d: {  	s9 =	sadd.s32 @!p0 $0xFFFFFF88, s11  }
0x6e: {  	[tilespmem:s19], [sflag:$0x2] =	stream.indirect.gather @!p0 [hbm4b:s5+s14], $0x80, s9, s14, $0xb8;
	[tilespmem:$0x1CF80] =	vst v63  }
0x6f: {  	_ =	swait.ge [sflag:s30], $0x80  }
0x70: {  	[sflag:s30] =	ssyncset.done $0x0  }
0x71: {  	[sflag:s30] =	ssyncadd.s32 $0xFFFFFF80  }
0x72: {  	_ =	swait.ge [sflag:s31], $0x1400  }
0x73: {  	[sflag:s31] =	ssyncset.done $0x0  }
0x74: {  	[sflag:s31] =	ssyncadd.s32 $0xFFFFEC00  }
0x75: {  	[spmem:s3] =	stream.indirect.scatter.add.f32 [tilespmem:s29], [sflag:$0x8], $0x80, s26, s22, $0xb8;
	[tilespmem:$0x1CF80] =	vst v63  }
0x76: {  	_ =	swait.ge [sflag:s1], $0x1400  }
0x77: {  	[sflag:s1] =	ssyncset.done $0x0  }
0x78: {  	s9 =	simm.s32 @p0 $0xE;
	[sflag:s1] =	ssyncadd.s32 $0xFFFFEC00  }
0x79: {  	_ =	swait.ge @p0 [sflag:s9], $0x80  }
0x7a: {  	[sflag:s9] =	ssyncset.done @p0 $0x0  }
0x7b: {  	[sflag:s9] =	ssyncadd.s32 @p0 $0xFFFFFF80;
	s9 =	simm.s32 @p0 $0x4  }
0x7c: {  	_ =	swait.ge @p0 [sflag:s9], $0x1400  }
0x7d: {  	[sflag:s9] =	ssyncset.done @p0 $0x0  }
0x7e: {  	s10 =	simm.s32 @p0 $0x6780;
	[sflag:s9] =	ssyncadd.s32 @p0 $0xFFFFEC00;
	s9 =	simm.s32 @p0 $0x2900  }
0x7f: {  	[spmem:s3] =	stream.indirect.scatter.add.f32 @p0 [tilespmem:s10], [sflag:$0x9], $0x80, s9, s15, $0xb8;
	[tilespmem:$0x1CF80] =	vst v63  }
0x80: {  	s9 =	sadd.s32 @!p0 $0x380, s12  }
0x81: {  	s10 =	sand.u32 @!p0 $0x1FC00, s9  }
0x82: {  	s15 =	simm.s32 @p0 $0x9;
	s9 =	sand.u32 @!p0 $0x380, s9;
	s10 =	sadd.s32 @!p0 s8, s10  }
0x83: {  	_ =	swait.ge @p0 [sflag:s15], $0x1400;
	s9 =	sor.u32 @!p0 s9, s10  }
0x84: {  	[sflag:s15] =	ssyncset.done @p0 $0x0;
	s9 =	sshrl.u32 @!p0 s9, $0x3  }
0x85: {  	[sflag:s15] =	ssyncadd.s32 @p0 $0xFFFFEC00;
	s10 =	simm.s32 @!p0 $0x2880;
	s9 =	sadd.s32 @!p0 s2, s9  }
0x86: {  	[tilespmem:s10], [sflag:$0xD] =	stream.linear.gather @!p0 [hbm4b:s9+s13], $0x80, $0x38;
	[tilespmem:$0x1CF80] =	vst v63  }
0x87: {  	s9 =	sadd.s32 @!p0 $0xFFFFFFB0, s11;
	s10 =	simm.s32 @!p0 $0x5380  }
0x88: {  	[tilespmem:s10], [sflag:$0x3] =	stream.indirect.gather @!p0 [hbm4b:s5+s14], $0x80, s9, s14, $0xb8;
	[tilespmem:$0x1CF80] =	vst v63  }
0x89: {  	s9 =	simm.s32 @!p0 $0xE  }
0x8a: {  	_ =	swait.ge @!p0 [sflag:s9], $0x80  }
0x8b: {  	[sflag:s9] =	ssyncset.done @!p0 $0x0  }
0x8c: {  	s15 =	sadd.s32 @!p0 $0x400, s12;
	[sflag:s9] =	ssyncadd.s32 @!p0 $0xFFFFFF80;
	s9 =	simm.s32 @!p0 $0x4  }
0x8d: {  	s18 =	simm.s32 @!p0 $0x9;
	s15 =	sand.u32 @!p0 $0x1FC00, s15;
	_ =	swait.ge @!p0 [sflag:s9], $0x1400  }
0x8e: {  	s19 =	sand.u32 @!p0 $0x380, s12;
	s15 =	sadd.s32 @!p0 s8, s15;
	[sflag:s9] =	ssyncset.done @!p0 $0x0  }
0x8f: {  	s10 =	simm.s32 @!p0 $0x6780;
	[sflag:s9] =	ssyncadd.s32 @!p0 $0xFFFFEC00;
	s9 =	simm.s32 @!p0 $0x2900  }
0x90: {  	[spmem:s3] =	stream.indirect.scatter.add.f32 @!p0 [tilespmem:s10], [sflag:$0x9], $0x80, s9, s14, $0xb8;
	[tilespmem:$0x1CF80] =	vst v63  }
0x91: {  	s15 =	sor.u32 @!p0 s19, s15;
	_ =	swait.ge @!p0 [sflag:s18], $0x1400  }
0x92: {  	s15 =	sshrl.u32 @!p0 s15, $0x3;
	[sflag:s18] =	ssyncset.done @!p0 $0x0  }
0x93: {  	s15 =	sadd.s32 @!p0 s2, s15;
	[sflag:s18] =	ssyncadd.s32 @!p0 $0xFFFFEC00  }
0x94: {  	[tilespmem:s9], [sflag:$0xE] =	stream.linear.gather @!p0 [hbm4b:s15+s13], $0x80, $0x38;
	[tilespmem:$0x1CF80] =	vst v63  }
0x95: {  	s9 =	sadd.s32 @!p0 $0xFFFFFFD8, s11  }
0x96: {  	[tilespmem:s10], [sflag:$0x4] =	stream.indirect.gather @!p0 [hbm4b:s5+s14], $0x80, s9, s14, $0xb8;
	[tilespmem:$0x1CF80] =	vst v63  }
0x97: {  	_ =	swait.ge [sflag:s16], $0x80  }
0x98: {  	[sflag:s16] =	ssyncset.done $0x0  }
0x99: {  	[sflag:s16] =	ssyncadd.s32 $0xFFFFFF80  }
0x9a: {  	_ =	swait.ge [sflag:s6], $0x1400  }
0x9b: {  	[sflag:s6] =	ssyncset.done $0x0  }
.Ltmp2:
0x9c: {  	[sflag:s6] =	ssyncadd.s32 $0xFFFFEC00;
	(pc) =	sbr.rel @p0 .LBB2_4-.Ltmp2, $4  }
0x9d: {  	[spmem:s3] =	stream.indirect.scatter.add.f32 [tilespmem:s17], [sflag:$0xA], $0x80, s0, s22, $0xb8;
	[tilespmem:$0x1CF80] =	vst v63  }
0x9e: {  	_ =	swait.ge [sflag:s7], $0x1400  }
0x9f: {  	[sflag:s7] =	ssyncset.done $0x0  }
0xa0: {  	[sflag:s7] =	ssyncadd.s32 $0xFFFFEC00  }
0xa1: {  	s9 =	sadd.s32 $0x480, s12  }
0xa2: {  	s10 =	sand.u32 $0x1FC00, s9  }
0xa3: {  	s9 =	sand.u32 $0x380, s9;
	s10 =	sadd.s32 s8, s10  }
0xa4: {  	s9 =	sor.u32 s9, s10  }
0xa5: {  	s9 =	sshrl.u32 s9, $0x3  }
.Ltmp3:
0xa6: {  	s9 =	sadd.s32 s2, s9;
	(pc) =	sbr.rel .LBB2_2-.Ltmp3, $4  }
0xa7: {  	[tilespmem:s0], [sflag:$0xF] =	stream.linear.gather [hbm4b:s9+s4], $0x80, $0x38;
	[tilespmem:$0x1CF80] =	vst v63  }
0xa8: {  	_ = 	snop  }
0xa9: {  	[tilespmem:s17], [sflag:$0x5] =	stream.indirect.gather [hbm4b:s5+s22], $0x80, s11, s22, $0xb8;
	[tilespmem:$0x1CF80] =	vst v63  }
0xaa: {  	s12 =	sadd.s32 $0x280, s12;
	s11 =	sadd.s32 $0xC8, s11  }
.LBB2_5:
0xab: {  	_ =	sfence.sel $0x180000  }
0xac: {  	[bflag:$0x0] =	sbarrier.arrive $0xFFFF  }
0xad: {  	_ =	strace $0x9000004D  }
0xae: {  	s0 =	stileid.u32;
	[bflag:$0x2] =	sbarrier.arrive $0xFFFF  }
0xaf: {  	p0 =	sne.s32 s0, $0x0;
	s0 =	rddreg [dreg:$0x3]  }
0xb0: {  	s0 =	sadd.s32 @!p0 $0x100000, s0  }
0xb1: {  	[sflag:s0] =	ssyncadd.tile.s32 @!p0 $0x1;
	_ =	shalt  }
.Lfunc_end2:
_tile_overlayer_lowered:
.L_overlay_start_2:
0xb2: {  	(tag) =	ssettag $0x2  }
0xb3: {  	s0 =	rddreg [dreg:$0x0];
	s2 =	stileid.u32  }
0xb4: {  	s1 =	rddreg [dreg:$0x1];
	p0 =	sne.s32 s2, $0x0  }
0xb5: {  	s3 =	rddreg [dreg:$0x2];
	[bflag:$0x3] =	sbarrier.arrive $0xFFFF;
	s2 =	simm.s32 @!p0 $0x1C10  }
0xb6: {  	[timem:s3], [sflag:s2] =	dma.local @!p0 [hbm:s0], s1  }
0xb7: {  	s0 =	simm.s32 @!p0 $0x10  }
0xb8: {  	_ =	swait.ge @!p0 [sflag:s0], s1  }
0xb9: {  	s1 =	ssub.s32 @!p0 $0x0, s1;
	[sflag:s0] =	ssyncset.done @!p0 $0x0  }
0xba: {  	[sflag:s0] =	ssyncadd.s32 @!p0 s1  }
0xbb: {  	[bflag:$0x3] =	sbarrier.arrive $0xFFFF  }
0xbc: {  	_ =	shalt  }

// kernel: kernel.8.cloned.1.call-start
scs
__scs_entry_jumppad:
0x0: {  	(pc) =	sbr.rel $0x88, $3  }
0x1: {  	(tag) =	ssettag $0x0;
	lr =	simm.s32 $0x1  }
0x2: {  	[smem:$0x3F9B] =	sst lr;
	_ =	strace $0xD0000000  }
0x3: {  	_ = 	snop  }
0x4: {  	_ = 	snop  }
0x5: {  	_ = 	snop  }
0x6: {  	_ = 	snop  }
0x7: {  	_ = 	snop  }
__scs_overlays_trampoline_lowered:
0x8: {  	[smem:$0x3FAA] =	sst s0  }
0x9: {  	[smem:$0x3FAB] =	sst s1  }
0xa: {  	[smem:$0x3FAC] =	sst s2  }
0xb: {  	[smem:$0x3FAD] =	sst s3  }
0xc: {  	[smem:$0x3FAE] =	sst s4  }
0xd: {  	[smem:$0x3FAF] =	sst s5  }
0xe: {  	[smem:$0x3FB0] =	sst s6  }
0xf: {  	[smem:$0x3FB1] =	sst s7  }
0x10: {  	[smem:$0x3FB2] =	sst s8  }
0x11: {  	[smem:$0x3FB3] =	sst s9;
	s0 =	simm.s32 @!p0 $0x0  }
0x12: {  	s1 =	sld [smem:$0x3F99];
	s0 =	simm.s32 @p0 $0x1  }
0x13: {  	[smem:$0x3FB4] =	sst s0;
	s0 =	simm.s32 @!p1 $0x0  }
0x14: {  	s2 =	sld [smem:$0x3F98];
	s0 =	simm.s32 @p1 $0x1  }
0x15: {  	[smem:$0x3FB5] =	sst s0;
	s0 =	simm.s32 @!p2 $0x0  }
0x16: {  	s3 =	sld [smem:$0x3FDB];
	s0 =	simm.s32 @p2 $0x1  }
0x17: {  	s4 =	simm.s32 $0x1BF5;
	[smem:$0x3FB7] =	sst s0  }
0x18: {  	s0 =	sld [smem:$0x3F9A];
	_ =	swait.ge [sflag:s4], $0x0  }
0x19: {  	s7 =	sld [smem:$0x3F9B]  }
0x1a: {  	s8 =	sadd.s32 $0xFFFFE003, lr  }
0x1b: {  	s9 =	sadd.s32 $0xFFFFFEF7, lr;
	s5 =	simm.s32 $0xFFFFFFFF;
	p2 =	slt.u32 s8, $0xFFFFF086  }
0x1c: {  	p1 =	slt.u32 s9, $0xF7A;
	s5 =	simm.s32 @!p2 $0x0  }
0x1d: {  	s5 =	simm.s32 @p1 $0x1;
	p0 =	seq.s32 s7, s2  }
0x1e: {  	s7 =	smul.u32 @!p0 $0xF7A, s2;
	p2 =	seq.s32 @!p0 s5, $0x0  }
0x1f: {  	s9 =	smul.u32 $0xF7A, s1;
	s8 =	simm.s32 @!p0 $0x1BF5;
	p2 =	por !p2, p0  }
0x20: {  	[sflag:s8] =	ssyncset.s32 @!p0 $0xFFFFF086;
	s6 =	sadd.s32 @!p0 s3, s7;
	s7 =	simm.s32 @!p0 $0x108  }
0x21: {  	s3 =	sadd.s32 s3, s9;
	s6 =	sadd.s32 @!p0 $0x88, s6;
	s7 =	simm.s32 @p2 $0x1082  }
0x22: {  	[simem:s7], [sflag:s8] =	dma.local @!p0 [hbm:s6], $0xF7A  }
0x23: {  	s9 =	sor.u32 $0xD0000000, s2;
	s6 =	simm.s32 $0x108;
	_ =	swait.ge @!p0 [sflag:s8], $0x0  }
0x24: {  	s3 =	sadd.s32 $0x88, s3;
	s6 =	simm.s32 @!p1 $0x1082;
	[sflag:s4] =	ssyncset.s32 $0xFFFFF086  }
0x25: {  	[simem:s6], [sflag:s4] =	dma.local [hbm:s3], $0xF7A  }
0x26: {  	[smem:$0x3F9B] =	sst s1;
	(tag) =	ssettag s2;
	_ =	strace s9  }
0x27: {  	s1 =	sld [smem:$0x3FAB]  }
0x28: {  	s2 =	sld [smem:$0x3FAC]  }
0x29: {  	s4 =	sld [smem:$0x3FAE]  }
0x2a: {  	p0 =	seq.s32 s5, $0x0;
	s5 =	sld [smem:$0x3FAF]  }
0x2b: {  	s6 =	sld [smem:$0x3FB0]  }
0x2c: {  	s7 =	sld [smem:$0x3FB1]  }
0x2d: {  	s3 =	simm.s32 $0x108;
	s8 =	sld [smem:$0x3FB2]  }
0x2e: {  	s3 =	simm.s32 @!p0 $0x1082;
	s9 =	sld [smem:$0x3FB3]  }
0x2f: {  	lr =	sadd.s32 s0, s3;
	s0 =	sld [smem:$0x3FAA]  }
0x30: {  	s3 =	sld [smem:$0x3FAD]  }
0x31: {  	[smem:$0x3FB6] =	sst s10  }
0x32: {  	s10 =	sld [smem:$0x3FB4];
	_ =	sdelay $0x3  }
0x33: {  	p0 =	seq.s32 s10, $0x1;
	s10 =	sld [smem:$0x3FB6];
	_ =	sdelay $0x3  }
0x34: {  	[smem:$0x3FB6] =	sst s10  }
0x35: {  	s10 =	sld [smem:$0x3FB5];
	_ =	sdelay $0x3  }
0x36: {  	p1 =	seq.s32 s10, $0x1;
	s10 =	sld [smem:$0x3FB6];
	_ =	sdelay $0x3  }
0x37: {  	[smem:$0x3FB6] =	sst s10  }
0x38: {  	s10 =	sld [smem:$0x3FB7]  }
0x39: {  	_ = 	snop;
	(pc) =	sbr.ind lr, $3  }
0x3a: {  	_ = 	snop  }
0x3b: {  	_ = 	snop  }
0x3c: {  	p2 =	seq.s32 s10, $0x1;
	s10 =	sld [smem:$0x3FB6]  }
0x3d: {  	_ =	shalt  }
0x3e: {  	_ =	shalt  }
0x3f: {  	_ =	shalt  }
0x40: {  	_ =	shalt  }
0x41: {  	_ =	shalt  }
0x42: {  	_ =	shalt  }
0x43: {  	_ =	shalt  }
0x44: {  	_ =	shalt  }
0x45: {  	_ =	shalt  }
0x46: {  	_ =	shalt  }
0x47: {  	_ =	shalt  }
0x48: {  	_ =	shalt  }
0x49: {  	_ =	shalt  }
0x4a: {  	_ =	shalt  }
0x4b: {  	_ =	shalt  }
0x4c: {  	_ =	shalt  }
0x4d: {  	_ =	shalt  }
0x4e: {  	_ =	shalt  }
0x4f: {  	_ =	shalt  }
0x50: {  	_ =	shalt  }
0x51: {  	_ =	shalt  }
0x52: {  	_ =	shalt  }
0x53: {  	_ =	shalt  }
0x54: {  	_ =	shalt  }
0x55: {  	_ =	shalt  }
0x56: {  	_ =	shalt  }
0x57: {  	_ =	shalt  }
0x58: {  	_ =	shalt  }
0x59: {  	_ =	shalt  }
0x5a: {  	_ =	shalt  }
0x5b: {  	_ =	shalt  }
0x5c: {  	_ =	shalt  }
0x5d: {  	_ =	shalt  }
0x5e: {  	_ =	shalt  }
0x5f: {  	_ =	shalt  }
0x60: {  	_ =	shalt  }
0x61: {  	_ =	shalt  }
0x62: {  	_ =	shalt  }
0x63: {  	_ =	shalt  }
0x64: {  	_ =	shalt  }
0x65: {  	_ =	shalt  }
0x66: {  	_ =	shalt  }
0x67: {  	_ =	shalt  }
0x68: {  	_ =	shalt  }
0x69: {  	_ =	shalt  }
0x6a: {  	_ =	shalt  }
0x6b: {  	_ =	shalt  }
0x6c: {  	_ =	shalt  }
0x6d: {  	_ =	shalt  }
0x6e: {  	_ =	shalt  }
0x6f: {  	_ =	shalt  }
0x70: {  	_ =	shalt  }
0x71: {  	_ =	shalt  }
0x72: {  	_ =	shalt  }
0x73: {  	_ =	shalt  }
0x74: {  	_ =	shalt  }
0x75: {  	_ =	shalt  }
0x76: {  	_ =	shalt  }
0x77: {  	_ =	shalt  }
0x78: {  	_ =	shalt  }
0x79: {  	_ =	shalt  }
0x7a: {  	_ =	shalt  }
0x7b: {  	_ =	shalt  }
0x7c: {  	_ =	shalt  }
0x7d: {  	_ =	shalt  }
0x7e: {  	_ =	shalt  }
0x7f: {  	_ =	shalt  }
0x80: {  	_ =	shalt  }
0x81: {  	_ =	shalt  }
0x82: {  	_ =	shalt  }
0x83: {  	_ =	shalt  }
0x84: {  	_ =	shalt  }
0x85: {  	_ =	shalt  }
0x86: {  	_ =	shalt  }
0x87: {  	_ =	shalt  }
.Lfunc_end0:
.L_simem_size_0:
called_computation_lowered:
.L_overlay_start_0:
0x88: {  	s2 =	sld [smem:$0x3FD9]  }
0x89: {  	s3 =	sld [smem:$0x3FFE];
	_ =	sdelay $0x1  }
0x8a: {  	s1 =	srdreg.scid  }
0x8b: {  	s0 =	sand.u32 $0x1, s1  }
0x8c: {  	s16 =	sshll.u32 s0, $0xA;
	s2 =	sadd.s32 s3, s2  }
0x8d: {  	s2 =	sadd.s32 s2, s16  }
0x8e: {  	[smem:$0x3FC2] =	sst s2  }
0x8f: {  	_ = 	snop  }
0x90: {  	(tm) =	ssettm $0x1  }
0x91: {  	s17 =	sld [smem:$0x3FFB];
	_ =	sdelay $0x3  }
0x92: {  	_ =	strace s17  }
0x93: {  	s2 =	sld [smem:$0x3FFC];
	_ =	sdelay $0x3  }
0x94: {  	_ =	strace s2  }
0x95: {  	s2 =	sld [smem:$0x3FFD];
	_ =	sdelay $0x3  }
0x96: {  	_ =	strace s2  }
0x97: {  	_ =	strace $0x8FFFFFFF  }
0x98: {  	s18 =	sld [smem:$0x3FDB];
	_ =	sdelay $0x1  }
0x99: {  	s19 =	simm.s32 $_scs_section_size  }
0x9a: {  	s4 =	simm.s32 $_size__tile_overlayer_lowered;
	s5 =	simm.s32 $_tile_overlayer_lowered  }
0x9b: {  	s22 =	simm.s32 $0x1BFF;
	s21 =	sshll.u32 s5, $0x1;
	s2 =	sadd.s32 s19, s18  }
0x9c: {  	s6 =	simm.s32 $0x0;
	s20 =	sshll.u32 s4, $0x1;
	s4 =	sadd.s32 s21, s2  }
0x9d: {  	[timem:s6], [sflag:s22] =	dma.local [hbm:s4], s20  }
0x9e: {  	_ =	swait.ge [sflag:s22], s20  }
0x9f: {  	s3 =	ssub.s32 $0x0, s20;
	[sflag:s22] =	ssyncset.done $0x0  }
0xa0: {  	[sflag:s22] =	ssyncadd.s32 s3;
	_ =	sdelay $0x1  }
0xa1: {  	s23 =	simm.s32 $0x1B8B  }
0xa2: {  	_ =	swait.ge [sflag:s23], $0x1  }
0xa3: {  	[sflag:s23] =	ssyncset.done $0x0  }
0xa4: {  	s25 =	simm.s32 $0x1B8E;
	s24 =	sld [smem:$0x3FFE];
	[sflag:s23] =	ssyncadd.s32 $0xFFFFFFFF  }
0xa5: {  	s26 =	simm.s32 $execute0_lowered;
	[smem:$0x3FD2] =	sst s25  }
0xa6: {  	s4 =	sshll.u32 s26, $0x1;
	_ =	strace $0x80000046;
	[dreg:$0x1] =	wrdreg $0xFFFFFFFF  }
0xa7: {  	s28 =	simm.s32 $_size_execute0_lowered;
	s2 =	sadd.s32 s2, s4;
	[dreg:$0x0] =	wrdreg $0x0  }
0xa8: {  	s4 =	sshll.u32 s28, $0x1;
	[dreg:$0x2] =	wrdreg s2  }
0xa9: {  	[dreg:$0x3] =	wrdreg s4  }
0xaa: {  	[dreg:$0x4] =	wrdreg $0xC0  }
0xab: {  	_ =	task [dreg:s6], $0x5FFFF  }
0xac: {  	[dreg:$0x1] =	wrdreg $0xFFFFFFFF  }
0xad: {  	[dreg:$0x0] =	wrdreg $0x60  }
0xae: {  	[dreg:$0x2] =	wrdreg s24  }
0xaf: {  	[dreg:$0x3] =	wrdreg $0x43000  }
0xb0: {  	[dreg:$0x4] =	wrdreg $0x9  }
0xb1: {  	_ =	task.clear_ibuf [dreg:s6], $0x5FFFF;
	_ =	strace $0x90000046  }
0xb2: {  	s29 =	simm.s32 $0x9;
	_ =	strace $0x80000048  }
0xb3: {  	_ =	swait.ge [sflag:s29], $0x1  }
0xb4: {  	[sflag:s29] =	ssyncadd.s32 $0xFFFFFFFF  }
0xb5: {  	_ =	strace $0x90000048  }
0xb6: {  	_ =	sfence  }
0xb7: {  	s30 =	sld [smem:$0x0];
	_ =	sdelay $0x2  }
0xb8: {  	s31 =	sshll.u32 s1, $0xD;
	s1 =	sshrl.u32 s1, $0x2  }
0xb9: {  	s3 =	sand.u32 $0x4000, s31;
	s1 =	sadd.s32 s1, s30  }
0xba: {  	s0 =	sor.u32 s3, s0;
	s1 =	sshll.u32 s1, $0x11  }
0xbb: {  	s0 =	sor.u32 s1, s0  }
0xbc: {  	s0 =	sadd.s32 $0x8F2B, s0  }
0xbd: {  	[sflag:s0] =	ssyncadd.remote.s32 $0x1  }
0xbe: {  	_ =	sfence.sel $0xFFFF  }
0xbf: {  	[dreg:$0x0] =	wrdreg $0xFFFFFFFF;
	(pc) =	sbr.abs _section_cstart, $3  }
0xc0: {  	[dreg:$0x1] =	wrdreg $0xFFFFFFFF  }
0xc1: {  	_ =	task.clear_ibuf [dreg:s6], $0x2FFFF;
	_ =	strace $0x9FFFFFFF  }
0xc2: {  	(tm) =	ssettm $0x7FFFFFFF  }
0xc3: {  	_ =	shalt  }
tec
execute0_lowered:
.L_overlay_start_1:
0x0: {  	(tag) =	ssettag $0x1  }
0x1: {  	s4 =	rddreg [dreg:$0x0]  }
0x2: {  	s2 =	rddreg [dreg:$0x1]  }
0x3: {  	s0 =	rddreg [dreg:$0x2]  }
0x4: {  	s5 =	srdreg.scid;
	s1 =	stileid.u32  }
0x5: {  	s3 =	simm.s32 $0x0;
	s11 =	simm.s32 $0x4000;
	s12 =	simm.s32 $0x1  }
0x6: {  	s15 =	simm.s32 $0x20;
	s16 =	simm.s32 $0x10;
	s17 =	simm.s32 $0x0  }
0x7: {  	s5 =	sand.u32 $0x1, s5;
	s6 =	smul.u32 $0x500, s1;
	[smem:$0x7FF] =	sst s3  }
0x8: {  	s28 =	smul.u32 $0xA00, s1;
	s9 =	sshll.u32 s1, $0xC;
	s13 =	sshll.u32 s1, $0x6  }
0x9: {  	s7 =	sshll.u32 s5, $0xB;
	s8 =	sshll.u32 s5, $0x7;
	_ =	strace $0x80000047  }
0xa: {  	s5 =	ssub.s32 $0x2, s5;
	s13 =	sor.u32 $0x1C02, s13;
	s7 =	sadd.s32 s7, s4  }
0xb: {  	s6 =	sor.u32 s8, s6;
	s29 =	sshrl.u32 s5, $0x1;
	s31 =	sshrl.u32 s28, $0x2  }
0xc: {  	s8 =	simm.s32 $0x2;
	s6 =	sshrl.u32 s6, $0x3;
	s10 =	ssub.s32 s5, s29  }
0xd: {  	s30 =	sadd.s32 s9, s7;
	s5 =	sadd.s32 s31, s2;
	s9 =	simm.s32 $0x4080  }
0xe: {  	s6 =	sadd.s32 s6, s4;
	s4 =	sadd.s32 $0x2800, s30;
	s7 =	smax.u32 s10, $0x1  }
0xf: {  	v0 =	vimm.f32 $1.000000000e+00;
	v1 =	vimm.f32 $0.0e+00;
	s10 =	simm.s32 $0x50;
	s14 =	sshrl.u32 s5, $0x3;
	s6 =	sadd.s32 $0x12800, s6  }
.LBB2_1:
0x10: {  	[tilespmem:s3], [sflag:$0x2] =	stream.linear.gather [hbm4b:s4+s3], $0x3E80, $0x38;
	[tilespmem:$0x4580] =	vst v63  }
0x11: {  	_ =	swait.ge [sflag:s8], $0x3E80  }
0x12: {  	[sflag:s8] =	ssyncset.done $0x0  }
0x13: {  	[sflag:s8] =	ssyncadd.s32 $0xFFFFC180  }
0x14: {  	[tilespmem:$0x4000] =	vst v0  }
0x15: {  	[tilespmem:$0x4010] =	vst v0  }
0x16: {  	[tilespmem:$0x4020] =	vst v0  }
0x17: {  	[tilespmem:$0x4030] =	vst v0  }
0x18: {  	[tilespmem:$0x4040] =	vst v0  }
0x19: {  	[tilespmem:$0x4080] =	vst v1  }
0x1a: {  	[tilespmem:$0x4090] =	vst v1  }
0x1b: {  	[tilespmem:$0x40A0] =	vst v1  }
0x1c: {  	[tilespmem:$0x40B0] =	vst v1  }
0x1d: {  	[tilespmem:$0x40C0] =	vst v1  }
0x1e: {  	[tilespmem:$0x40D0] =	vst v1  }
0x1f: {  	[tilespmem:$0x40E0] =	vst v1  }
0x20: {  	[tilespmem:$0x40F0] =	vst v1  }
0x21: {  	[tilespmem:$0x4100] =	vst v1  }
0x22: {  	[tilespmem:$0x4110] =	vst v1  }
0x23: {  	[tilespmem:$0x4120] =	vst v1  }
0x24: {  	[tilespmem:$0x4130] =	vst v1  }
0x25: {  	[tilespmem:$0x4140] =	vst v1  }
0x26: {  	[tilespmem:$0x4150] =	vst v1  }
0x27: {  	[tilespmem:$0x4160] =	vst v1  }
0x28: {  	[tilespmem:$0x4170] =	vst v1  }
0x29: {  	[tilespmem:$0x4180] =	vst v1  }
0x2a: {  	[tilespmem:$0x4190] =	vst v1  }
0x2b: {  	[tilespmem:$0x41A0] =	vst v1  }
0x2c: {  	[tilespmem:$0x41B0] =	vst v1  }
0x2d: {  	[tilespmem:$0x41C0] =	vst v1  }
0x2e: {  	[tilespmem:$0x41D0] =	vst v1  }
0x2f: {  	[tilespmem:$0x41E0] =	vst v1  }
0x30: {  	[tilespmem:$0x41F0] =	vst v1  }
0x31: {  	[tilespmem:$0x4200] =	vst v1  }
0x32: {  	[tilespmem:$0x4210] =	vst v1  }
0x33: {  	[tilespmem:$0x4220] =	vst v1  }
0x34: {  	[tilespmem:$0x4230] =	vst v1  }
0x35: {  	[tilespmem:$0x4240] =	vst v1  }
0x36: {  	[tilespmem:$0x4250] =	vst v1  }
0x37: {  	[tilespmem:$0x4260] =	vst v1  }
0x38: {  	[tilespmem:$0x4270] =	vst v1  }
0x39: {  	[tilespmem:$0x4280] =	vst v1  }
0x3a: {  	[tilespmem:$0x4290] =	vst v1  }
0x3b: {  	[tilespmem:$0x42A0] =	vst v1  }
0x3c: {  	[tilespmem:$0x42B0] =	vst v1  }
0x3d: {  	[tilespmem:$0x42C0] =	vst v1  }
0x3e: {  	[tilespmem:$0x42D0] =	vst v1  }
0x3f: {  	[tilespmem:$0x42E0] =	vst v1  }
0x40: {  	[tilespmem:$0x42F0] =	vst v1  }
0x41: {  	[spmem:s5] =	stream.linear.scatter [tilespmem:s9], [sflag:$0x2], $0x280, $0x38;
	[tilespmem:$0x4580] =	vst v63  }
0x42: {  	_ =	swait.ge [sflag:s8], $0x280  }
0x43: {  	[sflag:s8] =	ssyncset.done $0x0  }
0x44: {  	p0 =	por $0x1, $0x1;
	[sflag:s8] =	ssyncadd.s32 $0xFFFFFD80  }
0x45: {  	s20 =	simm.s32 @!p0 $0x1;
	[bflag:$0x0] =	sbarrier.arrive $0xFFFF  }
0x46: {  	[spmem:s2] =	stream.indirect.scatter.add.f32 [tilespmem:s11], [sflag:$0x1], $0x1, s3, s10, $0xb8;
	[tilespmem:$0x4580] =	vst v63  }
0x47: {  	_ =	swait.ge @!p0 [sflag:s20], $0x50  }
0x48: {  	s18 =	simm.s32 $0x1;
	s19 =	simm.s32 $0x0;
	[sflag:s20] =	ssyncset.done @!p0 $0x0  }
.LBB2_2:
0x49: {  	[sflag:s20] =	ssyncadd.s32 @!p0 $0xFFFFFFB0  }
0x4a: {  	s19 =	sadd.s32 $0x80, s19;
	s20 =	smov.u32 s18;
	s18 =	sadd.s32 $0x1, s18  }
0x4b: {  	p1 =	sne.s32 s18, $0x7D  }
0x4c: {  	[spmem:s2] =	stream.indirect.scatter.add.f32 [tilespmem:s11], [sflag:$0x1], $0x1, s19, s10, $0xb8;
	[tilespmem:$0x4580] =	vst v63  }
.Ltmp0:
0x4d: {  	_ = 	snop;
	(pc) =	sbr.rel @p1 .LBB2_2-.Ltmp0, $4  }
0x4e: {  	p0 =	slt.u32 s20, $0x8  }
0x4f: {  	s20 =	simm.s32 @!p0 $0x1  }
0x50: {  	_ =	swait.ge @!p0 [sflag:s20], $0x50  }
0x51: {  	[sflag:s20] =	ssyncset.done @!p0 $0x0  }
0x52: {  	[sflag:s20] =	ssyncadd.s32 @!p0 $0xFFFFFFB0  }
0x53: {  	_ =	swait.ge [sflag:s12], $0x50  }
0x54: {  	[sflag:s12] =	ssyncset.done $0x0  }
0x55: {  	[sflag:s12] =	ssyncadd.s32 $0xFFFFFFB0  }
0x56: {  	_ =	swait.ge [sflag:s12], $0x50  }
0x57: {  	[sflag:s12] =	ssyncset.done $0x0  }
0x58: {  	[sflag:s12] =	ssyncadd.s32 $0xFFFFFFB0  }
0x59: {  	_ =	swait.ge [sflag:s12], $0x50  }
0x5a: {  	[sflag:s12] =	ssyncset.done $0x0  }
0x5b: {  	[sflag:s12] =	ssyncadd.s32 $0xFFFFFFB0  }
0x5c: {  	_ =	swait.ge [sflag:s12], $0x50  }
0x5d: {  	[sflag:s12] =	ssyncset.done $0x0  }
0x5e: {  	[sflag:s12] =	ssyncadd.s32 $0xFFFFFFB0  }
0x5f: {  	_ =	swait.ge [sflag:s12], $0x50  }
0x60: {  	[sflag:s12] =	ssyncset.done $0x0  }
0x61: {  	[sflag:s12] =	ssyncadd.s32 $0xFFFFFFB0  }
0x62: {  	_ =	swait.ge [sflag:s12], $0x50  }
0x63: {  	[sflag:s12] =	ssyncset.done $0x0  }
0x64: {  	[sflag:s12] =	ssyncadd.s32 $0xFFFFFFB0  }
0x65: {  	_ =	swait.ge [sflag:s12], $0x50  }
0x66: {  	[sflag:s12] =	ssyncset.done $0x0  }
0x67: {  	[sflag:s12] =	ssyncadd.s32 $0xFFFFFFB0  }
0x68: {  	_ =	swait.ge [sflag:s12], $0x50  }
0x69: {  	s17 =	sadd.s32 $0x1, s17;
	[sflag:s12] =	ssyncset.done $0x0  }
0x6a: {  	p0 =	sne.s32 s17, s7;
	[sflag:s12] =	ssyncadd.s32 $0xFFFFFFB0  }
.Ltmp1:
0x6b: {  	[bflag:$0x0] =	sbarrier.arrive $0xFFFF;
	(pc) =	sbr.rel @p0 .LBB2_1-.Ltmp1, $4  }
0x6c: {  	[hbm:s6@s15], [sflag:s13] =	dma.strided [spmem:s14@s16], $0x50, s12, $0x10   }
0x6d: {  	_ =	swait.ge [sflag:s8], $0x50  }
0x6e: {  	[sflag:s8] =	ssyncset.done $0x0  }
0x6f: {  	[sflag:s8] =	ssyncadd.s32 $0xFFFFFFB0  }
0x70: {  	_ =	sfence.sel $0x180000  }
0x71: {  	[bflag:$0x0] =	sbarrier.arrive $0xFFFF  }
0x72: {  	p0 =	sne.s32 s1, $0x0;
	_ =	strace $0x90000047  }
0x73: {  	s0 =	sadd.s32 @!p0 $0x100000, s0;
	[bflag:$0x2] =	sbarrier.arrive $0xFFFF  }
0x74: {  	[sflag:s0] =	ssyncadd.tile.s32 @!p0 $0x1;
	_ =	shalt  }
.Lfunc_end2:
_tile_overlayer_lowered:
.L_overlay_start_2:
0x75: {  	(tag) =	ssettag $0x2  }
0x76: {  	s0 =	rddreg [dreg:$0x0];
	s2 =	stileid.u32  }
0x77: {  	s1 =	rddreg [dreg:$0x1];
	p0 =	sne.s32 s2, $0x0  }
0x78: {  	s3 =	rddreg [dreg:$0x2];
	[bflag:$0x3] =	sbarrier.arrive $0xFFFF;
	s2 =	simm.s32 @!p0 $0x1C02  }
0x79: {  	[timem:s3], [sflag:s2] =	dma.local @!p0 [hbm:s0], s1  }
0x7a: {  	s0 =	simm.s32 @!p0 $0x2  }
0x7b: {  	_ =	swait.ge @!p0 [sflag:s0], s1  }
0x7c: {  	s1 =	ssub.s32 @!p0 $0x0, s1;
	[sflag:s0] =	ssyncset.done @!p0 $0x0  }
0x7d: {  	[sflag:s0] =	ssyncadd.s32 @!p0 s1  }
0x7e: {  	[bflag:$0x3] =	sbarrier.arrive $0xFFFF  }
0x7f: {  	_ =	shalt  }

</sc_bundles>
